<compile_context>
chip_gen: v7x
topology: tpu7x:2x2x1
jax: 0.10.2.dev20260603
libtpu: 0.0.44.dev20260713+nightly
codegen_flags: <defaults>
</compile_context>

<pallas_src>
import functools

import jax
import jax.numpy as jnp
from jax import lax
from jax.experimental import pallas as pl
from jax.experimental.pallas import tpu as pltpu
from jax.experimental.pallas import tpu_sc as plsc

_B = 16384
_S = 200
_E = 64
_D = _S * _E
_NC, _NS = 2, 16
_NW = _NC * _NS
_SW = 512
_NSL = _B // _SW
_S_SC = 152
_MAXK = -(-_S_SC // _NW)


def _splat_body(tab_ref, out_ref):
    out_ref[...] = jnp.broadcast_to(
        tab_ref[...][:, :, None], out_ref.shape)


def _tc_splat(pos_emb):
    return pl.pallas_call(
        _splat_body,
        grid=(_S_SC // 8,),
        in_specs=[pl.BlockSpec((8, _E), lambda i: (i, 0))],
        out_specs=pl.BlockSpec((8, _E, _SW), lambda i: (i, 0, 0)),
        out_shape=jax.ShapeDtypeStruct((_S_SC, _E, _SW), jnp.float32),
    )(pos_emb)


def _sc_body_t(tab512_hbm, out_hbm, slab0, slab1, sem0, sem1):
    c = lax.axis_index("c")
    sid = lax.axis_index("s")
    w = sid * _NC + c
    slabs = (slab0, slab1)
    sems = (sem0, sem1)

    def build(slab, s_row):
        pltpu.sync_copy(tab512_hbm.at[s_row], slab)

    def fire(slab, sem, s_row):
        for j in range(_NSL):
            pltpu.make_async_copy(
                slab, out_hbm.at[s_row, :, pl.ds(j * _SW, _SW)], sem).start()

    def drain(slab, sem):
        for j in range(_NSL):
            pltpu.make_async_copy(
                slab, out_hbm.at[0, :, pl.ds(j * _SW, _SW)], sem).wait()

    for k in range(_MAXK):
        p = k % 2
        s_row = w + _NW * k
        if k >= 2:
            drain(slabs[p], sems[p])
        if k < _MAXK - 1:
            build(slabs[p], s_row)
            fire(slabs[p], sems[p], s_row)
        else:
            @pl.when(s_row < _S_SC)
            def _():
                build(slabs[p], s_row)
                fire(slabs[p], sems[p], s_row)

    @pl.when(w + _NW * (_MAXK - 1) < _S_SC)
    def _():
        drain(slabs[(_MAXK - 1) % 2], sems[(_MAXK - 1) % 2])
    drain(slabs[(_MAXK - 2) % 2], sems[(_MAXK - 2) % 2])


_sc_bcast_t = functools.partial(
    pl.kernel,
    out_type=jax.ShapeDtypeStruct((_S, _E, _B), jnp.float32),
    mesh=plsc.VectorSubcoreMesh(core_axis_name="c", subcore_axis_name="s"),
    scratch_types=[
        pltpu.VMEM((_E, _SW), jnp.float32),
        pltpu.VMEM((_E, _SW), jnp.float32),
        pltpu.SemaphoreType.DMA,
        pltpu.SemaphoreType.DMA,
    ],
)(_sc_body_t)


def _tc_tail_body(tab_ref, out_ref):
    out_ref[...] = jnp.broadcast_to(tab_ref[...], out_ref.shape)


def _tc_tail_body_alias(tab_ref, buf_ref, out_ref):
    del buf_ref
    out_ref[...] = jnp.broadcast_to(tab_ref[...], out_ref.shape)


def _tc_tail(pos_emb, t_sc):
    tab = pos_emb.reshape(_S, _E, 1)
    return pl.pallas_call(
        _tc_tail_body_alias,
        grid=((_S - _S_SC) // 4,),
        in_specs=[
            pl.BlockSpec((4, _E, 1), lambda i: (_S_SC // 4 + i, 0, 0)),
            pl.BlockSpec(memory_space=pl.ANY),
        ],
        out_specs=pl.BlockSpec((4, _E, _B), lambda i: (_S_SC // 4 + i, 0, 0)),
        out_shape=jax.ShapeDtypeStruct((_S, _E, _B), jnp.float32),
        input_output_aliases={1: 0},
    )(tab, t_sc)


def kernel(x, pos_emb):
    tab512 = _tc_splat(pos_emb)
    t_sc = _sc_bcast_t(tab512)
    t = _tc_tail(pos_emb, t_sc)
    return jnp.transpose(t, (2, 0, 1))

# --- scband reference (transcript-rebuilt; emitter-appended) ---
"""Pipeline reference for scband-position-encoder-25486335935164 (READ-ONLY COPY).

The authoritative reference and input builder live on the scoring server;
editing this copy changes nothing except your own understanding.
"""

import jax, jax.numpy as jnp
import numpy as np

MAX_SEQ_LEN = 200
POS_EMB_SIZE = 64
BATCH = 16384

def setup_inputs(seed: int = 0) -> dict:
    key = jax.random.key(seed)
    k1, k2 = jax.random.split(key)
    x = jax.random.normal(k1, (BATCH, MAX_SEQ_LEN), dtype=jnp.float32)
    # Xavier uniform init for embedding table [max_seq_len, pos_emb_size]
    limit = float(np.sqrt(6.0 / (MAX_SEQ_LEN + POS_EMB_SIZE)))
    pos_emb = jax.random.uniform(k2, (MAX_SEQ_LEN, POS_EMB_SIZE), dtype=jnp.float32, minval=-limit, maxval=limit)
    return {"x": x, "pos_emb": pos_emb}

def reference(x, pos_emb):
    batch = x.shape[0]
    # pos = arange(max_seq_len) broadcast to [batch, max_seq_len]
    pos = jnp.broadcast_to(jnp.arange(MAX_SEQ_LEN, dtype=jnp.int64)[None, :], (batch, MAX_SEQ_LEN))
    # embedding lookup -> [batch, max_seq_len, pos_emb_size]
    out = jnp.take(pos_emb, pos, axis=0)
    return out

if __name__ == "__main__":
    import jax
    _d = setup_inputs()
    print(jax.jit(kernel)(*tuple(_d.values())))

</pallas_src>

<mosaic_0001>
#map = affine_map<(d0, d1) -> (0, 0, 0)>
module attributes {stable_mosaic.version = 14 : i64} {
  func.func @_sc_body_t(%arg0: i32, %arg1: i32, %arg2: memref<152x64x512xf32, #tpu.memory_space<hbm>>, %arg3: memref<200x64x16384xf32, #tpu.memory_space<hbm>>, %arg4: memref<64x512xf32, #tpu.memory_space<vmem>>, %arg5: memref<64x512xf32, #tpu.memory_space<vmem>>, %arg6: memref<!tpu.dma_semaphore, #tpu.memory_space<semaphore_mem>>, %arg7: memref<!tpu.dma_semaphore, #tpu.memory_space<semaphore_mem>>) attributes {dimension_semantics = [#tpu.dimension_semantics<core_parallel>, #tpu.dimension_semantics<subcore_parallel>], iteration_bounds = array<i64: 2, 16>, scalar_prefetch = 0 : i64, scratch_operands = 4 : i64, tpu.core_type = #tpu.core_type<sc_vector_subcore>, window_params = [{transform_indices = #map}, {transform_indices = #map}]} {
    %mul3A = arith.constant 2 : i32
    %mul3A_0 = arith.muli %arg1, %mul3A : i32
    %add3A = arith.addi %mul3A_0, %arg0 : i32
    %add3A_1 = arith.constant 0 : i32
    %add3A_2 = arith.addi %add3A, %add3A_1 : i32
    "tpu.region"() ({
      %run_scoped3A = tpu.sem_alloc : memref<!tpu.dma_semaphore, #tpu.memory_space<semaphore_mem>>
      %dma_start3A_2194 = arith.constant 0 : i32
      %dma_start3A_2195 = arith.constant 0 : i32
      %dma_start3A_2196 = tpu.memref_slice %arg2[%add3A_2, %dma_start3A_2194, %dma_start3A_2195] : memref<152x64x512xf32, #tpu.memory_space<hbm>> -> memref<1x64x512xf32, #tpu.memory_space<hbm>>
      %dma_start3A_2197 = tpu.memref_squeeze %dma_start3A_2196 : memref<1x64x512xf32, #tpu.memory_space<hbm>> -> memref<64x512xf32, #tpu.memory_space<hbm>>
      %dma_start3A_2198 = arith.constant 0 : i32
      %dma_start3A_2199 = arith.constant 0 : i32
      %dma_start3A_2200 = tpu.memref_slice %arg2[%add3A_2, %dma_start3A_2198, %dma_start3A_2199] : memref<152x64x512xf32, #tpu.memory_space<hbm>> -> memref<1x64x512xf32, #tpu.memory_space<hbm>>
      %dma_start3A_2201 = tpu.memref_squeeze %dma_start3A_2200 : memref<1x64x512xf32, #tpu.memory_space<hbm>> -> memref<64x512xf32, #tpu.memory_space<hbm>>
      tpu.enqueue_dma source(%dma_start3A_2201 : memref<64x512xf32, #tpu.memory_space<hbm>>) target(%arg4 : memref<64x512xf32, #tpu.memory_space<vmem>>) target_semaphore(%run_scoped3A : memref<!tpu.dma_semaphore, #tpu.memory_space<semaphore_mem>>)
      %dma_wait3A_2202 = arith.constant 0 : i32
      %dma_wait3A_2203 = arith.constant 0 : i32
      %dma_wait3A_2204 = tpu.memref_slice %arg2[%add3A_2, %dma_wait3A_2202, %dma_wait3A_2203] : memref<152x64x512xf32, #tpu.memory_space<hbm>> -> memref<1x64x512xf32, #tpu.memory_space<hbm>>
      %dma_wait3A_2205 = tpu.memref_squeeze %dma_wait3A_2204 : memref<1x64x512xf32, #tpu.memory_space<hbm>> -> memref<64x512xf32, #tpu.memory_space<hbm>>
      %dma_wait3A_2206 = arith.constant 0 : i32
      %dma_wait3A_2207 = arith.constant 0 : i32
      %dma_wait3A_2208 = tpu.memref_slice %arg2[%add3A_2, %dma_wait3A_2206, %dma_wait3A_2207] : memref<152x64x512xf32, #tpu.memory_space<hbm>> -> memref<1x64x512xf32, #tpu.memory_space<hbm>>
      %dma_wait3A_2209 = tpu.memref_squeeze %dma_wait3A_2208 : memref<1x64x512xf32, #tpu.memory_space<hbm>> -> memref<64x512xf32, #tpu.memory_space<hbm>>
      tpu.wait_dma2 semaphore(%run_scoped3A : memref<!tpu.dma_semaphore, #tpu.memory_space<semaphore_mem>>) src(%dma_wait3A_2209 : memref<64x512xf32, #tpu.memory_space<hbm>>) dst(%arg4 : memref<64x512xf32, #tpu.memory_space<vmem>>)
      tpu.yield
    }) : () -> ()
    %dma_start3A = arith.constant 0 : i32
    %dma_start3A_3 = arith.constant 0 : i32
    %dma_start3A_4 = tpu.memref_slice %arg3[%add3A_2, %dma_start3A, %dma_start3A_3] : memref<200x64x16384xf32, #tpu.memory_space<hbm>> -> memref<1x64x512xf32, #tpu.memory_space<hbm>>
    %dma_start3A_5 = tpu.memref_squeeze %dma_start3A_4 : memref<1x64x512xf32, #tpu.memory_space<hbm>> -> memref<64x512xf32, #tpu.memory_space<hbm>>
    %dma_start3A_6 = arith.constant 0 : i32
    %dma_start3A_7 = arith.constant 0 : i32
    %dma_start3A_8 = tpu.memref_slice %arg3[%add3A_2, %dma_start3A_6, %dma_start3A_7] : memref<200x64x16384xf32, #tpu.memory_space<hbm>> -> memref<1x64x512xf32, #tpu.memory_space<hbm>>
    %dma_start3A_9 = tpu.memref_squeeze %dma_start3A_8 : memref<1x64x512xf32, #tpu.memory_space<hbm>> -> memref<64x512xf32, #tpu.memory_space<hbm>>
    tpu.enqueue_dma source(%arg4 : memref<64x512xf32, #tpu.memory_space<vmem>>) target(%dma_start3A_9 : memref<64x512xf32, #tpu.memory_space<hbm>>) target_semaphore(%arg6 : memref<!tpu.dma_semaphore, #tpu.memory_space<semaphore_mem>>)
    %dma_start3A_10 = arith.constant 0 : i32
    %dma_start3A_11 = arith.constant 512 : i32
    %dma_start3A_12 = tpu.memref_slice %arg3[%add3A_2, %dma_start3A_10, %dma_start3A_11] : memref<200x64x16384xf32, #tpu.memory_space<hbm>> -> memref<1x64x512xf32, #tpu.memory_space<hbm>>
    %dma_start3A_13 = tpu.memref_squeeze %dma_start3A_12 : memref<1x64x512xf32, #tpu.memory_space<hbm>> -> memref<64x512xf32, #tpu.memory_space<hbm>>
    %dma_start3A_14 = arith.constant 0 : i32
    %dma_start3A_15 = arith.constant 512 : i32
    %dma_start3A_16 = tpu.memref_slice %arg3[%add3A_2, %dma_start3A_14, %dma_start3A_15] : memref<200x64x16384xf32, #tpu.memory_space<hbm>> -> memref<1x64x512xf32, #tpu.memory_space<hbm>>
    %dma_start3A_17 = tpu.memref_squeeze %dma_start3A_16 : memref<1x64x512xf32, #tpu.memory_space<hbm>> -> memref<64x512xf32, #tpu.memory_space<hbm>>
    tpu.enqueue_dma source(%arg4 : memref<64x512xf32, #tpu.memory_space<vmem>>) target(%dma_start3A_17 : memref<64x512xf32, #tpu.memory_space<hbm>>) target_semaphore(%arg6 : memref<!tpu.dma_semaphore, #tpu.memory_space<semaphore_mem>>)
    %dma_start3A_18 = arith.constant 0 : i32
    %dma_start3A_19 = arith.constant 1024 : i32
    %dma_start3A_20 = tpu.memref_slice %arg3[%add3A_2, %dma_start3A_18, %dma_start3A_19] : memref<200x64x16384xf32, #tpu.memory_space<hbm>> -> memref<1x64x512xf32, #tpu.memory_space<hbm>>
    %dma_start3A_21 = tpu.memref_squeeze %dma_start3A_20 : memref<1x64x512xf32, #tpu.memory_space<hbm>> -> memref<64x512xf32, #tpu.memory_space<hbm>>
    %dma_start3A_22 = arith.constant 0 : i32
    %dma_start3A_23 = arith.constant 1024 : i32
    %dma_start3A_24 = tpu.memref_slice %arg3[%add3A_2, %dma_start3A_22, %dma_start3A_23] : memref<200x64x16384xf32, #tpu.memory_space<hbm>> -> memref<1x64x512xf32, #tpu.memory_space<hbm>>
    %dma_start3A_25 = tpu.memref_squeeze %dma_start3A_24 : memref<1x64x512xf32, #tpu.memory_space<hbm>> -> memref<64x512xf32, #tpu.memory_space<hbm>>
    tpu.enqueue_dma source(%arg4 : memref<64x512xf32, #tpu.memory_space<vmem>>) target(%dma_start3A_25 : memref<64x512xf32, #tpu.memory_space<hbm>>) target_semaphore(%arg6 : memref<!tpu.dma_semaphore, #tpu.memory_space<semaphore_mem>>)
    %dma_start3A_26 = arith.constant 0 : i32
    %dma_start3A_27 = arith.constant 1536 : i32
    %dma_start3A_28 = tpu.memref_slice %arg3[%add3A_2, %dma_start3A_26, %dma_start3A_27] : memref<200x64x16384xf32, #tpu.memory_space<hbm>> -> memref<1x64x512xf32, #tpu.memory_space<hbm>>
    %dma_start3A_29 = tpu.memref_squeeze %dma_start3A_28 : memref<1x64x512xf32, #tpu.memory_space<hbm>> -> memref<64x512xf32, #tpu.memory_space<hbm>>
    %dma_start3A_30 = arith.constant 0 : i32
    %dma_start3A_31 = arith.constant 1536 : i32
    %dma_start3A_32 = tpu.memref_slice %arg3[%add3A_2, %dma_start3A_30, %dma_start3A_31] : memref<200x64x16384xf32, #tpu.memory_space<hbm>> -> memref<1x64x512xf32, #tpu.memory_space<hbm>>
    %dma_start3A_33 = tpu.memref_squeeze %dma_start3A_32 : memref<1x64x512xf32, #tpu.memory_space<hbm>> -> memref<64x512xf32, #tpu.memory_space<hbm>>
    tpu.enqueue_dma source(%arg4 : memref<64x512xf32, #tpu.memory_space<vmem>>) target(%dma_start3A_33 : memref<64x512xf32, #tpu.memory_space<hbm>>) target_semaphore(%arg6 : memref<!tpu.dma_semaphore, #tpu.memory_space<semaphore_mem>>)
    %dma_start3A_34 = arith.constant 0 : i32
    %dma_start3A_35 = arith.constant 2048 : i32
    %dma_start3A_36 = tpu.memref_slice %arg3[%add3A_2, %dma_start3A_34, %dma_start3A_35] : memref<200x64x16384xf32, #tpu.memory_space<hbm>> -> memref<1x64x512xf32, #tpu.memory_space<hbm>>
    %dma_start3A_37 = tpu.memref_squeeze %dma_start3A_36 : memref<1x64x512xf32, #tpu.memory_space<hbm>> -> memref<64x512xf32, #tpu.memory_space<hbm>>
    %dma_start3A_38 = arith.constant 0 : i32
    %dma_start3A_39 = arith.constant 2048 : i32
    %dma_start3A_40 = tpu.memref_slice %arg3[%add3A_2, %dma_start3A_38, %dma_start3A_39] : memref<200x64x16384xf32, #tpu.memory_space<hbm>> -> memref<1x64x512xf32, #tpu.memory_space<hbm>>
    %dma_start3A_41 = tpu.memref_squeeze %dma_start3A_40 : memref<1x64x512xf32, #tpu.memory_space<hbm>> -> memref<64x512xf32, #tpu.memory_space<hbm>>
    tpu.enqueue_dma source(%arg4 : memref<64x512xf32, #tpu.memory_space<vmem>>) target(%dma_start3A_41 : memref<64x512xf32, #tpu.memory_space<hbm>>) target_semaphore(%arg6 : memref<!tpu.dma_semaphore, #tpu.memory_space<semaphore_mem>>)
    %dma_start3A_42 = arith.constant 0 : i32
    %dma_start3A_43 = arith.constant 2560 : i32
    %dma_start3A_44 = tpu.memref_slice %arg3[%add3A_2, %dma_start3A_42, %dma_start3A_43] : memref<200x64x16384xf32, #tpu.memory_space<hbm>> -> memref<1x64x512xf32, #tpu.memory_space<hbm>>
    %dma_start3A_45 = tpu.memref_squeeze %dma_start3A_44 : memref<1x64x512xf32, #tpu.memory_space<hbm>> -> memref<64x512xf32, #tpu.memory_space<hbm>>
    %dma_start3A_46 = arith.constant 0 : i32
    %dma_start3A_47 = arith.constant 2560 : i32
    %dma_start3A_48 = tpu.memref_slice %arg3[%add3A_2, %dma_start3A_46, %dma_start3A_47] : memref<200x64x16384xf32, #tpu.memory_space<hbm>> -> memref<1x64x512xf32, #tpu.memory_space<hbm>>
    %dma_start3A_49 = tpu.memref_squeeze %dma_start3A_48 : memref<1x64x512xf32, #tpu.memory_space<hbm>> -> memref<64x512xf32, #tpu.memory_space<hbm>>
    tpu.enqueue_dma source(%arg4 : memref<64x512xf32, #tpu.memory_space<vmem>>) target(%dma_start3A_49 : memref<64x512xf32, #tpu.memory_space<hbm>>) target_semaphore(%arg6 : memref<!tpu.dma_semaphore, #tpu.memory_space<semaphore_mem>>)
    %dma_start3A_50 = arith.constant 0 : i32
    %dma_start3A_51 = arith.constant 3072 : i32
    %dma_start3A_52 = tpu.memref_slice %arg3[%add3A_2, %dma_start3A_50, %dma_start3A_51] : memref<200x64x16384xf32, #tpu.memory_space<hbm>> -> memref<1x64x512xf32, #tpu.memory_space<hbm>>
    %dma_start3A_53 = tpu.memref_squeeze %dma_start3A_52 : memref<1x64x512xf32, #tpu.memory_space<hbm>> -> memref<64x512xf32, #tpu.memory_space<hbm>>
    %dma_start3A_54 = arith.constant 0 : i32
    %dma_start3A_55 = arith.constant 3072 : i32
    %dma_start3A_56 = tpu.memref_slice %arg3[%add3A_2, %dma_start3A_54, %dma_start3A_55] : memref<200x64x16384xf32, #tpu.memory_space<hbm>> -> memref<1x64x512xf32, #tpu.memory_space<hbm>>
    %dma_start3A_57 = tpu.memref_squeeze %dma_start3A_56 : memref<1x64x512xf32, #tpu.memory_space<hbm>> -> memref<64x512xf32, #tpu.memory_space<hbm>>
    tpu.enqueue_dma source(%arg4 : memref<64x512xf32, #tpu.memory_space<vmem>>) target(%dma_start3A_57 : memref<64x512xf32, #tpu.memory_space<hbm>>) target_semaphore(%arg6 : memref<!tpu.dma_semaphore, #tpu.memory_space<semaphore_mem>>)
    %dma_start3A_58 = arith.constant 0 : i32
    %dma_start3A_59 = arith.constant 3584 : i32
    %dma_start3A_60 = tpu.memref_slice %arg3[%add3A_2, %dma_start3A_58, %dma_start3A_59] : memref<200x64x16384xf32, #tpu.memory_space<hbm>> -> memref<1x64x512xf32, #tpu.memory_space<hbm>>
    %dma_start3A_61 = tpu.memref_squeeze %dma_start3A_60 : memref<1x64x512xf32, #tpu.memory_space<hbm>> -> memref<64x512xf32, #tpu.memory_space<hbm>>
    %dma_start3A_62 = arith.constant 0 : i32
    %dma_start3A_63 = arith.constant 3584 : i32
    %dma_start3A_64 = tpu.memref_slice %arg3[%add3A_2, %dma_start3A_62, %dma_start3A_63] : memref<200x64x16384xf32, #tpu.memory_space<hbm>> -> memref<1x64x512xf32, #tpu.memory_space<hbm>>
    %dma_start3A_65 = tpu.memref_squeeze %dma_start3A_64 : memref<1x64x512xf32, #tpu.memory_space<hbm>> -> memref<64x512xf32, #tpu.memory_space<hbm>>
    tpu.enqueue_dma source(%arg4 : memref<64x512xf32, #tpu.memory_space<vmem>>) target(%dma_start3A_65 : memref<64x512xf32, #tpu.memory_space<hbm>>) target_semaphore(%arg6 : memref<!tpu.dma_semaphore, #tpu.memory_space<semaphore_mem>>)
    %dma_start3A_66 = arith.constant 0 : i32
    %dma_start3A_67 = arith.constant 4096 : i32
    %dma_start3A_68 = tpu.memref_slice %arg3[%add3A_2, %dma_start3A_66, %dma_start3A_67] : memref<200x64x16384xf32, #tpu.memory_space<hbm>> -> memref<1x64x512xf32, #tpu.memory_space<hbm>>
    %dma_start3A_69 = tpu.memref_squeeze %dma_start3A_68 : memref<1x64x512xf32, #tpu.memory_space<hbm>> -> memref<64x512xf32, #tpu.memory_space<hbm>>
    %dma_start3A_70 = arith.constant 0 : i32
    %dma_start3A_71 = arith.constant 4096 : i32
    %dma_start3A_72 = tpu.memref_slice %arg3[%add3A_2, %dma_start3A_70, %dma_start3A_71] : memref<200x64x16384xf32, #tpu.memory_space<hbm>> -> memref<1x64x512xf32, #tpu.memory_space<hbm>>
    %dma_start3A_73 = tpu.memref_squeeze %dma_start3A_72 : memref<1x64x512xf32, #tpu.memory_space<hbm>> -> memref<64x512xf32, #tpu.memory_space<hbm>>
    tpu.enqueue_dma source(%arg4 : memref<64x512xf32, #tpu.memory_space<vmem>>) target(%dma_start3A_73 : memref<64x512xf32, #tpu.memory_space<hbm>>) target_semaphore(%arg6 : memref<!tpu.dma_semaphore, #tpu.memory_space<semaphore_mem>>)
    %dma_start3A_74 = arith.constant 0 : i32
    %dma_start3A_75 = arith.constant 4608 : i32
    %dma_start3A_76 = tpu.memref_slice %arg3[%add3A_2, %dma_start3A_74, %dma_start3A_75] : memref<200x64x16384xf32, #tpu.memory_space<hbm>> -> memref<1x64x512xf32, #tpu.memory_space<hbm>>
    %dma_start3A_77 = tpu.memref_squeeze %dma_start3A_76 : memref<1x64x512xf32, #tpu.memory_space<hbm>> -> memref<64x512xf32, #tpu.memory_space<hbm>>
    %dma_start3A_78 = arith.constant 0 : i32
    %dma_start3A_79 = arith.constant 4608 : i32
    %dma_start3A_80 = tpu.memref_slice %arg3[%add3A_2, %dma_start3A_78, %dma_start3A_79] : memref<200x64x16384xf32, #tpu.memory_space<hbm>> -> memref<1x64x512xf32, #tpu.memory_space<hbm>>
    %dma_start3A_81 = tpu.memref_squeeze %dma_start3A_80 : memref<1x64x512xf32, #tpu.memory_space<hbm>> -> memref<64x512xf32, #tpu.memory_space<hbm>>
    tpu.enqueue_dma source(%arg4 : memref<64x512xf32, #tpu.memory_space<vmem>>) target(%dma_start3A_81 : memref<64x512xf32, #tpu.memory_space<hbm>>) target_semaphore(%arg6 : memref<!tpu.dma_semaphore, #tpu.memory_space<semaphore_mem>>)
    %dma_start3A_82 = arith.constant 0 : i32
    %dma_start3A_83 = arith.constant 5120 : i32
    %dma_start3A_84 = tpu.memref_slice %arg3[%add3A_2, %dma_start3A_82, %dma_start3A_83] : memref<200x64x16384xf32, #tpu.memory_space<hbm>> -> memref<1x64x512xf32, #tpu.memory_space<hbm>>
    %dma_start3A_85 = tpu.memref_squeeze %dma_start3A_84 : memref<1x64x512xf32, #tpu.memory_space<hbm>> -> memref<64x512xf32, #tpu.memory_space<hbm>>
    %dma_start3A_86 = arith.constant 0 : i32
    %dma_start3A_87 = arith.constant 5120 : i32
    %dma_start3A_88 = tpu.memref_slice %arg3[%add3A_2, %dma_start3A_86, %dma_start3A_87] : memref<200x64x16384xf32, #tpu.memory_space<hbm>> -> memref<1x64x512xf32, #tpu.memory_space<hbm>>
    %dma_start3A_89 = tpu.memref_squeeze %dma_start3A_88 : memref<1x64x512xf32, #tpu.memory_space<hbm>> -> memref<64x512xf32, #tpu.memory_space<hbm>>
    tpu.enqueue_dma source(%arg4 : memref<64x512xf32, #tpu.memory_space<vmem>>) target(%dma_start3A_89 : memref<64x512xf32, #tpu.memory_space<hbm>>) target_semaphore(%arg6 : memref<!tpu.dma_semaphore, #tpu.memory_space<semaphore_mem>>)
    %dma_start3A_90 = arith.constant 0 : i32
    %dma_start3A_91 = arith.constant 5632 : i32
    %dma_start3A_92 = tpu.memref_slice %arg3[%add3A_2, %dma_start3A_90, %dma_start3A_91] : memref<200x64x16384xf32, #tpu.memory_space<hbm>> -> memref<1x64x512xf32, #tpu.memory_space<hbm>>
    %dma_start3A_93 = tpu.memref_squeeze %dma_start3A_92 : memref<1x64x512xf32, #tpu.memory_space<hbm>> -> memref<64x512xf32, #tpu.memory_space<hbm>>
    %dma_start3A_94 = arith.constant 0 : i32
    %dma_start3A_95 = arith.constant 5632 : i32
    %dma_start3A_96 = tpu.memref_slice %arg3[%add3A_2, %dma_start3A_94, %dma_start3A_95] : memref<200x64x16384xf32, #tpu.memory_space<hbm>> -> memref<1x64x512xf32, #tpu.memory_space<hbm>>
    %dma_start3A_97 = tpu.memref_squeeze %dma_start3A_96 : memref<1x64x512xf32, #tpu.memory_space<hbm>> -> memref<64x512xf32, #tpu.memory_space<hbm>>
    tpu.enqueue_dma source(%arg4 : memref<64x512xf32, #tpu.memory_space<vmem>>) target(%dma_start3A_97 : memref<64x512xf32, #tpu.memory_space<hbm>>) target_semaphore(%arg6 : memref<!tpu.dma_semaphore, #tpu.memory_space<semaphore_mem>>)
    %dma_start3A_98 = arith.constant 0 : i32
    %dma_start3A_99 = arith.constant 6144 : i32
    %dma_start3A_100 = tpu.memref_slice %arg3[%add3A_2, %dma_start3A_98, %dma_start3A_99] : memref<200x64x16384xf32, #tpu.memory_space<hbm>> -> memref<1x64x512xf32, #tpu.memory_space<hbm>>
    %dma_start3A_101 = tpu.memref_squeeze %dma_start3A_100 : memref<1x64x512xf32, #tpu.memory_space<hbm>> -> memref<64x512xf32, #tpu.memory_space<hbm>>
    %dma_start3A_102 = arith.constant 0 : i32
    %dma_start3A_103 = arith.constant 6144 : i32
    %dma_start3A_104 = tpu.memref_slice %arg3[%add3A_2, %dma_start3A_102, %dma_start3A_103] : memref<200x64x16384xf32, #tpu.memory_space<hbm>> -> memref<1x64x512xf32, #tpu.memory_space<hbm>>
    %dma_start3A_105 = tpu.memref_squeeze %dma_start3A_104 : memref<1x64x512xf32, #tpu.memory_space<hbm>> -> memref<64x512xf32, #tpu.memory_space<hbm>>
    tpu.enqueue_dma source(%arg4 : memref<64x512xf32, #tpu.memory_space<vmem>>) target(%dma_start3A_105 : memref<64x512xf32, #tpu.memory_space<hbm>>) target_semaphore(%arg6 : memref<!tpu.dma_semaphore, #tpu.memory_space<semaphore_mem>>)
    %dma_start3A_106 = arith.constant 0 : i32
    %dma_start3A_107 = arith.constant 6656 : i32
    %dma_start3A_108 = tpu.memref_slice %arg3[%add3A_2, %dma_start3A_106, %dma_start3A_107] : memref<200x64x16384xf32, #tpu.memory_space<hbm>> -> memref<1x64x512xf32, #tpu.memory_space<hbm>>
    %dma_start3A_109 = tpu.memref_squeeze %dma_start3A_108 : memref<1x64x512xf32, #tpu.memory_space<hbm>> -> memref<64x512xf32, #tpu.memory_space<hbm>>
    %dma_start3A_110 = arith.constant 0 : i32
    %dma_start3A_111 = arith.constant 6656 : i32
    %dma_start3A_112 = tpu.memref_slice %arg3[%add3A_2, %dma_start3A_110, %dma_start3A_111] : memref<200x64x16384xf32, #tpu.memory_space<hbm>> -> memref<1x64x512xf32, #tpu.memory_space<hbm>>
    %dma_start3A_113 = tpu.memref_squeeze %dma_start3A_112 : memref<1x64x512xf32, #tpu.memory_space<hbm>> -> memref<64x512xf32, #tpu.memory_space<hbm>>
    tpu.enqueue_dma source(%arg4 : memref<64x512xf32, #tpu.memory_space<vmem>>) target(%dma_start3A_113 : memref<64x512xf32, #tpu.memory_space<hbm>>) target_semaphore(%arg6 : memref<!tpu.dma_semaphore, #tpu.memory_space<semaphore_mem>>)
    %dma_start3A_114 = arith.constant 0 : i32
    %dma_start3A_115 = arith.constant 7168 : i32
    %dma_start3A_116 = tpu.memref_slice %arg3[%add3A_2, %dma_start3A_114, %dma_start3A_115] : memref<200x64x16384xf32, #tpu.memory_space<hbm>> -> memref<1x64x512xf32, #tpu.memory_space<hbm>>
    %dma_start3A_117 = tpu.memref_squeeze %dma_start3A_116 : memref<1x64x512xf32, #tpu.memory_space<hbm>> -> memref<64x512xf32, #tpu.memory_space<hbm>>
    %dma_start3A_118 = arith.constant 0 : i32
    %dma_start3A_119 = arith.constant 7168 : i32
    %dma_start3A_120 = tpu.memref_slice %arg3[%add3A_2, %dma_start3A_118, %dma_start3A_119] : memref<200x64x16384xf32, #tpu.memory_space<hbm>> -> memref<1x64x512xf32, #tpu.memory_space<hbm>>
    %dma_start3A_121 = tpu.memref_squeeze %dma_start3A_120 : memref<1x64x512xf32, #tpu.memory_space<hbm>> -> memref<64x512xf32, #tpu.memory_space<hbm>>
    tpu.enqueue_dma source(%arg4 : memref<64x512xf32, #tpu.memory_space<vmem>>) target(%dma_start3A_121 : memref<64x512xf32, #tpu.memory_space<hbm>>) target_semaphore(%arg6 : memref<!tpu.dma_semaphore, #tpu.memory_space<semaphore_mem>>)
    %dma_start3A_122 = arith.constant 0 : i32
    %dma_start3A_123 = arith.constant 7680 : i32
    %dma_start3A_124 = tpu.memref_slice %arg3[%add3A_2, %dma_start3A_122, %dma_start3A_123] : memref<200x64x16384xf32, #tpu.memory_space<hbm>> -> memref<1x64x512xf32, #tpu.memory_space<hbm>>
    %dma_start3A_125 = tpu.memref_squeeze %dma_start3A_124 : memref<1x64x512xf32, #tpu.memory_space<hbm>> -> memref<64x512xf32, #tpu.memory_space<hbm>>
    %dma_start3A_126 = arith.constant 0 : i32
    %dma_start3A_127 = arith.constant 7680 : i32
    %dma_start3A_128 = tpu.memref_slice %arg3[%add3A_2, %dma_start3A_126, %dma_start3A_127] : memref<200x64x16384xf32, #tpu.memory_space<hbm>> -> memref<1x64x512xf32, #tpu.memory_space<hbm>>
    %dma_start3A_129 = tpu.memref_squeeze %dma_start3A_128 : memref<1x64x512xf32, #tpu.memory_space<hbm>> -> memref<64x512xf32, #tpu.memory_space<hbm>>
    tpu.enqueue_dma source(%arg4 : memref<64x512xf32, #tpu.memory_space<vmem>>) target(%dma_start3A_129 : memref<64x512xf32, #tpu.memory_space<hbm>>) target_semaphore(%arg6 : memref<!tpu.dma_semaphore, #tpu.memory_space<semaphore_mem>>)
    %dma_start3A_130 = arith.constant 0 : i32
    %dma_start3A_131 = arith.constant 8192 : i32
    %dma_start3A_132 = tpu.memref_slice %arg3[%add3A_2, %dma_start3A_130, %dma_start3A_131] : memref<200x64x16384xf32, #tpu.memory_space<hbm>> -> memref<1x64x512xf32, #tpu.memory_space<hbm>>
    %dma_start3A_133 = tpu.memref_squeeze %dma_start3A_132 : memref<1x64x512xf32, #tpu.memory_space<hbm>> -> memref<64x512xf32, #tpu.memory_space<hbm>>
    %dma_start3A_134 = arith.constant 0 : i32
    %dma_start3A_135 = arith.constant 8192 : i32
    %dma_start3A_136 = tpu.memref_slice %arg3[%add3A_2, %dma_start3A_134, %dma_start3A_135] : memref<200x64x16384xf32, #tpu.memory_space<hbm>> -> memref<1x64x512xf32, #tpu.memory_space<hbm>>
    %dma_start3A_137 = tpu.memref_squeeze %dma_start3A_136 : memref<1x64x512xf32, #tpu.memory_space<hbm>> -> memref<64x512xf32, #tpu.memory_space<hbm>>
    tpu.enqueue_dma source(%arg4 : memref<64x512xf32, #tpu.memory_space<vmem>>) target(%dma_start3A_137 : memref<64x512xf32, #tpu.memory_space<hbm>>) target_semaphore(%arg6 : memref<!tpu.dma_semaphore, #tpu.memory_space<semaphore_mem>>)
    %dma_start3A_138 = arith.constant 0 : i32
    %dma_start3A_139 = arith.constant 8704 : i32
    %dma_start3A_140 = tpu.memref_slice %arg3[%add3A_2, %dma_start3A_138, %dma_start3A_139] : memref<200x64x16384xf32, #tpu.memory_space<hbm>> -> memref<1x64x512xf32, #tpu.memory_space<hbm>>
    %dma_start3A_141 = tpu.memref_squeeze %dma_start3A_140 : memref<1x64x512xf32, #tpu.memory_space<hbm>> -> memref<64x512xf32, #tpu.memory_space<hbm>>
    %dma_start3A_142 = arith.constant 0 : i32
    %dma_start3A_143 = arith.constant 8704 : i32
    %dma_start3A_144 = tpu.memref_slice %arg3[%add3A_2, %dma_start3A_142, %dma_start3A_143] : memref<200x64x16384xf32, #tpu.memory_space<hbm>> -> memref<1x64x512xf32, #tpu.memory_space<hbm>>
    %dma_start3A_145 = tpu.memref_squeeze %dma_start3A_144 : memref<1x64x512xf32, #tpu.memory_space<hbm>> -> memref<64x512xf32, #tpu.memory_space<hbm>>
    tpu.enqueue_dma source(%arg4 : memref<64x512xf32, #tpu.memory_space<vmem>>) target(%dma_start3A_145 : memref<64x512xf32, #tpu.memory_space<hbm>>) target_semaphore(%arg6 : memref<!tpu.dma_semaphore, #tpu.memory_space<semaphore_mem>>)
    %dma_start3A_146 = arith.constant 0 : i32
    %dma_start3A_147 = arith.constant 9216 : i32
    %dma_start3A_148 = tpu.memref_slice %arg3[%add3A_2, %dma_start3A_146, %dma_start3A_147] : memref<200x64x16384xf32, #tpu.memory_space<hbm>> -> memref<1x64x512xf32, #tpu.memory_space<hbm>>
    %dma_start3A_149 = tpu.memref_squeeze %dma_start3A_148 : memref<1x64x512xf32, #tpu.memory_space<hbm>> -> memref<64x512xf32, #tpu.memory_space<hbm>>
    %dma_start3A_150 = arith.constant 0 : i32
    %dma_start3A_151 = arith.constant 9216 : i32
    %dma_start3A_152 = tpu.memref_slice %arg3[%add3A_2, %dma_start3A_150, %dma_start3A_151] : memref<200x64x16384xf32, #tpu.memory_space<hbm>> -> memref<1x64x512xf32, #tpu.memory_space<hbm>>
    %dma_start3A_153 = tpu.memref_squeeze %dma_start3A_152 : memref<1x64x512xf32, #tpu.memory_space<hbm>> -> memref<64x512xf32, #tpu.memory_space<hbm>>
    tpu.enqueue_dma source(%arg4 : memref<64x512xf32, #tpu.memory_space<vmem>>) target(%dma_start3A_153 : memref<64x512xf32, #tpu.memory_space<hbm>>) target_semaphore(%arg6 : memref<!tpu.dma_semaphore, #tpu.memory_space<semaphore_mem>>)
    %dma_start3A_154 = arith.constant 0 : i32
    %dma_start3A_155 = arith.constant 9728 : i32
    %dma_start3A_156 = tpu.memref_slice %arg3[%add3A_2, %dma_start3A_154, %dma_start3A_155] : memref<200x64x16384xf32, #tpu.memory_space<hbm>> -> memref<1x64x512xf32, #tpu.memory_space<hbm>>
    %dma_start3A_157 = tpu.memref_squeeze %dma_start3A_156 : memref<1x64x512xf32, #tpu.memory_space<hbm>> -> memref<64x512xf32, #tpu.memory_space<hbm>>
    %dma_start3A_158 = arith.constant 0 : i32
    %dma_start3A_159 = arith.constant 9728 : i32
    %dma_start3A_160 = tpu.memref_slice %arg3[%add3A_2, %dma_start3A_158, %dma_start3A_159] : memref<200x64x16384xf32, #tpu.memory_space<hbm>> -> memref<1x64x512xf32, #tpu.memory_space<hbm>>
    %dma_start3A_161 = tpu.memref_squeeze %dma_start3A_160 : memref<1x64x512xf32, #tpu.memory_space<hbm>> -> memref<64x512xf32, #tpu.memory_space<hbm>>
    tpu.enqueue_dma source(%arg4 : memref<64x512xf32, #tpu.memory_space<vmem>>) target(%dma_start3A_161 : memref<64x512xf32, #tpu.memory_space<hbm>>) target_semaphore(%arg6 : memref<!tpu.dma_semaphore, #tpu.memory_space<semaphore_mem>>)
    %dma_start3A_162 = arith.constant 0 : i32
    %dma_start3A_163 = arith.constant 10240 : i32
    %dma_start3A_164 = tpu.memref_slice %arg3[%add3A_2, %dma_start3A_162, %dma_start3A_163] : memref<200x64x16384xf32, #tpu.memory_space<hbm>> -> memref<1x64x512xf32, #tpu.memory_space<hbm>>
    %dma_start3A_165 = tpu.memref_squeeze %dma_start3A_164 : memref<1x64x512xf32, #tpu.memory_space<hbm>> -> memref<64x512xf32, #tpu.memory_space<hbm>>
    %dma_start3A_166 = arith.constant 0 : i32
    %dma_start3A_167 = arith.constant 10240 : i32
    %dma_start3A_168 = tpu.memref_slice %arg3[%add3A_2, %dma_start3A_166, %dma_start3A_167] : memref<200x64x16384xf32, #tpu.memory_space<hbm>> -> memref<1x64x512xf32, #tpu.memory_space<hbm>>
    %dma_start3A_169 = tpu.memref_squeeze %dma_start3A_168 : memref<1x64x512xf32, #tpu.memory_space<hbm>> -> memref<64x512xf32, #tpu.memory_space<hbm>>
    tpu.enqueue_dma source(%arg4 : memref<64x512xf32, #tpu.memory_space<vmem>>) target(%dma_start3A_169 : memref<64x512xf32, #tpu.memory_space<hbm>>) target_semaphore(%arg6 : memref<!tpu.dma_semaphore, #tpu.memory_space<semaphore_mem>>)
    %dma_start3A_170 = arith.constant 0 : i32
    %dma_start3A_171 = arith.constant 10752 : i32
    %dma_start3A_172 = tpu.memref_slice %arg3[%add3A_2, %dma_start3A_170, %dma_start3A_171] : memref<200x64x16384xf32, #tpu.memory_space<hbm>> -> memref<1x64x512xf32, #tpu.memory_space<hbm>>
    %dma_start3A_173 = tpu.memref_squeeze %dma_start3A_172 : memref<1x64x512xf32, #tpu.memory_space<hbm>> -> memref<64x512xf32, #tpu.memory_space<hbm>>
    %dma_start3A_174 = arith.constant 0 : i32
    %dma_start3A_175 = arith.constant 10752 : i32
    %dma_start3A_176 = tpu.memref_slice %arg3[%add3A_2, %dma_start3A_174, %dma_start3A_175] : memref<200x64x16384xf32, #tpu.memory_space<hbm>> -> memref<1x64x512xf32, #tpu.memory_space<hbm>>
    %dma_start3A_177 = tpu.memref_squeeze %dma_start3A_176 : memref<1x64x512xf32, #tpu.memory_space<hbm>> -> memref<64x512xf32, #tpu.memory_space<hbm>>
    tpu.enqueue_dma source(%arg4 : memref<64x512xf32, #tpu.memory_space<vmem>>) target(%dma_start3A_177 : memref<64x512xf32, #tpu.memory_space<hbm>>) target_semaphore(%arg6 : memref<!tpu.dma_semaphore, #tpu.memory_space<semaphore_mem>>)
    %dma_start3A_178 = arith.constant 0 : i32
    %dma_start3A_179 = arith.constant 11264 : i32
    %dma_start3A_180 = tpu.memref_slice %arg3[%add3A_2, %dma_start3A_178, %dma_start3A_179] : memref<200x64x16384xf32, #tpu.memory_space<hbm>> -> memref<1x64x512xf32, #tpu.memory_space<hbm>>
    %dma_start3A_181 = tpu.memref_squeeze %dma_start3A_180 : memref<1x64x512xf32, #tpu.memory_space<hbm>> -> memref<64x512xf32, #tpu.memory_space<hbm>>
    %dma_start3A_182 = arith.constant 0 : i32
    %dma_start3A_183 = arith.constant 11264 : i32
    %dma_start3A_184 = tpu.memref_slice %arg3[%add3A_2, %dma_start3A_182, %dma_start3A_183] : memref<200x64x16384xf32, #tpu.memory_space<hbm>> -> memref<1x64x512xf32, #tpu.memory_space<hbm>>
    %dma_start3A_185 = tpu.memref_squeeze %dma_start3A_184 : memref<1x64x512xf32, #tpu.memory_space<hbm>> -> memref<64x512xf32, #tpu.memory_space<hbm>>
    tpu.enqueue_dma source(%arg4 : memref<64x512xf32, #tpu.memory_space<vmem>>) target(%dma_start3A_185 : memref<64x512xf32, #tpu.memory_space<hbm>>) target_semaphore(%arg6 : memref<!tpu.dma_semaphore, #tpu.memory_space<semaphore_mem>>)
    %dma_start3A_186 = arith.constant 0 : i32
    %dma_start3A_187 = arith.constant 11776 : i32
    %dma_start3A_188 = tpu.memref_slice %arg3[%add3A_2, %dma_start3A_186, %dma_start3A_187] : memref<200x64x16384xf32, #tpu.memory_space<hbm>> -> memref<1x64x512xf32, #tpu.memory_space<hbm>>
    %dma_start3A_189 = tpu.memref_squeeze %dma_start3A_188 : memref<1x64x512xf32, #tpu.memory_space<hbm>> -> memref<64x512xf32, #tpu.memory_space<hbm>>
    %dma_start3A_190 = arith.constant 0 : i32
    %dma_start3A_191 = arith.constant 11776 : i32
    %dma_start3A_192 = tpu.memref_slice %arg3[%add3A_2, %dma_start3A_190, %dma_start3A_191] : memref<200x64x16384xf32, #tpu.memory_space<hbm>> -> memref<1x64x512xf32, #tpu.memory_space<hbm>>
    %dma_start3A_193 = tpu.memref_squeeze %dma_start3A_192 : memref<1x64x512xf32, #tpu.memory_space<hbm>> -> memref<64x512xf32, #tpu.memory_space<hbm>>
    tpu.enqueue_dma source(%arg4 : memref<64x512xf32, #tpu.memory_space<vmem>>) target(%dma_start3A_193 : memref<64x512xf32, #tpu.memory_space<hbm>>) target_semaphore(%arg6 : memref<!tpu.dma_semaphore, #tpu.memory_space<semaphore_mem>>)
    %dma_start3A_194 = arith.constant 0 : i32
    %dma_start3A_195 = arith.constant 12288 : i32
    %dma_start3A_196 = tpu.memref_slice %arg3[%add3A_2, %dma_start3A_194, %dma_start3A_195] : memref<200x64x16384xf32, #tpu.memory_space<hbm>> -> memref<1x64x512xf32, #tpu.memory_space<hbm>>
    %dma_start3A_197 = tpu.memref_squeeze %dma_start3A_196 : memref<1x64x512xf32, #tpu.memory_space<hbm>> -> memref<64x512xf32, #tpu.memory_space<hbm>>
    %dma_start3A_198 = arith.constant 0 : i32
    %dma_start3A_199 = arith.constant 12288 : i32
    %dma_start3A_200 = tpu.memref_slice %arg3[%add3A_2, %dma_start3A_198, %dma_start3A_199] : memref<200x64x16384xf32, #tpu.memory_space<hbm>> -> memref<1x64x512xf32, #tpu.memory_space<hbm>>
    %dma_start3A_201 = tpu.memref_squeeze %dma_start3A_200 : memref<1x64x512xf32, #tpu.memory_space<hbm>> -> memref<64x512xf32, #tpu.memory_space<hbm>>
    tpu.enqueue_dma source(%arg4 : memref<64x512xf32, #tpu.memory_space<vmem>>) target(%dma_start3A_201 : memref<64x512xf32, #tpu.memory_space<hbm>>) target_semaphore(%arg6 : memref<!tpu.dma_semaphore, #tpu.memory_space<semaphore_mem>>)
    %dma_start3A_202 = arith.constant 0 : i32
    %dma_start3A_203 = arith.constant 12800 : i32
    %dma_start3A_204 = tpu.memref_slice %arg3[%add3A_2, %dma_start3A_202, %dma_start3A_203] : memref<200x64x16384xf32, #tpu.memory_space<hbm>> -> memref<1x64x512xf32, #tpu.memory_space<hbm>>
    %dma_start3A_205 = tpu.memref_squeeze %dma_start3A_204 : memref<1x64x512xf32, #tpu.memory_space<hbm>> -> memref<64x512xf32, #tpu.memory_space<hbm>>
    %dma_start3A_206 = arith.constant 0 : i32
    %dma_start3A_207 = arith.constant 12800 : i32
    %dma_start3A_208 = tpu.memref_slice %arg3[%add3A_2, %dma_start3A_206, %dma_start3A_207] : memref<200x64x16384xf32, #tpu.memory_space<hbm>> -> memref<1x64x512xf32, #tpu.memory_space<hbm>>
    %dma_start3A_209 = tpu.memref_squeeze %dma_start3A_208 : memref<1x64x512xf32, #tpu.memory_space<hbm>> -> memref<64x512xf32, #tpu.memory_space<hbm>>
    tpu.enqueue_dma source(%arg4 : memref<64x512xf32, #tpu.memory_space<vmem>>) target(%dma_start3A_209 : memref<64x512xf32, #tpu.memory_space<hbm>>) target_semaphore(%arg6 : memref<!tpu.dma_semaphore, #tpu.memory_space<semaphore_mem>>)
    %dma_start3A_210 = arith.constant 0 : i32
    %dma_start3A_211 = arith.constant 13312 : i32
    %dma_start3A_212 = tpu.memref_slice %arg3[%add3A_2, %dma_start3A_210, %dma_start3A_211] : memref<200x64x16384xf32, #tpu.memory_space<hbm>> -> memref<1x64x512xf32, #tpu.memory_space<hbm>>
    %dma_start3A_213 = tpu.memref_squeeze %dma_start3A_212 : memref<1x64x512xf32, #tpu.memory_space<hbm>> -> memref<64x512xf32, #tpu.memory_space<hbm>>
    %dma_start3A_214 = arith.constant 0 : i32
    %dma_start3A_215 = arith.constant 13312 : i32
    %dma_start3A_216 = tpu.memref_slice %arg3[%add3A_2, %dma_start3A_214, %dma_start3A_215] : memref<200x64x16384xf32, #tpu.memory_space<hbm>> -> memref<1x64x512xf32, #tpu.memory_space<hbm>>
    %dma_start3A_217 = tpu.memref_squeeze %dma_start3A_216 : memref<1x64x512xf32, #tpu.memory_space<hbm>> -> memref<64x512xf32, #tpu.memory_space<hbm>>
    tpu.enqueue_dma source(%arg4 : memref<64x512xf32, #tpu.memory_space<vmem>>) target(%dma_start3A_217 : memref<64x512xf32, #tpu.memory_space<hbm>>) target_semaphore(%arg6 : memref<!tpu.dma_semaphore, #tpu.memory_space<semaphore_mem>>)
    %dma_start3A_218 = arith.constant 0 : i32
    %dma_start3A_219 = arith.constant 13824 : i32
    %dma_start3A_220 = tpu.memref_slice %arg3[%add3A_2, %dma_start3A_218, %dma_start3A_219] : memref<200x64x16384xf32, #tpu.memory_space<hbm>> -> memref<1x64x512xf32, #tpu.memory_space<hbm>>
    %dma_start3A_221 = tpu.memref_squeeze %dma_start3A_220 : memref<1x64x512xf32, #tpu.memory_space<hbm>> -> memref<64x512xf32, #tpu.memory_space<hbm>>
    %dma_start3A_222 = arith.constant 0 : i32
    %dma_start3A_223 = arith.constant 13824 : i32
    %dma_start3A_224 = tpu.memref_slice %arg3[%add3A_2, %dma_start3A_222, %dma_start3A_223] : memref<200x64x16384xf32, #tpu.memory_space<hbm>> -> memref<1x64x512xf32, #tpu.memory_space<hbm>>
    %dma_start3A_225 = tpu.memref_squeeze %dma_start3A_224 : memref<1x64x512xf32, #tpu.memory_space<hbm>> -> memref<64x512xf32, #tpu.memory_space<hbm>>
    tpu.enqueue_dma source(%arg4 : memref<64x512xf32, #tpu.memory_space<vmem>>) target(%dma_start3A_225 : memref<64x512xf32, #tpu.memory_space<hbm>>) target_semaphore(%arg6 : memref<!tpu.dma_semaphore, #tpu.memory_space<semaphore_mem>>)
    %dma_start3A_226 = arith.constant 0 : i32
    %dma_start3A_227 = arith.constant 14336 : i32
    %dma_start3A_228 = tpu.memref_slice %arg3[%add3A_2, %dma_start3A_226, %dma_start3A_227] : memref<200x64x16384xf32, #tpu.memory_space<hbm>> -> memref<1x64x512xf32, #tpu.memory_space<hbm>>
    %dma_start3A_229 = tpu.memref_squeeze %dma_start3A_228 : memref<1x64x512xf32, #tpu.memory_space<hbm>> -> memref<64x512xf32, #tpu.memory_space<hbm>>
    %dma_start3A_230 = arith.constant 0 : i32
    %dma_start3A_231 = arith.constant 14336 : i32
    %dma_start3A_232 = tpu.memref_slice %arg3[%add3A_2, %dma_start3A_230, %dma_start3A_231] : memref<200x64x16384xf32, #tpu.memory_space<hbm>> -> memref<1x64x512xf32, #tpu.memory_space<hbm>>
    %dma_start3A_233 = tpu.memref_squeeze %dma_start3A_232 : memref<1x64x512xf32, #tpu.memory_space<hbm>> -> memref<64x512xf32, #tpu.memory_space<hbm>>
    tpu.enqueue_dma source(%arg4 : memref<64x512xf32, #tpu.memory_space<vmem>>) target(%dma_start3A_233 : memref<64x512xf32, #tpu.memory_space<hbm>>) target_semaphore(%arg6 : memref<!tpu.dma_semaphore, #tpu.memory_space<semaphore_mem>>)
    %dma_start3A_234 = arith.constant 0 : i32
    %dma_start3A_235 = arith.constant 14848 : i32
    %dma_start3A_236 = tpu.memref_slice %arg3[%add3A_2, %dma_start3A_234, %dma_start3A_235] : memref<200x64x16384xf32, #tpu.memory_space<hbm>> -> memref<1x64x512xf32, #tpu.memory_space<hbm>>
    %dma_start3A_237 = tpu.memref_squeeze %dma_start3A_236 : memref<1x64x512xf32, #tpu.memory_space<hbm>> -> memref<64x512xf32, #tpu.memory_space<hbm>>
    %dma_start3A_238 = arith.constant 0 : i32
    %dma_start3A_239 = arith.constant 14848 : i32
    %dma_start3A_240 = tpu.memref_slice %arg3[%add3A_2, %dma_start3A_238, %dma_start3A_239] : memref<200x64x16384xf32, #tpu.memory_space<hbm>> -> memref<1x64x512xf32, #tpu.memory_space<hbm>>
    %dma_start3A_241 = tpu.memref_squeeze %dma_start3A_240 : memref<1x64x512xf32, #tpu.memory_space<hbm>> -> memref<64x512xf32, #tpu.memory_space<hbm>>
    tpu.enqueue_dma source(%arg4 : memref<64x512xf32, #tpu.memory_space<vmem>>) target(%dma_start3A_241 : memref<64x512xf32, #tpu.memory_space<hbm>>) target_semaphore(%arg6 : memref<!tpu.dma_semaphore, #tpu.memory_space<semaphore_mem>>)
    %dma_start3A_242 = arith.constant 0 : i32
    %dma_start3A_243 = arith.constant 15360 : i32
    %dma_start3A_244 = tpu.memref_slice %arg3[%add3A_2, %dma_start3A_242, %dma_start3A_243] : memref<200x64x16384xf32, #tpu.memory_space<hbm>> -> memref<1x64x512xf32, #tpu.memory_space<hbm>>
    %dma_start3A_245 = tpu.memref_squeeze %dma_start3A_244 : memref<1x64x512xf32, #tpu.memory_space<hbm>> -> memref<64x512xf32, #tpu.memory_space<hbm>>
    %dma_start3A_246 = arith.constant 0 : i32
    %dma_start3A_247 = arith.constant 15360 : i32
    %dma_start3A_248 = tpu.memref_slice %arg3[%add3A_2, %dma_start3A_246, %dma_start3A_247] : memref<200x64x16384xf32, #tpu.memory_space<hbm>> -> memref<1x64x512xf32, #tpu.memory_space<hbm>>
    %dma_start3A_249 = tpu.memref_squeeze %dma_start3A_248 : memref<1x64x512xf32, #tpu.memory_space<hbm>> -> memref<64x512xf32, #tpu.memory_space<hbm>>
    tpu.enqueue_dma source(%arg4 : memref<64x512xf32, #tpu.memory_space<vmem>>) target(%dma_start3A_249 : memref<64x512xf32, #tpu.memory_space<hbm>>) target_semaphore(%arg6 : memref<!tpu.dma_semaphore, #tpu.memory_space<semaphore_mem>>)
    %dma_start3A_250 = arith.constant 0 : i32
    %dma_start3A_251 = arith.constant 15872 : i32
    %dma_start3A_252 = tpu.memref_slice %arg3[%add3A_2, %dma_start3A_250, %dma_start3A_251] : memref<200x64x16384xf32, #tpu.memory_space<hbm>> -> memref<1x64x512xf32, #tpu.memory_space<hbm>>
    %dma_start3A_253 = tpu.memref_squeeze %dma_start3A_252 : memref<1x64x512xf32, #tpu.memory_space<hbm>> -> memref<64x512xf32, #tpu.memory_space<hbm>>
    %dma_start3A_254 = arith.constant 0 : i32
    %dma_start3A_255 = arith.constant 15872 : i32
    %dma_start3A_256 = tpu.memref_slice %arg3[%add3A_2, %dma_start3A_254, %dma_start3A_255] : memref<200x64x16384xf32, #tpu.memory_space<hbm>> -> memref<1x64x512xf32, #tpu.memory_space<hbm>>
    %dma_start3A_257 = tpu.memref_squeeze %dma_start3A_256 : memref<1x64x512xf32, #tpu.memory_space<hbm>> -> memref<64x512xf32, #tpu.memory_space<hbm>>
    tpu.enqueue_dma source(%arg4 : memref<64x512xf32, #tpu.memory_space<vmem>>) target(%dma_start3A_257 : memref<64x512xf32, #tpu.memory_space<hbm>>) target_semaphore(%arg6 : memref<!tpu.dma_semaphore, #tpu.memory_space<semaphore_mem>>)
    %add3A_258 = arith.constant 32 : i32
    %add3A_259 = arith.addi %add3A, %add3A_258 : i32
    "tpu.region"() ({
      %run_scoped3A = tpu.sem_alloc : memref<!tpu.dma_semaphore, #tpu.memory_space<semaphore_mem>>
      %dma_start3A_2194 = arith.constant 0 : i32
      %dma_start3A_2195 = arith.constant 0 : i32
      %dma_start3A_2196 = tpu.memref_slice %arg2[%add3A_259, %dma_start3A_2194, %dma_start3A_2195] : memref<152x64x512xf32, #tpu.memory_space<hbm>> -> memref<1x64x512xf32, #tpu.memory_space<hbm>>
      %dma_start3A_2197 = tpu.memref_squeeze %dma_start3A_2196 : memref<1x64x512xf32, #tpu.memory_space<hbm>> -> memref<64x512xf32, #tpu.memory_space<hbm>>
      %dma_start3A_2198 = arith.constant 0 : i32
      %dma_start3A_2199 = arith.constant 0 : i32
      %dma_start3A_2200 = tpu.memref_slice %arg2[%add3A_259, %dma_start3A_2198, %dma_start3A_2199] : memref<152x64x512xf32, #tpu.memory_space<hbm>> -> memref<1x64x512xf32, #tpu.memory_space<hbm>>
      %dma_start3A_2201 = tpu.memref_squeeze %dma_start3A_2200 : memref<1x64x512xf32, #tpu.memory_space<hbm>> -> memref<64x512xf32, #tpu.memory_space<hbm>>
      tpu.enqueue_dma source(%dma_start3A_2201 : memref<64x512xf32, #tpu.memory_space<hbm>>) target(%arg5 : memref<64x512xf32, #tpu.memory_space<vmem>>) target_semaphore(%run_scoped3A : memref<!tpu.dma_semaphore, #tpu.memory_space<semaphore_mem>>)
      %dma_wait3A_2202 = arith.constant 0 : i32
      %dma_wait3A_2203 = arith.constant 0 : i32
      %dma_wait3A_2204 = tpu.memref_slice %arg2[%add3A_259, %dma_wait3A_2202, %dma_wait3A_2203] : memref<152x64x512xf32, #tpu.memory_space<hbm>> -> memref<1x64x512xf32, #tpu.memory_space<hbm>>
      %dma_wait3A_2205 = tpu.memref_squeeze %dma_wait3A_2204 : memref<1x64x512xf32, #tpu.memory_space<hbm>> -> memref<64x512xf32, #tpu.memory_space<hbm>>
      %dma_wait3A_2206 = arith.constant 0 : i32
      %dma_wait3A_2207 = arith.constant 0 : i32
      %dma_wait3A_2208 = tpu.memref_slice %arg2[%add3A_259, %dma_wait3A_2206, %dma_wait3A_2207] : memref<152x64x512xf32, #tpu.memory_space<hbm>> -> memref<1x64x512xf32, #tpu.memory_space<hbm>>
      %dma_wait3A_2209 = tpu.memref_squeeze %dma_wait3A_2208 : memref<1x64x512xf32, #tpu.memory_space<hbm>> -> memref<64x512xf32, #tpu.memory_space<hbm>>
      tpu.wait_dma2 semaphore(%run_scoped3A : memref<!tpu.dma_semaphore, #tpu.memory_space<semaphore_mem>>) src(%dma_wait3A_2209 : memref<64x512xf32, #tpu.memory_space<hbm>>) dst(%arg5 : memref<64x512xf32, #tpu.memory_space<vmem>>)
      tpu.yield
    }) : () -> ()
    %dma_start3A_260 = arith.constant 0 : i32
    %dma_start3A_261 = arith.constant 0 : i32
    %dma_start3A_262 = tpu.memref_slice %arg3[%add3A_259, %dma_start3A_260, %dma_start3A_261] : memref<200x64x16384xf32, #tpu.memory_space<hbm>> -> memref<1x64x512xf32, #tpu.memory_space<hbm>>
    %dma_start3A_263 = tpu.memref_squeeze %dma_start3A_262 : memref<1x64x512xf32, #tpu.memory_space<hbm>> -> memref<64x512xf32, #tpu.memory_space<hbm>>
    %dma_start3A_264 = arith.constant 0 : i32
    %dma_start3A_265 = arith.constant 0 : i32
    %dma_start3A_266 = tpu.memref_slice %arg3[%add3A_259, %dma_start3A_264, %dma_start3A_265] : memref<200x64x16384xf32, #tpu.memory_space<hbm>> -> memref<1x64x512xf32, #tpu.memory_space<hbm>>
    %dma_start3A_267 = tpu.memref_squeeze %dma_start3A_266 : memref<1x64x512xf32, #tpu.memory_space<hbm>> -> memref<64x512xf32, #tpu.memory_space<hbm>>
    tpu.enqueue_dma source(%arg5 : memref<64x512xf32, #tpu.memory_space<vmem>>) target(%dma_start3A_267 : memref<64x512xf32, #tpu.memory_space<hbm>>) target_semaphore(%arg7 : memref<!tpu.dma_semaphore, #tpu.memory_space<semaphore_mem>>)
    %dma_start3A_268 = arith.constant 0 : i32
    %dma_start3A_269 = arith.constant 512 : i32
    %dma_start3A_270 = tpu.memref_slice %arg3[%add3A_259, %dma_start3A_268, %dma_start3A_269] : memref<200x64x16384xf32, #tpu.memory_space<hbm>> -> memref<1x64x512xf32, #tpu.memory_space<hbm>>
    %dma_start3A_271 = tpu.memref_squeeze %dma_start3A_270 : memref<1x64x512xf32, #tpu.memory_space<hbm>> -> memref<64x512xf32, #tpu.memory_space<hbm>>
    %dma_start3A_272 = arith.constant 0 : i32
    %dma_start3A_273 = arith.constant 512 : i32
    %dma_start3A_274 = tpu.memref_slice %arg3[%add3A_259, %dma_start3A_272, %dma_start3A_273] : memref<200x64x16384xf32, #tpu.memory_space<hbm>> -> memref<1x64x512xf32, #tpu.memory_space<hbm>>
    %dma_start3A_275 = tpu.memref_squeeze %dma_start3A_274 : memref<1x64x512xf32, #tpu.memory_space<hbm>> -> memref<64x512xf32, #tpu.memory_space<hbm>>
    tpu.enqueue_dma source(%arg5 : memref<64x512xf32, #tpu.memory_space<vmem>>) target(%dma_start3A_275 : memref<64x512xf32, #tpu.memory_space<hbm>>) target_semaphore(%arg7 : memref<!tpu.dma_semaphore, #tpu.memory_space<semaphore_mem>>)
    %dma_start3A_276 = arith.constant 0 : i32
    %dma_start3A_277 = arith.constant 1024 : i32
    %dma_start3A_278 = tpu.memref_slice %arg3[%add3A_259, %dma_start3A_276, %dma_start3A_277] : memref<200x64x16384xf32, #tpu.memory_space<hbm>> -> memref<1x64x512xf32, #tpu.memory_space<hbm>>
    %dma_start3A_279 = tpu.memref_squeeze %dma_start3A_278 : memref<1x64x512xf32, #tpu.memory_space<hbm>> -> memref<64x512xf32, #tpu.memory_space<hbm>>
    %dma_start3A_280 = arith.constant 0 : i32
    %dma_start3A_281 = arith.constant 1024 : i32
    %dma_start3A_282 = tpu.memref_slice %arg3[%add3A_259, %dma_start3A_280, %dma_start3A_281] : memref<200x64x16384xf32, #tpu.memory_space<hbm>> -> memref<1x64x512xf32, #tpu.memory_space<hbm>>
    %dma_start3A_283 = tpu.memref_squeeze %dma_start3A_282 : memref<1x64x512xf32, #tpu.memory_space<hbm>> -> memref<64x512xf32, #tpu.memory_space<hbm>>
    tpu.enqueue_dma source(%arg5 : memref<64x512xf32, #tpu.memory_space<vmem>>) target(%dma_start3A_283 : memref<64x512xf32, #tpu.memory_space<hbm>>) target_semaphore(%arg7 : memref<!tpu.dma_semaphore, #tpu.memory_space<semaphore_mem>>)
    %dma_start3A_284 = arith.constant 0 : i32
    %dma_start3A_285 = arith.constant 1536 : i32
    %dma_start3A_286 = tpu.memref_slice %arg3[%add3A_259, %dma_start3A_284, %dma_start3A_285] : memref<200x64x16384xf32, #tpu.memory_space<hbm>> -> memref<1x64x512xf32, #tpu.memory_space<hbm>>
    %dma_start3A_287 = tpu.memref_squeeze %dma_start3A_286 : memref<1x64x512xf32, #tpu.memory_space<hbm>> -> memref<64x512xf32, #tpu.memory_space<hbm>>
    %dma_start3A_288 = arith.constant 0 : i32
    %dma_start3A_289 = arith.constant 1536 : i32
    %dma_start3A_290 = tpu.memref_slice %arg3[%add3A_259, %dma_start3A_288, %dma_start3A_289] : memref<200x64x16384xf32, #tpu.memory_space<hbm>> -> memref<1x64x512xf32, #tpu.memory_space<hbm>>
    %dma_start3A_291 = tpu.memref_squeeze %dma_start3A_290 : memref<1x64x512xf32, #tpu.memory_space<hbm>> -> memref<64x512xf32, #tpu.memory_space<hbm>>
    tpu.enqueue_dma source(%arg5 : memref<64x512xf32, #tpu.memory_space<vmem>>) target(%dma_start3A_291 : memref<64x512xf32, #tpu.memory_space<hbm>>) target_semaphore(%arg7 : memref<!tpu.dma_semaphore, #tpu.memory_space<semaphore_mem>>)
    %dma_start3A_292 = arith.constant 0 : i32
    %dma_start3A_293 = arith.constant 2048 : i32
    %dma_start3A_294 = tpu.memref_slice %arg3[%add3A_259, %dma_start3A_292, %dma_start3A_293] : memref<200x64x16384xf32, #tpu.memory_space<hbm>> -> memref<1x64x512xf32, #tpu.memory_space<hbm>>
    %dma_start3A_295 = tpu.memref_squeeze %dma_start3A_294 : memref<1x64x512xf32, #tpu.memory_space<hbm>> -> memref<64x512xf32, #tpu.memory_space<hbm>>
    %dma_start3A_296 = arith.constant 0 : i32
    %dma_start3A_297 = arith.constant 2048 : i32
    %dma_start3A_298 = tpu.memref_slice %arg3[%add3A_259, %dma_start3A_296, %dma_start3A_297] : memref<200x64x16384xf32, #tpu.memory_space<hbm>> -> memref<1x64x512xf32, #tpu.memory_space<hbm>>
    %dma_start3A_299 = tpu.memref_squeeze %dma_start3A_298 : memref<1x64x512xf32, #tpu.memory_space<hbm>> -> memref<64x512xf32, #tpu.memory_space<hbm>>
    tpu.enqueue_dma source(%arg5 : memref<64x512xf32, #tpu.memory_space<vmem>>) target(%dma_start3A_299 : memref<64x512xf32, #tpu.memory_space<hbm>>) target_semaphore(%arg7 : memref<!tpu.dma_semaphore, #tpu.memory_space<semaphore_mem>>)
    %dma_start3A_300 = arith.constant 0 : i32
    %dma_start3A_301 = arith.constant 2560 : i32
    %dma_start3A_302 = tpu.memref_slice %arg3[%add3A_259, %dma_start3A_300, %dma_start3A_301] : memref<200x64x16384xf32, #tpu.memory_space<hbm>> -> memref<1x64x512xf32, #tpu.memory_space<hbm>>
    %dma_start3A_303 = tpu.memref_squeeze %dma_start3A_302 : memref<1x64x512xf32, #tpu.memory_space<hbm>> -> memref<64x512xf32, #tpu.memory_space<hbm>>
    %dma_start3A_304 = arith.constant 0 : i32
    %dma_start3A_305 = arith.constant 2560 : i32
    %dma_start3A_306 = tpu.memref_slice %arg3[%add3A_259, %dma_start3A_304, %dma_start3A_305] : memref<200x64x16384xf32, #tpu.memory_space<hbm>> -> memref<1x64x512xf32, #tpu.memory_space<hbm>>
    %dma_start3A_307 = tpu.memref_squeeze %dma_start3A_306 : memref<1x64x512xf32, #tpu.memory_space<hbm>> -> memref<64x512xf32, #tpu.memory_space<hbm>>
    tpu.enqueue_dma source(%arg5 : memref<64x512xf32, #tpu.memory_space<vmem>>) target(%dma_start3A_307 : memref<64x512xf32, #tpu.memory_space<hbm>>) target_semaphore(%arg7 : memref<!tpu.dma_semaphore, #tpu.memory_space<semaphore_mem>>)
    %dma_start3A_308 = arith.constant 0 : i32
    %dma_start3A_309 = arith.constant 3072 : i32
    %dma_start3A_310 = tpu.memref_slice %arg3[%add3A_259, %dma_start3A_308, %dma_start3A_309] : memref<200x64x16384xf32, #tpu.memory_space<hbm>> -> memref<1x64x512xf32, #tpu.memory_space<hbm>>
    %dma_start3A_311 = tpu.memref_squeeze %dma_start3A_310 : memref<1x64x512xf32, #tpu.memory_space<hbm>> -> memref<64x512xf32, #tpu.memory_space<hbm>>
    %dma_start3A_312 = arith.constant 0 : i32
    %dma_start3A_313 = arith.constant 3072 : i32
    %dma_start3A_314 = tpu.memref_slice %arg3[%add3A_259, %dma_start3A_312, %dma_start3A_313] : memref<200x64x16384xf32, #tpu.memory_space<hbm>> -> memref<1x64x512xf32, #tpu.memory_space<hbm>>
    %dma_start3A_315 = tpu.memref_squeeze %dma_start3A_314 : memref<1x64x512xf32, #tpu.memory_space<hbm>> -> memref<64x512xf32, #tpu.memory_space<hbm>>
    tpu.enqueue_dma source(%arg5 : memref<64x512xf32, #tpu.memory_space<vmem>>) target(%dma_start3A_315 : memref<64x512xf32, #tpu.memory_space<hbm>>) target_semaphore(%arg7 : memref<!tpu.dma_semaphore, #tpu.memory_space<semaphore_mem>>)
    %dma_start3A_316 = arith.constant 0 : i32
    %dma_start3A_317 = arith.constant 3584 : i32
    %dma_start3A_318 = tpu.memref_slice %arg3[%add3A_259, %dma_start3A_316, %dma_start3A_317] : memref<200x64x16384xf32, #tpu.memory_space<hbm>> -> memref<1x64x512xf32, #tpu.memory_space<hbm>>
    %dma_start3A_319 = tpu.memref_squeeze %dma_start3A_318 : memref<1x64x512xf32, #tpu.memory_space<hbm>> -> memref<64x512xf32, #tpu.memory_space<hbm>>
    %dma_start3A_320 = arith.constant 0 : i32
    %dma_start3A_321 = arith.constant 3584 : i32
    %dma_start3A_322 = tpu.memref_slice %arg3[%add3A_259, %dma_start3A_320, %dma_start3A_321] : memref<200x64x16384xf32, #tpu.memory_space<hbm>> -> memref<1x64x512xf32, #tpu.memory_space<hbm>>
    %dma_start3A_323 = tpu.memref_squeeze %dma_start3A_322 : memref<1x64x512xf32, #tpu.memory_space<hbm>> -> memref<64x512xf32, #tpu.memory_space<hbm>>
    tpu.enqueue_dma source(%arg5 : memref<64x512xf32, #tpu.memory_space<vmem>>) target(%dma_start3A_323 : memref<64x512xf32, #tpu.memory_space<hbm>>) target_semaphore(%arg7 : memref<!tpu.dma_semaphore, #tpu.memory_space<semaphore_mem>>)
    %dma_start3A_324 = arith.constant 0 : i32
    %dma_start3A_325 = arith.constant 4096 : i32
    %dma_start3A_326 = tpu.memref_slice %arg3[%add3A_259, %dma_start3A_324, %dma_start3A_325] : memref<200x64x16384xf32, #tpu.memory_space<hbm>> -> memref<1x64x512xf32, #tpu.memory_space<hbm>>
    %dma_start3A_327 = tpu.memref_squeeze %dma_start3A_326 : memref<1x64x512xf32, #tpu.memory_space<hbm>> -> memref<64x512xf32, #tpu.memory_space<hbm>>
    %dma_start3A_328 = arith.constant 0 : i32
    %dma_start3A_329 = arith.constant 4096 : i32
    %dma_start3A_330 = tpu.memref_slice %arg3[%add3A_259, %dma_start3A_328, %dma_start3A_329] : memref<200x64x16384xf32, #tpu.memory_space<hbm>> -> memref<1x64x512xf32, #tpu.memory_space<hbm>>
    %dma_start3A_331 = tpu.memref_squeeze %dma_start3A_330 : memref<1x64x512xf32, #tpu.memory_space<hbm>> -> memref<64x512xf32, #tpu.memory_space<hbm>>
    tpu.enqueue_dma source(%arg5 : memref<64x512xf32, #tpu.memory_space<vmem>>) target(%dma_start3A_331 : memref<64x512xf32, #tpu.memory_space<hbm>>) target_semaphore(%arg7 : memref<!tpu.dma_semaphore, #tpu.memory_space<semaphore_mem>>)
    %dma_start3A_332 = arith.constant 0 : i32
    %dma_start3A_333 = arith.constant 4608 : i32
    %dma_start3A_334 = tpu.memref_slice %arg3[%add3A_259, %dma_start3A_332, %dma_start3A_333] : memref<200x64x16384xf32, #tpu.memory_space<hbm>> -> memref<1x64x512xf32, #tpu.memory_space<hbm>>
    %dma_start3A_335 = tpu.memref_squeeze %dma_start3A_334 : memref<1x64x512xf32, #tpu.memory_space<hbm>> -> memref<64x512xf32, #tpu.memory_space<hbm>>
    %dma_start3A_336 = arith.constant 0 : i32
    %dma_start3A_337 = arith.constant 4608 : i32
    %dma_start3A_338 = tpu.memref_slice %arg3[%add3A_259, %dma_start3A_336, %dma_start3A_337] : memref<200x64x16384xf32, #tpu.memory_space<hbm>> -> memref<1x64x512xf32, #tpu.memory_space<hbm>>
    %dma_start3A_339 = tpu.memref_squeeze %dma_start3A_338 : memref<1x64x512xf32, #tpu.memory_space<hbm>> -> memref<64x512xf32, #tpu.memory_space<hbm>>
    tpu.enqueue_dma source(%arg5 : memref<64x512xf32, #tpu.memory_space<vmem>>) target(%dma_start3A_339 : memref<64x512xf32, #tpu.memory_space<hbm>>) target_semaphore(%arg7 : memref<!tpu.dma_semaphore, #tpu.memory_space<semaphore_mem>>)
    %dma_start3A_340 = arith.constant 0 : i32
    %dma_start3A_341 = arith.constant 5120 : i32
    %dma_start3A_342 = tpu.memref_slice %arg3[%add3A_259, %dma_start3A_340, %dma_start3A_341] : memref<200x64x16384xf32, #tpu.memory_space<hbm>> -> memref<1x64x512xf32, #tpu.memory_space<hbm>>
    %dma_start3A_343 = tpu.memref_squeeze %dma_start3A_342 : memref<1x64x512xf32, #tpu.memory_space<hbm>> -> memref<64x512xf32, #tpu.memory_space<hbm>>
    %dma_start3A_344 = arith.constant 0 : i32
    %dma_start3A_345 = arith.constant 5120 : i32
    %dma_start3A_346 = tpu.memref_slice %arg3[%add3A_259, %dma_start3A_344, %dma_start3A_345] : memref<200x64x16384xf32, #tpu.memory_space<hbm>> -> memref<1x64x512xf32, #tpu.memory_space<hbm>>
    %dma_start3A_347 = tpu.memref_squeeze %dma_start3A_346 : memref<1x64x512xf32, #tpu.memory_space<hbm>> -> memref<64x512xf32, #tpu.memory_space<hbm>>
    tpu.enqueue_dma source(%arg5 : memref<64x512xf32, #tpu.memory_space<vmem>>) target(%dma_start3A_347 : memref<64x512xf32, #tpu.memory_space<hbm>>) target_semaphore(%arg7 : memref<!tpu.dma_semaphore, #tpu.memory_space<semaphore_mem>>)
    %dma_start3A_348 = arith.constant 0 : i32
    %dma_start3A_349 = arith.constant 5632 : i32
    %dma_start3A_350 = tpu.memref_slice %arg3[%add3A_259, %dma_start3A_348, %dma_start3A_349] : memref<200x64x16384xf32, #tpu.memory_space<hbm>> -> memref<1x64x512xf32, #tpu.memory_space<hbm>>
    %dma_start3A_351 = tpu.memref_squeeze %dma_start3A_350 : memref<1x64x512xf32, #tpu.memory_space<hbm>> -> memref<64x512xf32, #tpu.memory_space<hbm>>
    %dma_start3A_352 = arith.constant 0 : i32
    %dma_start3A_353 = arith.constant 5632 : i32
    %dma_start3A_354 = tpu.memref_slice %arg3[%add3A_259, %dma_start3A_352, %dma_start3A_353] : memref<200x64x16384xf32, #tpu.memory_space<hbm>> -> memref<1x64x512xf32, #tpu.memory_space<hbm>>
    %dma_start3A_355 = tpu.memref_squeeze %dma_start3A_354 : memref<1x64x512xf32, #tpu.memory_space<hbm>> -> memref<64x512xf32, #tpu.memory_space<hbm>>
    tpu.enqueue_dma source(%arg5 : memref<64x512xf32, #tpu.memory_space<vmem>>) target(%dma_start3A_355 : memref<64x512xf32, #tpu.memory_space<hbm>>) target_semaphore(%arg7 : memref<!tpu.dma_semaphore, #tpu.memory_space<semaphore_mem>>)
    %dma_start3A_356 = arith.constant 0 : i32
    %dma_start3A_357 = arith.constant 6144 : i32
    %dma_start3A_358 = tpu.memref_slice %arg3[%add3A_259, %dma_start3A_356, %dma_start3A_357] : memref<200x64x16384xf32, #tpu.memory_space<hbm>> -> memref<1x64x512xf32, #tpu.memory_space<hbm>>
    %dma_start3A_359 = tpu.memref_squeeze %dma_start3A_358 : memref<1x64x512xf32, #tpu.memory_space<hbm>> -> memref<64x512xf32, #tpu.memory_space<hbm>>
    %dma_start3A_360 = arith.constant 0 : i32
    %dma_start3A_361 = arith.constant 6144 : i32
    %dma_start3A_362 = tpu.memref_slice %arg3[%add3A_259, %dma_start3A_360, %dma_start3A_361] : memref<200x64x16384xf32, #tpu.memory_space<hbm>> -> memref<1x64x512xf32, #tpu.memory_space<hbm>>
    %dma_start3A_363 = tpu.memref_squeeze %dma_start3A_362 : memref<1x64x512xf32, #tpu.memory_space<hbm>> -> memref<64x512xf32, #tpu.memory_space<hbm>>
    tpu.enqueue_dma source(%arg5 : memref<64x512xf32, #tpu.memory_space<vmem>>) target(%dma_start3A_363 : memref<64x512xf32, #tpu.memory_space<hbm>>) target_semaphore(%arg7 : memref<!tpu.dma_semaphore, #tpu.memory_space<semaphore_mem>>)
    %dma_start3A_364 = arith.constant 0 : i32
    %dma_start3A_365 = arith.constant 6656 : i32
    %dma_start3A_366 = tpu.memref_slice %arg3[%add3A_259, %dma_start3A_364, %dma_start3A_365] : memref<200x64x16384xf32, #tpu.memory_space<hbm>> -> memref<1x64x512xf32, #tpu.memory_space<hbm>>
    %dma_start3A_367 = tpu.memref_squeeze %dma_start3A_366 : memref<1x64x512xf32, #tpu.memory_space<hbm>> -> memref<64x512xf32, #tpu.memory_space<hbm>>
    %dma_start3A_368 = arith.constant 0 : i32
    %dma_start3A_369 = arith.constant 6656 : i32
    %dma_start3A_370 = tpu.memref_slice %arg3[%add3A_259, %dma_start3A_368, %dma_start3A_369] : memref<200x64x16384xf32, #tpu.memory_space<hbm>> -> memref<1x64x512xf32, #tpu.memory_space<hbm>>
    %dma_start3A_371 = tpu.memref_squeeze %dma_start3A_370 : memref<1x64x512xf32, #tpu.memory_space<hbm>> -> memref<64x512xf32, #tpu.memory_space<hbm>>
    tpu.enqueue_dma source(%arg5 : memref<64x512xf32, #tpu.memory_space<vmem>>) target(%dma_start3A_371 : memref<64x512xf32, #tpu.memory_space<hbm>>) target_semaphore(%arg7 : memref<!tpu.dma_semaphore, #tpu.memory_space<semaphore_mem>>)
    %dma_start3A_372 = arith.constant 0 : i32
    %dma_start3A_373 = arith.constant 7168 : i32
    %dma_start3A_374 = tpu.memref_slice %arg3[%add3A_259, %dma_start3A_372, %dma_start3A_373] : memref<200x64x16384xf32, #tpu.memory_space<hbm>> -> memref<1x64x512xf32, #tpu.memory_space<hbm>>
    %dma_start3A_375 = tpu.memref_squeeze %dma_start3A_374 : memref<1x64x512xf32, #tpu.memory_space<hbm>> -> memref<64x512xf32, #tpu.memory_space<hbm>>
    %dma_start3A_376 = arith.constant 0 : i32
    %dma_start3A_377 = arith.constant 7168 : i32
    %dma_start3A_378 = tpu.memref_slice %arg3[%add3A_259, %dma_start3A_376, %dma_start3A_377] : memref<200x64x16384xf32, #tpu.memory_space<hbm>> -> memref<1x64x512xf32, #tpu.memory_space<hbm>>
    %dma_start3A_379 = tpu.memref_squeeze %dma_start3A_378 : memref<1x64x512xf32, #tpu.memory_space<hbm>> -> memref<64x512xf32, #tpu.memory_space<hbm>>
    tpu.enqueue_dma source(%arg5 : memref<64x512xf32, #tpu.memory_space<vmem>>) target(%dma_start3A_379 : memref<64x512xf32, #tpu.memory_space<hbm>>) target_semaphore(%arg7 : memref<!tpu.dma_semaphore, #tpu.memory_space<semaphore_mem>>)
    %dma_start3A_380 = arith.constant 0 : i32
    %dma_start3A_381 = arith.constant 7680 : i32
    %dma_start3A_382 = tpu.memref_slice %arg3[%add3A_259, %dma_start3A_380, %dma_start3A_381] : memref<200x64x16384xf32, #tpu.memory_space<hbm>> -> memref<1x64x512xf32, #tpu.memory_space<hbm>>
    %dma_start3A_383 = tpu.memref_squeeze %dma_start3A_382 : memref<1x64x512xf32, #tpu.memory_space<hbm>> -> memref<64x512xf32, #tpu.memory_space<hbm>>
    %dma_start3A_384 = arith.constant 0 : i32
    %dma_start3A_385 = arith.constant 7680 : i32
    %dma_start3A_386 = tpu.memref_slice %arg3[%add3A_259, %dma_start3A_384, %dma_start3A_385] : memref<200x64x16384xf32, #tpu.memory_space<hbm>> -> memref<1x64x512xf32, #tpu.memory_space<hbm>>
    %dma_start3A_387 = tpu.memref_squeeze %dma_start3A_386 : memref<1x64x512xf32, #tpu.memory_space<hbm>> -> memref<64x512xf32, #tpu.memory_space<hbm>>
    tpu.enqueue_dma source(%arg5 : memref<64x512xf32, #tpu.memory_space<vmem>>) target(%dma_start3A_387 : memref<64x512xf32, #tpu.memory_space<hbm>>) target_semaphore(%arg7 : memref<!tpu.dma_semaphore, #tpu.memory_space<semaphore_mem>>)
    %dma_start3A_388 = arith.constant 0 : i32
    %dma_start3A_389 = arith.constant 8192 : i32
    %dma_start3A_390 = tpu.memref_slice %arg3[%add3A_259, %dma_start3A_388, %dma_start3A_389] : memref<200x64x16384xf32, #tpu.memory_space<hbm>> -> memref<1x64x512xf32, #tpu.memory_space<hbm>>
    %dma_start3A_391 = tpu.memref_squeeze %dma_start3A_390 : memref<1x64x512xf32, #tpu.memory_space<hbm>> -> memref<64x512xf32, #tpu.memory_space<hbm>>
    %dma_start3A_392 = arith.constant 0 : i32
    %dma_start3A_393 = arith.constant 8192 : i32
    %dma_start3A_394 = tpu.memref_slice %arg3[%add3A_259, %dma_start3A_392, %dma_start3A_393] : memref<200x64x16384xf32, #tpu.memory_space<hbm>> -> memref<1x64x512xf32, #tpu.memory_space<hbm>>
    %dma_start3A_395 = tpu.memref_squeeze %dma_start3A_394 : memref<1x64x512xf32, #tpu.memory_space<hbm>> -> memref<64x512xf32, #tpu.memory_space<hbm>>
    tpu.enqueue_dma source(%arg5 : memref<64x512xf32, #tpu.memory_space<vmem>>) target(%dma_start3A_395 : memref<64x512xf32, #tpu.memory_space<hbm>>) target_semaphore(%arg7 : memref<!tpu.dma_semaphore, #tpu.memory_space<semaphore_mem>>)
    %dma_start3A_396 = arith.constant 0 : i32
    %dma_start3A_397 = arith.constant 8704 : i32
    %dma_start3A_398 = tpu.memref_slice %arg3[%add3A_259, %dma_start3A_396, %dma_start3A_397] : memref<200x64x16384xf32, #tpu.memory_space<hbm>> -> memref<1x64x512xf32, #tpu.memory_space<hbm>>
    %dma_start3A_399 = tpu.memref_squeeze %dma_start3A_398 : memref<1x64x512xf32, #tpu.memory_space<hbm>> -> memref<64x512xf32, #tpu.memory_space<hbm>>
    %dma_start3A_400 = arith.constant 0 : i32
    %dma_start3A_401 = arith.constant 8704 : i32
    %dma_start3A_402 = tpu.memref_slice %arg3[%add3A_259, %dma_start3A_400, %dma_start3A_401] : memref<200x64x16384xf32, #tpu.memory_space<hbm>> -> memref<1x64x512xf32, #tpu.memory_space<hbm>>
    %dma_start3A_403 = tpu.memref_squeeze %dma_start3A_402 : memref<1x64x512xf32, #tpu.memory_space<hbm>> -> memref<64x512xf32, #tpu.memory_space<hbm>>
    tpu.enqueue_dma source(%arg5 : memref<64x512xf32, #tpu.memory_space<vmem>>) target(%dma_start3A_403 : memref<64x512xf32, #tpu.memory_space<hbm>>) target_semaphore(%arg7 : memref<!tpu.dma_semaphore, #tpu.memory_space<semaphore_mem>>)
    %dma_start3A_404 = arith.constant 0 : i32
    %dma_start3A_405 = arith.constant 9216 : i32
    %dma_start3A_406 = tpu.memref_slice %arg3[%add3A_259, %dma_start3A_404, %dma_start3A_405] : memref<200x64x16384xf32, #tpu.memory_space<hbm>> -> memref<1x64x512xf32, #tpu.memory_space<hbm>>
    %dma_start3A_407 = tpu.memref_squeeze %dma_start3A_406 : memref<1x64x512xf32, #tpu.memory_space<hbm>> -> memref<64x512xf32, #tpu.memory_space<hbm>>
    %dma_start3A_408 = arith.constant 0 : i32
    %dma_start3A_409 = arith.constant 9216 : i32
    %dma_start3A_410 = tpu.memref_slice %arg3[%add3A_259, %dma_start3A_408, %dma_start3A_409] : memref<200x64x16384xf32, #tpu.memory_space<hbm>> -> memref<1x64x512xf32, #tpu.memory_space<hbm>>
    %dma_start3A_411 = tpu.memref_squeeze %dma_start3A_410 : memref<1x64x512xf32, #tpu.memory_space<hbm>> -> memref<64x512xf32, #tpu.memory_space<hbm>>
    tpu.enqueue_dma source(%arg5 : memref<64x512xf32, #tpu.memory_space<vmem>>) target(%dma_start3A_411 : memref<64x512xf32, #tpu.memory_space<hbm>>) target_semaphore(%arg7 : memref<!tpu.dma_semaphore, #tpu.memory_space<semaphore_mem>>)
    %dma_start3A_412 = arith.constant 0 : i32
    %dma_start3A_413 = arith.constant 9728 : i32
    %dma_start3A_414 = tpu.memref_slice %arg3[%add3A_259, %dma_start3A_412, %dma_start3A_413] : memref<200x64x16384xf32, #tpu.memory_space<hbm>> -> memref<1x64x512xf32, #tpu.memory_space<hbm>>
    %dma_start3A_415 = tpu.memref_squeeze %dma_start3A_414 : memref<1x64x512xf32, #tpu.memory_space<hbm>> -> memref<64x512xf32, #tpu.memory_space<hbm>>
    %dma_start3A_416 = arith.constant 0 : i32
    %dma_start3A_417 = arith.constant 9728 : i32
    %dma_start3A_418 = tpu.memref_slice %arg3[%add3A_259, %dma_start3A_416, %dma_start3A_417] : memref<200x64x16384xf32, #tpu.memory_space<hbm>> -> memref<1x64x512xf32, #tpu.memory_space<hbm>>
    %dma_start3A_419 = tpu.memref_squeeze %dma_start3A_418 : memref<1x64x512xf32, #tpu.memory_space<hbm>> -> memref<64x512xf32, #tpu.memory_space<hbm>>
    tpu.enqueue_dma source(%arg5 : memref<64x512xf32, #tpu.memory_space<vmem>>) target(%dma_start3A_419 : memref<64x512xf32, #tpu.memory_space<hbm>>) target_semaphore(%arg7 : memref<!tpu.dma_semaphore, #tpu.memory_space<semaphore_mem>>)
    %dma_start3A_420 = arith.constant 0 : i32
    %dma_start3A_421 = arith.constant 10240 : i32
    %dma_start3A_422 = tpu.memref_slice %arg3[%add3A_259, %dma_start3A_420, %dma_start3A_421] : memref<200x64x16384xf32, #tpu.memory_space<hbm>> -> memref<1x64x512xf32, #tpu.memory_space<hbm>>
    %dma_start3A_423 = tpu.memref_squeeze %dma_start3A_422 : memref<1x64x512xf32, #tpu.memory_space<hbm>> -> memref<64x512xf32, #tpu.memory_space<hbm>>
    %dma_start3A_424 = arith.constant 0 : i32
    %dma_start3A_425 = arith.constant 10240 : i32
    %dma_start3A_426 = tpu.memref_slice %arg3[%add3A_259, %dma_start3A_424, %dma_start3A_425] : memref<200x64x16384xf32, #tpu.memory_space<hbm>> -> memref<1x64x512xf32, #tpu.memory_space<hbm>>
    %dma_start3A_427 = tpu.memref_squeeze %dma_start3A_426 : memref<1x64x512xf32, #tpu.memory_space<hbm>> -> memref<64x512xf32, #tpu.memory_space<hbm>>
    tpu.enqueue_dma source(%arg5 : memref<64x512xf32, #tpu.memory_space<vmem>>) target(%dma_start3A_427 : memref<64x512xf32, #tpu.memory_space<hbm>>) target_semaphore(%arg7 : memref<!tpu.dma_semaphore, #tpu.memory_space<semaphore_mem>>)
    %dma_start3A_428 = arith.constant 0 : i32
    %dma_start3A_429 = arith.constant 10752 : i32
    %dma_start3A_430 = tpu.memref_slice %arg3[%add3A_259, %dma_start3A_428, %dma_start3A_429] : memref<200x64x16384xf32, #tpu.memory_space<hbm>> -> memref<1x64x512xf32, #tpu.memory_space<hbm>>
    %dma_start3A_431 = tpu.memref_squeeze %dma_start3A_430 : memref<1x64x512xf32, #tpu.memory_space<hbm>> -> memref<64x512xf32, #tpu.memory_space<hbm>>
    %dma_start3A_432 = arith.constant 0 : i32
    %dma_start3A_433 = arith.constant 10752 : i32
    %dma_start3A_434 = tpu.memref_slice %arg3[%add3A_259, %dma_start3A_432, %dma_start3A_433] : memref<200x64x16384xf32, #tpu.memory_space<hbm>> -> memref<1x64x512xf32, #tpu.memory_space<hbm>>
    %dma_start3A_435 = tpu.memref_squeeze %dma_start3A_434 : memref<1x64x512xf32, #tpu.memory_space<hbm>> -> memref<64x512xf32, #tpu.memory_space<hbm>>
    tpu.enqueue_dma source(%arg5 : memref<64x512xf32, #tpu.memory_space<vmem>>) target(%dma_start3A_435 : memref<64x512xf32, #tpu.memory_space<hbm>>) target_semaphore(%arg7 : memref<!tpu.dma_semaphore, #tpu.memory_space<semaphore_mem>>)
    %dma_start3A_436 = arith.constant 0 : i32
    %dma_start3A_437 = arith.constant 11264 : i32
    %dma_start3A_438 = tpu.memref_slice %arg3[%add3A_259, %dma_start3A_436, %dma_start3A_437] : memref<200x64x16384xf32, #tpu.memory_space<hbm>> -> memref<1x64x512xf32, #tpu.memory_space<hbm>>
    %dma_start3A_439 = tpu.memref_squeeze %dma_start3A_438 : memref<1x64x512xf32, #tpu.memory_space<hbm>> -> memref<64x512xf32, #tpu.memory_space<hbm>>
    %dma_start3A_440 = arith.constant 0 : i32
    %dma_start3A_441 = arith.constant 11264 : i32
    %dma_start3A_442 = tpu.memref_slice %arg3[%add3A_259, %dma_start3A_440, %dma_start3A_441] : memref<200x64x16384xf32, #tpu.memory_space<hbm>> -> memref<1x64x512xf32, #tpu.memory_space<hbm>>
    %dma_start3A_443 = tpu.memref_squeeze %dma_start3A_442 : memref<1x64x512xf32, #tpu.memory_space<hbm>> -> memref<64x512xf32, #tpu.memory_space<hbm>>
    tpu.enqueue_dma source(%arg5 : memref<64x512xf32, #tpu.memory_space<vmem>>) target(%dma_start3A_443 : memref<64x512xf32, #tpu.memory_space<hbm>>) target_semaphore(%arg7 : memref<!tpu.dma_semaphore, #tpu.memory_space<semaphore_mem>>)
    %dma_start3A_444 = arith.constant 0 : i32
    %dma_start3A_445 = arith.constant 11776 : i32
    %dma_start3A_446 = tpu.memref_slice %arg3[%add3A_259, %dma_start3A_444, %dma_start3A_445] : memref<200x64x16384xf32, #tpu.memory_space<hbm>> -> memref<1x64x512xf32, #tpu.memory_space<hbm>>
    %dma_start3A_447 = tpu.memref_squeeze %dma_start3A_446 : memref<1x64x512xf32, #tpu.memory_space<hbm>> -> memref<64x512xf32, #tpu.memory_space<hbm>>
    %dma_start3A_448 = arith.constant 0 : i32
    %dma_start3A_449 = arith.constant 11776 : i32
    %dma_start3A_450 = tpu.memref_slice %arg3[%add3A_259, %dma_start3A_448, %dma_start3A_449] : memref<200x64x16384xf32, #tpu.memory_space<hbm>> -> memref<1x64x512xf32, #tpu.memory_space<hbm>>
    %dma_start3A_451 = tpu.memref_squeeze %dma_start3A_450 : memref<1x64x512xf32, #tpu.memory_space<hbm>> -> memref<64x512xf32, #tpu.memory_space<hbm>>
    tpu.enqueue_dma source(%arg5 : memref<64x512xf32, #tpu.memory_space<vmem>>) target(%dma_start3A_451 : memref<64x512xf32, #tpu.memory_space<hbm>>) target_semaphore(%arg7 : memref<!tpu.dma_semaphore, #tpu.memory_space<semaphore_mem>>)
    %dma_start3A_452 = arith.constant 0 : i32
    %dma_start3A_453 = arith.constant 12288 : i32
    %dma_start3A_454 = tpu.memref_slice %arg3[%add3A_259, %dma_start3A_452, %dma_start3A_453] : memref<200x64x16384xf32, #tpu.memory_space<hbm>> -> memref<1x64x512xf32, #tpu.memory_space<hbm>>
    %dma_start3A_455 = tpu.memref_squeeze %dma_start3A_454 : memref<1x64x512xf32, #tpu.memory_space<hbm>> -> memref<64x512xf32, #tpu.memory_space<hbm>>
    %dma_start3A_456 = arith.constant 0 : i32
    %dma_start3A_457 = arith.constant 12288 : i32
    %dma_start3A_458 = tpu.memref_slice %arg3[%add3A_259, %dma_start3A_456, %dma_start3A_457] : memref<200x64x16384xf32, #tpu.memory_space<hbm>> -> memref<1x64x512xf32, #tpu.memory_space<hbm>>
    %dma_start3A_459 = tpu.memref_squeeze %dma_start3A_458 : memref<1x64x512xf32, #tpu.memory_space<hbm>> -> memref<64x512xf32, #tpu.memory_space<hbm>>
    tpu.enqueue_dma source(%arg5 : memref<64x512xf32, #tpu.memory_space<vmem>>) target(%dma_start3A_459 : memref<64x512xf32, #tpu.memory_space<hbm>>) target_semaphore(%arg7 : memref<!tpu.dma_semaphore, #tpu.memory_space<semaphore_mem>>)
    %dma_start3A_460 = arith.constant 0 : i32
    %dma_start3A_461 = arith.constant 12800 : i32
    %dma_start3A_462 = tpu.memref_slice %arg3[%add3A_259, %dma_start3A_460, %dma_start3A_461] : memref<200x64x16384xf32, #tpu.memory_space<hbm>> -> memref<1x64x512xf32, #tpu.memory_space<hbm>>
    %dma_start3A_463 = tpu.memref_squeeze %dma_start3A_462 : memref<1x64x512xf32, #tpu.memory_space<hbm>> -> memref<64x512xf32, #tpu.memory_space<hbm>>
    %dma_start3A_464 = arith.constant 0 : i32
    %dma_start3A_465 = arith.constant 12800 : i32
    %dma_start3A_466 = tpu.memref_slice %arg3[%add3A_259, %dma_start3A_464, %dma_start3A_465] : memref<200x64x16384xf32, #tpu.memory_space<hbm>> -> memref<1x64x512xf32, #tpu.memory_space<hbm>>
    %dma_start3A_467 = tpu.memref_squeeze %dma_start3A_466 : memref<1x64x512xf32, #tpu.memory_space<hbm>> -> memref<64x512xf32, #tpu.memory_space<hbm>>
    tpu.enqueue_dma source(%arg5 : memref<64x512xf32, #tpu.memory_space<vmem>>) target(%dma_start3A_467 : memref<64x512xf32, #tpu.memory_space<hbm>>) target_semaphore(%arg7 : memref<!tpu.dma_semaphore, #tpu.memory_space<semaphore_mem>>)
    %dma_start3A_468 = arith.constant 0 : i32
    %dma_start3A_469 = arith.constant 13312 : i32
    %dma_start3A_470 = tpu.memref_slice %arg3[%add3A_259, %dma_start3A_468, %dma_start3A_469] : memref<200x64x16384xf32, #tpu.memory_space<hbm>> -> memref<1x64x512xf32, #tpu.memory_space<hbm>>
    %dma_start3A_471 = tpu.memref_squeeze %dma_start3A_470 : memref<1x64x512xf32, #tpu.memory_space<hbm>> -> memref<64x512xf32, #tpu.memory_space<hbm>>
    %dma_start3A_472 = arith.constant 0 : i32
    %dma_start3A_473 = arith.constant 13312 : i32
    %dma_start3A_474 = tpu.memref_slice %arg3[%add3A_259, %dma_start3A_472, %dma_start3A_473] : memref<200x64x16384xf32, #tpu.memory_space<hbm>> -> memref<1x64x512xf32, #tpu.memory_space<hbm>>
    %dma_start3A_475 = tpu.memref_squeeze %dma_start3A_474 : memref<1x64x512xf32, #tpu.memory_space<hbm>> -> memref<64x512xf32, #tpu.memory_space<hbm>>
    tpu.enqueue_dma source(%arg5 : memref<64x512xf32, #tpu.memory_space<vmem>>) target(%dma_start3A_475 : memref<64x512xf32, #tpu.memory_space<hbm>>) target_semaphore(%arg7 : memref<!tpu.dma_semaphore, #tpu.memory_space<semaphore_mem>>)
    %dma_start3A_476 = arith.constant 0 : i32
    %dma_start3A_477 = arith.constant 13824 : i32
    %dma_start3A_478 = tpu.memref_slice %arg3[%add3A_259, %dma_start3A_476, %dma_start3A_477] : memref<200x64x16384xf32, #tpu.memory_space<hbm>> -> memref<1x64x512xf32, #tpu.memory_space<hbm>>
    %dma_start3A_479 = tpu.memref_squeeze %dma_start3A_478 : memref<1x64x512xf32, #tpu.memory_space<hbm>> -> memref<64x512xf32, #tpu.memory_space<hbm>>
    %dma_start3A_480 = arith.constant 0 : i32
    %dma_start3A_481 = arith.constant 13824 : i32
    %dma_start3A_482 = tpu.memref_slice %arg3[%add3A_259, %dma_start3A_480, %dma_start3A_481] : memref<200x64x16384xf32, #tpu.memory_space<hbm>> -> memref<1x64x512xf32, #tpu.memory_space<hbm>>
    %dma_start3A_483 = tpu.memref_squeeze %dma_start3A_482 : memref<1x64x512xf32, #tpu.memory_space<hbm>> -> memref<64x512xf32, #tpu.memory_space<hbm>>
    tpu.enqueue_dma source(%arg5 : memref<64x512xf32, #tpu.memory_space<vmem>>) target(%dma_start3A_483 : memref<64x512xf32, #tpu.memory_space<hbm>>) target_semaphore(%arg7 : memref<!tpu.dma_semaphore, #tpu.memory_space<semaphore_mem>>)
    %dma_start3A_484 = arith.constant 0 : i32
    %dma_start3A_485 = arith.constant 14336 : i32
    %dma_start3A_486 = tpu.memref_slice %arg3[%add3A_259, %dma_start3A_484, %dma_start3A_485] : memref<200x64x16384xf32, #tpu.memory_space<hbm>> -> memref<1x64x512xf32, #tpu.memory_space<hbm>>
    %dma_start3A_487 = tpu.memref_squeeze %dma_start3A_486 : memref<1x64x512xf32, #tpu.memory_space<hbm>> -> memref<64x512xf32, #tpu.memory_space<hbm>>
    %dma_start3A_488 = arith.constant 0 : i32
    %dma_start3A_489 = arith.constant 14336 : i32
    %dma_start3A_490 = tpu.memref_slice %arg3[%add3A_259, %dma_start3A_488, %dma_start3A_489] : memref<200x64x16384xf32, #tpu.memory_space<hbm>> -> memref<1x64x512xf32, #tpu.memory_space<hbm>>
    %dma_start3A_491 = tpu.memref_squeeze %dma_start3A_490 : memref<1x64x512xf32, #tpu.memory_space<hbm>> -> memref<64x512xf32, #tpu.memory_space<hbm>>
    tpu.enqueue_dma source(%arg5 : memref<64x512xf32, #tpu.memory_space<vmem>>) target(%dma_start3A_491 : memref<64x512xf32, #tpu.memory_space<hbm>>) target_semaphore(%arg7 : memref<!tpu.dma_semaphore, #tpu.memory_space<semaphore_mem>>)
    %dma_start3A_492 = arith.constant 0 : i32
    %dma_start3A_493 = arith.constant 14848 : i32
    %dma_start3A_494 = tpu.memref_slice %arg3[%add3A_259, %dma_start3A_492, %dma_start3A_493] : memref<200x64x16384xf32, #tpu.memory_space<hbm>> -> memref<1x64x512xf32, #tpu.memory_space<hbm>>
    %dma_start3A_495 = tpu.memref_squeeze %dma_start3A_494 : memref<1x64x512xf32, #tpu.memory_space<hbm>> -> memref<64x512xf32, #tpu.memory_space<hbm>>
    %dma_start3A_496 = arith.constant 0 : i32
    %dma_start3A_497 = arith.constant 14848 : i32
    %dma_start3A_498 = tpu.memref_slice %arg3[%add3A_259, %dma_start3A_496, %dma_start3A_497] : memref<200x64x16384xf32, #tpu.memory_space<hbm>> -> memref<1x64x512xf32, #tpu.memory_space<hbm>>
    %dma_start3A_499 = tpu.memref_squeeze %dma_start3A_498 : memref<1x64x512xf32, #tpu.memory_space<hbm>> -> memref<64x512xf32, #tpu.memory_space<hbm>>
    tpu.enqueue_dma source(%arg5 : memref<64x512xf32, #tpu.memory_space<vmem>>) target(%dma_start3A_499 : memref<64x512xf32, #tpu.memory_space<hbm>>) target_semaphore(%arg7 : memref<!tpu.dma_semaphore, #tpu.memory_space<semaphore_mem>>)
    %dma_start3A_500 = arith.constant 0 : i32
    %dma_start3A_501 = arith.constant 15360 : i32
    %dma_start3A_502 = tpu.memref_slice %arg3[%add3A_259, %dma_start3A_500, %dma_start3A_501] : memref<200x64x16384xf32, #tpu.memory_space<hbm>> -> memref<1x64x512xf32, #tpu.memory_space<hbm>>
    %dma_start3A_503 = tpu.memref_squeeze %dma_start3A_502 : memref<1x64x512xf32, #tpu.memory_space<hbm>> -> memref<64x512xf32, #tpu.memory_space<hbm>>
    %dma_start3A_504 = arith.constant 0 : i32
    %dma_start3A_505 = arith.constant 15360 : i32
    %dma_start3A_506 = tpu.memref_slice %arg3[%add3A_259, %dma_start3A_504, %dma_start3A_505] : memref<200x64x16384xf32, #tpu.memory_space<hbm>> -> memref<1x64x512xf32, #tpu.memory_space<hbm>>
    %dma_start3A_507 = tpu.memref_squeeze %dma_start3A_506 : memref<1x64x512xf32, #tpu.memory_space<hbm>> -> memref<64x512xf32, #tpu.memory_space<hbm>>
    tpu.enqueue_dma source(%arg5 : memref<64x512xf32, #tpu.memory_space<vmem>>) target(%dma_start3A_507 : memref<64x512xf32, #tpu.memory_space<hbm>>) target_semaphore(%arg7 : memref<!tpu.dma_semaphore, #tpu.memory_space<semaphore_mem>>)
    %dma_start3A_508 = arith.constant 0 : i32
    %dma_start3A_509 = arith.constant 15872 : i32
    %dma_start3A_510 = tpu.memref_slice %arg3[%add3A_259, %dma_start3A_508, %dma_start3A_509] : memref<200x64x16384xf32, #tpu.memory_space<hbm>> -> memref<1x64x512xf32, #tpu.memory_space<hbm>>
    %dma_start3A_511 = tpu.memref_squeeze %dma_start3A_510 : memref<1x64x512xf32, #tpu.memory_space<hbm>> -> memref<64x512xf32, #tpu.memory_space<hbm>>
    %dma_start3A_512 = arith.constant 0 : i32
    %dma_start3A_513 = arith.constant 15872 : i32
    %dma_start3A_514 = tpu.memref_slice %arg3[%add3A_259, %dma_start3A_512, %dma_start3A_513] : memref<200x64x16384xf32, #tpu.memory_space<hbm>> -> memref<1x64x512xf32, #tpu.memory_space<hbm>>
    %dma_start3A_515 = tpu.memref_squeeze %dma_start3A_514 : memref<1x64x512xf32, #tpu.memory_space<hbm>> -> memref<64x512xf32, #tpu.memory_space<hbm>>
    tpu.enqueue_dma source(%arg5 : memref<64x512xf32, #tpu.memory_space<vmem>>) target(%dma_start3A_515 : memref<64x512xf32, #tpu.memory_space<hbm>>) target_semaphore(%arg7 : memref<!tpu.dma_semaphore, #tpu.memory_space<semaphore_mem>>)
    %add3A_516 = arith.constant 64 : i32
    %add3A_517 = arith.addi %add3A, %add3A_516 : i32
    %dma_wait3A = arith.constant 0 : i32
    %dma_wait3A_518 = arith.constant 0 : i32
    %dma_wait3A_519 = arith.constant 0 : i32
    %dma_wait3A_520 = tpu.memref_slice %arg3[%dma_wait3A, %dma_wait3A_518, %dma_wait3A_519] : memref<200x64x16384xf32, #tpu.memory_space<hbm>> -> memref<1x64x512xf32, #tpu.memory_space<hbm>>
    %dma_wait3A_521 = tpu.memref_squeeze %dma_wait3A_520 : memref<1x64x512xf32, #tpu.memory_space<hbm>> -> memref<64x512xf32, #tpu.memory_space<hbm>>
    %dma_wait3A_522 = arith.constant 0 : i32
    %dma_wait3A_523 = arith.constant 0 : i32
    %dma_wait3A_524 = tpu.memref_slice %arg3[%dma_wait3A, %dma_wait3A_522, %dma_wait3A_523] : memref<200x64x16384xf32, #tpu.memory_space<hbm>> -> memref<1x64x512xf32, #tpu.memory_space<hbm>>
    %dma_wait3A_525 = tpu.memref_squeeze %dma_wait3A_524 : memref<1x64x512xf32, #tpu.memory_space<hbm>> -> memref<64x512xf32, #tpu.memory_space<hbm>>
    tpu.wait_dma2 semaphore(%arg6 : memref<!tpu.dma_semaphore, #tpu.memory_space<semaphore_mem>>) src(%arg4 : memref<64x512xf32, #tpu.memory_space<vmem>>) dst(%dma_wait3A_525 : memref<64x512xf32, #tpu.memory_space<hbm>>)
    %dma_wait3A_526 = arith.constant 0 : i32
    %dma_wait3A_527 = arith.constant 0 : i32
    %dma_wait3A_528 = arith.constant 512 : i32
    %dma_wait3A_529 = tpu.memref_slice %arg3[%dma_wait3A_526, %dma_wait3A_527, %dma_wait3A_528] : memref<200x64x16384xf32, #tpu.memory_space<hbm>> -> memref<1x64x512xf32, #tpu.memory_space<hbm>>
    %dma_wait3A_530 = tpu.memref_squeeze %dma_wait3A_529 : memref<1x64x512xf32, #tpu.memory_space<hbm>> -> memref<64x512xf32, #tpu.memory_space<hbm>>
    %dma_wait3A_531 = arith.constant 0 : i32
    %dma_wait3A_532 = arith.constant 512 : i32
    %dma_wait3A_533 = tpu.memref_slice %arg3[%dma_wait3A_526, %dma_wait3A_531, %dma_wait3A_532] : memref<200x64x16384xf32, #tpu.memory_space<hbm>> -> memref<1x64x512xf32, #tpu.memory_space<hbm>>
    %dma_wait3A_534 = tpu.memref_squeeze %dma_wait3A_533 : memref<1x64x512xf32, #tpu.memory_space<hbm>> -> memref<64x512xf32, #tpu.memory_space<hbm>>
    tpu.wait_dma2 semaphore(%arg6 : memref<!tpu.dma_semaphore, #tpu.memory_space<semaphore_mem>>) src(%arg4 : memref<64x512xf32, #tpu.memory_space<vmem>>) dst(%dma_wait3A_534 : memref<64x512xf32, #tpu.memory_space<hbm>>)
    %dma_wait3A_535 = arith.constant 0 : i32
    %dma_wait3A_536 = arith.constant 0 : i32
    %dma_wait3A_537 = arith.constant 1024 : i32
    %dma_wait3A_538 = tpu.memref_slice %arg3[%dma_wait3A_535, %dma_wait3A_536, %dma_wait3A_537] : memref<200x64x16384xf32, #tpu.memory_space<hbm>> -> memref<1x64x512xf32, #tpu.memory_space<hbm>>
    %dma_wait3A_539 = tpu.memref_squeeze %dma_wait3A_538 : memref<1x64x512xf32, #tpu.memory_space<hbm>> -> memref<64x512xf32, #tpu.memory_space<hbm>>
    %dma_wait3A_540 = arith.constant 0 : i32
    %dma_wait3A_541 = arith.constant 1024 : i32
    %dma_wait3A_542 = tpu.memref_slice %arg3[%dma_wait3A_535, %dma_wait3A_540, %dma_wait3A_541] : memref<200x64x16384xf32, #tpu.memory_space<hbm>> -> memref<1x64x512xf32, #tpu.memory_space<hbm>>
    %dma_wait3A_543 = tpu.memref_squeeze %dma_wait3A_542 : memref<1x64x512xf32, #tpu.memory_space<hbm>> -> memref<64x512xf32, #tpu.memory_space<hbm>>
    tpu.wait_dma2 semaphore(%arg6 : memref<!tpu.dma_semaphore, #tpu.memory_space<semaphore_mem>>) src(%arg4 : memref<64x512xf32, #tpu.memory_space<vmem>>) dst(%dma_wait3A_543 : memref<64x512xf32, #tpu.memory_space<hbm>>)
    %dma_wait3A_544 = arith.constant 0 : i32
    %dma_wait3A_545 = arith.constant 0 : i32
    %dma_wait3A_546 = arith.constant 1536 : i32
    %dma_wait3A_547 = tpu.memref_slice %arg3[%dma_wait3A_544, %dma_wait3A_545, %dma_wait3A_546] : memref<200x64x16384xf32, #tpu.memory_space<hbm>> -> memref<1x64x512xf32, #tpu.memory_space<hbm>>
    %dma_wait3A_548 = tpu.memref_squeeze %dma_wait3A_547 : memref<1x64x512xf32, #tpu.memory_space<hbm>> -> memref<64x512xf32, #tpu.memory_space<hbm>>
    %dma_wait3A_549 = arith.constant 0 : i32
    %dma_wait3A_550 = arith.constant 1536 : i32
    %dma_wait3A_551 = tpu.memref_slice %arg3[%dma_wait3A_544, %dma_wait3A_549, %dma_wait3A_550] : memref<200x64x16384xf32, #tpu.memory_space<hbm>> -> memref<1x64x512xf32, #tpu.memory_space<hbm>>
    %dma_wait3A_552 = tpu.memref_squeeze %dma_wait3A_551 : memref<1x64x512xf32, #tpu.memory_space<hbm>> -> memref<64x512xf32, #tpu.memory_space<hbm>>
    tpu.wait_dma2 semaphore(%arg6 : memref<!tpu.dma_semaphore, #tpu.memory_space<semaphore_mem>>) src(%arg4 : memref<64x512xf32, #tpu.memory_space<vmem>>) dst(%dma_wait3A_552 : memref<64x512xf32, #tpu.memory_space<hbm>>)
    %dma_wait3A_553 = arith.constant 0 : i32
    %dma_wait3A_554 = arith.constant 0 : i32
    %dma_wait3A_555 = arith.constant 2048 : i32
    %dma_wait3A_556 = tpu.memref_slice %arg3[%dma_wait3A_553, %dma_wait3A_554, %dma_wait3A_555] : memref<200x64x16384xf32, #tpu.memory_space<hbm>> -> memref<1x64x512xf32, #tpu.memory_space<hbm>>
    %dma_wait3A_557 = tpu.memref_squeeze %dma_wait3A_556 : memref<1x64x512xf32, #tpu.memory_space<hbm>> -> memref<64x512xf32, #tpu.memory_space<hbm>>
    %dma_wait3A_558 = arith.constant 0 : i32
    %dma_wait3A_559 = arith.constant 2048 : i32
    %dma_wait3A_560 = tpu.memref_slice %arg3[%dma_wait3A_553, %dma_wait3A_558, %dma_wait3A_559] : memref<200x64x16384xf32, #tpu.memory_space<hbm>> -> memref<1x64x512xf32, #tpu.memory_space<hbm>>
    %dma_wait3A_561 = tpu.memref_squeeze %dma_wait3A_560 : memref<1x64x512xf32, #tpu.memory_space<hbm>> -> memref<64x512xf32, #tpu.memory_space<hbm>>
    tpu.wait_dma2 semaphore(%arg6 : memref<!tpu.dma_semaphore, #tpu.memory_space<semaphore_mem>>) src(%arg4 : memref<64x512xf32, #tpu.memory_space<vmem>>) dst(%dma_wait3A_561 : memref<64x512xf32, #tpu.memory_space<hbm>>)
    %dma_wait3A_562 = arith.constant 0 : i32
    %dma_wait3A_563 = arith.constant 0 : i32
    %dma_wait3A_564 = arith.constant 2560 : i32
    %dma_wait3A_565 = tpu.memref_slice %arg3[%dma_wait3A_562, %dma_wait3A_563, %dma_wait3A_564] : memref<200x64x16384xf32, #tpu.memory_space<hbm>> -> memref<1x64x512xf32, #tpu.memory_space<hbm>>
    %dma_wait3A_566 = tpu.memref_squeeze %dma_wait3A_565 : memref<1x64x512xf32, #tpu.memory_space<hbm>> -> memref<64x512xf32, #tpu.memory_space<hbm>>
    %dma_wait3A_567 = arith.constant 0 : i32
    %dma_wait3A_568 = arith.constant 2560 : i32
    %dma_wait3A_569 = tpu.memref_slice %arg3[%dma_wait3A_562, %dma_wait3A_567, %dma_wait3A_568] : memref<200x64x16384xf32, #tpu.memory_space<hbm>> -> memref<1x64x512xf32, #tpu.memory_space<hbm>>
    %dma_wait3A_570 = tpu.memref_squeeze %dma_wait3A_569 : memref<1x64x512xf32, #tpu.memory_space<hbm>> -> memref<64x512xf32, #tpu.memory_space<hbm>>
    tpu.wait_dma2 semaphore(%arg6 : memref<!tpu.dma_semaphore, #tpu.memory_space<semaphore_mem>>) src(%arg4 : memref<64x512xf32, #tpu.memory_space<vmem>>) dst(%dma_wait3A_570 : memref<64x512xf32, #tpu.memory_space<hbm>>)
    %dma_wait3A_571 = arith.constant 0 : i32
    %dma_wait3A_572 = arith.constant 0 : i32
    %dma_wait3A_573 = arith.constant 3072 : i32
    %dma_wait3A_574 = tpu.memref_slice %arg3[%dma_wait3A_571, %dma_wait3A_572, %dma_wait3A_573] : memref<200x64x16384xf32, #tpu.memory_space<hbm>> -> memref<1x64x512xf32, #tpu.memory_space<hbm>>
    %dma_wait3A_575 = tpu.memref_squeeze %dma_wait3A_574 : memref<1x64x512xf32, #tpu.memory_space<hbm>> -> memref<64x512xf32, #tpu.memory_space<hbm>>
    %dma_wait3A_576 = arith.constant 0 : i32
    %dma_wait3A_577 = arith.constant 3072 : i32
    %dma_wait3A_578 = tpu.memref_slice %arg3[%dma_wait3A_571, %dma_wait3A_576, %dma_wait3A_577] : memref<200x64x16384xf32, #tpu.memory_space<hbm>> -> memref<1x64x512xf32, #tpu.memory_space<hbm>>
    %dma_wait3A_579 = tpu.memref_squeeze %dma_wait3A_578 : memref<1x64x512xf32, #tpu.memory_space<hbm>> -> memref<64x512xf32, #tpu.memory_space<hbm>>
    tpu.wait_dma2 semaphore(%arg6 : memref<!tpu.dma_semaphore, #tpu.memory_space<semaphore_mem>>) src(%arg4 : memref<64x512xf32, #tpu.memory_space<vmem>>) dst(%dma_wait3A_579 : memref<64x512xf32, #tpu.memory_space<hbm>>)
    %dma_wait3A_580 = arith.constant 0 : i32
    %dma_wait3A_581 = arith.constant 0 : i32
    %dma_wait3A_582 = arith.constant 3584 : i32
    %dma_wait3A_583 = tpu.memref_slice %arg3[%dma_wait3A_580, %dma_wait3A_581, %dma_wait3A_582] : memref<200x64x16384xf32, #tpu.memory_space<hbm>> -> memref<1x64x512xf32, #tpu.memory_space<hbm>>
    %dma_wait3A_584 = tpu.memref_squeeze %dma_wait3A_583 : memref<1x64x512xf32, #tpu.memory_space<hbm>> -> memref<64x512xf32, #tpu.memory_space<hbm>>
    %dma_wait3A_585 = arith.constant 0 : i32
    %dma_wait3A_586 = arith.constant 3584 : i32
    %dma_wait3A_587 = tpu.memref_slice %arg3[%dma_wait3A_580, %dma_wait3A_585, %dma_wait3A_586] : memref<200x64x16384xf32, #tpu.memory_space<hbm>> -> memref<1x64x512xf32, #tpu.memory_space<hbm>>
    %dma_wait3A_588 = tpu.memref_squeeze %dma_wait3A_587 : memref<1x64x512xf32, #tpu.memory_space<hbm>> -> memref<64x512xf32, #tpu.memory_space<hbm>>
    tpu.wait_dma2 semaphore(%arg6 : memref<!tpu.dma_semaphore, #tpu.memory_space<semaphore_mem>>) src(%arg4 : memref<64x512xf32, #tpu.memory_space<vmem>>) dst(%dma_wait3A_588 : memref<64x512xf32, #tpu.memory_space<hbm>>)
    %dma_wait3A_589 = arith.constant 0 : i32
    %dma_wait3A_590 = arith.constant 0 : i32
    %dma_wait3A_591 = arith.constant 4096 : i32
    %dma_wait3A_592 = tpu.memref_slice %arg3[%dma_wait3A_589, %dma_wait3A_590, %dma_wait3A_591] : memref<200x64x16384xf32, #tpu.memory_space<hbm>> -> memref<1x64x512xf32, #tpu.memory_space<hbm>>
    %dma_wait3A_593 = tpu.memref_squeeze %dma_wait3A_592 : memref<1x64x512xf32, #tpu.memory_space<hbm>> -> memref<64x512xf32, #tpu.memory_space<hbm>>
    %dma_wait3A_594 = arith.constant 0 : i32
    %dma_wait3A_595 = arith.constant 4096 : i32
    %dma_wait3A_596 = tpu.memref_slice %arg3[%dma_wait3A_589, %dma_wait3A_594, %dma_wait3A_595] : memref<200x64x16384xf32, #tpu.memory_space<hbm>> -> memref<1x64x512xf32, #tpu.memory_space<hbm>>
    %dma_wait3A_597 = tpu.memref_squeeze %dma_wait3A_596 : memref<1x64x512xf32, #tpu.memory_space<hbm>> -> memref<64x512xf32, #tpu.memory_space<hbm>>
    tpu.wait_dma2 semaphore(%arg6 : memref<!tpu.dma_semaphore, #tpu.memory_space<semaphore_mem>>) src(%arg4 : memref<64x512xf32, #tpu.memory_space<vmem>>) dst(%dma_wait3A_597 : memref<64x512xf32, #tpu.memory_space<hbm>>)
    %dma_wait3A_598 = arith.constant 0 : i32
    %dma_wait3A_599 = arith.constant 0 : i32
    %dma_wait3A_600 = arith.constant 4608 : i32
    %dma_wait3A_601 = tpu.memref_slice %arg3[%dma_wait3A_598, %dma_wait3A_599, %dma_wait3A_600] : memref<200x64x16384xf32, #tpu.memory_space<hbm>> -> memref<1x64x512xf32, #tpu.memory_space<hbm>>
    %dma_wait3A_602 = tpu.memref_squeeze %dma_wait3A_601 : memref<1x64x512xf32, #tpu.memory_space<hbm>> -> memref<64x512xf32, #tpu.memory_space<hbm>>
    %dma_wait3A_603 = arith.constant 0 : i32
    %dma_wait3A_604 = arith.constant 4608 : i32
    %dma_wait3A_605 = tpu.memref_slice %arg3[%dma_wait3A_598, %dma_wait3A_603, %dma_wait3A_604] : memref<200x64x16384xf32, #tpu.memory_space<hbm>> -> memref<1x64x512xf32, #tpu.memory_space<hbm>>
    %dma_wait3A_606 = tpu.memref_squeeze %dma_wait3A_605 : memref<1x64x512xf32, #tpu.memory_space<hbm>> -> memref<64x512xf32, #tpu.memory_space<hbm>>
    tpu.wait_dma2 semaphore(%arg6 : memref<!tpu.dma_semaphore, #tpu.memory_space<semaphore_mem>>) src(%arg4 : memref<64x512xf32, #tpu.memory_space<vmem>>) dst(%dma_wait3A_606 : memref<64x512xf32, #tpu.memory_space<hbm>>)
    %dma_wait3A_607 = arith.constant 0 : i32
    %dma_wait3A_608 = arith.constant 0 : i32
    %dma_wait3A_609 = arith.constant 5120 : i32
    %dma_wait3A_610 = tpu.memref_slice %arg3[%dma_wait3A_607, %dma_wait3A_608, %dma_wait3A_609] : memref<200x64x16384xf32, #tpu.memory_space<hbm>> -> memref<1x64x512xf32, #tpu.memory_space<hbm>>
    %dma_wait3A_611 = tpu.memref_squeeze %dma_wait3A_610 : memref<1x64x512xf32, #tpu.memory_space<hbm>> -> memref<64x512xf32, #tpu.memory_space<hbm>>
    %dma_wait3A_612 = arith.constant 0 : i32
    %dma_wait3A_613 = arith.constant 5120 : i32
    %dma_wait3A_614 = tpu.memref_slice %arg3[%dma_wait3A_607, %dma_wait3A_612, %dma_wait3A_613] : memref<200x64x16384xf32, #tpu.memory_space<hbm>> -> memref<1x64x512xf32, #tpu.memory_space<hbm>>
    %dma_wait3A_615 = tpu.memref_squeeze %dma_wait3A_614 : memref<1x64x512xf32, #tpu.memory_space<hbm>> -> memref<64x512xf32, #tpu.memory_space<hbm>>
    tpu.wait_dma2 semaphore(%arg6 : memref<!tpu.dma_semaphore, #tpu.memory_space<semaphore_mem>>) src(%arg4 : memref<64x512xf32, #tpu.memory_space<vmem>>) dst(%dma_wait3A_615 : memref<64x512xf32, #tpu.memory_space<hbm>>)
    %dma_wait3A_616 = arith.constant 0 : i32
    %dma_wait3A_617 = arith.constant 0 : i32
    %dma_wait3A_618 = arith.constant 5632 : i32
    %dma_wait3A_619 = tpu.memref_slice %arg3[%dma_wait3A_616, %dma_wait3A_617, %dma_wait3A_618] : memref<200x64x16384xf32, #tpu.memory_space<hbm>> -> memref<1x64x512xf32, #tpu.memory_space<hbm>>
    %dma_wait3A_620 = tpu.memref_squeeze %dma_wait3A_619 : memref<1x64x512xf32, #tpu.memory_space<hbm>> -> memref<64x512xf32, #tpu.memory_space<hbm>>
    %dma_wait3A_621 = arith.constant 0 : i32
    %dma_wait3A_622 = arith.constant 5632 : i32
    %dma_wait3A_623 = tpu.memref_slice %arg3[%dma_wait3A_616, %dma_wait3A_621, %dma_wait3A_622] : memref<200x64x16384xf32, #tpu.memory_space<hbm>> -> memref<1x64x512xf32, #tpu.memory_space<hbm>>
    %dma_wait3A_624 = tpu.memref_squeeze %dma_wait3A_623 : memref<1x64x512xf32, #tpu.memory_space<hbm>> -> memref<64x512xf32, #tpu.memory_space<hbm>>
    tpu.wait_dma2 semaphore(%arg6 : memref<!tpu.dma_semaphore, #tpu.memory_space<semaphore_mem>>) src(%arg4 : memref<64x512xf32, #tpu.memory_space<vmem>>) dst(%dma_wait3A_624 : memref<64x512xf32, #tpu.memory_space<hbm>>)
    %dma_wait3A_625 = arith.constant 0 : i32
    %dma_wait3A_626 = arith.constant 0 : i32
    %dma_wait3A_627 = arith.constant 6144 : i32
    %dma_wait3A_628 = tpu.memref_slice %arg3[%dma_wait3A_625, %dma_wait3A_626, %dma_wait3A_627] : memref<200x64x16384xf32, #tpu.memory_space<hbm>> -> memref<1x64x512xf32, #tpu.memory_space<hbm>>
    %dma_wait3A_629 = tpu.memref_squeeze %dma_wait3A_628 : memref<1x64x512xf32, #tpu.memory_space<hbm>> -> memref<64x512xf32, #tpu.memory_space<hbm>>
    %dma_wait3A_630 = arith.constant 0 : i32
    %dma_wait3A_631 = arith.constant 6144 : i32
    %dma_wait3A_632 = tpu.memref_slice %arg3[%dma_wait3A_625, %dma_wait3A_630, %dma_wait3A_631] : memref<200x64x16384xf32, #tpu.memory_space<hbm>> -> memref<1x64x512xf32, #tpu.memory_space<hbm>>
    %dma_wait3A_633 = tpu.memref_squeeze %dma_wait3A_632 : memref<1x64x512xf32, #tpu.memory_space<hbm>> -> memref<64x512xf32, #tpu.memory_space<hbm>>
    tpu.wait_dma2 semaphore(%arg6 : memref<!tpu.dma_semaphore, #tpu.memory_space<semaphore_mem>>) src(%arg4 : memref<64x512xf32, #tpu.memory_space<vmem>>) dst(%dma_wait3A_633 : memref<64x512xf32, #tpu.memory_space<hbm>>)
    %dma_wait3A_634 = arith.constant 0 : i32
    %dma_wait3A_635 = arith.constant 0 : i32
    %dma_wait3A_636 = arith.constant 6656 : i32
    %dma_wait3A_637 = tpu.memref_slice %arg3[%dma_wait3A_634, %dma_wait3A_635, %dma_wait3A_636] : memref<200x64x16384xf32, #tpu.memory_space<hbm>> -> memref<1x64x512xf32, #tpu.memory_space<hbm>>
    %dma_wait3A_638 = tpu.memref_squeeze %dma_wait3A_637 : memref<1x64x512xf32, #tpu.memory_space<hbm>> -> memref<64x512xf32, #tpu.memory_space<hbm>>
    %dma_wait3A_639 = arith.constant 0 : i32
    %dma_wait3A_640 = arith.constant 6656 : i32
    %dma_wait3A_641 = tpu.memref_slice %arg3[%dma_wait3A_634, %dma_wait3A_639, %dma_wait3A_640] : memref<200x64x16384xf32, #tpu.memory_space<hbm>> -> memref<1x64x512xf32, #tpu.memory_space<hbm>>
    %dma_wait3A_642 = tpu.memref_squeeze %dma_wait3A_641 : memref<1x64x512xf32, #tpu.memory_space<hbm>> -> memref<64x512xf32, #tpu.memory_space<hbm>>
    tpu.wait_dma2 semaphore(%arg6 : memref<!tpu.dma_semaphore, #tpu.memory_space<semaphore_mem>>) src(%arg4 : memref<64x512xf32, #tpu.memory_space<vmem>>) dst(%dma_wait3A_642 : memref<64x512xf32, #tpu.memory_space<hbm>>)
    %dma_wait3A_643 = arith.constant 0 : i32
    %dma_wait3A_644 = arith.constant 0 : i32
    %dma_wait3A_645 = arith.constant 7168 : i32
    %dma_wait3A_646 = tpu.memref_slice %arg3[%dma_wait3A_643, %dma_wait3A_644, %dma_wait3A_645] : memref<200x64x16384xf32, #tpu.memory_space<hbm>> -> memref<1x64x512xf32, #tpu.memory_space<hbm>>
    %dma_wait3A_647 = tpu.memref_squeeze %dma_wait3A_646 : memref<1x64x512xf32, #tpu.memory_space<hbm>> -> memref<64x512xf32, #tpu.memory_space<hbm>>
    %dma_wait3A_648 = arith.constant 0 : i32
    %dma_wait3A_649 = arith.constant 7168 : i32
    %dma_wait3A_650 = tpu.memref_slice %arg3[%dma_wait3A_643, %dma_wait3A_648, %dma_wait3A_649] : memref<200x64x16384xf32, #tpu.memory_space<hbm>> -> memref<1x64x512xf32, #tpu.memory_space<hbm>>
    %dma_wait3A_651 = tpu.memref_squeeze %dma_wait3A_650 : memref<1x64x512xf32, #tpu.memory_space<hbm>> -> memref<64x512xf32, #tpu.memory_space<hbm>>
    tpu.wait_dma2 semaphore(%arg6 : memref<!tpu.dma_semaphore, #tpu.memory_space<semaphore_mem>>) src(%arg4 : memref<64x512xf32, #tpu.memory_space<vmem>>) dst(%dma_wait3A_651 : memref<64x512xf32, #tpu.memory_space<hbm>>)
    %dma_wait3A_652 = arith.constant 0 : i32
    %dma_wait3A_653 = arith.constant 0 : i32
    %dma_wait3A_654 = arith.constant 7680 : i32
    %dma_wait3A_655 = tpu.memref_slice %arg3[%dma_wait3A_652, %dma_wait3A_653, %dma_wait3A_654] : memref<200x64x16384xf32, #tpu.memory_space<hbm>> -> memref<1x64x512xf32, #tpu.memory_space<hbm>>
    %dma_wait3A_656 = tpu.memref_squeeze %dma_wait3A_655 : memref<1x64x512xf32, #tpu.memory_space<hbm>> -> memref<64x512xf32, #tpu.memory_space<hbm>>
    %dma_wait3A_657 = arith.constant 0 : i32
    %dma_wait3A_658 = arith.constant 7680 : i32
    %dma_wait3A_659 = tpu.memref_slice %arg3[%dma_wait3A_652, %dma_wait3A_657, %dma_wait3A_658] : memref<200x64x16384xf32, #tpu.memory_space<hbm>> -> memref<1x64x512xf32, #tpu.memory_space<hbm>>
    %dma_wait3A_660 = tpu.memref_squeeze %dma_wait3A_659 : memref<1x64x512xf32, #tpu.memory_space<hbm>> -> memref<64x512xf32, #tpu.memory_space<hbm>>
    tpu.wait_dma2 semaphore(%arg6 : memref<!tpu.dma_semaphore, #tpu.memory_space<semaphore_mem>>) src(%arg4 : memref<64x512xf32, #tpu.memory_space<vmem>>) dst(%dma_wait3A_660 : memref<64x512xf32, #tpu.memory_space<hbm>>)
    %dma_wait3A_661 = arith.constant 0 : i32
    %dma_wait3A_662 = arith.constant 0 : i32
    %dma_wait3A_663 = arith.constant 8192 : i32
    %dma_wait3A_664 = tpu.memref_slice %arg3[%dma_wait3A_661, %dma_wait3A_662, %dma_wait3A_663] : memref<200x64x16384xf32, #tpu.memory_space<hbm>> -> memref<1x64x512xf32, #tpu.memory_space<hbm>>
    %dma_wait3A_665 = tpu.memref_squeeze %dma_wait3A_664 : memref<1x64x512xf32, #tpu.memory_space<hbm>> -> memref<64x512xf32, #tpu.memory_space<hbm>>
    %dma_wait3A_666 = arith.constant 0 : i32
    %dma_wait3A_667 = arith.constant 8192 : i32
    %dma_wait3A_668 = tpu.memref_slice %arg3[%dma_wait3A_661, %dma_wait3A_666, %dma_wait3A_667] : memref<200x64x16384xf32, #tpu.memory_space<hbm>> -> memref<1x64x512xf32, #tpu.memory_space<hbm>>
    %dma_wait3A_669 = tpu.memref_squeeze %dma_wait3A_668 : memref<1x64x512xf32, #tpu.memory_space<hbm>> -> memref<64x512xf32, #tpu.memory_space<hbm>>
    tpu.wait_dma2 semaphore(%arg6 : memref<!tpu.dma_semaphore, #tpu.memory_space<semaphore_mem>>) src(%arg4 : memref<64x512xf32, #tpu.memory_space<vmem>>) dst(%dma_wait3A_669 : memref<64x512xf32, #tpu.memory_space<hbm>>)
    %dma_wait3A_670 = arith.constant 0 : i32
    %dma_wait3A_671 = arith.constant 0 : i32
    %dma_wait3A_672 = arith.constant 8704 : i32
    %dma_wait3A_673 = tpu.memref_slice %arg3[%dma_wait3A_670, %dma_wait3A_671, %dma_wait3A_672] : memref<200x64x16384xf32, #tpu.memory_space<hbm>> -> memref<1x64x512xf32, #tpu.memory_space<hbm>>
    %dma_wait3A_674 = tpu.memref_squeeze %dma_wait3A_673 : memref<1x64x512xf32, #tpu.memory_space<hbm>> -> memref<64x512xf32, #tpu.memory_space<hbm>>
    %dma_wait3A_675 = arith.constant 0 : i32
    %dma_wait3A_676 = arith.constant 8704 : i32
    %dma_wait3A_677 = tpu.memref_slice %arg3[%dma_wait3A_670, %dma_wait3A_675, %dma_wait3A_676] : memref<200x64x16384xf32, #tpu.memory_space<hbm>> -> memref<1x64x512xf32, #tpu.memory_space<hbm>>
    %dma_wait3A_678 = tpu.memref_squeeze %dma_wait3A_677 : memref<1x64x512xf32, #tpu.memory_space<hbm>> -> memref<64x512xf32, #tpu.memory_space<hbm>>
    tpu.wait_dma2 semaphore(%arg6 : memref<!tpu.dma_semaphore, #tpu.memory_space<semaphore_mem>>) src(%arg4 : memref<64x512xf32, #tpu.memory_space<vmem>>) dst(%dma_wait3A_678 : memref<64x512xf32, #tpu.memory_space<hbm>>)
    %dma_wait3A_679 = arith.constant 0 : i32
    %dma_wait3A_680 = arith.constant 0 : i32
    %dma_wait3A_681 = arith.constant 9216 : i32
    %dma_wait3A_682 = tpu.memref_slice %arg3[%dma_wait3A_679, %dma_wait3A_680, %dma_wait3A_681] : memref<200x64x16384xf32, #tpu.memory_space<hbm>> -> memref<1x64x512xf32, #tpu.memory_space<hbm>>
    %dma_wait3A_683 = tpu.memref_squeeze %dma_wait3A_682 : memref<1x64x512xf32, #tpu.memory_space<hbm>> -> memref<64x512xf32, #tpu.memory_space<hbm>>
    %dma_wait3A_684 = arith.constant 0 : i32
    %dma_wait3A_685 = arith.constant 9216 : i32
    %dma_wait3A_686 = tpu.memref_slice %arg3[%dma_wait3A_679, %dma_wait3A_684, %dma_wait3A_685] : memref<200x64x16384xf32, #tpu.memory_space<hbm>> -> memref<1x64x512xf32, #tpu.memory_space<hbm>>
    %dma_wait3A_687 = tpu.memref_squeeze %dma_wait3A_686 : memref<1x64x512xf32, #tpu.memory_space<hbm>> -> memref<64x512xf32, #tpu.memory_space<hbm>>
    tpu.wait_dma2 semaphore(%arg6 : memref<!tpu.dma_semaphore, #tpu.memory_space<semaphore_mem>>) src(%arg4 : memref<64x512xf32, #tpu.memory_space<vmem>>) dst(%dma_wait3A_687 : memref<64x512xf32, #tpu.memory_space<hbm>>)
    %dma_wait3A_688 = arith.constant 0 : i32
    %dma_wait3A_689 = arith.constant 0 : i32
    %dma_wait3A_690 = arith.constant 9728 : i32
    %dma_wait3A_691 = tpu.memref_slice %arg3[%dma_wait3A_688, %dma_wait3A_689, %dma_wait3A_690] : memref<200x64x16384xf32, #tpu.memory_space<hbm>> -> memref<1x64x512xf32, #tpu.memory_space<hbm>>
    %dma_wait3A_692 = tpu.memref_squeeze %dma_wait3A_691 : memref<1x64x512xf32, #tpu.memory_space<hbm>> -> memref<64x512xf32, #tpu.memory_space<hbm>>
    %dma_wait3A_693 = arith.constant 0 : i32
    %dma_wait3A_694 = arith.constant 9728 : i32
    %dma_wait3A_695 = tpu.memref_slice %arg3[%dma_wait3A_688, %dma_wait3A_693, %dma_wait3A_694] : memref<200x64x16384xf32, #tpu.memory_space<hbm>> -> memref<1x64x512xf32, #tpu.memory_space<hbm>>
    %dma_wait3A_696 = tpu.memref_squeeze %dma_wait3A_695 : memref<1x64x512xf32, #tpu.memory_space<hbm>> -> memref<64x512xf32, #tpu.memory_space<hbm>>
    tpu.wait_dma2 semaphore(%arg6 : memref<!tpu.dma_semaphore, #tpu.memory_space<semaphore_mem>>) src(%arg4 : memref<64x512xf32, #tpu.memory_space<vmem>>) dst(%dma_wait3A_696 : memref<64x512xf32, #tpu.memory_space<hbm>>)
    %dma_wait3A_697 = arith.constant 0 : i32
    %dma_wait3A_698 = arith.constant 0 : i32
    %dma_wait3A_699 = arith.constant 10240 : i32
    %dma_wait3A_700 = tpu.memref_slice %arg3[%dma_wait3A_697, %dma_wait3A_698, %dma_wait3A_699] : memref<200x64x16384xf32, #tpu.memory_space<hbm>> -> memref<1x64x512xf32, #tpu.memory_space<hbm>>
    %dma_wait3A_701 = tpu.memref_squeeze %dma_wait3A_700 : memref<1x64x512xf32, #tpu.memory_space<hbm>> -> memref<64x512xf32, #tpu.memory_space<hbm>>
    %dma_wait3A_702 = arith.constant 0 : i32
    %dma_wait3A_703 = arith.constant 10240 : i32
    %dma_wait3A_704 = tpu.memref_slice %arg3[%dma_wait3A_697, %dma_wait3A_702, %dma_wait3A_703] : memref<200x64x16384xf32, #tpu.memory_space<hbm>> -> memref<1x64x512xf32, #tpu.memory_space<hbm>>
    %dma_wait3A_705 = tpu.memref_squeeze %dma_wait3A_704 : memref<1x64x512xf32, #tpu.memory_space<hbm>> -> memref<64x512xf32, #tpu.memory_space<hbm>>
    tpu.wait_dma2 semaphore(%arg6 : memref<!tpu.dma_semaphore, #tpu.memory_space<semaphore_mem>>) src(%arg4 : memref<64x512xf32, #tpu.memory_space<vmem>>) dst(%dma_wait3A_705 : memref<64x512xf32, #tpu.memory_space<hbm>>)
    %dma_wait3A_706 = arith.constant 0 : i32
    %dma_wait3A_707 = arith.constant 0 : i32
    %dma_wait3A_708 = arith.constant 10752 : i32
    %dma_wait3A_709 = tpu.memref_slice %arg3[%dma_wait3A_706, %dma_wait3A_707, %dma_wait3A_708] : memref<200x64x16384xf32, #tpu.memory_space<hbm>> -> memref<1x64x512xf32, #tpu.memory_space<hbm>>
    %dma_wait3A_710 = tpu.memref_squeeze %dma_wait3A_709 : memref<1x64x512xf32, #tpu.memory_space<hbm>> -> memref<64x512xf32, #tpu.memory_space<hbm>>
    %dma_wait3A_711 = arith.constant 0 : i32
    %dma_wait3A_712 = arith.constant 10752 : i32
    %dma_wait3A_713 = tpu.memref_slice %arg3[%dma_wait3A_706, %dma_wait3A_711, %dma_wait3A_712] : memref<200x64x16384xf32, #tpu.memory_space<hbm>> -> memref<1x64x512xf32, #tpu.memory_space<hbm>>
    %dma_wait3A_714 = tpu.memref_squeeze %dma_wait3A_713 : memref<1x64x512xf32, #tpu.memory_space<hbm>> -> memref<64x512xf32, #tpu.memory_space<hbm>>
    tpu.wait_dma2 semaphore(%arg6 : memref<!tpu.dma_semaphore, #tpu.memory_space<semaphore_mem>>) src(%arg4 : memref<64x512xf32, #tpu.memory_space<vmem>>) dst(%dma_wait3A_714 : memref<64x512xf32, #tpu.memory_space<hbm>>)
    %dma_wait3A_715 = arith.constant 0 : i32
    %dma_wait3A_716 = arith.constant 0 : i32
    %dma_wait3A_717 = arith.constant 11264 : i32
    %dma_wait3A_718 = tpu.memref_slice %arg3[%dma_wait3A_715, %dma_wait3A_716, %dma_wait3A_717] : memref<200x64x16384xf32, #tpu.memory_space<hbm>> -> memref<1x64x512xf32, #tpu.memory_space<hbm>>
    %dma_wait3A_719 = tpu.memref_squeeze %dma_wait3A_718 : memref<1x64x512xf32, #tpu.memory_space<hbm>> -> memref<64x512xf32, #tpu.memory_space<hbm>>
    %dma_wait3A_720 = arith.constant 0 : i32
    %dma_wait3A_721 = arith.constant 11264 : i32
    %dma_wait3A_722 = tpu.memref_slice %arg3[%dma_wait3A_715, %dma_wait3A_720, %dma_wait3A_721] : memref<200x64x16384xf32, #tpu.memory_space<hbm>> -> memref<1x64x512xf32, #tpu.memory_space<hbm>>
    %dma_wait3A_723 = tpu.memref_squeeze %dma_wait3A_722 : memref<1x64x512xf32, #tpu.memory_space<hbm>> -> memref<64x512xf32, #tpu.memory_space<hbm>>
    tpu.wait_dma2 semaphore(%arg6 : memref<!tpu.dma_semaphore, #tpu.memory_space<semaphore_mem>>) src(%arg4 : memref<64x512xf32, #tpu.memory_space<vmem>>) dst(%dma_wait3A_723 : memref<64x512xf32, #tpu.memory_space<hbm>>)
    %dma_wait3A_724 = arith.constant 0 : i32
    %dma_wait3A_725 = arith.constant 0 : i32
    %dma_wait3A_726 = arith.constant 11776 : i32
    %dma_wait3A_727 = tpu.memref_slice %arg3[%dma_wait3A_724, %dma_wait3A_725, %dma_wait3A_726] : memref<200x64x16384xf32, #tpu.memory_space<hbm>> -> memref<1x64x512xf32, #tpu.memory_space<hbm>>
    %dma_wait3A_728 = tpu.memref_squeeze %dma_wait3A_727 : memref<1x64x512xf32, #tpu.memory_space<hbm>> -> memref<64x512xf32, #tpu.memory_space<hbm>>
    %dma_wait3A_729 = arith.constant 0 : i32
    %dma_wait3A_730 = arith.constant 11776 : i32
    %dma_wait3A_731 = tpu.memref_slice %arg3[%dma_wait3A_724, %dma_wait3A_729, %dma_wait3A_730] : memref<200x64x16384xf32, #tpu.memory_space<hbm>> -> memref<1x64x512xf32, #tpu.memory_space<hbm>>
    %dma_wait3A_732 = tpu.memref_squeeze %dma_wait3A_731 : memref<1x64x512xf32, #tpu.memory_space<hbm>> -> memref<64x512xf32, #tpu.memory_space<hbm>>
    tpu.wait_dma2 semaphore(%arg6 : memref<!tpu.dma_semaphore, #tpu.memory_space<semaphore_mem>>) src(%arg4 : memref<64x512xf32, #tpu.memory_space<vmem>>) dst(%dma_wait3A_732 : memref<64x512xf32, #tpu.memory_space<hbm>>)
    %dma_wait3A_733 = arith.constant 0 : i32
    %dma_wait3A_734 = arith.constant 0 : i32
    %dma_wait3A_735 = arith.constant 12288 : i32
    %dma_wait3A_736 = tpu.memref_slice %arg3[%dma_wait3A_733, %dma_wait3A_734, %dma_wait3A_735] : memref<200x64x16384xf32, #tpu.memory_space<hbm>> -> memref<1x64x512xf32, #tpu.memory_space<hbm>>
    %dma_wait3A_737 = tpu.memref_squeeze %dma_wait3A_736 : memref<1x64x512xf32, #tpu.memory_space<hbm>> -> memref<64x512xf32, #tpu.memory_space<hbm>>
    %dma_wait3A_738 = arith.constant 0 : i32
    %dma_wait3A_739 = arith.constant 12288 : i32
    %dma_wait3A_740 = tpu.memref_slice %arg3[%dma_wait3A_733, %dma_wait3A_738, %dma_wait3A_739] : memref<200x64x16384xf32, #tpu.memory_space<hbm>> -> memref<1x64x512xf32, #tpu.memory_space<hbm>>
    %dma_wait3A_741 = tpu.memref_squeeze %dma_wait3A_740 : memref<1x64x512xf32, #tpu.memory_space<hbm>> -> memref<64x512xf32, #tpu.memory_space<hbm>>
    tpu.wait_dma2 semaphore(%arg6 : memref<!tpu.dma_semaphore, #tpu.memory_space<semaphore_mem>>) src(%arg4 : memref<64x512xf32, #tpu.memory_space<vmem>>) dst(%dma_wait3A_741 : memref<64x512xf32, #tpu.memory_space<hbm>>)
    %dma_wait3A_742 = arith.constant 0 : i32
    %dma_wait3A_743 = arith.constant 0 : i32
    %dma_wait3A_744 = arith.constant 12800 : i32
    %dma_wait3A_745 = tpu.memref_slice %arg3[%dma_wait3A_742, %dma_wait3A_743, %dma_wait3A_744] : memref<200x64x16384xf32, #tpu.memory_space<hbm>> -> memref<1x64x512xf32, #tpu.memory_space<hbm>>
    %dma_wait3A_746 = tpu.memref_squeeze %dma_wait3A_745 : memref<1x64x512xf32, #tpu.memory_space<hbm>> -> memref<64x512xf32, #tpu.memory_space<hbm>>
    %dma_wait3A_747 = arith.constant 0 : i32
    %dma_wait3A_748 = arith.constant 12800 : i32
    %dma_wait3A_749 = tpu.memref_slice %arg3[%dma_wait3A_742, %dma_wait3A_747, %dma_wait3A_748] : memref<200x64x16384xf32, #tpu.memory_space<hbm>> -> memref<1x64x512xf32, #tpu.memory_space<hbm>>
    %dma_wait3A_750 = tpu.memref_squeeze %dma_wait3A_749 : memref<1x64x512xf32, #tpu.memory_space<hbm>> -> memref<64x512xf32, #tpu.memory_space<hbm>>
    tpu.wait_dma2 semaphore(%arg6 : memref<!tpu.dma_semaphore, #tpu.memory_space<semaphore_mem>>) src(%arg4 : memref<64x512xf32, #tpu.memory_space<vmem>>) dst(%dma_wait3A_750 : memref<64x512xf32, #tpu.memory_space<hbm>>)
    %dma_wait3A_751 = arith.constant 0 : i32
    %dma_wait3A_752 = arith.constant 0 : i32
    %dma_wait3A_753 = arith.constant 13312 : i32
    %dma_wait3A_754 = tpu.memref_slice %arg3[%dma_wait3A_751, %dma_wait3A_752, %dma_wait3A_753] : memref<200x64x16384xf32, #tpu.memory_space<hbm>> -> memref<1x64x512xf32, #tpu.memory_space<hbm>>
    %dma_wait3A_755 = tpu.memref_squeeze %dma_wait3A_754 : memref<1x64x512xf32, #tpu.memory_space<hbm>> -> memref<64x512xf32, #tpu.memory_space<hbm>>
    %dma_wait3A_756 = arith.constant 0 : i32
    %dma_wait3A_757 = arith.constant 13312 : i32
    %dma_wait3A_758 = tpu.memref_slice %arg3[%dma_wait3A_751, %dma_wait3A_756, %dma_wait3A_757] : memref<200x64x16384xf32, #tpu.memory_space<hbm>> -> memref<1x64x512xf32, #tpu.memory_space<hbm>>
    %dma_wait3A_759 = tpu.memref_squeeze %dma_wait3A_758 : memref<1x64x512xf32, #tpu.memory_space<hbm>> -> memref<64x512xf32, #tpu.memory_space<hbm>>
    tpu.wait_dma2 semaphore(%arg6 : memref<!tpu.dma_semaphore, #tpu.memory_space<semaphore_mem>>) src(%arg4 : memref<64x512xf32, #tpu.memory_space<vmem>>) dst(%dma_wait3A_759 : memref<64x512xf32, #tpu.memory_space<hbm>>)
    %dma_wait3A_760 = arith.constant 0 : i32
    %dma_wait3A_761 = arith.constant 0 : i32
    %dma_wait3A_762 = arith.constant 13824 : i32
    %dma_wait3A_763 = tpu.memref_slice %arg3[%dma_wait3A_760, %dma_wait3A_761, %dma_wait3A_762] : memref<200x64x16384xf32, #tpu.memory_space<hbm>> -> memref<1x64x512xf32, #tpu.memory_space<hbm>>
    %dma_wait3A_764 = tpu.memref_squeeze %dma_wait3A_763 : memref<1x64x512xf32, #tpu.memory_space<hbm>> -> memref<64x512xf32, #tpu.memory_space<hbm>>
    %dma_wait3A_765 = arith.constant 0 : i32
    %dma_wait3A_766 = arith.constant 13824 : i32
    %dma_wait3A_767 = tpu.memref_slice %arg3[%dma_wait3A_760, %dma_wait3A_765, %dma_wait3A_766] : memref<200x64x16384xf32, #tpu.memory_space<hbm>> -> memref<1x64x512xf32, #tpu.memory_space<hbm>>
    %dma_wait3A_768 = tpu.memref_squeeze %dma_wait3A_767 : memref<1x64x512xf32, #tpu.memory_space<hbm>> -> memref<64x512xf32, #tpu.memory_space<hbm>>
    tpu.wait_dma2 semaphore(%arg6 : memref<!tpu.dma_semaphore, #tpu.memory_space<semaphore_mem>>) src(%arg4 : memref<64x512xf32, #tpu.memory_space<vmem>>) dst(%dma_wait3A_768 : memref<64x512xf32, #tpu.memory_space<hbm>>)
    %dma_wait3A_769 = arith.constant 0 : i32
    %dma_wait3A_770 = arith.constant 0 : i32
    %dma_wait3A_771 = arith.constant 14336 : i32
    %dma_wait3A_772 = tpu.memref_slice %arg3[%dma_wait3A_769, %dma_wait3A_770, %dma_wait3A_771] : memref<200x64x16384xf32, #tpu.memory_space<hbm>> -> memref<1x64x512xf32, #tpu.memory_space<hbm>>
    %dma_wait3A_773 = tpu.memref_squeeze %dma_wait3A_772 : memref<1x64x512xf32, #tpu.memory_space<hbm>> -> memref<64x512xf32, #tpu.memory_space<hbm>>
    %dma_wait3A_774 = arith.constant 0 : i32
    %dma_wait3A_775 = arith.constant 14336 : i32
    %dma_wait3A_776 = tpu.memref_slice %arg3[%dma_wait3A_769, %dma_wait3A_774, %dma_wait3A_775] : memref<200x64x16384xf32, #tpu.memory_space<hbm>> -> memref<1x64x512xf32, #tpu.memory_space<hbm>>
    %dma_wait3A_777 = tpu.memref_squeeze %dma_wait3A_776 : memref<1x64x512xf32, #tpu.memory_space<hbm>> -> memref<64x512xf32, #tpu.memory_space<hbm>>
    tpu.wait_dma2 semaphore(%arg6 : memref<!tpu.dma_semaphore, #tpu.memory_space<semaphore_mem>>) src(%arg4 : memref<64x512xf32, #tpu.memory_space<vmem>>) dst(%dma_wait3A_777 : memref<64x512xf32, #tpu.memory_space<hbm>>)
    %dma_wait3A_778 = arith.constant 0 : i32
    %dma_wait3A_779 = arith.constant 0 : i32
    %dma_wait3A_780 = arith.constant 14848 : i32
    %dma_wait3A_781 = tpu.memref_slice %arg3[%dma_wait3A_778, %dma_wait3A_779, %dma_wait3A_780] : memref<200x64x16384xf32, #tpu.memory_space<hbm>> -> memref<1x64x512xf32, #tpu.memory_space<hbm>>
    %dma_wait3A_782 = tpu.memref_squeeze %dma_wait3A_781 : memref<1x64x512xf32, #tpu.memory_space<hbm>> -> memref<64x512xf32, #tpu.memory_space<hbm>>
    %dma_wait3A_783 = arith.constant 0 : i32
    %dma_wait3A_784 = arith.constant 14848 : i32
    %dma_wait3A_785 = tpu.memref_slice %arg3[%dma_wait3A_778, %dma_wait3A_783, %dma_wait3A_784] : memref<200x64x16384xf32, #tpu.memory_space<hbm>> -> memref<1x64x512xf32, #tpu.memory_space<hbm>>
    %dma_wait3A_786 = tpu.memref_squeeze %dma_wait3A_785 : memref<1x64x512xf32, #tpu.memory_space<hbm>> -> memref<64x512xf32, #tpu.memory_space<hbm>>
    tpu.wait_dma2 semaphore(%arg6 : memref<!tpu.dma_semaphore, #tpu.memory_space<semaphore_mem>>) src(%arg4 : memref<64x512xf32, #tpu.memory_space<vmem>>) dst(%dma_wait3A_786 : memref<64x512xf32, #tpu.memory_space<hbm>>)
    %dma_wait3A_787 = arith.constant 0 : i32
    %dma_wait3A_788 = arith.constant 0 : i32
    %dma_wait3A_789 = arith.constant 15360 : i32
    %dma_wait3A_790 = tpu.memref_slice %arg3[%dma_wait3A_787, %dma_wait3A_788, %dma_wait3A_789] : memref<200x64x16384xf32, #tpu.memory_space<hbm>> -> memref<1x64x512xf32, #tpu.memory_space<hbm>>
    %dma_wait3A_791 = tpu.memref_squeeze %dma_wait3A_790 : memref<1x64x512xf32, #tpu.memory_space<hbm>> -> memref<64x512xf32, #tpu.memory_space<hbm>>
    %dma_wait3A_792 = arith.constant 0 : i32
    %dma_wait3A_793 = arith.constant 15360 : i32
    %dma_wait3A_794 = tpu.memref_slice %arg3[%dma_wait3A_787, %dma_wait3A_792, %dma_wait3A_793] : memref<200x64x16384xf32, #tpu.memory_space<hbm>> -> memref<1x64x512xf32, #tpu.memory_space<hbm>>
    %dma_wait3A_795 = tpu.memref_squeeze %dma_wait3A_794 : memref<1x64x512xf32, #tpu.memory_space<hbm>> -> memref<64x512xf32, #tpu.memory_space<hbm>>
    tpu.wait_dma2 semaphore(%arg6 : memref<!tpu.dma_semaphore, #tpu.memory_space<semaphore_mem>>) src(%arg4 : memref<64x512xf32, #tpu.memory_space<vmem>>) dst(%dma_wait3A_795 : memref<64x512xf32, #tpu.memory_space<hbm>>)
    %dma_wait3A_796 = arith.constant 0 : i32
    %dma_wait3A_797 = arith.constant 0 : i32
    %dma_wait3A_798 = arith.constant 15872 : i32
    %dma_wait3A_799 = tpu.memref_slice %arg3[%dma_wait3A_796, %dma_wait3A_797, %dma_wait3A_798] : memref<200x64x16384xf32, #tpu.memory_space<hbm>> -> memref<1x64x512xf32, #tpu.memory_space<hbm>>
    %dma_wait3A_800 = tpu.memref_squeeze %dma_wait3A_799 : memref<1x64x512xf32, #tpu.memory_space<hbm>> -> memref<64x512xf32, #tpu.memory_space<hbm>>
    %dma_wait3A_801 = arith.constant 0 : i32
    %dma_wait3A_802 = arith.constant 15872 : i32
    %dma_wait3A_803 = tpu.memref_slice %arg3[%dma_wait3A_796, %dma_wait3A_801, %dma_wait3A_802] : memref<200x64x16384xf32, #tpu.memory_space<hbm>> -> memref<1x64x512xf32, #tpu.memory_space<hbm>>
    %dma_wait3A_804 = tpu.memref_squeeze %dma_wait3A_803 : memref<1x64x512xf32, #tpu.memory_space<hbm>> -> memref<64x512xf32, #tpu.memory_space<hbm>>
    tpu.wait_dma2 semaphore(%arg6 : memref<!tpu.dma_semaphore, #tpu.memory_space<semaphore_mem>>) src(%arg4 : memref<64x512xf32, #tpu.memory_space<vmem>>) dst(%dma_wait3A_804 : memref<64x512xf32, #tpu.memory_space<hbm>>)
    "tpu.region"() ({
      %run_scoped3A = tpu.sem_alloc : memref<!tpu.dma_semaphore, #tpu.memory_space<semaphore_mem>>
      %dma_start3A_2194 = arith.constant 0 : i32
      %dma_start3A_2195 = arith.constant 0 : i32
      %dma_start3A_2196 = tpu.memref_slice %arg2[%add3A_517, %dma_start3A_2194, %dma_start3A_2195] : memref<152x64x512xf32, #tpu.memory_space<hbm>> -> memref<1x64x512xf32, #tpu.memory_space<hbm>>
      %dma_start3A_2197 = tpu.memref_squeeze %dma_start3A_2196 : memref<1x64x512xf32, #tpu.memory_space<hbm>> -> memref<64x512xf32, #tpu.memory_space<hbm>>
      %dma_start3A_2198 = arith.constant 0 : i32
      %dma_start3A_2199 = arith.constant 0 : i32
      %dma_start3A_2200 = tpu.memref_slice %arg2[%add3A_517, %dma_start3A_2198, %dma_start3A_2199] : memref<152x64x512xf32, #tpu.memory_space<hbm>> -> memref<1x64x512xf32, #tpu.memory_space<hbm>>
      %dma_start3A_2201 = tpu.memref_squeeze %dma_start3A_2200 : memref<1x64x512xf32, #tpu.memory_space<hbm>> -> memref<64x512xf32, #tpu.memory_space<hbm>>
      tpu.enqueue_dma source(%dma_start3A_2201 : memref<64x512xf32, #tpu.memory_space<hbm>>) target(%arg4 : memref<64x512xf32, #tpu.memory_space<vmem>>) target_semaphore(%run_scoped3A : memref<!tpu.dma_semaphore, #tpu.memory_space<semaphore_mem>>)
      %dma_wait3A_2202 = arith.constant 0 : i32
      %dma_wait3A_2203 = arith.constant 0 : i32
      %dma_wait3A_2204 = tpu.memref_slice %arg2[%add3A_517, %dma_wait3A_2202, %dma_wait3A_2203] : memref<152x64x512xf32, #tpu.memory_space<hbm>> -> memref<1x64x512xf32, #tpu.memory_space<hbm>>
      %dma_wait3A_2205 = tpu.memref_squeeze %dma_wait3A_2204 : memref<1x64x512xf32, #tpu.memory_space<hbm>> -> memref<64x512xf32, #tpu.memory_space<hbm>>
      %dma_wait3A_2206 = arith.constant 0 : i32
      %dma_wait3A_2207 = arith.constant 0 : i32
      %dma_wait3A_2208 = tpu.memref_slice %arg2[%add3A_517, %dma_wait3A_2206, %dma_wait3A_2207] : memref<152x64x512xf32, #tpu.memory_space<hbm>> -> memref<1x64x512xf32, #tpu.memory_space<hbm>>
      %dma_wait3A_2209 = tpu.memref_squeeze %dma_wait3A_2208 : memref<1x64x512xf32, #tpu.memory_space<hbm>> -> memref<64x512xf32, #tpu.memory_space<hbm>>
      tpu.wait_dma2 semaphore(%run_scoped3A : memref<!tpu.dma_semaphore, #tpu.memory_space<semaphore_mem>>) src(%dma_wait3A_2209 : memref<64x512xf32, #tpu.memory_space<hbm>>) dst(%arg4 : memref<64x512xf32, #tpu.memory_space<vmem>>)
      tpu.yield
    }) : () -> ()
    %dma_start3A_805 = arith.constant 0 : i32
    %dma_start3A_806 = arith.constant 0 : i32
    %dma_start3A_807 = tpu.memref_slice %arg3[%add3A_517, %dma_start3A_805, %dma_start3A_806] : memref<200x64x16384xf32, #tpu.memory_space<hbm>> -> memref<1x64x512xf32, #tpu.memory_space<hbm>>
    %dma_start3A_808 = tpu.memref_squeeze %dma_start3A_807 : memref<1x64x512xf32, #tpu.memory_space<hbm>> -> memref<64x512xf32, #tpu.memory_space<hbm>>
    %dma_start3A_809 = arith.constant 0 : i32
    %dma_start3A_810 = arith.constant 0 : i32
    %dma_start3A_811 = tpu.memref_slice %arg3[%add3A_517, %dma_start3A_809, %dma_start3A_810] : memref<200x64x16384xf32, #tpu.memory_space<hbm>> -> memref<1x64x512xf32, #tpu.memory_space<hbm>>
    %dma_start3A_812 = tpu.memref_squeeze %dma_start3A_811 : memref<1x64x512xf32, #tpu.memory_space<hbm>> -> memref<64x512xf32, #tpu.memory_space<hbm>>
    tpu.enqueue_dma source(%arg4 : memref<64x512xf32, #tpu.memory_space<vmem>>) target(%dma_start3A_812 : memref<64x512xf32, #tpu.memory_space<hbm>>) target_semaphore(%arg6 : memref<!tpu.dma_semaphore, #tpu.memory_space<semaphore_mem>>)
    %dma_start3A_813 = arith.constant 0 : i32
    %dma_start3A_814 = arith.constant 512 : i32
    %dma_start3A_815 = tpu.memref_slice %arg3[%add3A_517, %dma_start3A_813, %dma_start3A_814] : memref<200x64x16384xf32, #tpu.memory_space<hbm>> -> memref<1x64x512xf32, #tpu.memory_space<hbm>>
    %dma_start3A_816 = tpu.memref_squeeze %dma_start3A_815 : memref<1x64x512xf32, #tpu.memory_space<hbm>> -> memref<64x512xf32, #tpu.memory_space<hbm>>
    %dma_start3A_817 = arith.constant 0 : i32
    %dma_start3A_818 = arith.constant 512 : i32
    %dma_start3A_819 = tpu.memref_slice %arg3[%add3A_517, %dma_start3A_817, %dma_start3A_818] : memref<200x64x16384xf32, #tpu.memory_space<hbm>> -> memref<1x64x512xf32, #tpu.memory_space<hbm>>
    %dma_start3A_820 = tpu.memref_squeeze %dma_start3A_819 : memref<1x64x512xf32, #tpu.memory_space<hbm>> -> memref<64x512xf32, #tpu.memory_space<hbm>>
    tpu.enqueue_dma source(%arg4 : memref<64x512xf32, #tpu.memory_space<vmem>>) target(%dma_start3A_820 : memref<64x512xf32, #tpu.memory_space<hbm>>) target_semaphore(%arg6 : memref<!tpu.dma_semaphore, #tpu.memory_space<semaphore_mem>>)
    %dma_start3A_821 = arith.constant 0 : i32
    %dma_start3A_822 = arith.constant 1024 : i32
    %dma_start3A_823 = tpu.memref_slice %arg3[%add3A_517, %dma_start3A_821, %dma_start3A_822] : memref<200x64x16384xf32, #tpu.memory_space<hbm>> -> memref<1x64x512xf32, #tpu.memory_space<hbm>>
    %dma_start3A_824 = tpu.memref_squeeze %dma_start3A_823 : memref<1x64x512xf32, #tpu.memory_space<hbm>> -> memref<64x512xf32, #tpu.memory_space<hbm>>
    %dma_start3A_825 = arith.constant 0 : i32
    %dma_start3A_826 = arith.constant 1024 : i32
    %dma_start3A_827 = tpu.memref_slice %arg3[%add3A_517, %dma_start3A_825, %dma_start3A_826] : memref<200x64x16384xf32, #tpu.memory_space<hbm>> -> memref<1x64x512xf32, #tpu.memory_space<hbm>>
    %dma_start3A_828 = tpu.memref_squeeze %dma_start3A_827 : memref<1x64x512xf32, #tpu.memory_space<hbm>> -> memref<64x512xf32, #tpu.memory_space<hbm>>
    tpu.enqueue_dma source(%arg4 : memref<64x512xf32, #tpu.memory_space<vmem>>) target(%dma_start3A_828 : memref<64x512xf32, #tpu.memory_space<hbm>>) target_semaphore(%arg6 : memref<!tpu.dma_semaphore, #tpu.memory_space<semaphore_mem>>)
    %dma_start3A_829 = arith.constant 0 : i32
    %dma_start3A_830 = arith.constant 1536 : i32
    %dma_start3A_831 = tpu.memref_slice %arg3[%add3A_517, %dma_start3A_829, %dma_start3A_830] : memref<200x64x16384xf32, #tpu.memory_space<hbm>> -> memref<1x64x512xf32, #tpu.memory_space<hbm>>
    %dma_start3A_832 = tpu.memref_squeeze %dma_start3A_831 : memref<1x64x512xf32, #tpu.memory_space<hbm>> -> memref<64x512xf32, #tpu.memory_space<hbm>>
    %dma_start3A_833 = arith.constant 0 : i32
    %dma_start3A_834 = arith.constant 1536 : i32
    %dma_start3A_835 = tpu.memref_slice %arg3[%add3A_517, %dma_start3A_833, %dma_start3A_834] : memref<200x64x16384xf32, #tpu.memory_space<hbm>> -> memref<1x64x512xf32, #tpu.memory_space<hbm>>
    %dma_start3A_836 = tpu.memref_squeeze %dma_start3A_835 : memref<1x64x512xf32, #tpu.memory_space<hbm>> -> memref<64x512xf32, #tpu.memory_space<hbm>>
    tpu.enqueue_dma source(%arg4 : memref<64x512xf32, #tpu.memory_space<vmem>>) target(%dma_start3A_836 : memref<64x512xf32, #tpu.memory_space<hbm>>) target_semaphore(%arg6 : memref<!tpu.dma_semaphore, #tpu.memory_space<semaphore_mem>>)
    %dma_start3A_837 = arith.constant 0 : i32
    %dma_start3A_838 = arith.constant 2048 : i32
    %dma_start3A_839 = tpu.memref_slice %arg3[%add3A_517, %dma_start3A_837, %dma_start3A_838] : memref<200x64x16384xf32, #tpu.memory_space<hbm>> -> memref<1x64x512xf32, #tpu.memory_space<hbm>>
    %dma_start3A_840 = tpu.memref_squeeze %dma_start3A_839 : memref<1x64x512xf32, #tpu.memory_space<hbm>> -> memref<64x512xf32, #tpu.memory_space<hbm>>
    %dma_start3A_841 = arith.constant 0 : i32
    %dma_start3A_842 = arith.constant 2048 : i32
    %dma_start3A_843 = tpu.memref_slice %arg3[%add3A_517, %dma_start3A_841, %dma_start3A_842] : memref<200x64x16384xf32, #tpu.memory_space<hbm>> -> memref<1x64x512xf32, #tpu.memory_space<hbm>>
    %dma_start3A_844 = tpu.memref_squeeze %dma_start3A_843 : memref<1x64x512xf32, #tpu.memory_space<hbm>> -> memref<64x512xf32, #tpu.memory_space<hbm>>
    tpu.enqueue_dma source(%arg4 : memref<64x512xf32, #tpu.memory_space<vmem>>) target(%dma_start3A_844 : memref<64x512xf32, #tpu.memory_space<hbm>>) target_semaphore(%arg6 : memref<!tpu.dma_semaphore, #tpu.memory_space<semaphore_mem>>)
    %dma_start3A_845 = arith.constant 0 : i32
    %dma_start3A_846 = arith.constant 2560 : i32
    %dma_start3A_847 = tpu.memref_slice %arg3[%add3A_517, %dma_start3A_845, %dma_start3A_846] : memref<200x64x16384xf32, #tpu.memory_space<hbm>> -> memref<1x64x512xf32, #tpu.memory_space<hbm>>
    %dma_start3A_848 = tpu.memref_squeeze %dma_start3A_847 : memref<1x64x512xf32, #tpu.memory_space<hbm>> -> memref<64x512xf32, #tpu.memory_space<hbm>>
    %dma_start3A_849 = arith.constant 0 : i32
    %dma_start3A_850 = arith.constant 2560 : i32
    %dma_start3A_851 = tpu.memref_slice %arg3[%add3A_517, %dma_start3A_849, %dma_start3A_850] : memref<200x64x16384xf32, #tpu.memory_space<hbm>> -> memref<1x64x512xf32, #tpu.memory_space<hbm>>
    %dma_start3A_852 = tpu.memref_squeeze %dma_start3A_851 : memref<1x64x512xf32, #tpu.memory_space<hbm>> -> memref<64x512xf32, #tpu.memory_space<hbm>>
    tpu.enqueue_dma source(%arg4 : memref<64x512xf32, #tpu.memory_space<vmem>>) target(%dma_start3A_852 : memref<64x512xf32, #tpu.memory_space<hbm>>) target_semaphore(%arg6 : memref<!tpu.dma_semaphore, #tpu.memory_space<semaphore_mem>>)
    %dma_start3A_853 = arith.constant 0 : i32
    %dma_start3A_854 = arith.constant 3072 : i32
    %dma_start3A_855 = tpu.memref_slice %arg3[%add3A_517, %dma_start3A_853, %dma_start3A_854] : memref<200x64x16384xf32, #tpu.memory_space<hbm>> -> memref<1x64x512xf32, #tpu.memory_space<hbm>>
    %dma_start3A_856 = tpu.memref_squeeze %dma_start3A_855 : memref<1x64x512xf32, #tpu.memory_space<hbm>> -> memref<64x512xf32, #tpu.memory_space<hbm>>
    %dma_start3A_857 = arith.constant 0 : i32
    %dma_start3A_858 = arith.constant 3072 : i32
    %dma_start3A_859 = tpu.memref_slice %arg3[%add3A_517, %dma_start3A_857, %dma_start3A_858] : memref<200x64x16384xf32, #tpu.memory_space<hbm>> -> memref<1x64x512xf32, #tpu.memory_space<hbm>>
    %dma_start3A_860 = tpu.memref_squeeze %dma_start3A_859 : memref<1x64x512xf32, #tpu.memory_space<hbm>> -> memref<64x512xf32, #tpu.memory_space<hbm>>
    tpu.enqueue_dma source(%arg4 : memref<64x512xf32, #tpu.memory_space<vmem>>) target(%dma_start3A_860 : memref<64x512xf32, #tpu.memory_space<hbm>>) target_semaphore(%arg6 : memref<!tpu.dma_semaphore, #tpu.memory_space<semaphore_mem>>)
    %dma_start3A_861 = arith.constant 0 : i32
    %dma_start3A_862 = arith.constant 3584 : i32
    %dma_start3A_863 = tpu.memref_slice %arg3[%add3A_517, %dma_start3A_861, %dma_start3A_862] : memref<200x64x16384xf32, #tpu.memory_space<hbm>> -> memref<1x64x512xf32, #tpu.memory_space<hbm>>
    %dma_start3A_864 = tpu.memref_squeeze %dma_start3A_863 : memref<1x64x512xf32, #tpu.memory_space<hbm>> -> memref<64x512xf32, #tpu.memory_space<hbm>>
    %dma_start3A_865 = arith.constant 0 : i32
    %dma_start3A_866 = arith.constant 3584 : i32
    %dma_start3A_867 = tpu.memref_slice %arg3[%add3A_517, %dma_start3A_865, %dma_start3A_866] : memref<200x64x16384xf32, #tpu.memory_space<hbm>> -> memref<1x64x512xf32, #tpu.memory_space<hbm>>
    %dma_start3A_868 = tpu.memref_squeeze %dma_start3A_867 : memref<1x64x512xf32, #tpu.memory_space<hbm>> -> memref<64x512xf32, #tpu.memory_space<hbm>>
    tpu.enqueue_dma source(%arg4 : memref<64x512xf32, #tpu.memory_space<vmem>>) target(%dma_start3A_868 : memref<64x512xf32, #tpu.memory_space<hbm>>) target_semaphore(%arg6 : memref<!tpu.dma_semaphore, #tpu.memory_space<semaphore_mem>>)
    %dma_start3A_869 = arith.constant 0 : i32
    %dma_start3A_870 = arith.constant 4096 : i32
    %dma_start3A_871 = tpu.memref_slice %arg3[%add3A_517, %dma_start3A_869, %dma_start3A_870] : memref<200x64x16384xf32, #tpu.memory_space<hbm>> -> memref<1x64x512xf32, #tpu.memory_space<hbm>>
    %dma_start3A_872 = tpu.memref_squeeze %dma_start3A_871 : memref<1x64x512xf32, #tpu.memory_space<hbm>> -> memref<64x512xf32, #tpu.memory_space<hbm>>
    %dma_start3A_873 = arith.constant 0 : i32
    %dma_start3A_874 = arith.constant 4096 : i32
    %dma_start3A_875 = tpu.memref_slice %arg3[%add3A_517, %dma_start3A_873, %dma_start3A_874] : memref<200x64x16384xf32, #tpu.memory_space<hbm>> -> memref<1x64x512xf32, #tpu.memory_space<hbm>>
    %dma_start3A_876 = tpu.memref_squeeze %dma_start3A_875 : memref<1x64x512xf32, #tpu.memory_space<hbm>> -> memref<64x512xf32, #tpu.memory_space<hbm>>
    tpu.enqueue_dma source(%arg4 : memref<64x512xf32, #tpu.memory_space<vmem>>) target(%dma_start3A_876 : memref<64x512xf32, #tpu.memory_space<hbm>>) target_semaphore(%arg6 : memref<!tpu.dma_semaphore, #tpu.memory_space<semaphore_mem>>)
    %dma_start3A_877 = arith.constant 0 : i32
    %dma_start3A_878 = arith.constant 4608 : i32
    %dma_start3A_879 = tpu.memref_slice %arg3[%add3A_517, %dma_start3A_877, %dma_start3A_878] : memref<200x64x16384xf32, #tpu.memory_space<hbm>> -> memref<1x64x512xf32, #tpu.memory_space<hbm>>
    %dma_start3A_880 = tpu.memref_squeeze %dma_start3A_879 : memref<1x64x512xf32, #tpu.memory_space<hbm>> -> memref<64x512xf32, #tpu.memory_space<hbm>>
    %dma_start3A_881 = arith.constant 0 : i32
    %dma_start3A_882 = arith.constant 4608 : i32
    %dma_start3A_883 = tpu.memref_slice %arg3[%add3A_517, %dma_start3A_881, %dma_start3A_882] : memref<200x64x16384xf32, #tpu.memory_space<hbm>> -> memref<1x64x512xf32, #tpu.memory_space<hbm>>
    %dma_start3A_884 = tpu.memref_squeeze %dma_start3A_883 : memref<1x64x512xf32, #tpu.memory_space<hbm>> -> memref<64x512xf32, #tpu.memory_space<hbm>>
    tpu.enqueue_dma source(%arg4 : memref<64x512xf32, #tpu.memory_space<vmem>>) target(%dma_start3A_884 : memref<64x512xf32, #tpu.memory_space<hbm>>) target_semaphore(%arg6 : memref<!tpu.dma_semaphore, #tpu.memory_space<semaphore_mem>>)
    %dma_start3A_885 = arith.constant 0 : i32
    %dma_start3A_886 = arith.constant 5120 : i32
    %dma_start3A_887 = tpu.memref_slice %arg3[%add3A_517, %dma_start3A_885, %dma_start3A_886] : memref<200x64x16384xf32, #tpu.memory_space<hbm>> -> memref<1x64x512xf32, #tpu.memory_space<hbm>>
    %dma_start3A_888 = tpu.memref_squeeze %dma_start3A_887 : memref<1x64x512xf32, #tpu.memory_space<hbm>> -> memref<64x512xf32, #tpu.memory_space<hbm>>
    %dma_start3A_889 = arith.constant 0 : i32
    %dma_start3A_890 = arith.constant 5120 : i32
    %dma_start3A_891 = tpu.memref_slice %arg3[%add3A_517, %dma_start3A_889, %dma_start3A_890] : memref<200x64x16384xf32, #tpu.memory_space<hbm>> -> memref<1x64x512xf32, #tpu.memory_space<hbm>>
    %dma_start3A_892 = tpu.memref_squeeze %dma_start3A_891 : memref<1x64x512xf32, #tpu.memory_space<hbm>> -> memref<64x512xf32, #tpu.memory_space<hbm>>
    tpu.enqueue_dma source(%arg4 : memref<64x512xf32, #tpu.memory_space<vmem>>) target(%dma_start3A_892 : memref<64x512xf32, #tpu.memory_space<hbm>>) target_semaphore(%arg6 : memref<!tpu.dma_semaphore, #tpu.memory_space<semaphore_mem>>)
    %dma_start3A_893 = arith.constant 0 : i32
    %dma_start3A_894 = arith.constant 5632 : i32
    %dma_start3A_895 = tpu.memref_slice %arg3[%add3A_517, %dma_start3A_893, %dma_start3A_894] : memref<200x64x16384xf32, #tpu.memory_space<hbm>> -> memref<1x64x512xf32, #tpu.memory_space<hbm>>
    %dma_start3A_896 = tpu.memref_squeeze %dma_start3A_895 : memref<1x64x512xf32, #tpu.memory_space<hbm>> -> memref<64x512xf32, #tpu.memory_space<hbm>>
    %dma_start3A_897 = arith.constant 0 : i32
    %dma_start3A_898 = arith.constant 5632 : i32
    %dma_start3A_899 = tpu.memref_slice %arg3[%add3A_517, %dma_start3A_897, %dma_start3A_898] : memref<200x64x16384xf32, #tpu.memory_space<hbm>> -> memref<1x64x512xf32, #tpu.memory_space<hbm>>
    %dma_start3A_900 = tpu.memref_squeeze %dma_start3A_899 : memref<1x64x512xf32, #tpu.memory_space<hbm>> -> memref<64x512xf32, #tpu.memory_space<hbm>>
    tpu.enqueue_dma source(%arg4 : memref<64x512xf32, #tpu.memory_space<vmem>>) target(%dma_start3A_900 : memref<64x512xf32, #tpu.memory_space<hbm>>) target_semaphore(%arg6 : memref<!tpu.dma_semaphore, #tpu.memory_space<semaphore_mem>>)
    %dma_start3A_901 = arith.constant 0 : i32
    %dma_start3A_902 = arith.constant 6144 : i32
    %dma_start3A_903 = tpu.memref_slice %arg3[%add3A_517, %dma_start3A_901, %dma_start3A_902] : memref<200x64x16384xf32, #tpu.memory_space<hbm>> -> memref<1x64x512xf32, #tpu.memory_space<hbm>>
    %dma_start3A_904 = tpu.memref_squeeze %dma_start3A_903 : memref<1x64x512xf32, #tpu.memory_space<hbm>> -> memref<64x512xf32, #tpu.memory_space<hbm>>
    %dma_start3A_905 = arith.constant 0 : i32
    %dma_start3A_906 = arith.constant 6144 : i32
    %dma_start3A_907 = tpu.memref_slice %arg3[%add3A_517, %dma_start3A_905, %dma_start3A_906] : memref<200x64x16384xf32, #tpu.memory_space<hbm>> -> memref<1x64x512xf32, #tpu.memory_space<hbm>>
    %dma_start3A_908 = tpu.memref_squeeze %dma_start3A_907 : memref<1x64x512xf32, #tpu.memory_space<hbm>> -> memref<64x512xf32, #tpu.memory_space<hbm>>
    tpu.enqueue_dma source(%arg4 : memref<64x512xf32, #tpu.memory_space<vmem>>) target(%dma_start3A_908 : memref<64x512xf32, #tpu.memory_space<hbm>>) target_semaphore(%arg6 : memref<!tpu.dma_semaphore, #tpu.memory_space<semaphore_mem>>)
    %dma_start3A_909 = arith.constant 0 : i32
    %dma_start3A_910 = arith.constant 6656 : i32
    %dma_start3A_911 = tpu.memref_slice %arg3[%add3A_517, %dma_start3A_909, %dma_start3A_910] : memref<200x64x16384xf32, #tpu.memory_space<hbm>> -> memref<1x64x512xf32, #tpu.memory_space<hbm>>
    %dma_start3A_912 = tpu.memref_squeeze %dma_start3A_911 : memref<1x64x512xf32, #tpu.memory_space<hbm>> -> memref<64x512xf32, #tpu.memory_space<hbm>>
    %dma_start3A_913 = arith.constant 0 : i32
    %dma_start3A_914 = arith.constant 6656 : i32
    %dma_start3A_915 = tpu.memref_slice %arg3[%add3A_517, %dma_start3A_913, %dma_start3A_914] : memref<200x64x16384xf32, #tpu.memory_space<hbm>> -> memref<1x64x512xf32, #tpu.memory_space<hbm>>
    %dma_start3A_916 = tpu.memref_squeeze %dma_start3A_915 : memref<1x64x512xf32, #tpu.memory_space<hbm>> -> memref<64x512xf32, #tpu.memory_space<hbm>>
    tpu.enqueue_dma source(%arg4 : memref<64x512xf32, #tpu.memory_space<vmem>>) target(%dma_start3A_916 : memref<64x512xf32, #tpu.memory_space<hbm>>) target_semaphore(%arg6 : memref<!tpu.dma_semaphore, #tpu.memory_space<semaphore_mem>>)
    %dma_start3A_917 = arith.constant 0 : i32
    %dma_start3A_918 = arith.constant 7168 : i32
    %dma_start3A_919 = tpu.memref_slice %arg3[%add3A_517, %dma_start3A_917, %dma_start3A_918] : memref<200x64x16384xf32, #tpu.memory_space<hbm>> -> memref<1x64x512xf32, #tpu.memory_space<hbm>>
    %dma_start3A_920 = tpu.memref_squeeze %dma_start3A_919 : memref<1x64x512xf32, #tpu.memory_space<hbm>> -> memref<64x512xf32, #tpu.memory_space<hbm>>
    %dma_start3A_921 = arith.constant 0 : i32
    %dma_start3A_922 = arith.constant 7168 : i32
    %dma_start3A_923 = tpu.memref_slice %arg3[%add3A_517, %dma_start3A_921, %dma_start3A_922] : memref<200x64x16384xf32, #tpu.memory_space<hbm>> -> memref<1x64x512xf32, #tpu.memory_space<hbm>>
    %dma_start3A_924 = tpu.memref_squeeze %dma_start3A_923 : memref<1x64x512xf32, #tpu.memory_space<hbm>> -> memref<64x512xf32, #tpu.memory_space<hbm>>
    tpu.enqueue_dma source(%arg4 : memref<64x512xf32, #tpu.memory_space<vmem>>) target(%dma_start3A_924 : memref<64x512xf32, #tpu.memory_space<hbm>>) target_semaphore(%arg6 : memref<!tpu.dma_semaphore, #tpu.memory_space<semaphore_mem>>)
    %dma_start3A_925 = arith.constant 0 : i32
    %dma_start3A_926 = arith.constant 7680 : i32
    %dma_start3A_927 = tpu.memref_slice %arg3[%add3A_517, %dma_start3A_925, %dma_start3A_926] : memref<200x64x16384xf32, #tpu.memory_space<hbm>> -> memref<1x64x512xf32, #tpu.memory_space<hbm>>
    %dma_start3A_928 = tpu.memref_squeeze %dma_start3A_927 : memref<1x64x512xf32, #tpu.memory_space<hbm>> -> memref<64x512xf32, #tpu.memory_space<hbm>>
    %dma_start3A_929 = arith.constant 0 : i32
    %dma_start3A_930 = arith.constant 7680 : i32
    %dma_start3A_931 = tpu.memref_slice %arg3[%add3A_517, %dma_start3A_929, %dma_start3A_930] : memref<200x64x16384xf32, #tpu.memory_space<hbm>> -> memref<1x64x512xf32, #tpu.memory_space<hbm>>
    %dma_start3A_932 = tpu.memref_squeeze %dma_start3A_931 : memref<1x64x512xf32, #tpu.memory_space<hbm>> -> memref<64x512xf32, #tpu.memory_space<hbm>>
    tpu.enqueue_dma source(%arg4 : memref<64x512xf32, #tpu.memory_space<vmem>>) target(%dma_start3A_932 : memref<64x512xf32, #tpu.memory_space<hbm>>) target_semaphore(%arg6 : memref<!tpu.dma_semaphore, #tpu.memory_space<semaphore_mem>>)
    %dma_start3A_933 = arith.constant 0 : i32
    %dma_start3A_934 = arith.constant 8192 : i32
    %dma_start3A_935 = tpu.memref_slice %arg3[%add3A_517, %dma_start3A_933, %dma_start3A_934] : memref<200x64x16384xf32, #tpu.memory_space<hbm>> -> memref<1x64x512xf32, #tpu.memory_space<hbm>>
    %dma_start3A_936 = tpu.memref_squeeze %dma_start3A_935 : memref<1x64x512xf32, #tpu.memory_space<hbm>> -> memref<64x512xf32, #tpu.memory_space<hbm>>
    %dma_start3A_937 = arith.constant 0 : i32
    %dma_start3A_938 = arith.constant 8192 : i32
    %dma_start3A_939 = tpu.memref_slice %arg3[%add3A_517, %dma_start3A_937, %dma_start3A_938] : memref<200x64x16384xf32, #tpu.memory_space<hbm>> -> memref<1x64x512xf32, #tpu.memory_space<hbm>>
    %dma_start3A_940 = tpu.memref_squeeze %dma_start3A_939 : memref<1x64x512xf32, #tpu.memory_space<hbm>> -> memref<64x512xf32, #tpu.memory_space<hbm>>
    tpu.enqueue_dma source(%arg4 : memref<64x512xf32, #tpu.memory_space<vmem>>) target(%dma_start3A_940 : memref<64x512xf32, #tpu.memory_space<hbm>>) target_semaphore(%arg6 : memref<!tpu.dma_semaphore, #tpu.memory_space<semaphore_mem>>)
    %dma_start3A_941 = arith.constant 0 : i32
    %dma_start3A_942 = arith.constant 8704 : i32
    %dma_start3A_943 = tpu.memref_slice %arg3[%add3A_517, %dma_start3A_941, %dma_start3A_942] : memref<200x64x16384xf32, #tpu.memory_space<hbm>> -> memref<1x64x512xf32, #tpu.memory_space<hbm>>
    %dma_start3A_944 = tpu.memref_squeeze %dma_start3A_943 : memref<1x64x512xf32, #tpu.memory_space<hbm>> -> memref<64x512xf32, #tpu.memory_space<hbm>>
    %dma_start3A_945 = arith.constant 0 : i32
    %dma_start3A_946 = arith.constant 8704 : i32
    %dma_start3A_947 = tpu.memref_slice %arg3[%add3A_517, %dma_start3A_945, %dma_start3A_946] : memref<200x64x16384xf32, #tpu.memory_space<hbm>> -> memref<1x64x512xf32, #tpu.memory_space<hbm>>
    %dma_start3A_948 = tpu.memref_squeeze %dma_start3A_947 : memref<1x64x512xf32, #tpu.memory_space<hbm>> -> memref<64x512xf32, #tpu.memory_space<hbm>>
    tpu.enqueue_dma source(%arg4 : memref<64x512xf32, #tpu.memory_space<vmem>>) target(%dma_start3A_948 : memref<64x512xf32, #tpu.memory_space<hbm>>) target_semaphore(%arg6 : memref<!tpu.dma_semaphore, #tpu.memory_space<semaphore_mem>>)
    %dma_start3A_949 = arith.constant 0 : i32
    %dma_start3A_950 = arith.constant 9216 : i32
    %dma_start3A_951 = tpu.memref_slice %arg3[%add3A_517, %dma_start3A_949, %dma_start3A_950] : memref<200x64x16384xf32, #tpu.memory_space<hbm>> -> memref<1x64x512xf32, #tpu.memory_space<hbm>>
    %dma_start3A_952 = tpu.memref_squeeze %dma_start3A_951 : memref<1x64x512xf32, #tpu.memory_space<hbm>> -> memref<64x512xf32, #tpu.memory_space<hbm>>
    %dma_start3A_953 = arith.constant 0 : i32
    %dma_start3A_954 = arith.constant 9216 : i32
    %dma_start3A_955 = tpu.memref_slice %arg3[%add3A_517, %dma_start3A_953, %dma_start3A_954] : memref<200x64x16384xf32, #tpu.memory_space<hbm>> -> memref<1x64x512xf32, #tpu.memory_space<hbm>>
    %dma_start3A_956 = tpu.memref_squeeze %dma_start3A_955 : memref<1x64x512xf32, #tpu.memory_space<hbm>> -> memref<64x512xf32, #tpu.memory_space<hbm>>
    tpu.enqueue_dma source(%arg4 : memref<64x512xf32, #tpu.memory_space<vmem>>) target(%dma_start3A_956 : memref<64x512xf32, #tpu.memory_space<hbm>>) target_semaphore(%arg6 : memref<!tpu.dma_semaphore, #tpu.memory_space<semaphore_mem>>)
    %dma_start3A_957 = arith.constant 0 : i32
    %dma_start3A_958 = arith.constant 9728 : i32
    %dma_start3A_959 = tpu.memref_slice %arg3[%add3A_517, %dma_start3A_957, %dma_start3A_958] : memref<200x64x16384xf32, #tpu.memory_space<hbm>> -> memref<1x64x512xf32, #tpu.memory_space<hbm>>
    %dma_start3A_960 = tpu.memref_squeeze %dma_start3A_959 : memref<1x64x512xf32, #tpu.memory_space<hbm>> -> memref<64x512xf32, #tpu.memory_space<hbm>>
    %dma_start3A_961 = arith.constant 0 : i32
    %dma_start3A_962 = arith.constant 9728 : i32
    %dma_start3A_963 = tpu.memref_slice %arg3[%add3A_517, %dma_start3A_961, %dma_start3A_962] : memref<200x64x16384xf32, #tpu.memory_space<hbm>> -> memref<1x64x512xf32, #tpu.memory_space<hbm>>
    %dma_start3A_964 = tpu.memref_squeeze %dma_start3A_963 : memref<1x64x512xf32, #tpu.memory_space<hbm>> -> memref<64x512xf32, #tpu.memory_space<hbm>>
    tpu.enqueue_dma source(%arg4 : memref<64x512xf32, #tpu.memory_space<vmem>>) target(%dma_start3A_964 : memref<64x512xf32, #tpu.memory_space<hbm>>) target_semaphore(%arg6 : memref<!tpu.dma_semaphore, #tpu.memory_space<semaphore_mem>>)
    %dma_start3A_965 = arith.constant 0 : i32
    %dma_start3A_966 = arith.constant 10240 : i32
    %dma_start3A_967 = tpu.memref_slice %arg3[%add3A_517, %dma_start3A_965, %dma_start3A_966] : memref<200x64x16384xf32, #tpu.memory_space<hbm>> -> memref<1x64x512xf32, #tpu.memory_space<hbm>>
    %dma_start3A_968 = tpu.memref_squeeze %dma_start3A_967 : memref<1x64x512xf32, #tpu.memory_space<hbm>> -> memref<64x512xf32, #tpu.memory_space<hbm>>
    %dma_start3A_969 = arith.constant 0 : i32
    %dma_start3A_970 = arith.constant 10240 : i32
    %dma_start3A_971 = tpu.memref_slice %arg3[%add3A_517, %dma_start3A_969, %dma_start3A_970] : memref<200x64x16384xf32, #tpu.memory_space<hbm>> -> memref<1x64x512xf32, #tpu.memory_space<hbm>>
    %dma_start3A_972 = tpu.memref_squeeze %dma_start3A_971 : memref<1x64x512xf32, #tpu.memory_space<hbm>> -> memref<64x512xf32, #tpu.memory_space<hbm>>
    tpu.enqueue_dma source(%arg4 : memref<64x512xf32, #tpu.memory_space<vmem>>) target(%dma_start3A_972 : memref<64x512xf32, #tpu.memory_space<hbm>>) target_semaphore(%arg6 : memref<!tpu.dma_semaphore, #tpu.memory_space<semaphore_mem>>)
    %dma_start3A_973 = arith.constant 0 : i32
    %dma_start3A_974 = arith.constant 10752 : i32
    %dma_start3A_975 = tpu.memref_slice %arg3[%add3A_517, %dma_start3A_973, %dma_start3A_974] : memref<200x64x16384xf32, #tpu.memory_space<hbm>> -> memref<1x64x512xf32, #tpu.memory_space<hbm>>
    %dma_start3A_976 = tpu.memref_squeeze %dma_start3A_975 : memref<1x64x512xf32, #tpu.memory_space<hbm>> -> memref<64x512xf32, #tpu.memory_space<hbm>>
    %dma_start3A_977 = arith.constant 0 : i32
    %dma_start3A_978 = arith.constant 10752 : i32
    %dma_start3A_979 = tpu.memref_slice %arg3[%add3A_517, %dma_start3A_977, %dma_start3A_978] : memref<200x64x16384xf32, #tpu.memory_space<hbm>> -> memref<1x64x512xf32, #tpu.memory_space<hbm>>
    %dma_start3A_980 = tpu.memref_squeeze %dma_start3A_979 : memref<1x64x512xf32, #tpu.memory_space<hbm>> -> memref<64x512xf32, #tpu.memory_space<hbm>>
    tpu.enqueue_dma source(%arg4 : memref<64x512xf32, #tpu.memory_space<vmem>>) target(%dma_start3A_980 : memref<64x512xf32, #tpu.memory_space<hbm>>) target_semaphore(%arg6 : memref<!tpu.dma_semaphore, #tpu.memory_space<semaphore_mem>>)
    %dma_start3A_981 = arith.constant 0 : i32
    %dma_start3A_982 = arith.constant 11264 : i32
    %dma_start3A_983 = tpu.memref_slice %arg3[%add3A_517, %dma_start3A_981, %dma_start3A_982] : memref<200x64x16384xf32, #tpu.memory_space<hbm>> -> memref<1x64x512xf32, #tpu.memory_space<hbm>>
    %dma_start3A_984 = tpu.memref_squeeze %dma_start3A_983 : memref<1x64x512xf32, #tpu.memory_space<hbm>> -> memref<64x512xf32, #tpu.memory_space<hbm>>
    %dma_start3A_985 = arith.constant 0 : i32
    %dma_start3A_986 = arith.constant 11264 : i32
    %dma_start3A_987 = tpu.memref_slice %arg3[%add3A_517, %dma_start3A_985, %dma_start3A_986] : memref<200x64x16384xf32, #tpu.memory_space<hbm>> -> memref<1x64x512xf32, #tpu.memory_space<hbm>>
    %dma_start3A_988 = tpu.memref_squeeze %dma_start3A_987 : memref<1x64x512xf32, #tpu.memory_space<hbm>> -> memref<64x512xf32, #tpu.memory_space<hbm>>
    tpu.enqueue_dma source(%arg4 : memref<64x512xf32, #tpu.memory_space<vmem>>) target(%dma_start3A_988 : memref<64x512xf32, #tpu.memory_space<hbm>>) target_semaphore(%arg6 : memref<!tpu.dma_semaphore, #tpu.memory_space<semaphore_mem>>)
    %dma_start3A_989 = arith.constant 0 : i32
    %dma_start3A_990 = arith.constant 11776 : i32
    %dma_start3A_991 = tpu.memref_slice %arg3[%add3A_517, %dma_start3A_989, %dma_start3A_990] : memref<200x64x16384xf32, #tpu.memory_space<hbm>> -> memref<1x64x512xf32, #tpu.memory_space<hbm>>
    %dma_start3A_992 = tpu.memref_squeeze %dma_start3A_991 : memref<1x64x512xf32, #tpu.memory_space<hbm>> -> memref<64x512xf32, #tpu.memory_space<hbm>>
    %dma_start3A_993 = arith.constant 0 : i32
    %dma_start3A_994 = arith.constant 11776 : i32
    %dma_start3A_995 = tpu.memref_slice %arg3[%add3A_517, %dma_start3A_993, %dma_start3A_994] : memref<200x64x16384xf32, #tpu.memory_space<hbm>> -> memref<1x64x512xf32, #tpu.memory_space<hbm>>
    %dma_start3A_996 = tpu.memref_squeeze %dma_start3A_995 : memref<1x64x512xf32, #tpu.memory_space<hbm>> -> memref<64x512xf32, #tpu.memory_space<hbm>>
    tpu.enqueue_dma source(%arg4 : memref<64x512xf32, #tpu.memory_space<vmem>>) target(%dma_start3A_996 : memref<64x512xf32, #tpu.memory_space<hbm>>) target_semaphore(%arg6 : memref<!tpu.dma_semaphore, #tpu.memory_space<semaphore_mem>>)
    %dma_start3A_997 = arith.constant 0 : i32
    %dma_start3A_998 = arith.constant 12288 : i32
    %dma_start3A_999 = tpu.memref_slice %arg3[%add3A_517, %dma_start3A_997, %dma_start3A_998] : memref<200x64x16384xf32, #tpu.memory_space<hbm>> -> memref<1x64x512xf32, #tpu.memory_space<hbm>>
    %dma_start3A_1000 = tpu.memref_squeeze %dma_start3A_999 : memref<1x64x512xf32, #tpu.memory_space<hbm>> -> memref<64x512xf32, #tpu.memory_space<hbm>>
    %dma_start3A_1001 = arith.constant 0 : i32
    %dma_start3A_1002 = arith.constant 12288 : i32
    %dma_start3A_1003 = tpu.memref_slice %arg3[%add3A_517, %dma_start3A_1001, %dma_start3A_1002] : memref<200x64x16384xf32, #tpu.memory_space<hbm>> -> memref<1x64x512xf32, #tpu.memory_space<hbm>>
    %dma_start3A_1004 = tpu.memref_squeeze %dma_start3A_1003 : memref<1x64x512xf32, #tpu.memory_space<hbm>> -> memref<64x512xf32, #tpu.memory_space<hbm>>
    tpu.enqueue_dma source(%arg4 : memref<64x512xf32, #tpu.memory_space<vmem>>) target(%dma_start3A_1004 : memref<64x512xf32, #tpu.memory_space<hbm>>) target_semaphore(%arg6 : memref<!tpu.dma_semaphore, #tpu.memory_space<semaphore_mem>>)
    %dma_start3A_1005 = arith.constant 0 : i32
    %dma_start3A_1006 = arith.constant 12800 : i32
    %dma_start3A_1007 = tpu.memref_slice %arg3[%add3A_517, %dma_start3A_1005, %dma_start3A_1006] : memref<200x64x16384xf32, #tpu.memory_space<hbm>> -> memref<1x64x512xf32, #tpu.memory_space<hbm>>
    %dma_start3A_1008 = tpu.memref_squeeze %dma_start3A_1007 : memref<1x64x512xf32, #tpu.memory_space<hbm>> -> memref<64x512xf32, #tpu.memory_space<hbm>>
    %dma_start3A_1009 = arith.constant 0 : i32
    %dma_start3A_1010 = arith.constant 12800 : i32
    %dma_start3A_1011 = tpu.memref_slice %arg3[%add3A_517, %dma_start3A_1009, %dma_start3A_1010] : memref<200x64x16384xf32, #tpu.memory_space<hbm>> -> memref<1x64x512xf32, #tpu.memory_space<hbm>>
    %dma_start3A_1012 = tpu.memref_squeeze %dma_start3A_1011 : memref<1x64x512xf32, #tpu.memory_space<hbm>> -> memref<64x512xf32, #tpu.memory_space<hbm>>
    tpu.enqueue_dma source(%arg4 : memref<64x512xf32, #tpu.memory_space<vmem>>) target(%dma_start3A_1012 : memref<64x512xf32, #tpu.memory_space<hbm>>) target_semaphore(%arg6 : memref<!tpu.dma_semaphore, #tpu.memory_space<semaphore_mem>>)
    %dma_start3A_1013 = arith.constant 0 : i32
    %dma_start3A_1014 = arith.constant 13312 : i32
    %dma_start3A_1015 = tpu.memref_slice %arg3[%add3A_517, %dma_start3A_1013, %dma_start3A_1014] : memref<200x64x16384xf32, #tpu.memory_space<hbm>> -> memref<1x64x512xf32, #tpu.memory_space<hbm>>
    %dma_start3A_1016 = tpu.memref_squeeze %dma_start3A_1015 : memref<1x64x512xf32, #tpu.memory_space<hbm>> -> memref<64x512xf32, #tpu.memory_space<hbm>>
    %dma_start3A_1017 = arith.constant 0 : i32
    %dma_start3A_1018 = arith.constant 13312 : i32
    %dma_start3A_1019 = tpu.memref_slice %arg3[%add3A_517, %dma_start3A_1017, %dma_start3A_1018] : memref<200x64x16384xf32, #tpu.memory_space<hbm>> -> memref<1x64x512xf32, #tpu.memory_space<hbm>>
    %dma_start3A_1020 = tpu.memref_squeeze %dma_start3A_1019 : memref<1x64x512xf32, #tpu.memory_space<hbm>> -> memref<64x512xf32, #tpu.memory_space<hbm>>
    tpu.enqueue_dma source(%arg4 : memref<64x512xf32, #tpu.memory_space<vmem>>) target(%dma_start3A_1020 : memref<64x512xf32, #tpu.memory_space<hbm>>) target_semaphore(%arg6 : memref<!tpu.dma_semaphore, #tpu.memory_space<semaphore_mem>>)
    %dma_start3A_1021 = arith.constant 0 : i32
    %dma_start3A_1022 = arith.constant 13824 : i32
    %dma_start3A_1023 = tpu.memref_slice %arg3[%add3A_517, %dma_start3A_1021, %dma_start3A_1022] : memref<200x64x16384xf32, #tpu.memory_space<hbm>> -> memref<1x64x512xf32, #tpu.memory_space<hbm>>
    %dma_start3A_1024 = tpu.memref_squeeze %dma_start3A_1023 : memref<1x64x512xf32, #tpu.memory_space<hbm>> -> memref<64x512xf32, #tpu.memory_space<hbm>>
    %dma_start3A_1025 = arith.constant 0 : i32
    %dma_start3A_1026 = arith.constant 13824 : i32
    %dma_start3A_1027 = tpu.memref_slice %arg3[%add3A_517, %dma_start3A_1025, %dma_start3A_1026] : memref<200x64x16384xf32, #tpu.memory_space<hbm>> -> memref<1x64x512xf32, #tpu.memory_space<hbm>>
    %dma_start3A_1028 = tpu.memref_squeeze %dma_start3A_1027 : memref<1x64x512xf32, #tpu.memory_space<hbm>> -> memref<64x512xf32, #tpu.memory_space<hbm>>
    tpu.enqueue_dma source(%arg4 : memref<64x512xf32, #tpu.memory_space<vmem>>) target(%dma_start3A_1028 : memref<64x512xf32, #tpu.memory_space<hbm>>) target_semaphore(%arg6 : memref<!tpu.dma_semaphore, #tpu.memory_space<semaphore_mem>>)
    %dma_start3A_1029 = arith.constant 0 : i32
    %dma_start3A_1030 = arith.constant 14336 : i32
    %dma_start3A_1031 = tpu.memref_slice %arg3[%add3A_517, %dma_start3A_1029, %dma_start3A_1030] : memref<200x64x16384xf32, #tpu.memory_space<hbm>> -> memref<1x64x512xf32, #tpu.memory_space<hbm>>
    %dma_start3A_1032 = tpu.memref_squeeze %dma_start3A_1031 : memref<1x64x512xf32, #tpu.memory_space<hbm>> -> memref<64x512xf32, #tpu.memory_space<hbm>>
    %dma_start3A_1033 = arith.constant 0 : i32
    %dma_start3A_1034 = arith.constant 14336 : i32
    %dma_start3A_1035 = tpu.memref_slice %arg3[%add3A_517, %dma_start3A_1033, %dma_start3A_1034] : memref<200x64x16384xf32, #tpu.memory_space<hbm>> -> memref<1x64x512xf32, #tpu.memory_space<hbm>>
    %dma_start3A_1036 = tpu.memref_squeeze %dma_start3A_1035 : memref<1x64x512xf32, #tpu.memory_space<hbm>> -> memref<64x512xf32, #tpu.memory_space<hbm>>
    tpu.enqueue_dma source(%arg4 : memref<64x512xf32, #tpu.memory_space<vmem>>) target(%dma_start3A_1036 : memref<64x512xf32, #tpu.memory_space<hbm>>) target_semaphore(%arg6 : memref<!tpu.dma_semaphore, #tpu.memory_space<semaphore_mem>>)
    %dma_start3A_1037 = arith.constant 0 : i32
    %dma_start3A_1038 = arith.constant 14848 : i32
    %dma_start3A_1039 = tpu.memref_slice %arg3[%add3A_517, %dma_start3A_1037, %dma_start3A_1038] : memref<200x64x16384xf32, #tpu.memory_space<hbm>> -> memref<1x64x512xf32, #tpu.memory_space<hbm>>
    %dma_start3A_1040 = tpu.memref_squeeze %dma_start3A_1039 : memref<1x64x512xf32, #tpu.memory_space<hbm>> -> memref<64x512xf32, #tpu.memory_space<hbm>>
    %dma_start3A_1041 = arith.constant 0 : i32
    %dma_start3A_1042 = arith.constant 14848 : i32
    %dma_start3A_1043 = tpu.memref_slice %arg3[%add3A_517, %dma_start3A_1041, %dma_start3A_1042] : memref<200x64x16384xf32, #tpu.memory_space<hbm>> -> memref<1x64x512xf32, #tpu.memory_space<hbm>>
    %dma_start3A_1044 = tpu.memref_squeeze %dma_start3A_1043 : memref<1x64x512xf32, #tpu.memory_space<hbm>> -> memref<64x512xf32, #tpu.memory_space<hbm>>
    tpu.enqueue_dma source(%arg4 : memref<64x512xf32, #tpu.memory_space<vmem>>) target(%dma_start3A_1044 : memref<64x512xf32, #tpu.memory_space<hbm>>) target_semaphore(%arg6 : memref<!tpu.dma_semaphore, #tpu.memory_space<semaphore_mem>>)
    %dma_start3A_1045 = arith.constant 0 : i32
    %dma_start3A_1046 = arith.constant 15360 : i32
    %dma_start3A_1047 = tpu.memref_slice %arg3[%add3A_517, %dma_start3A_1045, %dma_start3A_1046] : memref<200x64x16384xf32, #tpu.memory_space<hbm>> -> memref<1x64x512xf32, #tpu.memory_space<hbm>>
    %dma_start3A_1048 = tpu.memref_squeeze %dma_start3A_1047 : memref<1x64x512xf32, #tpu.memory_space<hbm>> -> memref<64x512xf32, #tpu.memory_space<hbm>>
    %dma_start3A_1049 = arith.constant 0 : i32
    %dma_start3A_1050 = arith.constant 15360 : i32
    %dma_start3A_1051 = tpu.memref_slice %arg3[%add3A_517, %dma_start3A_1049, %dma_start3A_1050] : memref<200x64x16384xf32, #tpu.memory_space<hbm>> -> memref<1x64x512xf32, #tpu.memory_space<hbm>>
    %dma_start3A_1052 = tpu.memref_squeeze %dma_start3A_1051 : memref<1x64x512xf32, #tpu.memory_space<hbm>> -> memref<64x512xf32, #tpu.memory_space<hbm>>
    tpu.enqueue_dma source(%arg4 : memref<64x512xf32, #tpu.memory_space<vmem>>) target(%dma_start3A_1052 : memref<64x512xf32, #tpu.memory_space<hbm>>) target_semaphore(%arg6 : memref<!tpu.dma_semaphore, #tpu.memory_space<semaphore_mem>>)
    %dma_start3A_1053 = arith.constant 0 : i32
    %dma_start3A_1054 = arith.constant 15872 : i32
    %dma_start3A_1055 = tpu.memref_slice %arg3[%add3A_517, %dma_start3A_1053, %dma_start3A_1054] : memref<200x64x16384xf32, #tpu.memory_space<hbm>> -> memref<1x64x512xf32, #tpu.memory_space<hbm>>
    %dma_start3A_1056 = tpu.memref_squeeze %dma_start3A_1055 : memref<1x64x512xf32, #tpu.memory_space<hbm>> -> memref<64x512xf32, #tpu.memory_space<hbm>>
    %dma_start3A_1057 = arith.constant 0 : i32
    %dma_start3A_1058 = arith.constant 15872 : i32
    %dma_start3A_1059 = tpu.memref_slice %arg3[%add3A_517, %dma_start3A_1057, %dma_start3A_1058] : memref<200x64x16384xf32, #tpu.memory_space<hbm>> -> memref<1x64x512xf32, #tpu.memory_space<hbm>>
    %dma_start3A_1060 = tpu.memref_squeeze %dma_start3A_1059 : memref<1x64x512xf32, #tpu.memory_space<hbm>> -> memref<64x512xf32, #tpu.memory_space<hbm>>
    tpu.enqueue_dma source(%arg4 : memref<64x512xf32, #tpu.memory_space<vmem>>) target(%dma_start3A_1060 : memref<64x512xf32, #tpu.memory_space<hbm>>) target_semaphore(%arg6 : memref<!tpu.dma_semaphore, #tpu.memory_space<semaphore_mem>>)
    %add3A_1061 = arith.constant 96 : i32
    %add3A_1062 = arith.addi %add3A, %add3A_1061 : i32
    %dma_wait3A_1063 = arith.constant 0 : i32
    %dma_wait3A_1064 = arith.constant 0 : i32
    %dma_wait3A_1065 = arith.constant 0 : i32
    %dma_wait3A_1066 = tpu.memref_slice %arg3[%dma_wait3A_1063, %dma_wait3A_1064, %dma_wait3A_1065] : memref<200x64x16384xf32, #tpu.memory_space<hbm>> -> memref<1x64x512xf32, #tpu.memory_space<hbm>>
    %dma_wait3A_1067 = tpu.memref_squeeze %dma_wait3A_1066 : memref<1x64x512xf32, #tpu.memory_space<hbm>> -> memref<64x512xf32, #tpu.memory_space<hbm>>
    %dma_wait3A_1068 = arith.constant 0 : i32
    %dma_wait3A_1069 = arith.constant 0 : i32
    %dma_wait3A_1070 = tpu.memref_slice %arg3[%dma_wait3A_1063, %dma_wait3A_1068, %dma_wait3A_1069] : memref<200x64x16384xf32, #tpu.memory_space<hbm>> -> memref<1x64x512xf32, #tpu.memory_space<hbm>>
    %dma_wait3A_1071 = tpu.memref_squeeze %dma_wait3A_1070 : memref<1x64x512xf32, #tpu.memory_space<hbm>> -> memref<64x512xf32, #tpu.memory_space<hbm>>
    tpu.wait_dma2 semaphore(%arg7 : memref<!tpu.dma_semaphore, #tpu.memory_space<semaphore_mem>>) src(%arg5 : memref<64x512xf32, #tpu.memory_space<vmem>>) dst(%dma_wait3A_1071 : memref<64x512xf32, #tpu.memory_space<hbm>>)
    %dma_wait3A_1072 = arith.constant 0 : i32
    %dma_wait3A_1073 = arith.constant 0 : i32
    %dma_wait3A_1074 = arith.constant 512 : i32
    %dma_wait3A_1075 = tpu.memref_slice %arg3[%dma_wait3A_1072, %dma_wait3A_1073, %dma_wait3A_1074] : memref<200x64x16384xf32, #tpu.memory_space<hbm>> -> memref<1x64x512xf32, #tpu.memory_space<hbm>>
    %dma_wait3A_1076 = tpu.memref_squeeze %dma_wait3A_1075 : memref<1x64x512xf32, #tpu.memory_space<hbm>> -> memref<64x512xf32, #tpu.memory_space<hbm>>
    %dma_wait3A_1077 = arith.constant 0 : i32
    %dma_wait3A_1078 = arith.constant 512 : i32
    %dma_wait3A_1079 = tpu.memref_slice %arg3[%dma_wait3A_1072, %dma_wait3A_1077, %dma_wait3A_1078] : memref<200x64x16384xf32, #tpu.memory_space<hbm>> -> memref<1x64x512xf32, #tpu.memory_space<hbm>>
    %dma_wait3A_1080 = tpu.memref_squeeze %dma_wait3A_1079 : memref<1x64x512xf32, #tpu.memory_space<hbm>> -> memref<64x512xf32, #tpu.memory_space<hbm>>
    tpu.wait_dma2 semaphore(%arg7 : memref<!tpu.dma_semaphore, #tpu.memory_space<semaphore_mem>>) src(%arg5 : memref<64x512xf32, #tpu.memory_space<vmem>>) dst(%dma_wait3A_1080 : memref<64x512xf32, #tpu.memory_space<hbm>>)
    %dma_wait3A_1081 = arith.constant 0 : i32
    %dma_wait3A_1082 = arith.constant 0 : i32
    %dma_wait3A_1083 = arith.constant 1024 : i32
    %dma_wait3A_1084 = tpu.memref_slice %arg3[%dma_wait3A_1081, %dma_wait3A_1082, %dma_wait3A_1083] : memref<200x64x16384xf32, #tpu.memory_space<hbm>> -> memref<1x64x512xf32, #tpu.memory_space<hbm>>
    %dma_wait3A_1085 = tpu.memref_squeeze %dma_wait3A_1084 : memref<1x64x512xf32, #tpu.memory_space<hbm>> -> memref<64x512xf32, #tpu.memory_space<hbm>>
    %dma_wait3A_1086 = arith.constant 0 : i32
    %dma_wait3A_1087 = arith.constant 1024 : i32
    %dma_wait3A_1088 = tpu.memref_slice %arg3[%dma_wait3A_1081, %dma_wait3A_1086, %dma_wait3A_1087] : memref<200x64x16384xf32, #tpu.memory_space<hbm>> -> memref<1x64x512xf32, #tpu.memory_space<hbm>>
    %dma_wait3A_1089 = tpu.memref_squeeze %dma_wait3A_1088 : memref<1x64x512xf32, #tpu.memory_space<hbm>> -> memref<64x512xf32, #tpu.memory_space<hbm>>
    tpu.wait_dma2 semaphore(%arg7 : memref<!tpu.dma_semaphore, #tpu.memory_space<semaphore_mem>>) src(%arg5 : memref<64x512xf32, #tpu.memory_space<vmem>>) dst(%dma_wait3A_1089 : memref<64x512xf32, #tpu.memory_space<hbm>>)
    %dma_wait3A_1090 = arith.constant 0 : i32
    %dma_wait3A_1091 = arith.constant 0 : i32
    %dma_wait3A_1092 = arith.constant 1536 : i32
    %dma_wait3A_1093 = tpu.memref_slice %arg3[%dma_wait3A_1090, %dma_wait3A_1091, %dma_wait3A_1092] : memref<200x64x16384xf32, #tpu.memory_space<hbm>> -> memref<1x64x512xf32, #tpu.memory_space<hbm>>
    %dma_wait3A_1094 = tpu.memref_squeeze %dma_wait3A_1093 : memref<1x64x512xf32, #tpu.memory_space<hbm>> -> memref<64x512xf32, #tpu.memory_space<hbm>>
    %dma_wait3A_1095 = arith.constant 0 : i32
    %dma_wait3A_1096 = arith.constant 1536 : i32
    %dma_wait3A_1097 = tpu.memref_slice %arg3[%dma_wait3A_1090, %dma_wait3A_1095, %dma_wait3A_1096] : memref<200x64x16384xf32, #tpu.memory_space<hbm>> -> memref<1x64x512xf32, #tpu.memory_space<hbm>>
    %dma_wait3A_1098 = tpu.memref_squeeze %dma_wait3A_1097 : memref<1x64x512xf32, #tpu.memory_space<hbm>> -> memref<64x512xf32, #tpu.memory_space<hbm>>
    tpu.wait_dma2 semaphore(%arg7 : memref<!tpu.dma_semaphore, #tpu.memory_space<semaphore_mem>>) src(%arg5 : memref<64x512xf32, #tpu.memory_space<vmem>>) dst(%dma_wait3A_1098 : memref<64x512xf32, #tpu.memory_space<hbm>>)
    %dma_wait3A_1099 = arith.constant 0 : i32
    %dma_wait3A_1100 = arith.constant 0 : i32
    %dma_wait3A_1101 = arith.constant 2048 : i32
    %dma_wait3A_1102 = tpu.memref_slice %arg3[%dma_wait3A_1099, %dma_wait3A_1100, %dma_wait3A_1101] : memref<200x64x16384xf32, #tpu.memory_space<hbm>> -> memref<1x64x512xf32, #tpu.memory_space<hbm>>
    %dma_wait3A_1103 = tpu.memref_squeeze %dma_wait3A_1102 : memref<1x64x512xf32, #tpu.memory_space<hbm>> -> memref<64x512xf32, #tpu.memory_space<hbm>>
    %dma_wait3A_1104 = arith.constant 0 : i32
    %dma_wait3A_1105 = arith.constant 2048 : i32
    %dma_wait3A_1106 = tpu.memref_slice %arg3[%dma_wait3A_1099, %dma_wait3A_1104, %dma_wait3A_1105] : memref<200x64x16384xf32, #tpu.memory_space<hbm>> -> memref<1x64x512xf32, #tpu.memory_space<hbm>>
    %dma_wait3A_1107 = tpu.memref_squeeze %dma_wait3A_1106 : memref<1x64x512xf32, #tpu.memory_space<hbm>> -> memref<64x512xf32, #tpu.memory_space<hbm>>
    tpu.wait_dma2 semaphore(%arg7 : memref<!tpu.dma_semaphore, #tpu.memory_space<semaphore_mem>>) src(%arg5 : memref<64x512xf32, #tpu.memory_space<vmem>>) dst(%dma_wait3A_1107 : memref<64x512xf32, #tpu.memory_space<hbm>>)
    %dma_wait3A_1108 = arith.constant 0 : i32
    %dma_wait3A_1109 = arith.constant 0 : i32
    %dma_wait3A_1110 = arith.constant 2560 : i32
    %dma_wait3A_1111 = tpu.memref_slice %arg3[%dma_wait3A_1108, %dma_wait3A_1109, %dma_wait3A_1110] : memref<200x64x16384xf32, #tpu.memory_space<hbm>> -> memref<1x64x512xf32, #tpu.memory_space<hbm>>
    %dma_wait3A_1112 = tpu.memref_squeeze %dma_wait3A_1111 : memref<1x64x512xf32, #tpu.memory_space<hbm>> -> memref<64x512xf32, #tpu.memory_space<hbm>>
    %dma_wait3A_1113 = arith.constant 0 : i32
    %dma_wait3A_1114 = arith.constant 2560 : i32
    %dma_wait3A_1115 = tpu.memref_slice %arg3[%dma_wait3A_1108, %dma_wait3A_1113, %dma_wait3A_1114] : memref<200x64x16384xf32, #tpu.memory_space<hbm>> -> memref<1x64x512xf32, #tpu.memory_space<hbm>>
    %dma_wait3A_1116 = tpu.memref_squeeze %dma_wait3A_1115 : memref<1x64x512xf32, #tpu.memory_space<hbm>> -> memref<64x512xf32, #tpu.memory_space<hbm>>
    tpu.wait_dma2 semaphore(%arg7 : memref<!tpu.dma_semaphore, #tpu.memory_space<semaphore_mem>>) src(%arg5 : memref<64x512xf32, #tpu.memory_space<vmem>>) dst(%dma_wait3A_1116 : memref<64x512xf32, #tpu.memory_space<hbm>>)
    %dma_wait3A_1117 = arith.constant 0 : i32
    %dma_wait3A_1118 = arith.constant 0 : i32
    %dma_wait3A_1119 = arith.constant 3072 : i32
    %dma_wait3A_1120 = tpu.memref_slice %arg3[%dma_wait3A_1117, %dma_wait3A_1118, %dma_wait3A_1119] : memref<200x64x16384xf32, #tpu.memory_space<hbm>> -> memref<1x64x512xf32, #tpu.memory_space<hbm>>
    %dma_wait3A_1121 = tpu.memref_squeeze %dma_wait3A_1120 : memref<1x64x512xf32, #tpu.memory_space<hbm>> -> memref<64x512xf32, #tpu.memory_space<hbm>>
    %dma_wait3A_1122 = arith.constant 0 : i32
    %dma_wait3A_1123 = arith.constant 3072 : i32
    %dma_wait3A_1124 = tpu.memref_slice %arg3[%dma_wait3A_1117, %dma_wait3A_1122, %dma_wait3A_1123] : memref<200x64x16384xf32, #tpu.memory_space<hbm>> -> memref<1x64x512xf32, #tpu.memory_space<hbm>>
    %dma_wait3A_1125 = tpu.memref_squeeze %dma_wait3A_1124 : memref<1x64x512xf32, #tpu.memory_space<hbm>> -> memref<64x512xf32, #tpu.memory_space<hbm>>
    tpu.wait_dma2 semaphore(%arg7 : memref<!tpu.dma_semaphore, #tpu.memory_space<semaphore_mem>>) src(%arg5 : memref<64x512xf32, #tpu.memory_space<vmem>>) dst(%dma_wait3A_1125 : memref<64x512xf32, #tpu.memory_space<hbm>>)
    %dma_wait3A_1126 = arith.constant 0 : i32
    %dma_wait3A_1127 = arith.constant 0 : i32
    %dma_wait3A_1128 = arith.constant 3584 : i32
    %dma_wait3A_1129 = tpu.memref_slice %arg3[%dma_wait3A_1126, %dma_wait3A_1127, %dma_wait3A_1128] : memref<200x64x16384xf32, #tpu.memory_space<hbm>> -> memref<1x64x512xf32, #tpu.memory_space<hbm>>
    %dma_wait3A_1130 = tpu.memref_squeeze %dma_wait3A_1129 : memref<1x64x512xf32, #tpu.memory_space<hbm>> -> memref<64x512xf32, #tpu.memory_space<hbm>>
    %dma_wait3A_1131 = arith.constant 0 : i32
    %dma_wait3A_1132 = arith.constant 3584 : i32
    %dma_wait3A_1133 = tpu.memref_slice %arg3[%dma_wait3A_1126, %dma_wait3A_1131, %dma_wait3A_1132] : memref<200x64x16384xf32, #tpu.memory_space<hbm>> -> memref<1x64x512xf32, #tpu.memory_space<hbm>>
    %dma_wait3A_1134 = tpu.memref_squeeze %dma_wait3A_1133 : memref<1x64x512xf32, #tpu.memory_space<hbm>> -> memref<64x512xf32, #tpu.memory_space<hbm>>
    tpu.wait_dma2 semaphore(%arg7 : memref<!tpu.dma_semaphore, #tpu.memory_space<semaphore_mem>>) src(%arg5 : memref<64x512xf32, #tpu.memory_space<vmem>>) dst(%dma_wait3A_1134 : memref<64x512xf32, #tpu.memory_space<hbm>>)
    %dma_wait3A_1135 = arith.constant 0 : i32
    %dma_wait3A_1136 = arith.constant 0 : i32
    %dma_wait3A_1137 = arith.constant 4096 : i32
    %dma_wait3A_1138 = tpu.memref_slice %arg3[%dma_wait3A_1135, %dma_wait3A_1136, %dma_wait3A_1137] : memref<200x64x16384xf32, #tpu.memory_space<hbm>> -> memref<1x64x512xf32, #tpu.memory_space<hbm>>
    %dma_wait3A_1139 = tpu.memref_squeeze %dma_wait3A_1138 : memref<1x64x512xf32, #tpu.memory_space<hbm>> -> memref<64x512xf32, #tpu.memory_space<hbm>>
    %dma_wait3A_1140 = arith.constant 0 : i32
    %dma_wait3A_1141 = arith.constant 4096 : i32
    %dma_wait3A_1142 = tpu.memref_slice %arg3[%dma_wait3A_1135, %dma_wait3A_1140, %dma_wait3A_1141] : memref<200x64x16384xf32, #tpu.memory_space<hbm>> -> memref<1x64x512xf32, #tpu.memory_space<hbm>>
    %dma_wait3A_1143 = tpu.memref_squeeze %dma_wait3A_1142 : memref<1x64x512xf32, #tpu.memory_space<hbm>> -> memref<64x512xf32, #tpu.memory_space<hbm>>
    tpu.wait_dma2 semaphore(%arg7 : memref<!tpu.dma_semaphore, #tpu.memory_space<semaphore_mem>>) src(%arg5 : memref<64x512xf32, #tpu.memory_space<vmem>>) dst(%dma_wait3A_1143 : memref<64x512xf32, #tpu.memory_space<hbm>>)
    %dma_wait3A_1144 = arith.constant 0 : i32
    %dma_wait3A_1145 = arith.constant 0 : i32
    %dma_wait3A_1146 = arith.constant 4608 : i32
    %dma_wait3A_1147 = tpu.memref_slice %arg3[%dma_wait3A_1144, %dma_wait3A_1145, %dma_wait3A_1146] : memref<200x64x16384xf32, #tpu.memory_space<hbm>> -> memref<1x64x512xf32, #tpu.memory_space<hbm>>
    %dma_wait3A_1148 = tpu.memref_squeeze %dma_wait3A_1147 : memref<1x64x512xf32, #tpu.memory_space<hbm>> -> memref<64x512xf32, #tpu.memory_space<hbm>>
    %dma_wait3A_1149 = arith.constant 0 : i32
    %dma_wait3A_1150 = arith.constant 4608 : i32
    %dma_wait3A_1151 = tpu.memref_slice %arg3[%dma_wait3A_1144, %dma_wait3A_1149, %dma_wait3A_1150] : memref<200x64x16384xf32, #tpu.memory_space<hbm>> -> memref<1x64x512xf32, #tpu.memory_space<hbm>>
    %dma_wait3A_1152 = tpu.memref_squeeze %dma_wait3A_1151 : memref<1x64x512xf32, #tpu.memory_space<hbm>> -> memref<64x512xf32, #tpu.memory_space<hbm>>
    tpu.wait_dma2 semaphore(%arg7 : memref<!tpu.dma_semaphore, #tpu.memory_space<semaphore_mem>>) src(%arg5 : memref<64x512xf32, #tpu.memory_space<vmem>>) dst(%dma_wait3A_1152 : memref<64x512xf32, #tpu.memory_space<hbm>>)
    %dma_wait3A_1153 = arith.constant 0 : i32
    %dma_wait3A_1154 = arith.constant 0 : i32
    %dma_wait3A_1155 = arith.constant 5120 : i32
    %dma_wait3A_1156 = tpu.memref_slice %arg3[%dma_wait3A_1153, %dma_wait3A_1154, %dma_wait3A_1155] : memref<200x64x16384xf32, #tpu.memory_space<hbm>> -> memref<1x64x512xf32, #tpu.memory_space<hbm>>
    %dma_wait3A_1157 = tpu.memref_squeeze %dma_wait3A_1156 : memref<1x64x512xf32, #tpu.memory_space<hbm>> -> memref<64x512xf32, #tpu.memory_space<hbm>>
    %dma_wait3A_1158 = arith.constant 0 : i32
    %dma_wait3A_1159 = arith.constant 5120 : i32
    %dma_wait3A_1160 = tpu.memref_slice %arg3[%dma_wait3A_1153, %dma_wait3A_1158, %dma_wait3A_1159] : memref<200x64x16384xf32, #tpu.memory_space<hbm>> -> memref<1x64x512xf32, #tpu.memory_space<hbm>>
    %dma_wait3A_1161 = tpu.memref_squeeze %dma_wait3A_1160 : memref<1x64x512xf32, #tpu.memory_space<hbm>> -> memref<64x512xf32, #tpu.memory_space<hbm>>
    tpu.wait_dma2 semaphore(%arg7 : memref<!tpu.dma_semaphore, #tpu.memory_space<semaphore_mem>>) src(%arg5 : memref<64x512xf32, #tpu.memory_space<vmem>>) dst(%dma_wait3A_1161 : memref<64x512xf32, #tpu.memory_space<hbm>>)
    %dma_wait3A_1162 = arith.constant 0 : i32
    %dma_wait3A_1163 = arith.constant 0 : i32
    %dma_wait3A_1164 = arith.constant 5632 : i32
    %dma_wait3A_1165 = tpu.memref_slice %arg3[%dma_wait3A_1162, %dma_wait3A_1163, %dma_wait3A_1164] : memref<200x64x16384xf32, #tpu.memory_space<hbm>> -> memref<1x64x512xf32, #tpu.memory_space<hbm>>
    %dma_wait3A_1166 = tpu.memref_squeeze %dma_wait3A_1165 : memref<1x64x512xf32, #tpu.memory_space<hbm>> -> memref<64x512xf32, #tpu.memory_space<hbm>>
    %dma_wait3A_1167 = arith.constant 0 : i32
    %dma_wait3A_1168 = arith.constant 5632 : i32
    %dma_wait3A_1169 = tpu.memref_slice %arg3[%dma_wait3A_1162, %dma_wait3A_1167, %dma_wait3A_1168] : memref<200x64x16384xf32, #tpu.memory_space<hbm>> -> memref<1x64x512xf32, #tpu.memory_space<hbm>>
    %dma_wait3A_1170 = tpu.memref_squeeze %dma_wait3A_1169 : memref<1x64x512xf32, #tpu.memory_space<hbm>> -> memref<64x512xf32, #tpu.memory_space<hbm>>
    tpu.wait_dma2 semaphore(%arg7 : memref<!tpu.dma_semaphore, #tpu.memory_space<semaphore_mem>>) src(%arg5 : memref<64x512xf32, #tpu.memory_space<vmem>>) dst(%dma_wait3A_1170 : memref<64x512xf32, #tpu.memory_space<hbm>>)
    %dma_wait3A_1171 = arith.constant 0 : i32
    %dma_wait3A_1172 = arith.constant 0 : i32
    %dma_wait3A_1173 = arith.constant 6144 : i32
    %dma_wait3A_1174 = tpu.memref_slice %arg3[%dma_wait3A_1171, %dma_wait3A_1172, %dma_wait3A_1173] : memref<200x64x16384xf32, #tpu.memory_space<hbm>> -> memref<1x64x512xf32, #tpu.memory_space<hbm>>
    %dma_wait3A_1175 = tpu.memref_squeeze %dma_wait3A_1174 : memref<1x64x512xf32, #tpu.memory_space<hbm>> -> memref<64x512xf32, #tpu.memory_space<hbm>>
    %dma_wait3A_1176 = arith.constant 0 : i32
    %dma_wait3A_1177 = arith.constant 6144 : i32
    %dma_wait3A_1178 = tpu.memref_slice %arg3[%dma_wait3A_1171, %dma_wait3A_1176, %dma_wait3A_1177] : memref<200x64x16384xf32, #tpu.memory_space<hbm>> -> memref<1x64x512xf32, #tpu.memory_space<hbm>>
    %dma_wait3A_1179 = tpu.memref_squeeze %dma_wait3A_1178 : memref<1x64x512xf32, #tpu.memory_space<hbm>> -> memref<64x512xf32, #tpu.memory_space<hbm>>
    tpu.wait_dma2 semaphore(%arg7 : memref<!tpu.dma_semaphore, #tpu.memory_space<semaphore_mem>>) src(%arg5 : memref<64x512xf32, #tpu.memory_space<vmem>>) dst(%dma_wait3A_1179 : memref<64x512xf32, #tpu.memory_space<hbm>>)
    %dma_wait3A_1180 = arith.constant 0 : i32
    %dma_wait3A_1181 = arith.constant 0 : i32
    %dma_wait3A_1182 = arith.constant 6656 : i32
    %dma_wait3A_1183 = tpu.memref_slice %arg3[%dma_wait3A_1180, %dma_wait3A_1181, %dma_wait3A_1182] : memref<200x64x16384xf32, #tpu.memory_space<hbm>> -> memref<1x64x512xf32, #tpu.memory_space<hbm>>
    %dma_wait3A_1184 = tpu.memref_squeeze %dma_wait3A_1183 : memref<1x64x512xf32, #tpu.memory_space<hbm>> -> memref<64x512xf32, #tpu.memory_space<hbm>>
    %dma_wait3A_1185 = arith.constant 0 : i32
    %dma_wait3A_1186 = arith.constant 6656 : i32
    %dma_wait3A_1187 = tpu.memref_slice %arg3[%dma_wait3A_1180, %dma_wait3A_1185, %dma_wait3A_1186] : memref<200x64x16384xf32, #tpu.memory_space<hbm>> -> memref<1x64x512xf32, #tpu.memory_space<hbm>>
    %dma_wait3A_1188 = tpu.memref_squeeze %dma_wait3A_1187 : memref<1x64x512xf32, #tpu.memory_space<hbm>> -> memref<64x512xf32, #tpu.memory_space<hbm>>
    tpu.wait_dma2 semaphore(%arg7 : memref<!tpu.dma_semaphore, #tpu.memory_space<semaphore_mem>>) src(%arg5 : memref<64x512xf32, #tpu.memory_space<vmem>>) dst(%dma_wait3A_1188 : memref<64x512xf32, #tpu.memory_space<hbm>>)
    %dma_wait3A_1189 = arith.constant 0 : i32
    %dma_wait3A_1190 = arith.constant 0 : i32
    %dma_wait3A_1191 = arith.constant 7168 : i32
    %dma_wait3A_1192 = tpu.memref_slice %arg3[%dma_wait3A_1189, %dma_wait3A_1190, %dma_wait3A_1191] : memref<200x64x16384xf32, #tpu.memory_space<hbm>> -> memref<1x64x512xf32, #tpu.memory_space<hbm>>
    %dma_wait3A_1193 = tpu.memref_squeeze %dma_wait3A_1192 : memref<1x64x512xf32, #tpu.memory_space<hbm>> -> memref<64x512xf32, #tpu.memory_space<hbm>>
    %dma_wait3A_1194 = arith.constant 0 : i32
    %dma_wait3A_1195 = arith.constant 7168 : i32
    %dma_wait3A_1196 = tpu.memref_slice %arg3[%dma_wait3A_1189, %dma_wait3A_1194, %dma_wait3A_1195] : memref<200x64x16384xf32, #tpu.memory_space<hbm>> -> memref<1x64x512xf32, #tpu.memory_space<hbm>>
    %dma_wait3A_1197 = tpu.memref_squeeze %dma_wait3A_1196 : memref<1x64x512xf32, #tpu.memory_space<hbm>> -> memref<64x512xf32, #tpu.memory_space<hbm>>
    tpu.wait_dma2 semaphore(%arg7 : memref<!tpu.dma_semaphore, #tpu.memory_space<semaphore_mem>>) src(%arg5 : memref<64x512xf32, #tpu.memory_space<vmem>>) dst(%dma_wait3A_1197 : memref<64x512xf32, #tpu.memory_space<hbm>>)
    %dma_wait3A_1198 = arith.constant 0 : i32
    %dma_wait3A_1199 = arith.constant 0 : i32
    %dma_wait3A_1200 = arith.constant 7680 : i32
    %dma_wait3A_1201 = tpu.memref_slice %arg3[%dma_wait3A_1198, %dma_wait3A_1199, %dma_wait3A_1200] : memref<200x64x16384xf32, #tpu.memory_space<hbm>> -> memref<1x64x512xf32, #tpu.memory_space<hbm>>
    %dma_wait3A_1202 = tpu.memref_squeeze %dma_wait3A_1201 : memref<1x64x512xf32, #tpu.memory_space<hbm>> -> memref<64x512xf32, #tpu.memory_space<hbm>>
    %dma_wait3A_1203 = arith.constant 0 : i32
    %dma_wait3A_1204 = arith.constant 7680 : i32
    %dma_wait3A_1205 = tpu.memref_slice %arg3[%dma_wait3A_1198, %dma_wait3A_1203, %dma_wait3A_1204] : memref<200x64x16384xf32, #tpu.memory_space<hbm>> -> memref<1x64x512xf32, #tpu.memory_space<hbm>>
    %dma_wait3A_1206 = tpu.memref_squeeze %dma_wait3A_1205 : memref<1x64x512xf32, #tpu.memory_space<hbm>> -> memref<64x512xf32, #tpu.memory_space<hbm>>
    tpu.wait_dma2 semaphore(%arg7 : memref<!tpu.dma_semaphore, #tpu.memory_space<semaphore_mem>>) src(%arg5 : memref<64x512xf32, #tpu.memory_space<vmem>>) dst(%dma_wait3A_1206 : memref<64x512xf32, #tpu.memory_space<hbm>>)
    %dma_wait3A_1207 = arith.constant 0 : i32
    %dma_wait3A_1208 = arith.constant 0 : i32
    %dma_wait3A_1209 = arith.constant 8192 : i32
    %dma_wait3A_1210 = tpu.memref_slice %arg3[%dma_wait3A_1207, %dma_wait3A_1208, %dma_wait3A_1209] : memref<200x64x16384xf32, #tpu.memory_space<hbm>> -> memref<1x64x512xf32, #tpu.memory_space<hbm>>
    %dma_wait3A_1211 = tpu.memref_squeeze %dma_wait3A_1210 : memref<1x64x512xf32, #tpu.memory_space<hbm>> -> memref<64x512xf32, #tpu.memory_space<hbm>>
    %dma_wait3A_1212 = arith.constant 0 : i32
    %dma_wait3A_1213 = arith.constant 8192 : i32
    %dma_wait3A_1214 = tpu.memref_slice %arg3[%dma_wait3A_1207, %dma_wait3A_1212, %dma_wait3A_1213] : memref<200x64x16384xf32, #tpu.memory_space<hbm>> -> memref<1x64x512xf32, #tpu.memory_space<hbm>>
    %dma_wait3A_1215 = tpu.memref_squeeze %dma_wait3A_1214 : memref<1x64x512xf32, #tpu.memory_space<hbm>> -> memref<64x512xf32, #tpu.memory_space<hbm>>
    tpu.wait_dma2 semaphore(%arg7 : memref<!tpu.dma_semaphore, #tpu.memory_space<semaphore_mem>>) src(%arg5 : memref<64x512xf32, #tpu.memory_space<vmem>>) dst(%dma_wait3A_1215 : memref<64x512xf32, #tpu.memory_space<hbm>>)
    %dma_wait3A_1216 = arith.constant 0 : i32
    %dma_wait3A_1217 = arith.constant 0 : i32
    %dma_wait3A_1218 = arith.constant 8704 : i32
    %dma_wait3A_1219 = tpu.memref_slice %arg3[%dma_wait3A_1216, %dma_wait3A_1217, %dma_wait3A_1218] : memref<200x64x16384xf32, #tpu.memory_space<hbm>> -> memref<1x64x512xf32, #tpu.memory_space<hbm>>
    %dma_wait3A_1220 = tpu.memref_squeeze %dma_wait3A_1219 : memref<1x64x512xf32, #tpu.memory_space<hbm>> -> memref<64x512xf32, #tpu.memory_space<hbm>>
    %dma_wait3A_1221 = arith.constant 0 : i32
    %dma_wait3A_1222 = arith.constant 8704 : i32
    %dma_wait3A_1223 = tpu.memref_slice %arg3[%dma_wait3A_1216, %dma_wait3A_1221, %dma_wait3A_1222] : memref<200x64x16384xf32, #tpu.memory_space<hbm>> -> memref<1x64x512xf32, #tpu.memory_space<hbm>>
    %dma_wait3A_1224 = tpu.memref_squeeze %dma_wait3A_1223 : memref<1x64x512xf32, #tpu.memory_space<hbm>> -> memref<64x512xf32, #tpu.memory_space<hbm>>
    tpu.wait_dma2 semaphore(%arg7 : memref<!tpu.dma_semaphore, #tpu.memory_space<semaphore_mem>>) src(%arg5 : memref<64x512xf32, #tpu.memory_space<vmem>>) dst(%dma_wait3A_1224 : memref<64x512xf32, #tpu.memory_space<hbm>>)
    %dma_wait3A_1225 = arith.constant 0 : i32
    %dma_wait3A_1226 = arith.constant 0 : i32
    %dma_wait3A_1227 = arith.constant 9216 : i32
    %dma_wait3A_1228 = tpu.memref_slice %arg3[%dma_wait3A_1225, %dma_wait3A_1226, %dma_wait3A_1227] : memref<200x64x16384xf32, #tpu.memory_space<hbm>> -> memref<1x64x512xf32, #tpu.memory_space<hbm>>
    %dma_wait3A_1229 = tpu.memref_squeeze %dma_wait3A_1228 : memref<1x64x512xf32, #tpu.memory_space<hbm>> -> memref<64x512xf32, #tpu.memory_space<hbm>>
    %dma_wait3A_1230 = arith.constant 0 : i32
    %dma_wait3A_1231 = arith.constant 9216 : i32
    %dma_wait3A_1232 = tpu.memref_slice %arg3[%dma_wait3A_1225, %dma_wait3A_1230, %dma_wait3A_1231] : memref<200x64x16384xf32, #tpu.memory_space<hbm>> -> memref<1x64x512xf32, #tpu.memory_space<hbm>>
    %dma_wait3A_1233 = tpu.memref_squeeze %dma_wait3A_1232 : memref<1x64x512xf32, #tpu.memory_space<hbm>> -> memref<64x512xf32, #tpu.memory_space<hbm>>
    tpu.wait_dma2 semaphore(%arg7 : memref<!tpu.dma_semaphore, #tpu.memory_space<semaphore_mem>>) src(%arg5 : memref<64x512xf32, #tpu.memory_space<vmem>>) dst(%dma_wait3A_1233 : memref<64x512xf32, #tpu.memory_space<hbm>>)
    %dma_wait3A_1234 = arith.constant 0 : i32
    %dma_wait3A_1235 = arith.constant 0 : i32
    %dma_wait3A_1236 = arith.constant 9728 : i32
    %dma_wait3A_1237 = tpu.memref_slice %arg3[%dma_wait3A_1234, %dma_wait3A_1235, %dma_wait3A_1236] : memref<200x64x16384xf32, #tpu.memory_space<hbm>> -> memref<1x64x512xf32, #tpu.memory_space<hbm>>
    %dma_wait3A_1238 = tpu.memref_squeeze %dma_wait3A_1237 : memref<1x64x512xf32, #tpu.memory_space<hbm>> -> memref<64x512xf32, #tpu.memory_space<hbm>>
    %dma_wait3A_1239 = arith.constant 0 : i32
    %dma_wait3A_1240 = arith.constant 9728 : i32
    %dma_wait3A_1241 = tpu.memref_slice %arg3[%dma_wait3A_1234, %dma_wait3A_1239, %dma_wait3A_1240] : memref<200x64x16384xf32, #tpu.memory_space<hbm>> -> memref<1x64x512xf32, #tpu.memory_space<hbm>>
    %dma_wait3A_1242 = tpu.memref_squeeze %dma_wait3A_1241 : memref<1x64x512xf32, #tpu.memory_space<hbm>> -> memref<64x512xf32, #tpu.memory_space<hbm>>
    tpu.wait_dma2 semaphore(%arg7 : memref<!tpu.dma_semaphore, #tpu.memory_space<semaphore_mem>>) src(%arg5 : memref<64x512xf32, #tpu.memory_space<vmem>>) dst(%dma_wait3A_1242 : memref<64x512xf32, #tpu.memory_space<hbm>>)
    %dma_wait3A_1243 = arith.constant 0 : i32
    %dma_wait3A_1244 = arith.constant 0 : i32
    %dma_wait3A_1245 = arith.constant 10240 : i32
    %dma_wait3A_1246 = tpu.memref_slice %arg3[%dma_wait3A_1243, %dma_wait3A_1244, %dma_wait3A_1245] : memref<200x64x16384xf32, #tpu.memory_space<hbm>> -> memref<1x64x512xf32, #tpu.memory_space<hbm>>
    %dma_wait3A_1247 = tpu.memref_squeeze %dma_wait3A_1246 : memref<1x64x512xf32, #tpu.memory_space<hbm>> -> memref<64x512xf32, #tpu.memory_space<hbm>>
    %dma_wait3A_1248 = arith.constant 0 : i32
    %dma_wait3A_1249 = arith.constant 10240 : i32
    %dma_wait3A_1250 = tpu.memref_slice %arg3[%dma_wait3A_1243, %dma_wait3A_1248, %dma_wait3A_1249] : memref<200x64x16384xf32, #tpu.memory_space<hbm>> -> memref<1x64x512xf32, #tpu.memory_space<hbm>>
    %dma_wait3A_1251 = tpu.memref_squeeze %dma_wait3A_1250 : memref<1x64x512xf32, #tpu.memory_space<hbm>> -> memref<64x512xf32, #tpu.memory_space<hbm>>
    tpu.wait_dma2 semaphore(%arg7 : memref<!tpu.dma_semaphore, #tpu.memory_space<semaphore_mem>>) src(%arg5 : memref<64x512xf32, #tpu.memory_space<vmem>>) dst(%dma_wait3A_1251 : memref<64x512xf32, #tpu.memory_space<hbm>>)
    %dma_wait3A_1252 = arith.constant 0 : i32
    %dma_wait3A_1253 = arith.constant 0 : i32
    %dma_wait3A_1254 = arith.constant 10752 : i32
    %dma_wait3A_1255 = tpu.memref_slice %arg3[%dma_wait3A_1252, %dma_wait3A_1253, %dma_wait3A_1254] : memref<200x64x16384xf32, #tpu.memory_space<hbm>> -> memref<1x64x512xf32, #tpu.memory_space<hbm>>
    %dma_wait3A_1256 = tpu.memref_squeeze %dma_wait3A_1255 : memref<1x64x512xf32, #tpu.memory_space<hbm>> -> memref<64x512xf32, #tpu.memory_space<hbm>>
    %dma_wait3A_1257 = arith.constant 0 : i32
    %dma_wait3A_1258 = arith.constant 10752 : i32
    %dma_wait3A_1259 = tpu.memref_slice %arg3[%dma_wait3A_1252, %dma_wait3A_1257, %dma_wait3A_1258] : memref<200x64x16384xf32, #tpu.memory_space<hbm>> -> memref<1x64x512xf32, #tpu.memory_space<hbm>>
    %dma_wait3A_1260 = tpu.memref_squeeze %dma_wait3A_1259 : memref<1x64x512xf32, #tpu.memory_space<hbm>> -> memref<64x512xf32, #tpu.memory_space<hbm>>
    tpu.wait_dma2 semaphore(%arg7 : memref<!tpu.dma_semaphore, #tpu.memory_space<semaphore_mem>>) src(%arg5 : memref<64x512xf32, #tpu.memory_space<vmem>>) dst(%dma_wait3A_1260 : memref<64x512xf32, #tpu.memory_space<hbm>>)
    %dma_wait3A_1261 = arith.constant 0 : i32
    %dma_wait3A_1262 = arith.constant 0 : i32
    %dma_wait3A_1263 = arith.constant 11264 : i32
    %dma_wait3A_1264 = tpu.memref_slice %arg3[%dma_wait3A_1261, %dma_wait3A_1262, %dma_wait3A_1263] : memref<200x64x16384xf32, #tpu.memory_space<hbm>> -> memref<1x64x512xf32, #tpu.memory_space<hbm>>
    %dma_wait3A_1265 = tpu.memref_squeeze %dma_wait3A_1264 : memref<1x64x512xf32, #tpu.memory_space<hbm>> -> memref<64x512xf32, #tpu.memory_space<hbm>>
    %dma_wait3A_1266 = arith.constant 0 : i32
    %dma_wait3A_1267 = arith.constant 11264 : i32
    %dma_wait3A_1268 = tpu.memref_slice %arg3[%dma_wait3A_1261, %dma_wait3A_1266, %dma_wait3A_1267] : memref<200x64x16384xf32, #tpu.memory_space<hbm>> -> memref<1x64x512xf32, #tpu.memory_space<hbm>>
    %dma_wait3A_1269 = tpu.memref_squeeze %dma_wait3A_1268 : memref<1x64x512xf32, #tpu.memory_space<hbm>> -> memref<64x512xf32, #tpu.memory_space<hbm>>
    tpu.wait_dma2 semaphore(%arg7 : memref<!tpu.dma_semaphore, #tpu.memory_space<semaphore_mem>>) src(%arg5 : memref<64x512xf32, #tpu.memory_space<vmem>>) dst(%dma_wait3A_1269 : memref<64x512xf32, #tpu.memory_space<hbm>>)
    %dma_wait3A_1270 = arith.constant 0 : i32
    %dma_wait3A_1271 = arith.constant 0 : i32
    %dma_wait3A_1272 = arith.constant 11776 : i32
    %dma_wait3A_1273 = tpu.memref_slice %arg3[%dma_wait3A_1270, %dma_wait3A_1271, %dma_wait3A_1272] : memref<200x64x16384xf32, #tpu.memory_space<hbm>> -> memref<1x64x512xf32, #tpu.memory_space<hbm>>
    %dma_wait3A_1274 = tpu.memref_squeeze %dma_wait3A_1273 : memref<1x64x512xf32, #tpu.memory_space<hbm>> -> memref<64x512xf32, #tpu.memory_space<hbm>>
    %dma_wait3A_1275 = arith.constant 0 : i32
    %dma_wait3A_1276 = arith.constant 11776 : i32
    %dma_wait3A_1277 = tpu.memref_slice %arg3[%dma_wait3A_1270, %dma_wait3A_1275, %dma_wait3A_1276] : memref<200x64x16384xf32, #tpu.memory_space<hbm>> -> memref<1x64x512xf32, #tpu.memory_space<hbm>>
    %dma_wait3A_1278 = tpu.memref_squeeze %dma_wait3A_1277 : memref<1x64x512xf32, #tpu.memory_space<hbm>> -> memref<64x512xf32, #tpu.memory_space<hbm>>
    tpu.wait_dma2 semaphore(%arg7 : memref<!tpu.dma_semaphore, #tpu.memory_space<semaphore_mem>>) src(%arg5 : memref<64x512xf32, #tpu.memory_space<vmem>>) dst(%dma_wait3A_1278 : memref<64x512xf32, #tpu.memory_space<hbm>>)
    %dma_wait3A_1279 = arith.constant 0 : i32
    %dma_wait3A_1280 = arith.constant 0 : i32
    %dma_wait3A_1281 = arith.constant 12288 : i32
    %dma_wait3A_1282 = tpu.memref_slice %arg3[%dma_wait3A_1279, %dma_wait3A_1280, %dma_wait3A_1281] : memref<200x64x16384xf32, #tpu.memory_space<hbm>> -> memref<1x64x512xf32, #tpu.memory_space<hbm>>
    %dma_wait3A_1283 = tpu.memref_squeeze %dma_wait3A_1282 : memref<1x64x512xf32, #tpu.memory_space<hbm>> -> memref<64x512xf32, #tpu.memory_space<hbm>>
    %dma_wait3A_1284 = arith.constant 0 : i32
    %dma_wait3A_1285 = arith.constant 12288 : i32
    %dma_wait3A_1286 = tpu.memref_slice %arg3[%dma_wait3A_1279, %dma_wait3A_1284, %dma_wait3A_1285] : memref<200x64x16384xf32, #tpu.memory_space<hbm>> -> memref<1x64x512xf32, #tpu.memory_space<hbm>>
    %dma_wait3A_1287 = tpu.memref_squeeze %dma_wait3A_1286 : memref<1x64x512xf32, #tpu.memory_space<hbm>> -> memref<64x512xf32, #tpu.memory_space<hbm>>
    tpu.wait_dma2 semaphore(%arg7 : memref<!tpu.dma_semaphore, #tpu.memory_space<semaphore_mem>>) src(%arg5 : memref<64x512xf32, #tpu.memory_space<vmem>>) dst(%dma_wait3A_1287 : memref<64x512xf32, #tpu.memory_space<hbm>>)
    %dma_wait3A_1288 = arith.constant 0 : i32
    %dma_wait3A_1289 = arith.constant 0 : i32
    %dma_wait3A_1290 = arith.constant 12800 : i32
    %dma_wait3A_1291 = tpu.memref_slice %arg3[%dma_wait3A_1288, %dma_wait3A_1289, %dma_wait3A_1290] : memref<200x64x16384xf32, #tpu.memory_space<hbm>> -> memref<1x64x512xf32, #tpu.memory_space<hbm>>
    %dma_wait3A_1292 = tpu.memref_squeeze %dma_wait3A_1291 : memref<1x64x512xf32, #tpu.memory_space<hbm>> -> memref<64x512xf32, #tpu.memory_space<hbm>>
    %dma_wait3A_1293 = arith.constant 0 : i32
    %dma_wait3A_1294 = arith.constant 12800 : i32
    %dma_wait3A_1295 = tpu.memref_slice %arg3[%dma_wait3A_1288, %dma_wait3A_1293, %dma_wait3A_1294] : memref<200x64x16384xf32, #tpu.memory_space<hbm>> -> memref<1x64x512xf32, #tpu.memory_space<hbm>>
    %dma_wait3A_1296 = tpu.memref_squeeze %dma_wait3A_1295 : memref<1x64x512xf32, #tpu.memory_space<hbm>> -> memref<64x512xf32, #tpu.memory_space<hbm>>
    tpu.wait_dma2 semaphore(%arg7 : memref<!tpu.dma_semaphore, #tpu.memory_space<semaphore_mem>>) src(%arg5 : memref<64x512xf32, #tpu.memory_space<vmem>>) dst(%dma_wait3A_1296 : memref<64x512xf32, #tpu.memory_space<hbm>>)
    %dma_wait3A_1297 = arith.constant 0 : i32
    %dma_wait3A_1298 = arith.constant 0 : i32
    %dma_wait3A_1299 = arith.constant 13312 : i32
    %dma_wait3A_1300 = tpu.memref_slice %arg3[%dma_wait3A_1297, %dma_wait3A_1298, %dma_wait3A_1299] : memref<200x64x16384xf32, #tpu.memory_space<hbm>> -> memref<1x64x512xf32, #tpu.memory_space<hbm>>
    %dma_wait3A_1301 = tpu.memref_squeeze %dma_wait3A_1300 : memref<1x64x512xf32, #tpu.memory_space<hbm>> -> memref<64x512xf32, #tpu.memory_space<hbm>>
    %dma_wait3A_1302 = arith.constant 0 : i32
    %dma_wait3A_1303 = arith.constant 13312 : i32
    %dma_wait3A_1304 = tpu.memref_slice %arg3[%dma_wait3A_1297, %dma_wait3A_1302, %dma_wait3A_1303] : memref<200x64x16384xf32, #tpu.memory_space<hbm>> -> memref<1x64x512xf32, #tpu.memory_space<hbm>>
    %dma_wait3A_1305 = tpu.memref_squeeze %dma_wait3A_1304 : memref<1x64x512xf32, #tpu.memory_space<hbm>> -> memref<64x512xf32, #tpu.memory_space<hbm>>
    tpu.wait_dma2 semaphore(%arg7 : memref<!tpu.dma_semaphore, #tpu.memory_space<semaphore_mem>>) src(%arg5 : memref<64x512xf32, #tpu.memory_space<vmem>>) dst(%dma_wait3A_1305 : memref<64x512xf32, #tpu.memory_space<hbm>>)
    %dma_wait3A_1306 = arith.constant 0 : i32
    %dma_wait3A_1307 = arith.constant 0 : i32
    %dma_wait3A_1308 = arith.constant 13824 : i32
    %dma_wait3A_1309 = tpu.memref_slice %arg3[%dma_wait3A_1306, %dma_wait3A_1307, %dma_wait3A_1308] : memref<200x64x16384xf32, #tpu.memory_space<hbm>> -> memref<1x64x512xf32, #tpu.memory_space<hbm>>
    %dma_wait3A_1310 = tpu.memref_squeeze %dma_wait3A_1309 : memref<1x64x512xf32, #tpu.memory_space<hbm>> -> memref<64x512xf32, #tpu.memory_space<hbm>>
    %dma_wait3A_1311 = arith.constant 0 : i32
    %dma_wait3A_1312 = arith.constant 13824 : i32
    %dma_wait3A_1313 = tpu.memref_slice %arg3[%dma_wait3A_1306, %dma_wait3A_1311, %dma_wait3A_1312] : memref<200x64x16384xf32, #tpu.memory_space<hbm>> -> memref<1x64x512xf32, #tpu.memory_space<hbm>>
    %dma_wait3A_1314 = tpu.memref_squeeze %dma_wait3A_1313 : memref<1x64x512xf32, #tpu.memory_space<hbm>> -> memref<64x512xf32, #tpu.memory_space<hbm>>
    tpu.wait_dma2 semaphore(%arg7 : memref<!tpu.dma_semaphore, #tpu.memory_space<semaphore_mem>>) src(%arg5 : memref<64x512xf32, #tpu.memory_space<vmem>>) dst(%dma_wait3A_1314 : memref<64x512xf32, #tpu.memory_space<hbm>>)
    %dma_wait3A_1315 = arith.constant 0 : i32
    %dma_wait3A_1316 = arith.constant 0 : i32
    %dma_wait3A_1317 = arith.constant 14336 : i32
    %dma_wait3A_1318 = tpu.memref_slice %arg3[%dma_wait3A_1315, %dma_wait3A_1316, %dma_wait3A_1317] : memref<200x64x16384xf32, #tpu.memory_space<hbm>> -> memref<1x64x512xf32, #tpu.memory_space<hbm>>
    %dma_wait3A_1319 = tpu.memref_squeeze %dma_wait3A_1318 : memref<1x64x512xf32, #tpu.memory_space<hbm>> -> memref<64x512xf32, #tpu.memory_space<hbm>>
    %dma_wait3A_1320 = arith.constant 0 : i32
    %dma_wait3A_1321 = arith.constant 14336 : i32
    %dma_wait3A_1322 = tpu.memref_slice %arg3[%dma_wait3A_1315, %dma_wait3A_1320, %dma_wait3A_1321] : memref<200x64x16384xf32, #tpu.memory_space<hbm>> -> memref<1x64x512xf32, #tpu.memory_space<hbm>>
    %dma_wait3A_1323 = tpu.memref_squeeze %dma_wait3A_1322 : memref<1x64x512xf32, #tpu.memory_space<hbm>> -> memref<64x512xf32, #tpu.memory_space<hbm>>
    tpu.wait_dma2 semaphore(%arg7 : memref<!tpu.dma_semaphore, #tpu.memory_space<semaphore_mem>>) src(%arg5 : memref<64x512xf32, #tpu.memory_space<vmem>>) dst(%dma_wait3A_1323 : memref<64x512xf32, #tpu.memory_space<hbm>>)
    %dma_wait3A_1324 = arith.constant 0 : i32
    %dma_wait3A_1325 = arith.constant 0 : i32
    %dma_wait3A_1326 = arith.constant 14848 : i32
    %dma_wait3A_1327 = tpu.memref_slice %arg3[%dma_wait3A_1324, %dma_wait3A_1325, %dma_wait3A_1326] : memref<200x64x16384xf32, #tpu.memory_space<hbm>> -> memref<1x64x512xf32, #tpu.memory_space<hbm>>
    %dma_wait3A_1328 = tpu.memref_squeeze %dma_wait3A_1327 : memref<1x64x512xf32, #tpu.memory_space<hbm>> -> memref<64x512xf32, #tpu.memory_space<hbm>>
    %dma_wait3A_1329 = arith.constant 0 : i32
    %dma_wait3A_1330 = arith.constant 14848 : i32
    %dma_wait3A_1331 = tpu.memref_slice %arg3[%dma_wait3A_1324, %dma_wait3A_1329, %dma_wait3A_1330] : memref<200x64x16384xf32, #tpu.memory_space<hbm>> -> memref<1x64x512xf32, #tpu.memory_space<hbm>>
    %dma_wait3A_1332 = tpu.memref_squeeze %dma_wait3A_1331 : memref<1x64x512xf32, #tpu.memory_space<hbm>> -> memref<64x512xf32, #tpu.memory_space<hbm>>
    tpu.wait_dma2 semaphore(%arg7 : memref<!tpu.dma_semaphore, #tpu.memory_space<semaphore_mem>>) src(%arg5 : memref<64x512xf32, #tpu.memory_space<vmem>>) dst(%dma_wait3A_1332 : memref<64x512xf32, #tpu.memory_space<hbm>>)
    %dma_wait3A_1333 = arith.constant 0 : i32
    %dma_wait3A_1334 = arith.constant 0 : i32
    %dma_wait3A_1335 = arith.constant 15360 : i32
    %dma_wait3A_1336 = tpu.memref_slice %arg3[%dma_wait3A_1333, %dma_wait3A_1334, %dma_wait3A_1335] : memref<200x64x16384xf32, #tpu.memory_space<hbm>> -> memref<1x64x512xf32, #tpu.memory_space<hbm>>
    %dma_wait3A_1337 = tpu.memref_squeeze %dma_wait3A_1336 : memref<1x64x512xf32, #tpu.memory_space<hbm>> -> memref<64x512xf32, #tpu.memory_space<hbm>>
    %dma_wait3A_1338 = arith.constant 0 : i32
    %dma_wait3A_1339 = arith.constant 15360 : i32
    %dma_wait3A_1340 = tpu.memref_slice %arg3[%dma_wait3A_1333, %dma_wait3A_1338, %dma_wait3A_1339] : memref<200x64x16384xf32, #tpu.memory_space<hbm>> -> memref<1x64x512xf32, #tpu.memory_space<hbm>>
    %dma_wait3A_1341 = tpu.memref_squeeze %dma_wait3A_1340 : memref<1x64x512xf32, #tpu.memory_space<hbm>> -> memref<64x512xf32, #tpu.memory_space<hbm>>
    tpu.wait_dma2 semaphore(%arg7 : memref<!tpu.dma_semaphore, #tpu.memory_space<semaphore_mem>>) src(%arg5 : memref<64x512xf32, #tpu.memory_space<vmem>>) dst(%dma_wait3A_1341 : memref<64x512xf32, #tpu.memory_space<hbm>>)
    %dma_wait3A_1342 = arith.constant 0 : i32
    %dma_wait3A_1343 = arith.constant 0 : i32
    %dma_wait3A_1344 = arith.constant 15872 : i32
    %dma_wait3A_1345 = tpu.memref_slice %arg3[%dma_wait3A_1342, %dma_wait3A_1343, %dma_wait3A_1344] : memref<200x64x16384xf32, #tpu.memory_space<hbm>> -> memref<1x64x512xf32, #tpu.memory_space<hbm>>
    %dma_wait3A_1346 = tpu.memref_squeeze %dma_wait3A_1345 : memref<1x64x512xf32, #tpu.memory_space<hbm>> -> memref<64x512xf32, #tpu.memory_space<hbm>>
    %dma_wait3A_1347 = arith.constant 0 : i32
    %dma_wait3A_1348 = arith.constant 15872 : i32
    %dma_wait3A_1349 = tpu.memref_slice %arg3[%dma_wait3A_1342, %dma_wait3A_1347, %dma_wait3A_1348] : memref<200x64x16384xf32, #tpu.memory_space<hbm>> -> memref<1x64x512xf32, #tpu.memory_space<hbm>>
    %dma_wait3A_1350 = tpu.memref_squeeze %dma_wait3A_1349 : memref<1x64x512xf32, #tpu.memory_space<hbm>> -> memref<64x512xf32, #tpu.memory_space<hbm>>
    tpu.wait_dma2 semaphore(%arg7 : memref<!tpu.dma_semaphore, #tpu.memory_space<semaphore_mem>>) src(%arg5 : memref<64x512xf32, #tpu.memory_space<vmem>>) dst(%dma_wait3A_1350 : memref<64x512xf32, #tpu.memory_space<hbm>>)
    "tpu.region"() ({
      %run_scoped3A = tpu.sem_alloc : memref<!tpu.dma_semaphore, #tpu.memory_space<semaphore_mem>>
      %dma_start3A_2194 = arith.constant 0 : i32
      %dma_start3A_2195 = arith.constant 0 : i32
      %dma_start3A_2196 = tpu.memref_slice %arg2[%add3A_1062, %dma_start3A_2194, %dma_start3A_2195] : memref<152x64x512xf32, #tpu.memory_space<hbm>> -> memref<1x64x512xf32, #tpu.memory_space<hbm>>
      %dma_start3A_2197 = tpu.memref_squeeze %dma_start3A_2196 : memref<1x64x512xf32, #tpu.memory_space<hbm>> -> memref<64x512xf32, #tpu.memory_space<hbm>>
      %dma_start3A_2198 = arith.constant 0 : i32
      %dma_start3A_2199 = arith.constant 0 : i32
      %dma_start3A_2200 = tpu.memref_slice %arg2[%add3A_1062, %dma_start3A_2198, %dma_start3A_2199] : memref<152x64x512xf32, #tpu.memory_space<hbm>> -> memref<1x64x512xf32, #tpu.memory_space<hbm>>
      %dma_start3A_2201 = tpu.memref_squeeze %dma_start3A_2200 : memref<1x64x512xf32, #tpu.memory_space<hbm>> -> memref<64x512xf32, #tpu.memory_space<hbm>>
      tpu.enqueue_dma source(%dma_start3A_2201 : memref<64x512xf32, #tpu.memory_space<hbm>>) target(%arg5 : memref<64x512xf32, #tpu.memory_space<vmem>>) target_semaphore(%run_scoped3A : memref<!tpu.dma_semaphore, #tpu.memory_space<semaphore_mem>>)
      %dma_wait3A_2202 = arith.constant 0 : i32
      %dma_wait3A_2203 = arith.constant 0 : i32
      %dma_wait3A_2204 = tpu.memref_slice %arg2[%add3A_1062, %dma_wait3A_2202, %dma_wait3A_2203] : memref<152x64x512xf32, #tpu.memory_space<hbm>> -> memref<1x64x512xf32, #tpu.memory_space<hbm>>
      %dma_wait3A_2205 = tpu.memref_squeeze %dma_wait3A_2204 : memref<1x64x512xf32, #tpu.memory_space<hbm>> -> memref<64x512xf32, #tpu.memory_space<hbm>>
      %dma_wait3A_2206 = arith.constant 0 : i32
      %dma_wait3A_2207 = arith.constant 0 : i32
      %dma_wait3A_2208 = tpu.memref_slice %arg2[%add3A_1062, %dma_wait3A_2206, %dma_wait3A_2207] : memref<152x64x512xf32, #tpu.memory_space<hbm>> -> memref<1x64x512xf32, #tpu.memory_space<hbm>>
      %dma_wait3A_2209 = tpu.memref_squeeze %dma_wait3A_2208 : memref<1x64x512xf32, #tpu.memory_space<hbm>> -> memref<64x512xf32, #tpu.memory_space<hbm>>
      tpu.wait_dma2 semaphore(%run_scoped3A : memref<!tpu.dma_semaphore, #tpu.memory_space<semaphore_mem>>) src(%dma_wait3A_2209 : memref<64x512xf32, #tpu.memory_space<hbm>>) dst(%arg5 : memref<64x512xf32, #tpu.memory_space<vmem>>)
      tpu.yield
    }) : () -> ()
    %dma_start3A_1351 = arith.constant 0 : i32
    %dma_start3A_1352 = arith.constant 0 : i32
    %dma_start3A_1353 = tpu.memref_slice %arg3[%add3A_1062, %dma_start3A_1351, %dma_start3A_1352] : memref<200x64x16384xf32, #tpu.memory_space<hbm>> -> memref<1x64x512xf32, #tpu.memory_space<hbm>>
    %dma_start3A_1354 = tpu.memref_squeeze %dma_start3A_1353 : memref<1x64x512xf32, #tpu.memory_space<hbm>> -> memref<64x512xf32, #tpu.memory_space<hbm>>
    %dma_start3A_1355 = arith.constant 0 : i32
    %dma_start3A_1356 = arith.constant 0 : i32
    %dma_start3A_1357 = tpu.memref_slice %arg3[%add3A_1062, %dma_start3A_1355, %dma_start3A_1356] : memref<200x64x16384xf32, #tpu.memory_space<hbm>> -> memref<1x64x512xf32, #tpu.memory_space<hbm>>
    %dma_start3A_1358 = tpu.memref_squeeze %dma_start3A_1357 : memref<1x64x512xf32, #tpu.memory_space<hbm>> -> memref<64x512xf32, #tpu.memory_space<hbm>>
    tpu.enqueue_dma source(%arg5 : memref<64x512xf32, #tpu.memory_space<vmem>>) target(%dma_start3A_1358 : memref<64x512xf32, #tpu.memory_space<hbm>>) target_semaphore(%arg7 : memref<!tpu.dma_semaphore, #tpu.memory_space<semaphore_mem>>)
    %dma_start3A_1359 = arith.constant 0 : i32
    %dma_start3A_1360 = arith.constant 512 : i32
    %dma_start3A_1361 = tpu.memref_slice %arg3[%add3A_1062, %dma_start3A_1359, %dma_start3A_1360] : memref<200x64x16384xf32, #tpu.memory_space<hbm>> -> memref<1x64x512xf32, #tpu.memory_space<hbm>>
    %dma_start3A_1362 = tpu.memref_squeeze %dma_start3A_1361 : memref<1x64x512xf32, #tpu.memory_space<hbm>> -> memref<64x512xf32, #tpu.memory_space<hbm>>
    %dma_start3A_1363 = arith.constant 0 : i32
    %dma_start3A_1364 = arith.constant 512 : i32
    %dma_start3A_1365 = tpu.memref_slice %arg3[%add3A_1062, %dma_start3A_1363, %dma_start3A_1364] : memref<200x64x16384xf32, #tpu.memory_space<hbm>> -> memref<1x64x512xf32, #tpu.memory_space<hbm>>
    %dma_start3A_1366 = tpu.memref_squeeze %dma_start3A_1365 : memref<1x64x512xf32, #tpu.memory_space<hbm>> -> memref<64x512xf32, #tpu.memory_space<hbm>>
    tpu.enqueue_dma source(%arg5 : memref<64x512xf32, #tpu.memory_space<vmem>>) target(%dma_start3A_1366 : memref<64x512xf32, #tpu.memory_space<hbm>>) target_semaphore(%arg7 : memref<!tpu.dma_semaphore, #tpu.memory_space<semaphore_mem>>)
    %dma_start3A_1367 = arith.constant 0 : i32
    %dma_start3A_1368 = arith.constant 1024 : i32
    %dma_start3A_1369 = tpu.memref_slice %arg3[%add3A_1062, %dma_start3A_1367, %dma_start3A_1368] : memref<200x64x16384xf32, #tpu.memory_space<hbm>> -> memref<1x64x512xf32, #tpu.memory_space<hbm>>
    %dma_start3A_1370 = tpu.memref_squeeze %dma_start3A_1369 : memref<1x64x512xf32, #tpu.memory_space<hbm>> -> memref<64x512xf32, #tpu.memory_space<hbm>>
    %dma_start3A_1371 = arith.constant 0 : i32
    %dma_start3A_1372 = arith.constant 1024 : i32
    %dma_start3A_1373 = tpu.memref_slice %arg3[%add3A_1062, %dma_start3A_1371, %dma_start3A_1372] : memref<200x64x16384xf32, #tpu.memory_space<hbm>> -> memref<1x64x512xf32, #tpu.memory_space<hbm>>
    %dma_start3A_1374 = tpu.memref_squeeze %dma_start3A_1373 : memref<1x64x512xf32, #tpu.memory_space<hbm>> -> memref<64x512xf32, #tpu.memory_space<hbm>>
    tpu.enqueue_dma source(%arg5 : memref<64x512xf32, #tpu.memory_space<vmem>>) target(%dma_start3A_1374 : memref<64x512xf32, #tpu.memory_space<hbm>>) target_semaphore(%arg7 : memref<!tpu.dma_semaphore, #tpu.memory_space<semaphore_mem>>)
    %dma_start3A_1375 = arith.constant 0 : i32
    %dma_start3A_1376 = arith.constant 1536 : i32
    %dma_start3A_1377 = tpu.memref_slice %arg3[%add3A_1062, %dma_start3A_1375, %dma_start3A_1376] : memref<200x64x16384xf32, #tpu.memory_space<hbm>> -> memref<1x64x512xf32, #tpu.memory_space<hbm>>
    %dma_start3A_1378 = tpu.memref_squeeze %dma_start3A_1377 : memref<1x64x512xf32, #tpu.memory_space<hbm>> -> memref<64x512xf32, #tpu.memory_space<hbm>>
    %dma_start3A_1379 = arith.constant 0 : i32
    %dma_start3A_1380 = arith.constant 1536 : i32
    %dma_start3A_1381 = tpu.memref_slice %arg3[%add3A_1062, %dma_start3A_1379, %dma_start3A_1380] : memref<200x64x16384xf32, #tpu.memory_space<hbm>> -> memref<1x64x512xf32, #tpu.memory_space<hbm>>
    %dma_start3A_1382 = tpu.memref_squeeze %dma_start3A_1381 : memref<1x64x512xf32, #tpu.memory_space<hbm>> -> memref<64x512xf32, #tpu.memory_space<hbm>>
    tpu.enqueue_dma source(%arg5 : memref<64x512xf32, #tpu.memory_space<vmem>>) target(%dma_start3A_1382 : memref<64x512xf32, #tpu.memory_space<hbm>>) target_semaphore(%arg7 : memref<!tpu.dma_semaphore, #tpu.memory_space<semaphore_mem>>)
    %dma_start3A_1383 = arith.constant 0 : i32
    %dma_start3A_1384 = arith.constant 2048 : i32
    %dma_start3A_1385 = tpu.memref_slice %arg3[%add3A_1062, %dma_start3A_1383, %dma_start3A_1384] : memref<200x64x16384xf32, #tpu.memory_space<hbm>> -> memref<1x64x512xf32, #tpu.memory_space<hbm>>
    %dma_start3A_1386 = tpu.memref_squeeze %dma_start3A_1385 : memref<1x64x512xf32, #tpu.memory_space<hbm>> -> memref<64x512xf32, #tpu.memory_space<hbm>>
    %dma_start3A_1387 = arith.constant 0 : i32
    %dma_start3A_1388 = arith.constant 2048 : i32
    %dma_start3A_1389 = tpu.memref_slice %arg3[%add3A_1062, %dma_start3A_1387, %dma_start3A_1388] : memref<200x64x16384xf32, #tpu.memory_space<hbm>> -> memref<1x64x512xf32, #tpu.memory_space<hbm>>
    %dma_start3A_1390 = tpu.memref_squeeze %dma_start3A_1389 : memref<1x64x512xf32, #tpu.memory_space<hbm>> -> memref<64x512xf32, #tpu.memory_space<hbm>>
    tpu.enqueue_dma source(%arg5 : memref<64x512xf32, #tpu.memory_space<vmem>>) target(%dma_start3A_1390 : memref<64x512xf32, #tpu.memory_space<hbm>>) target_semaphore(%arg7 : memref<!tpu.dma_semaphore, #tpu.memory_space<semaphore_mem>>)
    %dma_start3A_1391 = arith.constant 0 : i32
    %dma_start3A_1392 = arith.constant 2560 : i32
    %dma_start3A_1393 = tpu.memref_slice %arg3[%add3A_1062, %dma_start3A_1391, %dma_start3A_1392] : memref<200x64x16384xf32, #tpu.memory_space<hbm>> -> memref<1x64x512xf32, #tpu.memory_space<hbm>>
    %dma_start3A_1394 = tpu.memref_squeeze %dma_start3A_1393 : memref<1x64x512xf32, #tpu.memory_space<hbm>> -> memref<64x512xf32, #tpu.memory_space<hbm>>
    %dma_start3A_1395 = arith.constant 0 : i32
    %dma_start3A_1396 = arith.constant 2560 : i32
    %dma_start3A_1397 = tpu.memref_slice %arg3[%add3A_1062, %dma_start3A_1395, %dma_start3A_1396] : memref<200x64x16384xf32, #tpu.memory_space<hbm>> -> memref<1x64x512xf32, #tpu.memory_space<hbm>>
    %dma_start3A_1398 = tpu.memref_squeeze %dma_start3A_1397 : memref<1x64x512xf32, #tpu.memory_space<hbm>> -> memref<64x512xf32, #tpu.memory_space<hbm>>
    tpu.enqueue_dma source(%arg5 : memref<64x512xf32, #tpu.memory_space<vmem>>) target(%dma_start3A_1398 : memref<64x512xf32, #tpu.memory_space<hbm>>) target_semaphore(%arg7 : memref<!tpu.dma_semaphore, #tpu.memory_space<semaphore_mem>>)
    %dma_start3A_1399 = arith.constant 0 : i32
    %dma_start3A_1400 = arith.constant 3072 : i32
    %dma_start3A_1401 = tpu.memref_slice %arg3[%add3A_1062, %dma_start3A_1399, %dma_start3A_1400] : memref<200x64x16384xf32, #tpu.memory_space<hbm>> -> memref<1x64x512xf32, #tpu.memory_space<hbm>>
    %dma_start3A_1402 = tpu.memref_squeeze %dma_start3A_1401 : memref<1x64x512xf32, #tpu.memory_space<hbm>> -> memref<64x512xf32, #tpu.memory_space<hbm>>
    %dma_start3A_1403 = arith.constant 0 : i32
    %dma_start3A_1404 = arith.constant 3072 : i32
    %dma_start3A_1405 = tpu.memref_slice %arg3[%add3A_1062, %dma_start3A_1403, %dma_start3A_1404] : memref<200x64x16384xf32, #tpu.memory_space<hbm>> -> memref<1x64x512xf32, #tpu.memory_space<hbm>>
    %dma_start3A_1406 = tpu.memref_squeeze %dma_start3A_1405 : memref<1x64x512xf32, #tpu.memory_space<hbm>> -> memref<64x512xf32, #tpu.memory_space<hbm>>
    tpu.enqueue_dma source(%arg5 : memref<64x512xf32, #tpu.memory_space<vmem>>) target(%dma_start3A_1406 : memref<64x512xf32, #tpu.memory_space<hbm>>) target_semaphore(%arg7 : memref<!tpu.dma_semaphore, #tpu.memory_space<semaphore_mem>>)
    %dma_start3A_1407 = arith.constant 0 : i32
    %dma_start3A_1408 = arith.constant 3584 : i32
    %dma_start3A_1409 = tpu.memref_slice %arg3[%add3A_1062, %dma_start3A_1407, %dma_start3A_1408] : memref<200x64x16384xf32, #tpu.memory_space<hbm>> -> memref<1x64x512xf32, #tpu.memory_space<hbm>>
    %dma_start3A_1410 = tpu.memref_squeeze %dma_start3A_1409 : memref<1x64x512xf32, #tpu.memory_space<hbm>> -> memref<64x512xf32, #tpu.memory_space<hbm>>
    %dma_start3A_1411 = arith.constant 0 : i32
    %dma_start3A_1412 = arith.constant 3584 : i32
    %dma_start3A_1413 = tpu.memref_slice %arg3[%add3A_1062, %dma_start3A_1411, %dma_start3A_1412] : memref<200x64x16384xf32, #tpu.memory_space<hbm>> -> memref<1x64x512xf32, #tpu.memory_space<hbm>>
    %dma_start3A_1414 = tpu.memref_squeeze %dma_start3A_1413 : memref<1x64x512xf32, #tpu.memory_space<hbm>> -> memref<64x512xf32, #tpu.memory_space<hbm>>
    tpu.enqueue_dma source(%arg5 : memref<64x512xf32, #tpu.memory_space<vmem>>) target(%dma_start3A_1414 : memref<64x512xf32, #tpu.memory_space<hbm>>) target_semaphore(%arg7 : memref<!tpu.dma_semaphore, #tpu.memory_space<semaphore_mem>>)
    %dma_start3A_1415 = arith.constant 0 : i32
    %dma_start3A_1416 = arith.constant 4096 : i32
    %dma_start3A_1417 = tpu.memref_slice %arg3[%add3A_1062, %dma_start3A_1415, %dma_start3A_1416] : memref<200x64x16384xf32, #tpu.memory_space<hbm>> -> memref<1x64x512xf32, #tpu.memory_space<hbm>>
    %dma_start3A_1418 = tpu.memref_squeeze %dma_start3A_1417 : memref<1x64x512xf32, #tpu.memory_space<hbm>> -> memref<64x512xf32, #tpu.memory_space<hbm>>
    %dma_start3A_1419 = arith.constant 0 : i32
    %dma_start3A_1420 = arith.constant 4096 : i32
    %dma_start3A_1421 = tpu.memref_slice %arg3[%add3A_1062, %dma_start3A_1419, %dma_start3A_1420] : memref<200x64x16384xf32, #tpu.memory_space<hbm>> -> memref<1x64x512xf32, #tpu.memory_space<hbm>>
    %dma_start3A_1422 = tpu.memref_squeeze %dma_start3A_1421 : memref<1x64x512xf32, #tpu.memory_space<hbm>> -> memref<64x512xf32, #tpu.memory_space<hbm>>
    tpu.enqueue_dma source(%arg5 : memref<64x512xf32, #tpu.memory_space<vmem>>) target(%dma_start3A_1422 : memref<64x512xf32, #tpu.memory_space<hbm>>) target_semaphore(%arg7 : memref<!tpu.dma_semaphore, #tpu.memory_space<semaphore_mem>>)
    %dma_start3A_1423 = arith.constant 0 : i32
    %dma_start3A_1424 = arith.constant 4608 : i32
    %dma_start3A_1425 = tpu.memref_slice %arg3[%add3A_1062, %dma_start3A_1423, %dma_start3A_1424] : memref<200x64x16384xf32, #tpu.memory_space<hbm>> -> memref<1x64x512xf32, #tpu.memory_space<hbm>>
    %dma_start3A_1426 = tpu.memref_squeeze %dma_start3A_1425 : memref<1x64x512xf32, #tpu.memory_space<hbm>> -> memref<64x512xf32, #tpu.memory_space<hbm>>
    %dma_start3A_1427 = arith.constant 0 : i32
    %dma_start3A_1428 = arith.constant 4608 : i32
    %dma_start3A_1429 = tpu.memref_slice %arg3[%add3A_1062, %dma_start3A_1427, %dma_start3A_1428] : memref<200x64x16384xf32, #tpu.memory_space<hbm>> -> memref<1x64x512xf32, #tpu.memory_space<hbm>>
    %dma_start3A_1430 = tpu.memref_squeeze %dma_start3A_1429 : memref<1x64x512xf32, #tpu.memory_space<hbm>> -> memref<64x512xf32, #tpu.memory_space<hbm>>
    tpu.enqueue_dma source(%arg5 : memref<64x512xf32, #tpu.memory_space<vmem>>) target(%dma_start3A_1430 : memref<64x512xf32, #tpu.memory_space<hbm>>) target_semaphore(%arg7 : memref<!tpu.dma_semaphore, #tpu.memory_space<semaphore_mem>>)
    %dma_start3A_1431 = arith.constant 0 : i32
    %dma_start3A_1432 = arith.constant 5120 : i32
    %dma_start3A_1433 = tpu.memref_slice %arg3[%add3A_1062, %dma_start3A_1431, %dma_start3A_1432] : memref<200x64x16384xf32, #tpu.memory_space<hbm>> -> memref<1x64x512xf32, #tpu.memory_space<hbm>>
    %dma_start3A_1434 = tpu.memref_squeeze %dma_start3A_1433 : memref<1x64x512xf32, #tpu.memory_space<hbm>> -> memref<64x512xf32, #tpu.memory_space<hbm>>
    %dma_start3A_1435 = arith.constant 0 : i32
    %dma_start3A_1436 = arith.constant 5120 : i32
    %dma_start3A_1437 = tpu.memref_slice %arg3[%add3A_1062, %dma_start3A_1435, %dma_start3A_1436] : memref<200x64x16384xf32, #tpu.memory_space<hbm>> -> memref<1x64x512xf32, #tpu.memory_space<hbm>>
    %dma_start3A_1438 = tpu.memref_squeeze %dma_start3A_1437 : memref<1x64x512xf32, #tpu.memory_space<hbm>> -> memref<64x512xf32, #tpu.memory_space<hbm>>
    tpu.enqueue_dma source(%arg5 : memref<64x512xf32, #tpu.memory_space<vmem>>) target(%dma_start3A_1438 : memref<64x512xf32, #tpu.memory_space<hbm>>) target_semaphore(%arg7 : memref<!tpu.dma_semaphore, #tpu.memory_space<semaphore_mem>>)
    %dma_start3A_1439 = arith.constant 0 : i32
    %dma_start3A_1440 = arith.constant 5632 : i32
    %dma_start3A_1441 = tpu.memref_slice %arg3[%add3A_1062, %dma_start3A_1439, %dma_start3A_1440] : memref<200x64x16384xf32, #tpu.memory_space<hbm>> -> memref<1x64x512xf32, #tpu.memory_space<hbm>>
    %dma_start3A_1442 = tpu.memref_squeeze %dma_start3A_1441 : memref<1x64x512xf32, #tpu.memory_space<hbm>> -> memref<64x512xf32, #tpu.memory_space<hbm>>
    %dma_start3A_1443 = arith.constant 0 : i32
    %dma_start3A_1444 = arith.constant 5632 : i32
    %dma_start3A_1445 = tpu.memref_slice %arg3[%add3A_1062, %dma_start3A_1443, %dma_start3A_1444] : memref<200x64x16384xf32, #tpu.memory_space<hbm>> -> memref<1x64x512xf32, #tpu.memory_space<hbm>>
    %dma_start3A_1446 = tpu.memref_squeeze %dma_start3A_1445 : memref<1x64x512xf32, #tpu.memory_space<hbm>> -> memref<64x512xf32, #tpu.memory_space<hbm>>
    tpu.enqueue_dma source(%arg5 : memref<64x512xf32, #tpu.memory_space<vmem>>) target(%dma_start3A_1446 : memref<64x512xf32, #tpu.memory_space<hbm>>) target_semaphore(%arg7 : memref<!tpu.dma_semaphore, #tpu.memory_space<semaphore_mem>>)
    %dma_start3A_1447 = arith.constant 0 : i32
    %dma_start3A_1448 = arith.constant 6144 : i32
    %dma_start3A_1449 = tpu.memref_slice %arg3[%add3A_1062, %dma_start3A_1447, %dma_start3A_1448] : memref<200x64x16384xf32, #tpu.memory_space<hbm>> -> memref<1x64x512xf32, #tpu.memory_space<hbm>>
    %dma_start3A_1450 = tpu.memref_squeeze %dma_start3A_1449 : memref<1x64x512xf32, #tpu.memory_space<hbm>> -> memref<64x512xf32, #tpu.memory_space<hbm>>
    %dma_start3A_1451 = arith.constant 0 : i32
    %dma_start3A_1452 = arith.constant 6144 : i32
    %dma_start3A_1453 = tpu.memref_slice %arg3[%add3A_1062, %dma_start3A_1451, %dma_start3A_1452] : memref<200x64x16384xf32, #tpu.memory_space<hbm>> -> memref<1x64x512xf32, #tpu.memory_space<hbm>>
    %dma_start3A_1454 = tpu.memref_squeeze %dma_start3A_1453 : memref<1x64x512xf32, #tpu.memory_space<hbm>> -> memref<64x512xf32, #tpu.memory_space<hbm>>
    tpu.enqueue_dma source(%arg5 : memref<64x512xf32, #tpu.memory_space<vmem>>) target(%dma_start3A_1454 : memref<64x512xf32, #tpu.memory_space<hbm>>) target_semaphore(%arg7 : memref<!tpu.dma_semaphore, #tpu.memory_space<semaphore_mem>>)
    %dma_start3A_1455 = arith.constant 0 : i32
    %dma_start3A_1456 = arith.constant 6656 : i32
    %dma_start3A_1457 = tpu.memref_slice %arg3[%add3A_1062, %dma_start3A_1455, %dma_start3A_1456] : memref<200x64x16384xf32, #tpu.memory_space<hbm>> -> memref<1x64x512xf32, #tpu.memory_space<hbm>>
    %dma_start3A_1458 = tpu.memref_squeeze %dma_start3A_1457 : memref<1x64x512xf32, #tpu.memory_space<hbm>> -> memref<64x512xf32, #tpu.memory_space<hbm>>
    %dma_start3A_1459 = arith.constant 0 : i32
    %dma_start3A_1460 = arith.constant 6656 : i32
    %dma_start3A_1461 = tpu.memref_slice %arg3[%add3A_1062, %dma_start3A_1459, %dma_start3A_1460] : memref<200x64x16384xf32, #tpu.memory_space<hbm>> -> memref<1x64x512xf32, #tpu.memory_space<hbm>>
    %dma_start3A_1462 = tpu.memref_squeeze %dma_start3A_1461 : memref<1x64x512xf32, #tpu.memory_space<hbm>> -> memref<64x512xf32, #tpu.memory_space<hbm>>
    tpu.enqueue_dma source(%arg5 : memref<64x512xf32, #tpu.memory_space<vmem>>) target(%dma_start3A_1462 : memref<64x512xf32, #tpu.memory_space<hbm>>) target_semaphore(%arg7 : memref<!tpu.dma_semaphore, #tpu.memory_space<semaphore_mem>>)
    %dma_start3A_1463 = arith.constant 0 : i32
    %dma_start3A_1464 = arith.constant 7168 : i32
    %dma_start3A_1465 = tpu.memref_slice %arg3[%add3A_1062, %dma_start3A_1463, %dma_start3A_1464] : memref<200x64x16384xf32, #tpu.memory_space<hbm>> -> memref<1x64x512xf32, #tpu.memory_space<hbm>>
    %dma_start3A_1466 = tpu.memref_squeeze %dma_start3A_1465 : memref<1x64x512xf32, #tpu.memory_space<hbm>> -> memref<64x512xf32, #tpu.memory_space<hbm>>
    %dma_start3A_1467 = arith.constant 0 : i32
    %dma_start3A_1468 = arith.constant 7168 : i32
    %dma_start3A_1469 = tpu.memref_slice %arg3[%add3A_1062, %dma_start3A_1467, %dma_start3A_1468] : memref<200x64x16384xf32, #tpu.memory_space<hbm>> -> memref<1x64x512xf32, #tpu.memory_space<hbm>>
    %dma_start3A_1470 = tpu.memref_squeeze %dma_start3A_1469 : memref<1x64x512xf32, #tpu.memory_space<hbm>> -> memref<64x512xf32, #tpu.memory_space<hbm>>
    tpu.enqueue_dma source(%arg5 : memref<64x512xf32, #tpu.memory_space<vmem>>) target(%dma_start3A_1470 : memref<64x512xf32, #tpu.memory_space<hbm>>) target_semaphore(%arg7 : memref<!tpu.dma_semaphore, #tpu.memory_space<semaphore_mem>>)
    %dma_start3A_1471 = arith.constant 0 : i32
    %dma_start3A_1472 = arith.constant 7680 : i32
    %dma_start3A_1473 = tpu.memref_slice %arg3[%add3A_1062, %dma_start3A_1471, %dma_start3A_1472] : memref<200x64x16384xf32, #tpu.memory_space<hbm>> -> memref<1x64x512xf32, #tpu.memory_space<hbm>>
    %dma_start3A_1474 = tpu.memref_squeeze %dma_start3A_1473 : memref<1x64x512xf32, #tpu.memory_space<hbm>> -> memref<64x512xf32, #tpu.memory_space<hbm>>
    %dma_start3A_1475 = arith.constant 0 : i32
    %dma_start3A_1476 = arith.constant 7680 : i32
    %dma_start3A_1477 = tpu.memref_slice %arg3[%add3A_1062, %dma_start3A_1475, %dma_start3A_1476] : memref<200x64x16384xf32, #tpu.memory_space<hbm>> -> memref<1x64x512xf32, #tpu.memory_space<hbm>>
    %dma_start3A_1478 = tpu.memref_squeeze %dma_start3A_1477 : memref<1x64x512xf32, #tpu.memory_space<hbm>> -> memref<64x512xf32, #tpu.memory_space<hbm>>
    tpu.enqueue_dma source(%arg5 : memref<64x512xf32, #tpu.memory_space<vmem>>) target(%dma_start3A_1478 : memref<64x512xf32, #tpu.memory_space<hbm>>) target_semaphore(%arg7 : memref<!tpu.dma_semaphore, #tpu.memory_space<semaphore_mem>>)
    %dma_start3A_1479 = arith.constant 0 : i32
    %dma_start3A_1480 = arith.constant 8192 : i32
    %dma_start3A_1481 = tpu.memref_slice %arg3[%add3A_1062, %dma_start3A_1479, %dma_start3A_1480] : memref<200x64x16384xf32, #tpu.memory_space<hbm>> -> memref<1x64x512xf32, #tpu.memory_space<hbm>>
    %dma_start3A_1482 = tpu.memref_squeeze %dma_start3A_1481 : memref<1x64x512xf32, #tpu.memory_space<hbm>> -> memref<64x512xf32, #tpu.memory_space<hbm>>
    %dma_start3A_1483 = arith.constant 0 : i32
    %dma_start3A_1484 = arith.constant 8192 : i32
    %dma_start3A_1485 = tpu.memref_slice %arg3[%add3A_1062, %dma_start3A_1483, %dma_start3A_1484] : memref<200x64x16384xf32, #tpu.memory_space<hbm>> -> memref<1x64x512xf32, #tpu.memory_space<hbm>>
    %dma_start3A_1486 = tpu.memref_squeeze %dma_start3A_1485 : memref<1x64x512xf32, #tpu.memory_space<hbm>> -> memref<64x512xf32, #tpu.memory_space<hbm>>
    tpu.enqueue_dma source(%arg5 : memref<64x512xf32, #tpu.memory_space<vmem>>) target(%dma_start3A_1486 : memref<64x512xf32, #tpu.memory_space<hbm>>) target_semaphore(%arg7 : memref<!tpu.dma_semaphore, #tpu.memory_space<semaphore_mem>>)
    %dma_start3A_1487 = arith.constant 0 : i32
    %dma_start3A_1488 = arith.constant 8704 : i32
    %dma_start3A_1489 = tpu.memref_slice %arg3[%add3A_1062, %dma_start3A_1487, %dma_start3A_1488] : memref<200x64x16384xf32, #tpu.memory_space<hbm>> -> memref<1x64x512xf32, #tpu.memory_space<hbm>>
    %dma_start3A_1490 = tpu.memref_squeeze %dma_start3A_1489 : memref<1x64x512xf32, #tpu.memory_space<hbm>> -> memref<64x512xf32, #tpu.memory_space<hbm>>
    %dma_start3A_1491 = arith.constant 0 : i32
    %dma_start3A_1492 = arith.constant 8704 : i32
    %dma_start3A_1493 = tpu.memref_slice %arg3[%add3A_1062, %dma_start3A_1491, %dma_start3A_1492] : memref<200x64x16384xf32, #tpu.memory_space<hbm>> -> memref<1x64x512xf32, #tpu.memory_space<hbm>>
    %dma_start3A_1494 = tpu.memref_squeeze %dma_start3A_1493 : memref<1x64x512xf32, #tpu.memory_space<hbm>> -> memref<64x512xf32, #tpu.memory_space<hbm>>
    tpu.enqueue_dma source(%arg5 : memref<64x512xf32, #tpu.memory_space<vmem>>) target(%dma_start3A_1494 : memref<64x512xf32, #tpu.memory_space<hbm>>) target_semaphore(%arg7 : memref<!tpu.dma_semaphore, #tpu.memory_space<semaphore_mem>>)
    %dma_start3A_1495 = arith.constant 0 : i32
    %dma_start3A_1496 = arith.constant 9216 : i32
    %dma_start3A_1497 = tpu.memref_slice %arg3[%add3A_1062, %dma_start3A_1495, %dma_start3A_1496] : memref<200x64x16384xf32, #tpu.memory_space<hbm>> -> memref<1x64x512xf32, #tpu.memory_space<hbm>>
    %dma_start3A_1498 = tpu.memref_squeeze %dma_start3A_1497 : memref<1x64x512xf32, #tpu.memory_space<hbm>> -> memref<64x512xf32, #tpu.memory_space<hbm>>
    %dma_start3A_1499 = arith.constant 0 : i32
    %dma_start3A_1500 = arith.constant 9216 : i32
    %dma_start3A_1501 = tpu.memref_slice %arg3[%add3A_1062, %dma_start3A_1499, %dma_start3A_1500] : memref<200x64x16384xf32, #tpu.memory_space<hbm>> -> memref<1x64x512xf32, #tpu.memory_space<hbm>>
    %dma_start3A_1502 = tpu.memref_squeeze %dma_start3A_1501 : memref<1x64x512xf32, #tpu.memory_space<hbm>> -> memref<64x512xf32, #tpu.memory_space<hbm>>
    tpu.enqueue_dma source(%arg5 : memref<64x512xf32, #tpu.memory_space<vmem>>) target(%dma_start3A_1502 : memref<64x512xf32, #tpu.memory_space<hbm>>) target_semaphore(%arg7 : memref<!tpu.dma_semaphore, #tpu.memory_space<semaphore_mem>>)
    %dma_start3A_1503 = arith.constant 0 : i32
    %dma_start3A_1504 = arith.constant 9728 : i32
    %dma_start3A_1505 = tpu.memref_slice %arg3[%add3A_1062, %dma_start3A_1503, %dma_start3A_1504] : memref<200x64x16384xf32, #tpu.memory_space<hbm>> -> memref<1x64x512xf32, #tpu.memory_space<hbm>>
    %dma_start3A_1506 = tpu.memref_squeeze %dma_start3A_1505 : memref<1x64x512xf32, #tpu.memory_space<hbm>> -> memref<64x512xf32, #tpu.memory_space<hbm>>
    %dma_start3A_1507 = arith.constant 0 : i32
    %dma_start3A_1508 = arith.constant 9728 : i32
    %dma_start3A_1509 = tpu.memref_slice %arg3[%add3A_1062, %dma_start3A_1507, %dma_start3A_1508] : memref<200x64x16384xf32, #tpu.memory_space<hbm>> -> memref<1x64x512xf32, #tpu.memory_space<hbm>>
    %dma_start3A_1510 = tpu.memref_squeeze %dma_start3A_1509 : memref<1x64x512xf32, #tpu.memory_space<hbm>> -> memref<64x512xf32, #tpu.memory_space<hbm>>
    tpu.enqueue_dma source(%arg5 : memref<64x512xf32, #tpu.memory_space<vmem>>) target(%dma_start3A_1510 : memref<64x512xf32, #tpu.memory_space<hbm>>) target_semaphore(%arg7 : memref<!tpu.dma_semaphore, #tpu.memory_space<semaphore_mem>>)
    %dma_start3A_1511 = arith.constant 0 : i32
    %dma_start3A_1512 = arith.constant 10240 : i32
    %dma_start3A_1513 = tpu.memref_slice %arg3[%add3A_1062, %dma_start3A_1511, %dma_start3A_1512] : memref<200x64x16384xf32, #tpu.memory_space<hbm>> -> memref<1x64x512xf32, #tpu.memory_space<hbm>>
    %dma_start3A_1514 = tpu.memref_squeeze %dma_start3A_1513 : memref<1x64x512xf32, #tpu.memory_space<hbm>> -> memref<64x512xf32, #tpu.memory_space<hbm>>
    %dma_start3A_1515 = arith.constant 0 : i32
    %dma_start3A_1516 = arith.constant 10240 : i32
    %dma_start3A_1517 = tpu.memref_slice %arg3[%add3A_1062, %dma_start3A_1515, %dma_start3A_1516] : memref<200x64x16384xf32, #tpu.memory_space<hbm>> -> memref<1x64x512xf32, #tpu.memory_space<hbm>>
    %dma_start3A_1518 = tpu.memref_squeeze %dma_start3A_1517 : memref<1x64x512xf32, #tpu.memory_space<hbm>> -> memref<64x512xf32, #tpu.memory_space<hbm>>
    tpu.enqueue_dma source(%arg5 : memref<64x512xf32, #tpu.memory_space<vmem>>) target(%dma_start3A_1518 : memref<64x512xf32, #tpu.memory_space<hbm>>) target_semaphore(%arg7 : memref<!tpu.dma_semaphore, #tpu.memory_space<semaphore_mem>>)
    %dma_start3A_1519 = arith.constant 0 : i32
    %dma_start3A_1520 = arith.constant 10752 : i32
    %dma_start3A_1521 = tpu.memref_slice %arg3[%add3A_1062, %dma_start3A_1519, %dma_start3A_1520] : memref<200x64x16384xf32, #tpu.memory_space<hbm>> -> memref<1x64x512xf32, #tpu.memory_space<hbm>>
    %dma_start3A_1522 = tpu.memref_squeeze %dma_start3A_1521 : memref<1x64x512xf32, #tpu.memory_space<hbm>> -> memref<64x512xf32, #tpu.memory_space<hbm>>
    %dma_start3A_1523 = arith.constant 0 : i32
    %dma_start3A_1524 = arith.constant 10752 : i32
    %dma_start3A_1525 = tpu.memref_slice %arg3[%add3A_1062, %dma_start3A_1523, %dma_start3A_1524] : memref<200x64x16384xf32, #tpu.memory_space<hbm>> -> memref<1x64x512xf32, #tpu.memory_space<hbm>>
    %dma_start3A_1526 = tpu.memref_squeeze %dma_start3A_1525 : memref<1x64x512xf32, #tpu.memory_space<hbm>> -> memref<64x512xf32, #tpu.memory_space<hbm>>
    tpu.enqueue_dma source(%arg5 : memref<64x512xf32, #tpu.memory_space<vmem>>) target(%dma_start3A_1526 : memref<64x512xf32, #tpu.memory_space<hbm>>) target_semaphore(%arg7 : memref<!tpu.dma_semaphore, #tpu.memory_space<semaphore_mem>>)
    %dma_start3A_1527 = arith.constant 0 : i32
    %dma_start3A_1528 = arith.constant 11264 : i32
    %dma_start3A_1529 = tpu.memref_slice %arg3[%add3A_1062, %dma_start3A_1527, %dma_start3A_1528] : memref<200x64x16384xf32, #tpu.memory_space<hbm>> -> memref<1x64x512xf32, #tpu.memory_space<hbm>>
    %dma_start3A_1530 = tpu.memref_squeeze %dma_start3A_1529 : memref<1x64x512xf32, #tpu.memory_space<hbm>> -> memref<64x512xf32, #tpu.memory_space<hbm>>
    %dma_start3A_1531 = arith.constant 0 : i32
    %dma_start3A_1532 = arith.constant 11264 : i32
    %dma_start3A_1533 = tpu.memref_slice %arg3[%add3A_1062, %dma_start3A_1531, %dma_start3A_1532] : memref<200x64x16384xf32, #tpu.memory_space<hbm>> -> memref<1x64x512xf32, #tpu.memory_space<hbm>>
    %dma_start3A_1534 = tpu.memref_squeeze %dma_start3A_1533 : memref<1x64x512xf32, #tpu.memory_space<hbm>> -> memref<64x512xf32, #tpu.memory_space<hbm>>
    tpu.enqueue_dma source(%arg5 : memref<64x512xf32, #tpu.memory_space<vmem>>) target(%dma_start3A_1534 : memref<64x512xf32, #tpu.memory_space<hbm>>) target_semaphore(%arg7 : memref<!tpu.dma_semaphore, #tpu.memory_space<semaphore_mem>>)
    %dma_start3A_1535 = arith.constant 0 : i32
    %dma_start3A_1536 = arith.constant 11776 : i32
    %dma_start3A_1537 = tpu.memref_slice %arg3[%add3A_1062, %dma_start3A_1535, %dma_start3A_1536] : memref<200x64x16384xf32, #tpu.memory_space<hbm>> -> memref<1x64x512xf32, #tpu.memory_space<hbm>>
    %dma_start3A_1538 = tpu.memref_squeeze %dma_start3A_1537 : memref<1x64x512xf32, #tpu.memory_space<hbm>> -> memref<64x512xf32, #tpu.memory_space<hbm>>
    %dma_start3A_1539 = arith.constant 0 : i32
    %dma_start3A_1540 = arith.constant 11776 : i32
    %dma_start3A_1541 = tpu.memref_slice %arg3[%add3A_1062, %dma_start3A_1539, %dma_start3A_1540] : memref<200x64x16384xf32, #tpu.memory_space<hbm>> -> memref<1x64x512xf32, #tpu.memory_space<hbm>>
    %dma_start3A_1542 = tpu.memref_squeeze %dma_start3A_1541 : memref<1x64x512xf32, #tpu.memory_space<hbm>> -> memref<64x512xf32, #tpu.memory_space<hbm>>
    tpu.enqueue_dma source(%arg5 : memref<64x512xf32, #tpu.memory_space<vmem>>) target(%dma_start3A_1542 : memref<64x512xf32, #tpu.memory_space<hbm>>) target_semaphore(%arg7 : memref<!tpu.dma_semaphore, #tpu.memory_space<semaphore_mem>>)
    %dma_start3A_1543 = arith.constant 0 : i32
    %dma_start3A_1544 = arith.constant 12288 : i32
    %dma_start3A_1545 = tpu.memref_slice %arg3[%add3A_1062, %dma_start3A_1543, %dma_start3A_1544] : memref<200x64x16384xf32, #tpu.memory_space<hbm>> -> memref<1x64x512xf32, #tpu.memory_space<hbm>>
    %dma_start3A_1546 = tpu.memref_squeeze %dma_start3A_1545 : memref<1x64x512xf32, #tpu.memory_space<hbm>> -> memref<64x512xf32, #tpu.memory_space<hbm>>
    %dma_start3A_1547 = arith.constant 0 : i32
    %dma_start3A_1548 = arith.constant 12288 : i32
    %dma_start3A_1549 = tpu.memref_slice %arg3[%add3A_1062, %dma_start3A_1547, %dma_start3A_1548] : memref<200x64x16384xf32, #tpu.memory_space<hbm>> -> memref<1x64x512xf32, #tpu.memory_space<hbm>>
    %dma_start3A_1550 = tpu.memref_squeeze %dma_start3A_1549 : memref<1x64x512xf32, #tpu.memory_space<hbm>> -> memref<64x512xf32, #tpu.memory_space<hbm>>
    tpu.enqueue_dma source(%arg5 : memref<64x512xf32, #tpu.memory_space<vmem>>) target(%dma_start3A_1550 : memref<64x512xf32, #tpu.memory_space<hbm>>) target_semaphore(%arg7 : memref<!tpu.dma_semaphore, #tpu.memory_space<semaphore_mem>>)
    %dma_start3A_1551 = arith.constant 0 : i32
    %dma_start3A_1552 = arith.constant 12800 : i32
    %dma_start3A_1553 = tpu.memref_slice %arg3[%add3A_1062, %dma_start3A_1551, %dma_start3A_1552] : memref<200x64x16384xf32, #tpu.memory_space<hbm>> -> memref<1x64x512xf32, #tpu.memory_space<hbm>>
    %dma_start3A_1554 = tpu.memref_squeeze %dma_start3A_1553 : memref<1x64x512xf32, #tpu.memory_space<hbm>> -> memref<64x512xf32, #tpu.memory_space<hbm>>
    %dma_start3A_1555 = arith.constant 0 : i32
    %dma_start3A_1556 = arith.constant 12800 : i32
    %dma_start3A_1557 = tpu.memref_slice %arg3[%add3A_1062, %dma_start3A_1555, %dma_start3A_1556] : memref<200x64x16384xf32, #tpu.memory_space<hbm>> -> memref<1x64x512xf32, #tpu.memory_space<hbm>>
    %dma_start3A_1558 = tpu.memref_squeeze %dma_start3A_1557 : memref<1x64x512xf32, #tpu.memory_space<hbm>> -> memref<64x512xf32, #tpu.memory_space<hbm>>
    tpu.enqueue_dma source(%arg5 : memref<64x512xf32, #tpu.memory_space<vmem>>) target(%dma_start3A_1558 : memref<64x512xf32, #tpu.memory_space<hbm>>) target_semaphore(%arg7 : memref<!tpu.dma_semaphore, #tpu.memory_space<semaphore_mem>>)
    %dma_start3A_1559 = arith.constant 0 : i32
    %dma_start3A_1560 = arith.constant 13312 : i32
    %dma_start3A_1561 = tpu.memref_slice %arg3[%add3A_1062, %dma_start3A_1559, %dma_start3A_1560] : memref<200x64x16384xf32, #tpu.memory_space<hbm>> -> memref<1x64x512xf32, #tpu.memory_space<hbm>>
    %dma_start3A_1562 = tpu.memref_squeeze %dma_start3A_1561 : memref<1x64x512xf32, #tpu.memory_space<hbm>> -> memref<64x512xf32, #tpu.memory_space<hbm>>
    %dma_start3A_1563 = arith.constant 0 : i32
    %dma_start3A_1564 = arith.constant 13312 : i32
    %dma_start3A_1565 = tpu.memref_slice %arg3[%add3A_1062, %dma_start3A_1563, %dma_start3A_1564] : memref<200x64x16384xf32, #tpu.memory_space<hbm>> -> memref<1x64x512xf32, #tpu.memory_space<hbm>>
    %dma_start3A_1566 = tpu.memref_squeeze %dma_start3A_1565 : memref<1x64x512xf32, #tpu.memory_space<hbm>> -> memref<64x512xf32, #tpu.memory_space<hbm>>
    tpu.enqueue_dma source(%arg5 : memref<64x512xf32, #tpu.memory_space<vmem>>) target(%dma_start3A_1566 : memref<64x512xf32, #tpu.memory_space<hbm>>) target_semaphore(%arg7 : memref<!tpu.dma_semaphore, #tpu.memory_space<semaphore_mem>>)
    %dma_start3A_1567 = arith.constant 0 : i32
    %dma_start3A_1568 = arith.constant 13824 : i32
    %dma_start3A_1569 = tpu.memref_slice %arg3[%add3A_1062, %dma_start3A_1567, %dma_start3A_1568] : memref<200x64x16384xf32, #tpu.memory_space<hbm>> -> memref<1x64x512xf32, #tpu.memory_space<hbm>>
    %dma_start3A_1570 = tpu.memref_squeeze %dma_start3A_1569 : memref<1x64x512xf32, #tpu.memory_space<hbm>> -> memref<64x512xf32, #tpu.memory_space<hbm>>
    %dma_start3A_1571 = arith.constant 0 : i32
    %dma_start3A_1572 = arith.constant 13824 : i32
    %dma_start3A_1573 = tpu.memref_slice %arg3[%add3A_1062, %dma_start3A_1571, %dma_start3A_1572] : memref<200x64x16384xf32, #tpu.memory_space<hbm>> -> memref<1x64x512xf32, #tpu.memory_space<hbm>>
    %dma_start3A_1574 = tpu.memref_squeeze %dma_start3A_1573 : memref<1x64x512xf32, #tpu.memory_space<hbm>> -> memref<64x512xf32, #tpu.memory_space<hbm>>
    tpu.enqueue_dma source(%arg5 : memref<64x512xf32, #tpu.memory_space<vmem>>) target(%dma_start3A_1574 : memref<64x512xf32, #tpu.memory_space<hbm>>) target_semaphore(%arg7 : memref<!tpu.dma_semaphore, #tpu.memory_space<semaphore_mem>>)
    %dma_start3A_1575 = arith.constant 0 : i32
    %dma_start3A_1576 = arith.constant 14336 : i32
    %dma_start3A_1577 = tpu.memref_slice %arg3[%add3A_1062, %dma_start3A_1575, %dma_start3A_1576] : memref<200x64x16384xf32, #tpu.memory_space<hbm>> -> memref<1x64x512xf32, #tpu.memory_space<hbm>>
    %dma_start3A_1578 = tpu.memref_squeeze %dma_start3A_1577 : memref<1x64x512xf32, #tpu.memory_space<hbm>> -> memref<64x512xf32, #tpu.memory_space<hbm>>
    %dma_start3A_1579 = arith.constant 0 : i32
    %dma_start3A_1580 = arith.constant 14336 : i32
    %dma_start3A_1581 = tpu.memref_slice %arg3[%add3A_1062, %dma_start3A_1579, %dma_start3A_1580] : memref<200x64x16384xf32, #tpu.memory_space<hbm>> -> memref<1x64x512xf32, #tpu.memory_space<hbm>>
    %dma_start3A_1582 = tpu.memref_squeeze %dma_start3A_1581 : memref<1x64x512xf32, #tpu.memory_space<hbm>> -> memref<64x512xf32, #tpu.memory_space<hbm>>
    tpu.enqueue_dma source(%arg5 : memref<64x512xf32, #tpu.memory_space<vmem>>) target(%dma_start3A_1582 : memref<64x512xf32, #tpu.memory_space<hbm>>) target_semaphore(%arg7 : memref<!tpu.dma_semaphore, #tpu.memory_space<semaphore_mem>>)
    %dma_start3A_1583 = arith.constant 0 : i32
    %dma_start3A_1584 = arith.constant 14848 : i32
    %dma_start3A_1585 = tpu.memref_slice %arg3[%add3A_1062, %dma_start3A_1583, %dma_start3A_1584] : memref<200x64x16384xf32, #tpu.memory_space<hbm>> -> memref<1x64x512xf32, #tpu.memory_space<hbm>>
    %dma_start3A_1586 = tpu.memref_squeeze %dma_start3A_1585 : memref<1x64x512xf32, #tpu.memory_space<hbm>> -> memref<64x512xf32, #tpu.memory_space<hbm>>
    %dma_start3A_1587 = arith.constant 0 : i32
    %dma_start3A_1588 = arith.constant 14848 : i32
    %dma_start3A_1589 = tpu.memref_slice %arg3[%add3A_1062, %dma_start3A_1587, %dma_start3A_1588] : memref<200x64x16384xf32, #tpu.memory_space<hbm>> -> memref<1x64x512xf32, #tpu.memory_space<hbm>>
    %dma_start3A_1590 = tpu.memref_squeeze %dma_start3A_1589 : memref<1x64x512xf32, #tpu.memory_space<hbm>> -> memref<64x512xf32, #tpu.memory_space<hbm>>
    tpu.enqueue_dma source(%arg5 : memref<64x512xf32, #tpu.memory_space<vmem>>) target(%dma_start3A_1590 : memref<64x512xf32, #tpu.memory_space<hbm>>) target_semaphore(%arg7 : memref<!tpu.dma_semaphore, #tpu.memory_space<semaphore_mem>>)
    %dma_start3A_1591 = arith.constant 0 : i32
    %dma_start3A_1592 = arith.constant 15360 : i32
    %dma_start3A_1593 = tpu.memref_slice %arg3[%add3A_1062, %dma_start3A_1591, %dma_start3A_1592] : memref<200x64x16384xf32, #tpu.memory_space<hbm>> -> memref<1x64x512xf32, #tpu.memory_space<hbm>>
    %dma_start3A_1594 = tpu.memref_squeeze %dma_start3A_1593 : memref<1x64x512xf32, #tpu.memory_space<hbm>> -> memref<64x512xf32, #tpu.memory_space<hbm>>
    %dma_start3A_1595 = arith.constant 0 : i32
    %dma_start3A_1596 = arith.constant 15360 : i32
    %dma_start3A_1597 = tpu.memref_slice %arg3[%add3A_1062, %dma_start3A_1595, %dma_start3A_1596] : memref<200x64x16384xf32, #tpu.memory_space<hbm>> -> memref<1x64x512xf32, #tpu.memory_space<hbm>>
    %dma_start3A_1598 = tpu.memref_squeeze %dma_start3A_1597 : memref<1x64x512xf32, #tpu.memory_space<hbm>> -> memref<64x512xf32, #tpu.memory_space<hbm>>
    tpu.enqueue_dma source(%arg5 : memref<64x512xf32, #tpu.memory_space<vmem>>) target(%dma_start3A_1598 : memref<64x512xf32, #tpu.memory_space<hbm>>) target_semaphore(%arg7 : memref<!tpu.dma_semaphore, #tpu.memory_space<semaphore_mem>>)
    %dma_start3A_1599 = arith.constant 0 : i32
    %dma_start3A_1600 = arith.constant 15872 : i32
    %dma_start3A_1601 = tpu.memref_slice %arg3[%add3A_1062, %dma_start3A_1599, %dma_start3A_1600] : memref<200x64x16384xf32, #tpu.memory_space<hbm>> -> memref<1x64x512xf32, #tpu.memory_space<hbm>>
    %dma_start3A_1602 = tpu.memref_squeeze %dma_start3A_1601 : memref<1x64x512xf32, #tpu.memory_space<hbm>> -> memref<64x512xf32, #tpu.memory_space<hbm>>
    %dma_start3A_1603 = arith.constant 0 : i32
    %dma_start3A_1604 = arith.constant 15872 : i32
    %dma_start3A_1605 = tpu.memref_slice %arg3[%add3A_1062, %dma_start3A_1603, %dma_start3A_1604] : memref<200x64x16384xf32, #tpu.memory_space<hbm>> -> memref<1x64x512xf32, #tpu.memory_space<hbm>>
    %dma_start3A_1606 = tpu.memref_squeeze %dma_start3A_1605 : memref<1x64x512xf32, #tpu.memory_space<hbm>> -> memref<64x512xf32, #tpu.memory_space<hbm>>
    tpu.enqueue_dma source(%arg5 : memref<64x512xf32, #tpu.memory_space<vmem>>) target(%dma_start3A_1606 : memref<64x512xf32, #tpu.memory_space<hbm>>) target_semaphore(%arg7 : memref<!tpu.dma_semaphore, #tpu.memory_space<semaphore_mem>>)
    %add3A_1607 = arith.constant 128 : i32
    %add3A_1608 = arith.addi %add3A, %add3A_1607 : i32
    %dma_wait3A_1609 = arith.constant 0 : i32
    %dma_wait3A_1610 = arith.constant 0 : i32
    %dma_wait3A_1611 = arith.constant 0 : i32
    %dma_wait3A_1612 = tpu.memref_slice %arg3[%dma_wait3A_1609, %dma_wait3A_1610, %dma_wait3A_1611] : memref<200x64x16384xf32, #tpu.memory_space<hbm>> -> memref<1x64x512xf32, #tpu.memory_space<hbm>>
    %dma_wait3A_1613 = tpu.memref_squeeze %dma_wait3A_1612 : memref<1x64x512xf32, #tpu.memory_space<hbm>> -> memref<64x512xf32, #tpu.memory_space<hbm>>
    %dma_wait3A_1614 = arith.constant 0 : i32
    %dma_wait3A_1615 = arith.constant 0 : i32
    %dma_wait3A_1616 = tpu.memref_slice %arg3[%dma_wait3A_1609, %dma_wait3A_1614, %dma_wait3A_1615] : memref<200x64x16384xf32, #tpu.memory_space<hbm>> -> memref<1x64x512xf32, #tpu.memory_space<hbm>>
    %dma_wait3A_1617 = tpu.memref_squeeze %dma_wait3A_1616 : memref<1x64x512xf32, #tpu.memory_space<hbm>> -> memref<64x512xf32, #tpu.memory_space<hbm>>
    tpu.wait_dma2 semaphore(%arg6 : memref<!tpu.dma_semaphore, #tpu.memory_space<semaphore_mem>>) src(%arg4 : memref<64x512xf32, #tpu.memory_space<vmem>>) dst(%dma_wait3A_1617 : memref<64x512xf32, #tpu.memory_space<hbm>>)
    %dma_wait3A_1618 = arith.constant 0 : i32
    %dma_wait3A_1619 = arith.constant 0 : i32
    %dma_wait3A_1620 = arith.constant 512 : i32
    %dma_wait3A_1621 = tpu.memref_slice %arg3[%dma_wait3A_1618, %dma_wait3A_1619, %dma_wait3A_1620] : memref<200x64x16384xf32, #tpu.memory_space<hbm>> -> memref<1x64x512xf32, #tpu.memory_space<hbm>>
    %dma_wait3A_1622 = tpu.memref_squeeze %dma_wait3A_1621 : memref<1x64x512xf32, #tpu.memory_space<hbm>> -> memref<64x512xf32, #tpu.memory_space<hbm>>
    %dma_wait3A_1623 = arith.constant 0 : i32
    %dma_wait3A_1624 = arith.constant 512 : i32
    %dma_wait3A_1625 = tpu.memref_slice %arg3[%dma_wait3A_1618, %dma_wait3A_1623, %dma_wait3A_1624] : memref<200x64x16384xf32, #tpu.memory_space<hbm>> -> memref<1x64x512xf32, #tpu.memory_space<hbm>>
    %dma_wait3A_1626 = tpu.memref_squeeze %dma_wait3A_1625 : memref<1x64x512xf32, #tpu.memory_space<hbm>> -> memref<64x512xf32, #tpu.memory_space<hbm>>
    tpu.wait_dma2 semaphore(%arg6 : memref<!tpu.dma_semaphore, #tpu.memory_space<semaphore_mem>>) src(%arg4 : memref<64x512xf32, #tpu.memory_space<vmem>>) dst(%dma_wait3A_1626 : memref<64x512xf32, #tpu.memory_space<hbm>>)
    %dma_wait3A_1627 = arith.constant 0 : i32
    %dma_wait3A_1628 = arith.constant 0 : i32
    %dma_wait3A_1629 = arith.constant 1024 : i32
    %dma_wait3A_1630 = tpu.memref_slice %arg3[%dma_wait3A_1627, %dma_wait3A_1628, %dma_wait3A_1629] : memref<200x64x16384xf32, #tpu.memory_space<hbm>> -> memref<1x64x512xf32, #tpu.memory_space<hbm>>
    %dma_wait3A_1631 = tpu.memref_squeeze %dma_wait3A_1630 : memref<1x64x512xf32, #tpu.memory_space<hbm>> -> memref<64x512xf32, #tpu.memory_space<hbm>>
    %dma_wait3A_1632 = arith.constant 0 : i32
    %dma_wait3A_1633 = arith.constant 1024 : i32
    %dma_wait3A_1634 = tpu.memref_slice %arg3[%dma_wait3A_1627, %dma_wait3A_1632, %dma_wait3A_1633] : memref<200x64x16384xf32, #tpu.memory_space<hbm>> -> memref<1x64x512xf32, #tpu.memory_space<hbm>>
    %dma_wait3A_1635 = tpu.memref_squeeze %dma_wait3A_1634 : memref<1x64x512xf32, #tpu.memory_space<hbm>> -> memref<64x512xf32, #tpu.memory_space<hbm>>
    tpu.wait_dma2 semaphore(%arg6 : memref<!tpu.dma_semaphore, #tpu.memory_space<semaphore_mem>>) src(%arg4 : memref<64x512xf32, #tpu.memory_space<vmem>>) dst(%dma_wait3A_1635 : memref<64x512xf32, #tpu.memory_space<hbm>>)
    %dma_wait3A_1636 = arith.constant 0 : i32
    %dma_wait3A_1637 = arith.constant 0 : i32
    %dma_wait3A_1638 = arith.constant 1536 : i32
    %dma_wait3A_1639 = tpu.memref_slice %arg3[%dma_wait3A_1636, %dma_wait3A_1637, %dma_wait3A_1638] : memref<200x64x16384xf32, #tpu.memory_space<hbm>> -> memref<1x64x512xf32, #tpu.memory_space<hbm>>
    %dma_wait3A_1640 = tpu.memref_squeeze %dma_wait3A_1639 : memref<1x64x512xf32, #tpu.memory_space<hbm>> -> memref<64x512xf32, #tpu.memory_space<hbm>>
    %dma_wait3A_1641 = arith.constant 0 : i32
    %dma_wait3A_1642 = arith.constant 1536 : i32
    %dma_wait3A_1643 = tpu.memref_slice %arg3[%dma_wait3A_1636, %dma_wait3A_1641, %dma_wait3A_1642] : memref<200x64x16384xf32, #tpu.memory_space<hbm>> -> memref<1x64x512xf32, #tpu.memory_space<hbm>>
    %dma_wait3A_1644 = tpu.memref_squeeze %dma_wait3A_1643 : memref<1x64x512xf32, #tpu.memory_space<hbm>> -> memref<64x512xf32, #tpu.memory_space<hbm>>
    tpu.wait_dma2 semaphore(%arg6 : memref<!tpu.dma_semaphore, #tpu.memory_space<semaphore_mem>>) src(%arg4 : memref<64x512xf32, #tpu.memory_space<vmem>>) dst(%dma_wait3A_1644 : memref<64x512xf32, #tpu.memory_space<hbm>>)
    %dma_wait3A_1645 = arith.constant 0 : i32
    %dma_wait3A_1646 = arith.constant 0 : i32
    %dma_wait3A_1647 = arith.constant 2048 : i32
    %dma_wait3A_1648 = tpu.memref_slice %arg3[%dma_wait3A_1645, %dma_wait3A_1646, %dma_wait3A_1647] : memref<200x64x16384xf32, #tpu.memory_space<hbm>> -> memref<1x64x512xf32, #tpu.memory_space<hbm>>
    %dma_wait3A_1649 = tpu.memref_squeeze %dma_wait3A_1648 : memref<1x64x512xf32, #tpu.memory_space<hbm>> -> memref<64x512xf32, #tpu.memory_space<hbm>>
    %dma_wait3A_1650 = arith.constant 0 : i32
    %dma_wait3A_1651 = arith.constant 2048 : i32
    %dma_wait3A_1652 = tpu.memref_slice %arg3[%dma_wait3A_1645, %dma_wait3A_1650, %dma_wait3A_1651] : memref<200x64x16384xf32, #tpu.memory_space<hbm>> -> memref<1x64x512xf32, #tpu.memory_space<hbm>>
    %dma_wait3A_1653 = tpu.memref_squeeze %dma_wait3A_1652 : memref<1x64x512xf32, #tpu.memory_space<hbm>> -> memref<64x512xf32, #tpu.memory_space<hbm>>
    tpu.wait_dma2 semaphore(%arg6 : memref<!tpu.dma_semaphore, #tpu.memory_space<semaphore_mem>>) src(%arg4 : memref<64x512xf32, #tpu.memory_space<vmem>>) dst(%dma_wait3A_1653 : memref<64x512xf32, #tpu.memory_space<hbm>>)
    %dma_wait3A_1654 = arith.constant 0 : i32
    %dma_wait3A_1655 = arith.constant 0 : i32
    %dma_wait3A_1656 = arith.constant 2560 : i32
    %dma_wait3A_1657 = tpu.memref_slice %arg3[%dma_wait3A_1654, %dma_wait3A_1655, %dma_wait3A_1656] : memref<200x64x16384xf32, #tpu.memory_space<hbm>> -> memref<1x64x512xf32, #tpu.memory_space<hbm>>
    %dma_wait3A_1658 = tpu.memref_squeeze %dma_wait3A_1657 : memref<1x64x512xf32, #tpu.memory_space<hbm>> -> memref<64x512xf32, #tpu.memory_space<hbm>>
    %dma_wait3A_1659 = arith.constant 0 : i32
    %dma_wait3A_1660 = arith.constant 2560 : i32
    %dma_wait3A_1661 = tpu.memref_slice %arg3[%dma_wait3A_1654, %dma_wait3A_1659, %dma_wait3A_1660] : memref<200x64x16384xf32, #tpu.memory_space<hbm>> -> memref<1x64x512xf32, #tpu.memory_space<hbm>>
    %dma_wait3A_1662 = tpu.memref_squeeze %dma_wait3A_1661 : memref<1x64x512xf32, #tpu.memory_space<hbm>> -> memref<64x512xf32, #tpu.memory_space<hbm>>
    tpu.wait_dma2 semaphore(%arg6 : memref<!tpu.dma_semaphore, #tpu.memory_space<semaphore_mem>>) src(%arg4 : memref<64x512xf32, #tpu.memory_space<vmem>>) dst(%dma_wait3A_1662 : memref<64x512xf32, #tpu.memory_space<hbm>>)
    %dma_wait3A_1663 = arith.constant 0 : i32
    %dma_wait3A_1664 = arith.constant 0 : i32
    %dma_wait3A_1665 = arith.constant 3072 : i32
    %dma_wait3A_1666 = tpu.memref_slice %arg3[%dma_wait3A_1663, %dma_wait3A_1664, %dma_wait3A_1665] : memref<200x64x16384xf32, #tpu.memory_space<hbm>> -> memref<1x64x512xf32, #tpu.memory_space<hbm>>
    %dma_wait3A_1667 = tpu.memref_squeeze %dma_wait3A_1666 : memref<1x64x512xf32, #tpu.memory_space<hbm>> -> memref<64x512xf32, #tpu.memory_space<hbm>>
    %dma_wait3A_1668 = arith.constant 0 : i32
    %dma_wait3A_1669 = arith.constant 3072 : i32
    %dma_wait3A_1670 = tpu.memref_slice %arg3[%dma_wait3A_1663, %dma_wait3A_1668, %dma_wait3A_1669] : memref<200x64x16384xf32, #tpu.memory_space<hbm>> -> memref<1x64x512xf32, #tpu.memory_space<hbm>>
    %dma_wait3A_1671 = tpu.memref_squeeze %dma_wait3A_1670 : memref<1x64x512xf32, #tpu.memory_space<hbm>> -> memref<64x512xf32, #tpu.memory_space<hbm>>
    tpu.wait_dma2 semaphore(%arg6 : memref<!tpu.dma_semaphore, #tpu.memory_space<semaphore_mem>>) src(%arg4 : memref<64x512xf32, #tpu.memory_space<vmem>>) dst(%dma_wait3A_1671 : memref<64x512xf32, #tpu.memory_space<hbm>>)
    %dma_wait3A_1672 = arith.constant 0 : i32
    %dma_wait3A_1673 = arith.constant 0 : i32
    %dma_wait3A_1674 = arith.constant 3584 : i32
    %dma_wait3A_1675 = tpu.memref_slice %arg3[%dma_wait3A_1672, %dma_wait3A_1673, %dma_wait3A_1674] : memref<200x64x16384xf32, #tpu.memory_space<hbm>> -> memref<1x64x512xf32, #tpu.memory_space<hbm>>
    %dma_wait3A_1676 = tpu.memref_squeeze %dma_wait3A_1675 : memref<1x64x512xf32, #tpu.memory_space<hbm>> -> memref<64x512xf32, #tpu.memory_space<hbm>>
    %dma_wait3A_1677 = arith.constant 0 : i32
    %dma_wait3A_1678 = arith.constant 3584 : i32
    %dma_wait3A_1679 = tpu.memref_slice %arg3[%dma_wait3A_1672, %dma_wait3A_1677, %dma_wait3A_1678] : memref<200x64x16384xf32, #tpu.memory_space<hbm>> -> memref<1x64x512xf32, #tpu.memory_space<hbm>>
    %dma_wait3A_1680 = tpu.memref_squeeze %dma_wait3A_1679 : memref<1x64x512xf32, #tpu.memory_space<hbm>> -> memref<64x512xf32, #tpu.memory_space<hbm>>
    tpu.wait_dma2 semaphore(%arg6 : memref<!tpu.dma_semaphore, #tpu.memory_space<semaphore_mem>>) src(%arg4 : memref<64x512xf32, #tpu.memory_space<vmem>>) dst(%dma_wait3A_1680 : memref<64x512xf32, #tpu.memory_space<hbm>>)
    %dma_wait3A_1681 = arith.constant 0 : i32
    %dma_wait3A_1682 = arith.constant 0 : i32
    %dma_wait3A_1683 = arith.constant 4096 : i32
    %dma_wait3A_1684 = tpu.memref_slice %arg3[%dma_wait3A_1681, %dma_wait3A_1682, %dma_wait3A_1683] : memref<200x64x16384xf32, #tpu.memory_space<hbm>> -> memref<1x64x512xf32, #tpu.memory_space<hbm>>
    %dma_wait3A_1685 = tpu.memref_squeeze %dma_wait3A_1684 : memref<1x64x512xf32, #tpu.memory_space<hbm>> -> memref<64x512xf32, #tpu.memory_space<hbm>>
    %dma_wait3A_1686 = arith.constant 0 : i32
    %dma_wait3A_1687 = arith.constant 4096 : i32
    %dma_wait3A_1688 = tpu.memref_slice %arg3[%dma_wait3A_1681, %dma_wait3A_1686, %dma_wait3A_1687] : memref<200x64x16384xf32, #tpu.memory_space<hbm>> -> memref<1x64x512xf32, #tpu.memory_space<hbm>>
    %dma_wait3A_1689 = tpu.memref_squeeze %dma_wait3A_1688 : memref<1x64x512xf32, #tpu.memory_space<hbm>> -> memref<64x512xf32, #tpu.memory_space<hbm>>
    tpu.wait_dma2 semaphore(%arg6 : memref<!tpu.dma_semaphore, #tpu.memory_space<semaphore_mem>>) src(%arg4 : memref<64x512xf32, #tpu.memory_space<vmem>>) dst(%dma_wait3A_1689 : memref<64x512xf32, #tpu.memory_space<hbm>>)
    %dma_wait3A_1690 = arith.constant 0 : i32
    %dma_wait3A_1691 = arith.constant 0 : i32
    %dma_wait3A_1692 = arith.constant 4608 : i32
    %dma_wait3A_1693 = tpu.memref_slice %arg3[%dma_wait3A_1690, %dma_wait3A_1691, %dma_wait3A_1692] : memref<200x64x16384xf32, #tpu.memory_space<hbm>> -> memref<1x64x512xf32, #tpu.memory_space<hbm>>
    %dma_wait3A_1694 = tpu.memref_squeeze %dma_wait3A_1693 : memref<1x64x512xf32, #tpu.memory_space<hbm>> -> memref<64x512xf32, #tpu.memory_space<hbm>>
    %dma_wait3A_1695 = arith.constant 0 : i32
    %dma_wait3A_1696 = arith.constant 4608 : i32
    %dma_wait3A_1697 = tpu.memref_slice %arg3[%dma_wait3A_1690, %dma_wait3A_1695, %dma_wait3A_1696] : memref<200x64x16384xf32, #tpu.memory_space<hbm>> -> memref<1x64x512xf32, #tpu.memory_space<hbm>>
    %dma_wait3A_1698 = tpu.memref_squeeze %dma_wait3A_1697 : memref<1x64x512xf32, #tpu.memory_space<hbm>> -> memref<64x512xf32, #tpu.memory_space<hbm>>
    tpu.wait_dma2 semaphore(%arg6 : memref<!tpu.dma_semaphore, #tpu.memory_space<semaphore_mem>>) src(%arg4 : memref<64x512xf32, #tpu.memory_space<vmem>>) dst(%dma_wait3A_1698 : memref<64x512xf32, #tpu.memory_space<hbm>>)
    %dma_wait3A_1699 = arith.constant 0 : i32
    %dma_wait3A_1700 = arith.constant 0 : i32
    %dma_wait3A_1701 = arith.constant 5120 : i32
    %dma_wait3A_1702 = tpu.memref_slice %arg3[%dma_wait3A_1699, %dma_wait3A_1700, %dma_wait3A_1701] : memref<200x64x16384xf32, #tpu.memory_space<hbm>> -> memref<1x64x512xf32, #tpu.memory_space<hbm>>
    %dma_wait3A_1703 = tpu.memref_squeeze %dma_wait3A_1702 : memref<1x64x512xf32, #tpu.memory_space<hbm>> -> memref<64x512xf32, #tpu.memory_space<hbm>>
    %dma_wait3A_1704 = arith.constant 0 : i32
    %dma_wait3A_1705 = arith.constant 5120 : i32
    %dma_wait3A_1706 = tpu.memref_slice %arg3[%dma_wait3A_1699, %dma_wait3A_1704, %dma_wait3A_1705] : memref<200x64x16384xf32, #tpu.memory_space<hbm>> -> memref<1x64x512xf32, #tpu.memory_space<hbm>>
    %dma_wait3A_1707 = tpu.memref_squeeze %dma_wait3A_1706 : memref<1x64x512xf32, #tpu.memory_space<hbm>> -> memref<64x512xf32, #tpu.memory_space<hbm>>
    tpu.wait_dma2 semaphore(%arg6 : memref<!tpu.dma_semaphore, #tpu.memory_space<semaphore_mem>>) src(%arg4 : memref<64x512xf32, #tpu.memory_space<vmem>>) dst(%dma_wait3A_1707 : memref<64x512xf32, #tpu.memory_space<hbm>>)
    %dma_wait3A_1708 = arith.constant 0 : i32
    %dma_wait3A_1709 = arith.constant 0 : i32
    %dma_wait3A_1710 = arith.constant 5632 : i32
    %dma_wait3A_1711 = tpu.memref_slice %arg3[%dma_wait3A_1708, %dma_wait3A_1709, %dma_wait3A_1710] : memref<200x64x16384xf32, #tpu.memory_space<hbm>> -> memref<1x64x512xf32, #tpu.memory_space<hbm>>
    %dma_wait3A_1712 = tpu.memref_squeeze %dma_wait3A_1711 : memref<1x64x512xf32, #tpu.memory_space<hbm>> -> memref<64x512xf32, #tpu.memory_space<hbm>>
    %dma_wait3A_1713 = arith.constant 0 : i32
    %dma_wait3A_1714 = arith.constant 5632 : i32
    %dma_wait3A_1715 = tpu.memref_slice %arg3[%dma_wait3A_1708, %dma_wait3A_1713, %dma_wait3A_1714] : memref<200x64x16384xf32, #tpu.memory_space<hbm>> -> memref<1x64x512xf32, #tpu.memory_space<hbm>>
    %dma_wait3A_1716 = tpu.memref_squeeze %dma_wait3A_1715 : memref<1x64x512xf32, #tpu.memory_space<hbm>> -> memref<64x512xf32, #tpu.memory_space<hbm>>
    tpu.wait_dma2 semaphore(%arg6 : memref<!tpu.dma_semaphore, #tpu.memory_space<semaphore_mem>>) src(%arg4 : memref<64x512xf32, #tpu.memory_space<vmem>>) dst(%dma_wait3A_1716 : memref<64x512xf32, #tpu.memory_space<hbm>>)
    %dma_wait3A_1717 = arith.constant 0 : i32
    %dma_wait3A_1718 = arith.constant 0 : i32
    %dma_wait3A_1719 = arith.constant 6144 : i32
    %dma_wait3A_1720 = tpu.memref_slice %arg3[%dma_wait3A_1717, %dma_wait3A_1718, %dma_wait3A_1719] : memref<200x64x16384xf32, #tpu.memory_space<hbm>> -> memref<1x64x512xf32, #tpu.memory_space<hbm>>
    %dma_wait3A_1721 = tpu.memref_squeeze %dma_wait3A_1720 : memref<1x64x512xf32, #tpu.memory_space<hbm>> -> memref<64x512xf32, #tpu.memory_space<hbm>>
    %dma_wait3A_1722 = arith.constant 0 : i32
    %dma_wait3A_1723 = arith.constant 6144 : i32
    %dma_wait3A_1724 = tpu.memref_slice %arg3[%dma_wait3A_1717, %dma_wait3A_1722, %dma_wait3A_1723] : memref<200x64x16384xf32, #tpu.memory_space<hbm>> -> memref<1x64x512xf32, #tpu.memory_space<hbm>>
    %dma_wait3A_1725 = tpu.memref_squeeze %dma_wait3A_1724 : memref<1x64x512xf32, #tpu.memory_space<hbm>> -> memref<64x512xf32, #tpu.memory_space<hbm>>
    tpu.wait_dma2 semaphore(%arg6 : memref<!tpu.dma_semaphore, #tpu.memory_space<semaphore_mem>>) src(%arg4 : memref<64x512xf32, #tpu.memory_space<vmem>>) dst(%dma_wait3A_1725 : memref<64x512xf32, #tpu.memory_space<hbm>>)
    %dma_wait3A_1726 = arith.constant 0 : i32
    %dma_wait3A_1727 = arith.constant 0 : i32
    %dma_wait3A_1728 = arith.constant 6656 : i32
    %dma_wait3A_1729 = tpu.memref_slice %arg3[%dma_wait3A_1726, %dma_wait3A_1727, %dma_wait3A_1728] : memref<200x64x16384xf32, #tpu.memory_space<hbm>> -> memref<1x64x512xf32, #tpu.memory_space<hbm>>
    %dma_wait3A_1730 = tpu.memref_squeeze %dma_wait3A_1729 : memref<1x64x512xf32, #tpu.memory_space<hbm>> -> memref<64x512xf32, #tpu.memory_space<hbm>>
    %dma_wait3A_1731 = arith.constant 0 : i32
    %dma_wait3A_1732 = arith.constant 6656 : i32
    %dma_wait3A_1733 = tpu.memref_slice %arg3[%dma_wait3A_1726, %dma_wait3A_1731, %dma_wait3A_1732] : memref<200x64x16384xf32, #tpu.memory_space<hbm>> -> memref<1x64x512xf32, #tpu.memory_space<hbm>>
    %dma_wait3A_1734 = tpu.memref_squeeze %dma_wait3A_1733 : memref<1x64x512xf32, #tpu.memory_space<hbm>> -> memref<64x512xf32, #tpu.memory_space<hbm>>
    tpu.wait_dma2 semaphore(%arg6 : memref<!tpu.dma_semaphore, #tpu.memory_space<semaphore_mem>>) src(%arg4 : memref<64x512xf32, #tpu.memory_space<vmem>>) dst(%dma_wait3A_1734 : memref<64x512xf32, #tpu.memory_space<hbm>>)
    %dma_wait3A_1735 = arith.constant 0 : i32
    %dma_wait3A_1736 = arith.constant 0 : i32
    %dma_wait3A_1737 = arith.constant 7168 : i32
    %dma_wait3A_1738 = tpu.memref_slice %arg3[%dma_wait3A_1735, %dma_wait3A_1736, %dma_wait3A_1737] : memref<200x64x16384xf32, #tpu.memory_space<hbm>> -> memref<1x64x512xf32, #tpu.memory_space<hbm>>
    %dma_wait3A_1739 = tpu.memref_squeeze %dma_wait3A_1738 : memref<1x64x512xf32, #tpu.memory_space<hbm>> -> memref<64x512xf32, #tpu.memory_space<hbm>>
    %dma_wait3A_1740 = arith.constant 0 : i32
    %dma_wait3A_1741 = arith.constant 7168 : i32
    %dma_wait3A_1742 = tpu.memref_slice %arg3[%dma_wait3A_1735, %dma_wait3A_1740, %dma_wait3A_1741] : memref<200x64x16384xf32, #tpu.memory_space<hbm>> -> memref<1x64x512xf32, #tpu.memory_space<hbm>>
    %dma_wait3A_1743 = tpu.memref_squeeze %dma_wait3A_1742 : memref<1x64x512xf32, #tpu.memory_space<hbm>> -> memref<64x512xf32, #tpu.memory_space<hbm>>
    tpu.wait_dma2 semaphore(%arg6 : memref<!tpu.dma_semaphore, #tpu.memory_space<semaphore_mem>>) src(%arg4 : memref<64x512xf32, #tpu.memory_space<vmem>>) dst(%dma_wait3A_1743 : memref<64x512xf32, #tpu.memory_space<hbm>>)
    %dma_wait3A_1744 = arith.constant 0 : i32
    %dma_wait3A_1745 = arith.constant 0 : i32
    %dma_wait3A_1746 = arith.constant 7680 : i32
    %dma_wait3A_1747 = tpu.memref_slice %arg3[%dma_wait3A_1744, %dma_wait3A_1745, %dma_wait3A_1746] : memref<200x64x16384xf32, #tpu.memory_space<hbm>> -> memref<1x64x512xf32, #tpu.memory_space<hbm>>
    %dma_wait3A_1748 = tpu.memref_squeeze %dma_wait3A_1747 : memref<1x64x512xf32, #tpu.memory_space<hbm>> -> memref<64x512xf32, #tpu.memory_space<hbm>>
    %dma_wait3A_1749 = arith.constant 0 : i32
    %dma_wait3A_1750 = arith.constant 7680 : i32
    %dma_wait3A_1751 = tpu.memref_slice %arg3[%dma_wait3A_1744, %dma_wait3A_1749, %dma_wait3A_1750] : memref<200x64x16384xf32, #tpu.memory_space<hbm>> -> memref<1x64x512xf32, #tpu.memory_space<hbm>>
    %dma_wait3A_1752 = tpu.memref_squeeze %dma_wait3A_1751 : memref<1x64x512xf32, #tpu.memory_space<hbm>> -> memref<64x512xf32, #tpu.memory_space<hbm>>
    tpu.wait_dma2 semaphore(%arg6 : memref<!tpu.dma_semaphore, #tpu.memory_space<semaphore_mem>>) src(%arg4 : memref<64x512xf32, #tpu.memory_space<vmem>>) dst(%dma_wait3A_1752 : memref<64x512xf32, #tpu.memory_space<hbm>>)
    %dma_wait3A_1753 = arith.constant 0 : i32
    %dma_wait3A_1754 = arith.constant 0 : i32
    %dma_wait3A_1755 = arith.constant 8192 : i32
    %dma_wait3A_1756 = tpu.memref_slice %arg3[%dma_wait3A_1753, %dma_wait3A_1754, %dma_wait3A_1755] : memref<200x64x16384xf32, #tpu.memory_space<hbm>> -> memref<1x64x512xf32, #tpu.memory_space<hbm>>
    %dma_wait3A_1757 = tpu.memref_squeeze %dma_wait3A_1756 : memref<1x64x512xf32, #tpu.memory_space<hbm>> -> memref<64x512xf32, #tpu.memory_space<hbm>>
    %dma_wait3A_1758 = arith.constant 0 : i32
    %dma_wait3A_1759 = arith.constant 8192 : i32
    %dma_wait3A_1760 = tpu.memref_slice %arg3[%dma_wait3A_1753, %dma_wait3A_1758, %dma_wait3A_1759] : memref<200x64x16384xf32, #tpu.memory_space<hbm>> -> memref<1x64x512xf32, #tpu.memory_space<hbm>>
    %dma_wait3A_1761 = tpu.memref_squeeze %dma_wait3A_1760 : memref<1x64x512xf32, #tpu.memory_space<hbm>> -> memref<64x512xf32, #tpu.memory_space<hbm>>
    tpu.wait_dma2 semaphore(%arg6 : memref<!tpu.dma_semaphore, #tpu.memory_space<semaphore_mem>>) src(%arg4 : memref<64x512xf32, #tpu.memory_space<vmem>>) dst(%dma_wait3A_1761 : memref<64x512xf32, #tpu.memory_space<hbm>>)
    %dma_wait3A_1762 = arith.constant 0 : i32
    %dma_wait3A_1763 = arith.constant 0 : i32
    %dma_wait3A_1764 = arith.constant 8704 : i32
    %dma_wait3A_1765 = tpu.memref_slice %arg3[%dma_wait3A_1762, %dma_wait3A_1763, %dma_wait3A_1764] : memref<200x64x16384xf32, #tpu.memory_space<hbm>> -> memref<1x64x512xf32, #tpu.memory_space<hbm>>
    %dma_wait3A_1766 = tpu.memref_squeeze %dma_wait3A_1765 : memref<1x64x512xf32, #tpu.memory_space<hbm>> -> memref<64x512xf32, #tpu.memory_space<hbm>>
    %dma_wait3A_1767 = arith.constant 0 : i32
    %dma_wait3A_1768 = arith.constant 8704 : i32
    %dma_wait3A_1769 = tpu.memref_slice %arg3[%dma_wait3A_1762, %dma_wait3A_1767, %dma_wait3A_1768] : memref<200x64x16384xf32, #tpu.memory_space<hbm>> -> memref<1x64x512xf32, #tpu.memory_space<hbm>>
    %dma_wait3A_1770 = tpu.memref_squeeze %dma_wait3A_1769 : memref<1x64x512xf32, #tpu.memory_space<hbm>> -> memref<64x512xf32, #tpu.memory_space<hbm>>
    tpu.wait_dma2 semaphore(%arg6 : memref<!tpu.dma_semaphore, #tpu.memory_space<semaphore_mem>>) src(%arg4 : memref<64x512xf32, #tpu.memory_space<vmem>>) dst(%dma_wait3A_1770 : memref<64x512xf32, #tpu.memory_space<hbm>>)
    %dma_wait3A_1771 = arith.constant 0 : i32
    %dma_wait3A_1772 = arith.constant 0 : i32
    %dma_wait3A_1773 = arith.constant 9216 : i32
    %dma_wait3A_1774 = tpu.memref_slice %arg3[%dma_wait3A_1771, %dma_wait3A_1772, %dma_wait3A_1773] : memref<200x64x16384xf32, #tpu.memory_space<hbm>> -> memref<1x64x512xf32, #tpu.memory_space<hbm>>
    %dma_wait3A_1775 = tpu.memref_squeeze %dma_wait3A_1774 : memref<1x64x512xf32, #tpu.memory_space<hbm>> -> memref<64x512xf32, #tpu.memory_space<hbm>>
    %dma_wait3A_1776 = arith.constant 0 : i32
    %dma_wait3A_1777 = arith.constant 9216 : i32
    %dma_wait3A_1778 = tpu.memref_slice %arg3[%dma_wait3A_1771, %dma_wait3A_1776, %dma_wait3A_1777] : memref<200x64x16384xf32, #tpu.memory_space<hbm>> -> memref<1x64x512xf32, #tpu.memory_space<hbm>>
    %dma_wait3A_1779 = tpu.memref_squeeze %dma_wait3A_1778 : memref<1x64x512xf32, #tpu.memory_space<hbm>> -> memref<64x512xf32, #tpu.memory_space<hbm>>
    tpu.wait_dma2 semaphore(%arg6 : memref<!tpu.dma_semaphore, #tpu.memory_space<semaphore_mem>>) src(%arg4 : memref<64x512xf32, #tpu.memory_space<vmem>>) dst(%dma_wait3A_1779 : memref<64x512xf32, #tpu.memory_space<hbm>>)
    %dma_wait3A_1780 = arith.constant 0 : i32
    %dma_wait3A_1781 = arith.constant 0 : i32
    %dma_wait3A_1782 = arith.constant 9728 : i32
    %dma_wait3A_1783 = tpu.memref_slice %arg3[%dma_wait3A_1780, %dma_wait3A_1781, %dma_wait3A_1782] : memref<200x64x16384xf32, #tpu.memory_space<hbm>> -> memref<1x64x512xf32, #tpu.memory_space<hbm>>
    %dma_wait3A_1784 = tpu.memref_squeeze %dma_wait3A_1783 : memref<1x64x512xf32, #tpu.memory_space<hbm>> -> memref<64x512xf32, #tpu.memory_space<hbm>>
    %dma_wait3A_1785 = arith.constant 0 : i32
    %dma_wait3A_1786 = arith.constant 9728 : i32
    %dma_wait3A_1787 = tpu.memref_slice %arg3[%dma_wait3A_1780, %dma_wait3A_1785, %dma_wait3A_1786] : memref<200x64x16384xf32, #tpu.memory_space<hbm>> -> memref<1x64x512xf32, #tpu.memory_space<hbm>>
    %dma_wait3A_1788 = tpu.memref_squeeze %dma_wait3A_1787 : memref<1x64x512xf32, #tpu.memory_space<hbm>> -> memref<64x512xf32, #tpu.memory_space<hbm>>
    tpu.wait_dma2 semaphore(%arg6 : memref<!tpu.dma_semaphore, #tpu.memory_space<semaphore_mem>>) src(%arg4 : memref<64x512xf32, #tpu.memory_space<vmem>>) dst(%dma_wait3A_1788 : memref<64x512xf32, #tpu.memory_space<hbm>>)
    %dma_wait3A_1789 = arith.constant 0 : i32
    %dma_wait3A_1790 = arith.constant 0 : i32
    %dma_wait3A_1791 = arith.constant 10240 : i32
    %dma_wait3A_1792 = tpu.memref_slice %arg3[%dma_wait3A_1789, %dma_wait3A_1790, %dma_wait3A_1791] : memref<200x64x16384xf32, #tpu.memory_space<hbm>> -> memref<1x64x512xf32, #tpu.memory_space<hbm>>
    %dma_wait3A_1793 = tpu.memref_squeeze %dma_wait3A_1792 : memref<1x64x512xf32, #tpu.memory_space<hbm>> -> memref<64x512xf32, #tpu.memory_space<hbm>>
    %dma_wait3A_1794 = arith.constant 0 : i32
    %dma_wait3A_1795 = arith.constant 10240 : i32
    %dma_wait3A_1796 = tpu.memref_slice %arg3[%dma_wait3A_1789, %dma_wait3A_1794, %dma_wait3A_1795] : memref<200x64x16384xf32, #tpu.memory_space<hbm>> -> memref<1x64x512xf32, #tpu.memory_space<hbm>>
    %dma_wait3A_1797 = tpu.memref_squeeze %dma_wait3A_1796 : memref<1x64x512xf32, #tpu.memory_space<hbm>> -> memref<64x512xf32, #tpu.memory_space<hbm>>
    tpu.wait_dma2 semaphore(%arg6 : memref<!tpu.dma_semaphore, #tpu.memory_space<semaphore_mem>>) src(%arg4 : memref<64x512xf32, #tpu.memory_space<vmem>>) dst(%dma_wait3A_1797 : memref<64x512xf32, #tpu.memory_space<hbm>>)
    %dma_wait3A_1798 = arith.constant 0 : i32
    %dma_wait3A_1799 = arith.constant 0 : i32
    %dma_wait3A_1800 = arith.constant 10752 : i32
    %dma_wait3A_1801 = tpu.memref_slice %arg3[%dma_wait3A_1798, %dma_wait3A_1799, %dma_wait3A_1800] : memref<200x64x16384xf32, #tpu.memory_space<hbm>> -> memref<1x64x512xf32, #tpu.memory_space<hbm>>
    %dma_wait3A_1802 = tpu.memref_squeeze %dma_wait3A_1801 : memref<1x64x512xf32, #tpu.memory_space<hbm>> -> memref<64x512xf32, #tpu.memory_space<hbm>>
    %dma_wait3A_1803 = arith.constant 0 : i32
    %dma_wait3A_1804 = arith.constant 10752 : i32
    %dma_wait3A_1805 = tpu.memref_slice %arg3[%dma_wait3A_1798, %dma_wait3A_1803, %dma_wait3A_1804] : memref<200x64x16384xf32, #tpu.memory_space<hbm>> -> memref<1x64x512xf32, #tpu.memory_space<hbm>>
    %dma_wait3A_1806 = tpu.memref_squeeze %dma_wait3A_1805 : memref<1x64x512xf32, #tpu.memory_space<hbm>> -> memref<64x512xf32, #tpu.memory_space<hbm>>
    tpu.wait_dma2 semaphore(%arg6 : memref<!tpu.dma_semaphore, #tpu.memory_space<semaphore_mem>>) src(%arg4 : memref<64x512xf32, #tpu.memory_space<vmem>>) dst(%dma_wait3A_1806 : memref<64x512xf32, #tpu.memory_space<hbm>>)
    %dma_wait3A_1807 = arith.constant 0 : i32
    %dma_wait3A_1808 = arith.constant 0 : i32
    %dma_wait3A_1809 = arith.constant 11264 : i32
    %dma_wait3A_1810 = tpu.memref_slice %arg3[%dma_wait3A_1807, %dma_wait3A_1808, %dma_wait3A_1809] : memref<200x64x16384xf32, #tpu.memory_space<hbm>> -> memref<1x64x512xf32, #tpu.memory_space<hbm>>
    %dma_wait3A_1811 = tpu.memref_squeeze %dma_wait3A_1810 : memref<1x64x512xf32, #tpu.memory_space<hbm>> -> memref<64x512xf32, #tpu.memory_space<hbm>>
    %dma_wait3A_1812 = arith.constant 0 : i32
    %dma_wait3A_1813 = arith.constant 11264 : i32
    %dma_wait3A_1814 = tpu.memref_slice %arg3[%dma_wait3A_1807, %dma_wait3A_1812, %dma_wait3A_1813] : memref<200x64x16384xf32, #tpu.memory_space<hbm>> -> memref<1x64x512xf32, #tpu.memory_space<hbm>>
    %dma_wait3A_1815 = tpu.memref_squeeze %dma_wait3A_1814 : memref<1x64x512xf32, #tpu.memory_space<hbm>> -> memref<64x512xf32, #tpu.memory_space<hbm>>
    tpu.wait_dma2 semaphore(%arg6 : memref<!tpu.dma_semaphore, #tpu.memory_space<semaphore_mem>>) src(%arg4 : memref<64x512xf32, #tpu.memory_space<vmem>>) dst(%dma_wait3A_1815 : memref<64x512xf32, #tpu.memory_space<hbm>>)
    %dma_wait3A_1816 = arith.constant 0 : i32
    %dma_wait3A_1817 = arith.constant 0 : i32
    %dma_wait3A_1818 = arith.constant 11776 : i32
    %dma_wait3A_1819 = tpu.memref_slice %arg3[%dma_wait3A_1816, %dma_wait3A_1817, %dma_wait3A_1818] : memref<200x64x16384xf32, #tpu.memory_space<hbm>> -> memref<1x64x512xf32, #tpu.memory_space<hbm>>
    %dma_wait3A_1820 = tpu.memref_squeeze %dma_wait3A_1819 : memref<1x64x512xf32, #tpu.memory_space<hbm>> -> memref<64x512xf32, #tpu.memory_space<hbm>>
    %dma_wait3A_1821 = arith.constant 0 : i32
    %dma_wait3A_1822 = arith.constant 11776 : i32
    %dma_wait3A_1823 = tpu.memref_slice %arg3[%dma_wait3A_1816, %dma_wait3A_1821, %dma_wait3A_1822] : memref<200x64x16384xf32, #tpu.memory_space<hbm>> -> memref<1x64x512xf32, #tpu.memory_space<hbm>>
    %dma_wait3A_1824 = tpu.memref_squeeze %dma_wait3A_1823 : memref<1x64x512xf32, #tpu.memory_space<hbm>> -> memref<64x512xf32, #tpu.memory_space<hbm>>
    tpu.wait_dma2 semaphore(%arg6 : memref<!tpu.dma_semaphore, #tpu.memory_space<semaphore_mem>>) src(%arg4 : memref<64x512xf32, #tpu.memory_space<vmem>>) dst(%dma_wait3A_1824 : memref<64x512xf32, #tpu.memory_space<hbm>>)
    %dma_wait3A_1825 = arith.constant 0 : i32
    %dma_wait3A_1826 = arith.constant 0 : i32
    %dma_wait3A_1827 = arith.constant 12288 : i32
    %dma_wait3A_1828 = tpu.memref_slice %arg3[%dma_wait3A_1825, %dma_wait3A_1826, %dma_wait3A_1827] : memref<200x64x16384xf32, #tpu.memory_space<hbm>> -> memref<1x64x512xf32, #tpu.memory_space<hbm>>
    %dma_wait3A_1829 = tpu.memref_squeeze %dma_wait3A_1828 : memref<1x64x512xf32, #tpu.memory_space<hbm>> -> memref<64x512xf32, #tpu.memory_space<hbm>>
    %dma_wait3A_1830 = arith.constant 0 : i32
    %dma_wait3A_1831 = arith.constant 12288 : i32
    %dma_wait3A_1832 = tpu.memref_slice %arg3[%dma_wait3A_1825, %dma_wait3A_1830, %dma_wait3A_1831] : memref<200x64x16384xf32, #tpu.memory_space<hbm>> -> memref<1x64x512xf32, #tpu.memory_space<hbm>>
    %dma_wait3A_1833 = tpu.memref_squeeze %dma_wait3A_1832 : memref<1x64x512xf32, #tpu.memory_space<hbm>> -> memref<64x512xf32, #tpu.memory_space<hbm>>
    tpu.wait_dma2 semaphore(%arg6 : memref<!tpu.dma_semaphore, #tpu.memory_space<semaphore_mem>>) src(%arg4 : memref<64x512xf32, #tpu.memory_space<vmem>>) dst(%dma_wait3A_1833 : memref<64x512xf32, #tpu.memory_space<hbm>>)
    %dma_wait3A_1834 = arith.constant 0 : i32
    %dma_wait3A_1835 = arith.constant 0 : i32
    %dma_wait3A_1836 = arith.constant 12800 : i32
    %dma_wait3A_1837 = tpu.memref_slice %arg3[%dma_wait3A_1834, %dma_wait3A_1835, %dma_wait3A_1836] : memref<200x64x16384xf32, #tpu.memory_space<hbm>> -> memref<1x64x512xf32, #tpu.memory_space<hbm>>
    %dma_wait3A_1838 = tpu.memref_squeeze %dma_wait3A_1837 : memref<1x64x512xf32, #tpu.memory_space<hbm>> -> memref<64x512xf32, #tpu.memory_space<hbm>>
    %dma_wait3A_1839 = arith.constant 0 : i32
    %dma_wait3A_1840 = arith.constant 12800 : i32
    %dma_wait3A_1841 = tpu.memref_slice %arg3[%dma_wait3A_1834, %dma_wait3A_1839, %dma_wait3A_1840] : memref<200x64x16384xf32, #tpu.memory_space<hbm>> -> memref<1x64x512xf32, #tpu.memory_space<hbm>>
    %dma_wait3A_1842 = tpu.memref_squeeze %dma_wait3A_1841 : memref<1x64x512xf32, #tpu.memory_space<hbm>> -> memref<64x512xf32, #tpu.memory_space<hbm>>
    tpu.wait_dma2 semaphore(%arg6 : memref<!tpu.dma_semaphore, #tpu.memory_space<semaphore_mem>>) src(%arg4 : memref<64x512xf32, #tpu.memory_space<vmem>>) dst(%dma_wait3A_1842 : memref<64x512xf32, #tpu.memory_space<hbm>>)
    %dma_wait3A_1843 = arith.constant 0 : i32
    %dma_wait3A_1844 = arith.constant 0 : i32
    %dma_wait3A_1845 = arith.constant 13312 : i32
    %dma_wait3A_1846 = tpu.memref_slice %arg3[%dma_wait3A_1843, %dma_wait3A_1844, %dma_wait3A_1845] : memref<200x64x16384xf32, #tpu.memory_space<hbm>> -> memref<1x64x512xf32, #tpu.memory_space<hbm>>
    %dma_wait3A_1847 = tpu.memref_squeeze %dma_wait3A_1846 : memref<1x64x512xf32, #tpu.memory_space<hbm>> -> memref<64x512xf32, #tpu.memory_space<hbm>>
    %dma_wait3A_1848 = arith.constant 0 : i32
    %dma_wait3A_1849 = arith.constant 13312 : i32
    %dma_wait3A_1850 = tpu.memref_slice %arg3[%dma_wait3A_1843, %dma_wait3A_1848, %dma_wait3A_1849] : memref<200x64x16384xf32, #tpu.memory_space<hbm>> -> memref<1x64x512xf32, #tpu.memory_space<hbm>>
    %dma_wait3A_1851 = tpu.memref_squeeze %dma_wait3A_1850 : memref<1x64x512xf32, #tpu.memory_space<hbm>> -> memref<64x512xf32, #tpu.memory_space<hbm>>
    tpu.wait_dma2 semaphore(%arg6 : memref<!tpu.dma_semaphore, #tpu.memory_space<semaphore_mem>>) src(%arg4 : memref<64x512xf32, #tpu.memory_space<vmem>>) dst(%dma_wait3A_1851 : memref<64x512xf32, #tpu.memory_space<hbm>>)
    %dma_wait3A_1852 = arith.constant 0 : i32
    %dma_wait3A_1853 = arith.constant 0 : i32
    %dma_wait3A_1854 = arith.constant 13824 : i32
    %dma_wait3A_1855 = tpu.memref_slice %arg3[%dma_wait3A_1852, %dma_wait3A_1853, %dma_wait3A_1854] : memref<200x64x16384xf32, #tpu.memory_space<hbm>> -> memref<1x64x512xf32, #tpu.memory_space<hbm>>
    %dma_wait3A_1856 = tpu.memref_squeeze %dma_wait3A_1855 : memref<1x64x512xf32, #tpu.memory_space<hbm>> -> memref<64x512xf32, #tpu.memory_space<hbm>>
    %dma_wait3A_1857 = arith.constant 0 : i32
    %dma_wait3A_1858 = arith.constant 13824 : i32
    %dma_wait3A_1859 = tpu.memref_slice %arg3[%dma_wait3A_1852, %dma_wait3A_1857, %dma_wait3A_1858] : memref<200x64x16384xf32, #tpu.memory_space<hbm>> -> memref<1x64x512xf32, #tpu.memory_space<hbm>>
    %dma_wait3A_1860 = tpu.memref_squeeze %dma_wait3A_1859 : memref<1x64x512xf32, #tpu.memory_space<hbm>> -> memref<64x512xf32, #tpu.memory_space<hbm>>
    tpu.wait_dma2 semaphore(%arg6 : memref<!tpu.dma_semaphore, #tpu.memory_space<semaphore_mem>>) src(%arg4 : memref<64x512xf32, #tpu.memory_space<vmem>>) dst(%dma_wait3A_1860 : memref<64x512xf32, #tpu.memory_space<hbm>>)
    %dma_wait3A_1861 = arith.constant 0 : i32
    %dma_wait3A_1862 = arith.constant 0 : i32
    %dma_wait3A_1863 = arith.constant 14336 : i32
    %dma_wait3A_1864 = tpu.memref_slice %arg3[%dma_wait3A_1861, %dma_wait3A_1862, %dma_wait3A_1863] : memref<200x64x16384xf32, #tpu.memory_space<hbm>> -> memref<1x64x512xf32, #tpu.memory_space<hbm>>
    %dma_wait3A_1865 = tpu.memref_squeeze %dma_wait3A_1864 : memref<1x64x512xf32, #tpu.memory_space<hbm>> -> memref<64x512xf32, #tpu.memory_space<hbm>>
    %dma_wait3A_1866 = arith.constant 0 : i32
    %dma_wait3A_1867 = arith.constant 14336 : i32
    %dma_wait3A_1868 = tpu.memref_slice %arg3[%dma_wait3A_1861, %dma_wait3A_1866, %dma_wait3A_1867] : memref<200x64x16384xf32, #tpu.memory_space<hbm>> -> memref<1x64x512xf32, #tpu.memory_space<hbm>>
    %dma_wait3A_1869 = tpu.memref_squeeze %dma_wait3A_1868 : memref<1x64x512xf32, #tpu.memory_space<hbm>> -> memref<64x512xf32, #tpu.memory_space<hbm>>
    tpu.wait_dma2 semaphore(%arg6 : memref<!tpu.dma_semaphore, #tpu.memory_space<semaphore_mem>>) src(%arg4 : memref<64x512xf32, #tpu.memory_space<vmem>>) dst(%dma_wait3A_1869 : memref<64x512xf32, #tpu.memory_space<hbm>>)
    %dma_wait3A_1870 = arith.constant 0 : i32
    %dma_wait3A_1871 = arith.constant 0 : i32
    %dma_wait3A_1872 = arith.constant 14848 : i32
    %dma_wait3A_1873 = tpu.memref_slice %arg3[%dma_wait3A_1870, %dma_wait3A_1871, %dma_wait3A_1872] : memref<200x64x16384xf32, #tpu.memory_space<hbm>> -> memref<1x64x512xf32, #tpu.memory_space<hbm>>
    %dma_wait3A_1874 = tpu.memref_squeeze %dma_wait3A_1873 : memref<1x64x512xf32, #tpu.memory_space<hbm>> -> memref<64x512xf32, #tpu.memory_space<hbm>>
    %dma_wait3A_1875 = arith.constant 0 : i32
    %dma_wait3A_1876 = arith.constant 14848 : i32
    %dma_wait3A_1877 = tpu.memref_slice %arg3[%dma_wait3A_1870, %dma_wait3A_1875, %dma_wait3A_1876] : memref<200x64x16384xf32, #tpu.memory_space<hbm>> -> memref<1x64x512xf32, #tpu.memory_space<hbm>>
    %dma_wait3A_1878 = tpu.memref_squeeze %dma_wait3A_1877 : memref<1x64x512xf32, #tpu.memory_space<hbm>> -> memref<64x512xf32, #tpu.memory_space<hbm>>
    tpu.wait_dma2 semaphore(%arg6 : memref<!tpu.dma_semaphore, #tpu.memory_space<semaphore_mem>>) src(%arg4 : memref<64x512xf32, #tpu.memory_space<vmem>>) dst(%dma_wait3A_1878 : memref<64x512xf32, #tpu.memory_space<hbm>>)
    %dma_wait3A_1879 = arith.constant 0 : i32
    %dma_wait3A_1880 = arith.constant 0 : i32
    %dma_wait3A_1881 = arith.constant 15360 : i32
    %dma_wait3A_1882 = tpu.memref_slice %arg3[%dma_wait3A_1879, %dma_wait3A_1880, %dma_wait3A_1881] : memref<200x64x16384xf32, #tpu.memory_space<hbm>> -> memref<1x64x512xf32, #tpu.memory_space<hbm>>
    %dma_wait3A_1883 = tpu.memref_squeeze %dma_wait3A_1882 : memref<1x64x512xf32, #tpu.memory_space<hbm>> -> memref<64x512xf32, #tpu.memory_space<hbm>>
    %dma_wait3A_1884 = arith.constant 0 : i32
    %dma_wait3A_1885 = arith.constant 15360 : i32
    %dma_wait3A_1886 = tpu.memref_slice %arg3[%dma_wait3A_1879, %dma_wait3A_1884, %dma_wait3A_1885] : memref<200x64x16384xf32, #tpu.memory_space<hbm>> -> memref<1x64x512xf32, #tpu.memory_space<hbm>>
    %dma_wait3A_1887 = tpu.memref_squeeze %dma_wait3A_1886 : memref<1x64x512xf32, #tpu.memory_space<hbm>> -> memref<64x512xf32, #tpu.memory_space<hbm>>
    tpu.wait_dma2 semaphore(%arg6 : memref<!tpu.dma_semaphore, #tpu.memory_space<semaphore_mem>>) src(%arg4 : memref<64x512xf32, #tpu.memory_space<vmem>>) dst(%dma_wait3A_1887 : memref<64x512xf32, #tpu.memory_space<hbm>>)
    %dma_wait3A_1888 = arith.constant 0 : i32
    %dma_wait3A_1889 = arith.constant 0 : i32
    %dma_wait3A_1890 = arith.constant 15872 : i32
    %dma_wait3A_1891 = tpu.memref_slice %arg3[%dma_wait3A_1888, %dma_wait3A_1889, %dma_wait3A_1890] : memref<200x64x16384xf32, #tpu.memory_space<hbm>> -> memref<1x64x512xf32, #tpu.memory_space<hbm>>
    %dma_wait3A_1892 = tpu.memref_squeeze %dma_wait3A_1891 : memref<1x64x512xf32, #tpu.memory_space<hbm>> -> memref<64x512xf32, #tpu.memory_space<hbm>>
    %dma_wait3A_1893 = arith.constant 0 : i32
    %dma_wait3A_1894 = arith.constant 15872 : i32
    %dma_wait3A_1895 = tpu.memref_slice %arg3[%dma_wait3A_1888, %dma_wait3A_1893, %dma_wait3A_1894] : memref<200x64x16384xf32, #tpu.memory_space<hbm>> -> memref<1x64x512xf32, #tpu.memory_space<hbm>>
    %dma_wait3A_1896 = tpu.memref_squeeze %dma_wait3A_1895 : memref<1x64x512xf32, #tpu.memory_space<hbm>> -> memref<64x512xf32, #tpu.memory_space<hbm>>
    tpu.wait_dma2 semaphore(%arg6 : memref<!tpu.dma_semaphore, #tpu.memory_space<semaphore_mem>>) src(%arg4 : memref<64x512xf32, #tpu.memory_space<vmem>>) dst(%dma_wait3A_1896 : memref<64x512xf32, #tpu.memory_space<hbm>>)
    %lt3A = arith.constant 152 : i32
    %lt3A_1897 = arith.cmpi slt, %add3A_1608, %lt3A : i32
    %convert_element_type3A = arith.extui %lt3A_1897 : i1 to i32
    %cond3A = arith.constant 0 : i32
    %cond3A_1898 = arith.cmpi ne, %convert_element_type3A, %cond3A : i32
    scf.if %cond3A_1898 {
      "tpu.region"() ({
        %run_scoped3A = tpu.sem_alloc : memref<!tpu.dma_semaphore, #tpu.memory_space<semaphore_mem>>
        %dma_start3A_2450 = arith.constant 0 : i32
        %dma_start3A_2451 = arith.constant 0 : i32
        %dma_start3A_2452 = tpu.memref_slice %arg2[%add3A_1608, %dma_start3A_2450, %dma_start3A_2451] : memref<152x64x512xf32, #tpu.memory_space<hbm>> -> memref<1x64x512xf32, #tpu.memory_space<hbm>>
        %dma_start3A_2453 = tpu.memref_squeeze %dma_start3A_2452 : memref<1x64x512xf32, #tpu.memory_space<hbm>> -> memref<64x512xf32, #tpu.memory_space<hbm>>
        %dma_start3A_2454 = arith.constant 0 : i32
        %dma_start3A_2455 = arith.constant 0 : i32
        %dma_start3A_2456 = tpu.memref_slice %arg2[%add3A_1608, %dma_start3A_2454, %dma_start3A_2455] : memref<152x64x512xf32, #tpu.memory_space<hbm>> -> memref<1x64x512xf32, #tpu.memory_space<hbm>>
        %dma_start3A_2457 = tpu.memref_squeeze %dma_start3A_2456 : memref<1x64x512xf32, #tpu.memory_space<hbm>> -> memref<64x512xf32, #tpu.memory_space<hbm>>
        tpu.enqueue_dma source(%dma_start3A_2457 : memref<64x512xf32, #tpu.memory_space<hbm>>) target(%arg4 : memref<64x512xf32, #tpu.memory_space<vmem>>) target_semaphore(%run_scoped3A : memref<!tpu.dma_semaphore, #tpu.memory_space<semaphore_mem>>)
        %dma_wait3A_2458 = arith.constant 0 : i32
        %dma_wait3A_2459 = arith.constant 0 : i32
        %dma_wait3A_2460 = tpu.memref_slice %arg2[%add3A_1608, %dma_wait3A_2458, %dma_wait3A_2459] : memref<152x64x512xf32, #tpu.memory_space<hbm>> -> memref<1x64x512xf32, #tpu.memory_space<hbm>>
        %dma_wait3A_2461 = tpu.memref_squeeze %dma_wait3A_2460 : memref<1x64x512xf32, #tpu.memory_space<hbm>> -> memref<64x512xf32, #tpu.memory_space<hbm>>
        %dma_wait3A_2462 = arith.constant 0 : i32
        %dma_wait3A_2463 = arith.constant 0 : i32
        %dma_wait3A_2464 = tpu.memref_slice %arg2[%add3A_1608, %dma_wait3A_2462, %dma_wait3A_2463] : memref<152x64x512xf32, #tpu.memory_space<hbm>> -> memref<1x64x512xf32, #tpu.memory_space<hbm>>
        %dma_wait3A_2465 = tpu.memref_squeeze %dma_wait3A_2464 : memref<1x64x512xf32, #tpu.memory_space<hbm>> -> memref<64x512xf32, #tpu.memory_space<hbm>>
        tpu.wait_dma2 semaphore(%run_scoped3A : memref<!tpu.dma_semaphore, #tpu.memory_space<semaphore_mem>>) src(%dma_wait3A_2465 : memref<64x512xf32, #tpu.memory_space<hbm>>) dst(%arg4 : memref<64x512xf32, #tpu.memory_space<vmem>>)
        tpu.yield
      }) : () -> ()
      %dma_start3A_2194 = arith.constant 0 : i32
      %dma_start3A_2195 = arith.constant 0 : i32
      %dma_start3A_2196 = tpu.memref_slice %arg3[%add3A_1608, %dma_start3A_2194, %dma_start3A_2195] : memref<200x64x16384xf32, #tpu.memory_space<hbm>> -> memref<1x64x512xf32, #tpu.memory_space<hbm>>
      %dma_start3A_2197 = tpu.memref_squeeze %dma_start3A_2196 : memref<1x64x512xf32, #tpu.memory_space<hbm>> -> memref<64x512xf32, #tpu.memory_space<hbm>>
      %dma_start3A_2198 = arith.constant 0 : i32
      %dma_start3A_2199 = arith.constant 0 : i32
      %dma_start3A_2200 = tpu.memref_slice %arg3[%add3A_1608, %dma_start3A_2198, %dma_start3A_2199] : memref<200x64x16384xf32, #tpu.memory_space<hbm>> -> memref<1x64x512xf32, #tpu.memory_space<hbm>>
      %dma_start3A_2201 = tpu.memref_squeeze %dma_start3A_2200 : memref<1x64x512xf32, #tpu.memory_space<hbm>> -> memref<64x512xf32, #tpu.memory_space<hbm>>
      tpu.enqueue_dma source(%arg4 : memref<64x512xf32, #tpu.memory_space<vmem>>) target(%dma_start3A_2201 : memref<64x512xf32, #tpu.memory_space<hbm>>) target_semaphore(%arg6 : memref<!tpu.dma_semaphore, #tpu.memory_space<semaphore_mem>>)
      %dma_start3A_2202 = arith.constant 0 : i32
      %dma_start3A_2203 = arith.constant 512 : i32
      %dma_start3A_2204 = tpu.memref_slice %arg3[%add3A_1608, %dma_start3A_2202, %dma_start3A_2203] : memref<200x64x16384xf32, #tpu.memory_space<hbm>> -> memref<1x64x512xf32, #tpu.memory_space<hbm>>
      %dma_start3A_2205 = tpu.memref_squeeze %dma_start3A_2204 : memref<1x64x512xf32, #tpu.memory_space<hbm>> -> memref<64x512xf32, #tpu.memory_space<hbm>>
      %dma_start3A_2206 = arith.constant 0 : i32
      %dma_start3A_2207 = arith.constant 512 : i32
      %dma_start3A_2208 = tpu.memref_slice %arg3[%add3A_1608, %dma_start3A_2206, %dma_start3A_2207] : memref<200x64x16384xf32, #tpu.memory_space<hbm>> -> memref<1x64x512xf32, #tpu.memory_space<hbm>>
      %dma_start3A_2209 = tpu.memref_squeeze %dma_start3A_2208 : memref<1x64x512xf32, #tpu.memory_space<hbm>> -> memref<64x512xf32, #tpu.memory_space<hbm>>
      tpu.enqueue_dma source(%arg4 : memref<64x512xf32, #tpu.memory_space<vmem>>) target(%dma_start3A_2209 : memref<64x512xf32, #tpu.memory_space<hbm>>) target_semaphore(%arg6 : memref<!tpu.dma_semaphore, #tpu.memory_space<semaphore_mem>>)
      %dma_start3A_2210 = arith.constant 0 : i32
      %dma_start3A_2211 = arith.constant 1024 : i32
      %dma_start3A_2212 = tpu.memref_slice %arg3[%add3A_1608, %dma_start3A_2210, %dma_start3A_2211] : memref<200x64x16384xf32, #tpu.memory_space<hbm>> -> memref<1x64x512xf32, #tpu.memory_space<hbm>>
      %dma_start3A_2213 = tpu.memref_squeeze %dma_start3A_2212 : memref<1x64x512xf32, #tpu.memory_space<hbm>> -> memref<64x512xf32, #tpu.memory_space<hbm>>
      %dma_start3A_2214 = arith.constant 0 : i32
      %dma_start3A_2215 = arith.constant 1024 : i32
      %dma_start3A_2216 = tpu.memref_slice %arg3[%add3A_1608, %dma_start3A_2214, %dma_start3A_2215] : memref<200x64x16384xf32, #tpu.memory_space<hbm>> -> memref<1x64x512xf32, #tpu.memory_space<hbm>>
      %dma_start3A_2217 = tpu.memref_squeeze %dma_start3A_2216 : memref<1x64x512xf32, #tpu.memory_space<hbm>> -> memref<64x512xf32, #tpu.memory_space<hbm>>
      tpu.enqueue_dma source(%arg4 : memref<64x512xf32, #tpu.memory_space<vmem>>) target(%dma_start3A_2217 : memref<64x512xf32, #tpu.memory_space<hbm>>) target_semaphore(%arg6 : memref<!tpu.dma_semaphore, #tpu.memory_space<semaphore_mem>>)
      %dma_start3A_2218 = arith.constant 0 : i32
      %dma_start3A_2219 = arith.constant 1536 : i32
      %dma_start3A_2220 = tpu.memref_slice %arg3[%add3A_1608, %dma_start3A_2218, %dma_start3A_2219] : memref<200x64x16384xf32, #tpu.memory_space<hbm>> -> memref<1x64x512xf32, #tpu.memory_space<hbm>>
      %dma_start3A_2221 = tpu.memref_squeeze %dma_start3A_2220 : memref<1x64x512xf32, #tpu.memory_space<hbm>> -> memref<64x512xf32, #tpu.memory_space<hbm>>
      %dma_start3A_2222 = arith.constant 0 : i32
      %dma_start3A_2223 = arith.constant 1536 : i32
      %dma_start3A_2224 = tpu.memref_slice %arg3[%add3A_1608, %dma_start3A_2222, %dma_start3A_2223] : memref<200x64x16384xf32, #tpu.memory_space<hbm>> -> memref<1x64x512xf32, #tpu.memory_space<hbm>>
      %dma_start3A_2225 = tpu.memref_squeeze %dma_start3A_2224 : memref<1x64x512xf32, #tpu.memory_space<hbm>> -> memref<64x512xf32, #tpu.memory_space<hbm>>
      tpu.enqueue_dma source(%arg4 : memref<64x512xf32, #tpu.memory_space<vmem>>) target(%dma_start3A_2225 : memref<64x512xf32, #tpu.memory_space<hbm>>) target_semaphore(%arg6 : memref<!tpu.dma_semaphore, #tpu.memory_space<semaphore_mem>>)
      %dma_start3A_2226 = arith.constant 0 : i32
      %dma_start3A_2227 = arith.constant 2048 : i32
      %dma_start3A_2228 = tpu.memref_slice %arg3[%add3A_1608, %dma_start3A_2226, %dma_start3A_2227] : memref<200x64x16384xf32, #tpu.memory_space<hbm>> -> memref<1x64x512xf32, #tpu.memory_space<hbm>>
      %dma_start3A_2229 = tpu.memref_squeeze %dma_start3A_2228 : memref<1x64x512xf32, #tpu.memory_space<hbm>> -> memref<64x512xf32, #tpu.memory_space<hbm>>
      %dma_start3A_2230 = arith.constant 0 : i32
      %dma_start3A_2231 = arith.constant 2048 : i32
      %dma_start3A_2232 = tpu.memref_slice %arg3[%add3A_1608, %dma_start3A_2230, %dma_start3A_2231] : memref<200x64x16384xf32, #tpu.memory_space<hbm>> -> memref<1x64x512xf32, #tpu.memory_space<hbm>>
      %dma_start3A_2233 = tpu.memref_squeeze %dma_start3A_2232 : memref<1x64x512xf32, #tpu.memory_space<hbm>> -> memref<64x512xf32, #tpu.memory_space<hbm>>
      tpu.enqueue_dma source(%arg4 : memref<64x512xf32, #tpu.memory_space<vmem>>) target(%dma_start3A_2233 : memref<64x512xf32, #tpu.memory_space<hbm>>) target_semaphore(%arg6 : memref<!tpu.dma_semaphore, #tpu.memory_space<semaphore_mem>>)
      %dma_start3A_2234 = arith.constant 0 : i32
      %dma_start3A_2235 = arith.constant 2560 : i32
      %dma_start3A_2236 = tpu.memref_slice %arg3[%add3A_1608, %dma_start3A_2234, %dma_start3A_2235] : memref<200x64x16384xf32, #tpu.memory_space<hbm>> -> memref<1x64x512xf32, #tpu.memory_space<hbm>>
      %dma_start3A_2237 = tpu.memref_squeeze %dma_start3A_2236 : memref<1x64x512xf32, #tpu.memory_space<hbm>> -> memref<64x512xf32, #tpu.memory_space<hbm>>
      %dma_start3A_2238 = arith.constant 0 : i32
      %dma_start3A_2239 = arith.constant 2560 : i32
      %dma_start3A_2240 = tpu.memref_slice %arg3[%add3A_1608, %dma_start3A_2238, %dma_start3A_2239] : memref<200x64x16384xf32, #tpu.memory_space<hbm>> -> memref<1x64x512xf32, #tpu.memory_space<hbm>>
      %dma_start3A_2241 = tpu.memref_squeeze %dma_start3A_2240 : memref<1x64x512xf32, #tpu.memory_space<hbm>> -> memref<64x512xf32, #tpu.memory_space<hbm>>
      tpu.enqueue_dma source(%arg4 : memref<64x512xf32, #tpu.memory_space<vmem>>) target(%dma_start3A_2241 : memref<64x512xf32, #tpu.memory_space<hbm>>) target_semaphore(%arg6 : memref<!tpu.dma_semaphore, #tpu.memory_space<semaphore_mem>>)
      %dma_start3A_2242 = arith.constant 0 : i32
      %dma_start3A_2243 = arith.constant 3072 : i32
      %dma_start3A_2244 = tpu.memref_slice %arg3[%add3A_1608, %dma_start3A_2242, %dma_start3A_2243] : memref<200x64x16384xf32, #tpu.memory_space<hbm>> -> memref<1x64x512xf32, #tpu.memory_space<hbm>>
      %dma_start3A_2245 = tpu.memref_squeeze %dma_start3A_2244 : memref<1x64x512xf32, #tpu.memory_space<hbm>> -> memref<64x512xf32, #tpu.memory_space<hbm>>
      %dma_start3A_2246 = arith.constant 0 : i32
      %dma_start3A_2247 = arith.constant 3072 : i32
      %dma_start3A_2248 = tpu.memref_slice %arg3[%add3A_1608, %dma_start3A_2246, %dma_start3A_2247] : memref<200x64x16384xf32, #tpu.memory_space<hbm>> -> memref<1x64x512xf32, #tpu.memory_space<hbm>>
      %dma_start3A_2249 = tpu.memref_squeeze %dma_start3A_2248 : memref<1x64x512xf32, #tpu.memory_space<hbm>> -> memref<64x512xf32, #tpu.memory_space<hbm>>
      tpu.enqueue_dma source(%arg4 : memref<64x512xf32, #tpu.memory_space<vmem>>) target(%dma_start3A_2249 : memref<64x512xf32, #tpu.memory_space<hbm>>) target_semaphore(%arg6 : memref<!tpu.dma_semaphore, #tpu.memory_space<semaphore_mem>>)
      %dma_start3A_2250 = arith.constant 0 : i32
      %dma_start3A_2251 = arith.constant 3584 : i32
      %dma_start3A_2252 = tpu.memref_slice %arg3[%add3A_1608, %dma_start3A_2250, %dma_start3A_2251] : memref<200x64x16384xf32, #tpu.memory_space<hbm>> -> memref<1x64x512xf32, #tpu.memory_space<hbm>>
      %dma_start3A_2253 = tpu.memref_squeeze %dma_start3A_2252 : memref<1x64x512xf32, #tpu.memory_space<hbm>> -> memref<64x512xf32, #tpu.memory_space<hbm>>
      %dma_start3A_2254 = arith.constant 0 : i32
      %dma_start3A_2255 = arith.constant 3584 : i32
      %dma_start3A_2256 = tpu.memref_slice %arg3[%add3A_1608, %dma_start3A_2254, %dma_start3A_2255] : memref<200x64x16384xf32, #tpu.memory_space<hbm>> -> memref<1x64x512xf32, #tpu.memory_space<hbm>>
      %dma_start3A_2257 = tpu.memref_squeeze %dma_start3A_2256 : memref<1x64x512xf32, #tpu.memory_space<hbm>> -> memref<64x512xf32, #tpu.memory_space<hbm>>
      tpu.enqueue_dma source(%arg4 : memref<64x512xf32, #tpu.memory_space<vmem>>) target(%dma_start3A_2257 : memref<64x512xf32, #tpu.memory_space<hbm>>) target_semaphore(%arg6 : memref<!tpu.dma_semaphore, #tpu.memory_space<semaphore_mem>>)
      %dma_start3A_2258 = arith.constant 0 : i32
      %dma_start3A_2259 = arith.constant 4096 : i32
      %dma_start3A_2260 = tpu.memref_slice %arg3[%add3A_1608, %dma_start3A_2258, %dma_start3A_2259] : memref<200x64x16384xf32, #tpu.memory_space<hbm>> -> memref<1x64x512xf32, #tpu.memory_space<hbm>>
      %dma_start3A_2261 = tpu.memref_squeeze %dma_start3A_2260 : memref<1x64x512xf32, #tpu.memory_space<hbm>> -> memref<64x512xf32, #tpu.memory_space<hbm>>
      %dma_start3A_2262 = arith.constant 0 : i32
      %dma_start3A_2263 = arith.constant 4096 : i32
      %dma_start3A_2264 = tpu.memref_slice %arg3[%add3A_1608, %dma_start3A_2262, %dma_start3A_2263] : memref<200x64x16384xf32, #tpu.memory_space<hbm>> -> memref<1x64x512xf32, #tpu.memory_space<hbm>>
      %dma_start3A_2265 = tpu.memref_squeeze %dma_start3A_2264 : memref<1x64x512xf32, #tpu.memory_space<hbm>> -> memref<64x512xf32, #tpu.memory_space<hbm>>
      tpu.enqueue_dma source(%arg4 : memref<64x512xf32, #tpu.memory_space<vmem>>) target(%dma_start3A_2265 : memref<64x512xf32, #tpu.memory_space<hbm>>) target_semaphore(%arg6 : memref<!tpu.dma_semaphore, #tpu.memory_space<semaphore_mem>>)
      %dma_start3A_2266 = arith.constant 0 : i32
      %dma_start3A_2267 = arith.constant 4608 : i32
      %dma_start3A_2268 = tpu.memref_slice %arg3[%add3A_1608, %dma_start3A_2266, %dma_start3A_2267] : memref<200x64x16384xf32, #tpu.memory_space<hbm>> -> memref<1x64x512xf32, #tpu.memory_space<hbm>>
      %dma_start3A_2269 = tpu.memref_squeeze %dma_start3A_2268 : memref<1x64x512xf32, #tpu.memory_space<hbm>> -> memref<64x512xf32, #tpu.memory_space<hbm>>
      %dma_start3A_2270 = arith.constant 0 : i32
      %dma_start3A_2271 = arith.constant 4608 : i32
      %dma_start3A_2272 = tpu.memref_slice %arg3[%add3A_1608, %dma_start3A_2270, %dma_start3A_2271] : memref<200x64x16384xf32, #tpu.memory_space<hbm>> -> memref<1x64x512xf32, #tpu.memory_space<hbm>>
      %dma_start3A_2273 = tpu.memref_squeeze %dma_start3A_2272 : memref<1x64x512xf32, #tpu.memory_space<hbm>> -> memref<64x512xf32, #tpu.memory_space<hbm>>
      tpu.enqueue_dma source(%arg4 : memref<64x512xf32, #tpu.memory_space<vmem>>) target(%dma_start3A_2273 : memref<64x512xf32, #tpu.memory_space<hbm>>) target_semaphore(%arg6 : memref<!tpu.dma_semaphore, #tpu.memory_space<semaphore_mem>>)
      %dma_start3A_2274 = arith.constant 0 : i32
      %dma_start3A_2275 = arith.constant 5120 : i32
      %dma_start3A_2276 = tpu.memref_slice %arg3[%add3A_1608, %dma_start3A_2274, %dma_start3A_2275] : memref<200x64x16384xf32, #tpu.memory_space<hbm>> -> memref<1x64x512xf32, #tpu.memory_space<hbm>>
      %dma_start3A_2277 = tpu.memref_squeeze %dma_start3A_2276 : memref<1x64x512xf32, #tpu.memory_space<hbm>> -> memref<64x512xf32, #tpu.memory_space<hbm>>
      %dma_start3A_2278 = arith.constant 0 : i32
      %dma_start3A_2279 = arith.constant 5120 : i32
      %dma_start3A_2280 = tpu.memref_slice %arg3[%add3A_1608, %dma_start3A_2278, %dma_start3A_2279] : memref<200x64x16384xf32, #tpu.memory_space<hbm>> -> memref<1x64x512xf32, #tpu.memory_space<hbm>>
      %dma_start3A_2281 = tpu.memref_squeeze %dma_start3A_2280 : memref<1x64x512xf32, #tpu.memory_space<hbm>> -> memref<64x512xf32, #tpu.memory_space<hbm>>
      tpu.enqueue_dma source(%arg4 : memref<64x512xf32, #tpu.memory_space<vmem>>) target(%dma_start3A_2281 : memref<64x512xf32, #tpu.memory_space<hbm>>) target_semaphore(%arg6 : memref<!tpu.dma_semaphore, #tpu.memory_space<semaphore_mem>>)
      %dma_start3A_2282 = arith.constant 0 : i32
      %dma_start3A_2283 = arith.constant 5632 : i32
      %dma_start3A_2284 = tpu.memref_slice %arg3[%add3A_1608, %dma_start3A_2282, %dma_start3A_2283] : memref<200x64x16384xf32, #tpu.memory_space<hbm>> -> memref<1x64x512xf32, #tpu.memory_space<hbm>>
      %dma_start3A_2285 = tpu.memref_squeeze %dma_start3A_2284 : memref<1x64x512xf32, #tpu.memory_space<hbm>> -> memref<64x512xf32, #tpu.memory_space<hbm>>
      %dma_start3A_2286 = arith.constant 0 : i32
      %dma_start3A_2287 = arith.constant 5632 : i32
      %dma_start3A_2288 = tpu.memref_slice %arg3[%add3A_1608, %dma_start3A_2286, %dma_start3A_2287] : memref<200x64x16384xf32, #tpu.memory_space<hbm>> -> memref<1x64x512xf32, #tpu.memory_space<hbm>>
      %dma_start3A_2289 = tpu.memref_squeeze %dma_start3A_2288 : memref<1x64x512xf32, #tpu.memory_space<hbm>> -> memref<64x512xf32, #tpu.memory_space<hbm>>
      tpu.enqueue_dma source(%arg4 : memref<64x512xf32, #tpu.memory_space<vmem>>) target(%dma_start3A_2289 : memref<64x512xf32, #tpu.memory_space<hbm>>) target_semaphore(%arg6 : memref<!tpu.dma_semaphore, #tpu.memory_space<semaphore_mem>>)
      %dma_start3A_2290 = arith.constant 0 : i32
      %dma_start3A_2291 = arith.constant 6144 : i32
      %dma_start3A_2292 = tpu.memref_slice %arg3[%add3A_1608, %dma_start3A_2290, %dma_start3A_2291] : memref<200x64x16384xf32, #tpu.memory_space<hbm>> -> memref<1x64x512xf32, #tpu.memory_space<hbm>>
      %dma_start3A_2293 = tpu.memref_squeeze %dma_start3A_2292 : memref<1x64x512xf32, #tpu.memory_space<hbm>> -> memref<64x512xf32, #tpu.memory_space<hbm>>
      %dma_start3A_2294 = arith.constant 0 : i32
      %dma_start3A_2295 = arith.constant 6144 : i32
      %dma_start3A_2296 = tpu.memref_slice %arg3[%add3A_1608, %dma_start3A_2294, %dma_start3A_2295] : memref<200x64x16384xf32, #tpu.memory_space<hbm>> -> memref<1x64x512xf32, #tpu.memory_space<hbm>>
      %dma_start3A_2297 = tpu.memref_squeeze %dma_start3A_2296 : memref<1x64x512xf32, #tpu.memory_space<hbm>> -> memref<64x512xf32, #tpu.memory_space<hbm>>
      tpu.enqueue_dma source(%arg4 : memref<64x512xf32, #tpu.memory_space<vmem>>) target(%dma_start3A_2297 : memref<64x512xf32, #tpu.memory_space<hbm>>) target_semaphore(%arg6 : memref<!tpu.dma_semaphore, #tpu.memory_space<semaphore_mem>>)
      %dma_start3A_2298 = arith.constant 0 : i32
      %dma_start3A_2299 = arith.constant 6656 : i32
      %dma_start3A_2300 = tpu.memref_slice %arg3[%add3A_1608, %dma_start3A_2298, %dma_start3A_2299] : memref<200x64x16384xf32, #tpu.memory_space<hbm>> -> memref<1x64x512xf32, #tpu.memory_space<hbm>>
      %dma_start3A_2301 = tpu.memref_squeeze %dma_start3A_2300 : memref<1x64x512xf32, #tpu.memory_space<hbm>> -> memref<64x512xf32, #tpu.memory_space<hbm>>
      %dma_start3A_2302 = arith.constant 0 : i32
      %dma_start3A_2303 = arith.constant 6656 : i32
      %dma_start3A_2304 = tpu.memref_slice %arg3[%add3A_1608, %dma_start3A_2302, %dma_start3A_2303] : memref<200x64x16384xf32, #tpu.memory_space<hbm>> -> memref<1x64x512xf32, #tpu.memory_space<hbm>>
      %dma_start3A_2305 = tpu.memref_squeeze %dma_start3A_2304 : memref<1x64x512xf32, #tpu.memory_space<hbm>> -> memref<64x512xf32, #tpu.memory_space<hbm>>
      tpu.enqueue_dma source(%arg4 : memref<64x512xf32, #tpu.memory_space<vmem>>) target(%dma_start3A_2305 : memref<64x512xf32, #tpu.memory_space<hbm>>) target_semaphore(%arg6 : memref<!tpu.dma_semaphore, #tpu.memory_space<semaphore_mem>>)
      %dma_start3A_2306 = arith.constant 0 : i32
      %dma_start3A_2307 = arith.constant 7168 : i32
      %dma_start3A_2308 = tpu.memref_slice %arg3[%add3A_1608, %dma_start3A_2306, %dma_start3A_2307] : memref<200x64x16384xf32, #tpu.memory_space<hbm>> -> memref<1x64x512xf32, #tpu.memory_space<hbm>>
      %dma_start3A_2309 = tpu.memref_squeeze %dma_start3A_2308 : memref<1x64x512xf32, #tpu.memory_space<hbm>> -> memref<64x512xf32, #tpu.memory_space<hbm>>
      %dma_start3A_2310 = arith.constant 0 : i32
      %dma_start3A_2311 = arith.constant 7168 : i32
      %dma_start3A_2312 = tpu.memref_slice %arg3[%add3A_1608, %dma_start3A_2310, %dma_start3A_2311] : memref<200x64x16384xf32, #tpu.memory_space<hbm>> -> memref<1x64x512xf32, #tpu.memory_space<hbm>>
      %dma_start3A_2313 = tpu.memref_squeeze %dma_start3A_2312 : memref<1x64x512xf32, #tpu.memory_space<hbm>> -> memref<64x512xf32, #tpu.memory_space<hbm>>
      tpu.enqueue_dma source(%arg4 : memref<64x512xf32, #tpu.memory_space<vmem>>) target(%dma_start3A_2313 : memref<64x512xf32, #tpu.memory_space<hbm>>) target_semaphore(%arg6 : memref<!tpu.dma_semaphore, #tpu.memory_space<semaphore_mem>>)
      %dma_start3A_2314 = arith.constant 0 : i32
      %dma_start3A_2315 = arith.constant 7680 : i32
      %dma_start3A_2316 = tpu.memref_slice %arg3[%add3A_1608, %dma_start3A_2314, %dma_start3A_2315] : memref<200x64x16384xf32, #tpu.memory_space<hbm>> -> memref<1x64x512xf32, #tpu.memory_space<hbm>>
      %dma_start3A_2317 = tpu.memref_squeeze %dma_start3A_2316 : memref<1x64x512xf32, #tpu.memory_space<hbm>> -> memref<64x512xf32, #tpu.memory_space<hbm>>
      %dma_start3A_2318 = arith.constant 0 : i32
      %dma_start3A_2319 = arith.constant 7680 : i32
      %dma_start3A_2320 = tpu.memref_slice %arg3[%add3A_1608, %dma_start3A_2318, %dma_start3A_2319] : memref<200x64x16384xf32, #tpu.memory_space<hbm>> -> memref<1x64x512xf32, #tpu.memory_space<hbm>>
      %dma_start3A_2321 = tpu.memref_squeeze %dma_start3A_2320 : memref<1x64x512xf32, #tpu.memory_space<hbm>> -> memref<64x512xf32, #tpu.memory_space<hbm>>
      tpu.enqueue_dma source(%arg4 : memref<64x512xf32, #tpu.memory_space<vmem>>) target(%dma_start3A_2321 : memref<64x512xf32, #tpu.memory_space<hbm>>) target_semaphore(%arg6 : memref<!tpu.dma_semaphore, #tpu.memory_space<semaphore_mem>>)
      %dma_start3A_2322 = arith.constant 0 : i32
      %dma_start3A_2323 = arith.constant 8192 : i32
      %dma_start3A_2324 = tpu.memref_slice %arg3[%add3A_1608, %dma_start3A_2322, %dma_start3A_2323] : memref<200x64x16384xf32, #tpu.memory_space<hbm>> -> memref<1x64x512xf32, #tpu.memory_space<hbm>>
      %dma_start3A_2325 = tpu.memref_squeeze %dma_start3A_2324 : memref<1x64x512xf32, #tpu.memory_space<hbm>> -> memref<64x512xf32, #tpu.memory_space<hbm>>
      %dma_start3A_2326 = arith.constant 0 : i32
      %dma_start3A_2327 = arith.constant 8192 : i32
      %dma_start3A_2328 = tpu.memref_slice %arg3[%add3A_1608, %dma_start3A_2326, %dma_start3A_2327] : memref<200x64x16384xf32, #tpu.memory_space<hbm>> -> memref<1x64x512xf32, #tpu.memory_space<hbm>>
      %dma_start3A_2329 = tpu.memref_squeeze %dma_start3A_2328 : memref<1x64x512xf32, #tpu.memory_space<hbm>> -> memref<64x512xf32, #tpu.memory_space<hbm>>
      tpu.enqueue_dma source(%arg4 : memref<64x512xf32, #tpu.memory_space<vmem>>) target(%dma_start3A_2329 : memref<64x512xf32, #tpu.memory_space<hbm>>) target_semaphore(%arg6 : memref<!tpu.dma_semaphore, #tpu.memory_space<semaphore_mem>>)
      %dma_start3A_2330 = arith.constant 0 : i32
      %dma_start3A_2331 = arith.constant 8704 : i32
      %dma_start3A_2332 = tpu.memref_slice %arg3[%add3A_1608, %dma_start3A_2330, %dma_start3A_2331] : memref<200x64x16384xf32, #tpu.memory_space<hbm>> -> memref<1x64x512xf32, #tpu.memory_space<hbm>>
      %dma_start3A_2333 = tpu.memref_squeeze %dma_start3A_2332 : memref<1x64x512xf32, #tpu.memory_space<hbm>> -> memref<64x512xf32, #tpu.memory_space<hbm>>
      %dma_start3A_2334 = arith.constant 0 : i32
      %dma_start3A_2335 = arith.constant 8704 : i32
      %dma_start3A_2336 = tpu.memref_slice %arg3[%add3A_1608, %dma_start3A_2334, %dma_start3A_2335] : memref<200x64x16384xf32, #tpu.memory_space<hbm>> -> memref<1x64x512xf32, #tpu.memory_space<hbm>>
      %dma_start3A_2337 = tpu.memref_squeeze %dma_start3A_2336 : memref<1x64x512xf32, #tpu.memory_space<hbm>> -> memref<64x512xf32, #tpu.memory_space<hbm>>
      tpu.enqueue_dma source(%arg4 : memref<64x512xf32, #tpu.memory_space<vmem>>) target(%dma_start3A_2337 : memref<64x512xf32, #tpu.memory_space<hbm>>) target_semaphore(%arg6 : memref<!tpu.dma_semaphore, #tpu.memory_space<semaphore_mem>>)
      %dma_start3A_2338 = arith.constant 0 : i32
      %dma_start3A_2339 = arith.constant 9216 : i32
      %dma_start3A_2340 = tpu.memref_slice %arg3[%add3A_1608, %dma_start3A_2338, %dma_start3A_2339] : memref<200x64x16384xf32, #tpu.memory_space<hbm>> -> memref<1x64x512xf32, #tpu.memory_space<hbm>>
      %dma_start3A_2341 = tpu.memref_squeeze %dma_start3A_2340 : memref<1x64x512xf32, #tpu.memory_space<hbm>> -> memref<64x512xf32, #tpu.memory_space<hbm>>
      %dma_start3A_2342 = arith.constant 0 : i32
      %dma_start3A_2343 = arith.constant 9216 : i32
      %dma_start3A_2344 = tpu.memref_slice %arg3[%add3A_1608, %dma_start3A_2342, %dma_start3A_2343] : memref<200x64x16384xf32, #tpu.memory_space<hbm>> -> memref<1x64x512xf32, #tpu.memory_space<hbm>>
      %dma_start3A_2345 = tpu.memref_squeeze %dma_start3A_2344 : memref<1x64x512xf32, #tpu.memory_space<hbm>> -> memref<64x512xf32, #tpu.memory_space<hbm>>
      tpu.enqueue_dma source(%arg4 : memref<64x512xf32, #tpu.memory_space<vmem>>) target(%dma_start3A_2345 : memref<64x512xf32, #tpu.memory_space<hbm>>) target_semaphore(%arg6 : memref<!tpu.dma_semaphore, #tpu.memory_space<semaphore_mem>>)
      %dma_start3A_2346 = arith.constant 0 : i32
      %dma_start3A_2347 = arith.constant 9728 : i32
      %dma_start3A_2348 = tpu.memref_slice %arg3[%add3A_1608, %dma_start3A_2346, %dma_start3A_2347] : memref<200x64x16384xf32, #tpu.memory_space<hbm>> -> memref<1x64x512xf32, #tpu.memory_space<hbm>>
      %dma_start3A_2349 = tpu.memref_squeeze %dma_start3A_2348 : memref<1x64x512xf32, #tpu.memory_space<hbm>> -> memref<64x512xf32, #tpu.memory_space<hbm>>
      %dma_start3A_2350 = arith.constant 0 : i32
      %dma_start3A_2351 = arith.constant 9728 : i32
      %dma_start3A_2352 = tpu.memref_slice %arg3[%add3A_1608, %dma_start3A_2350, %dma_start3A_2351] : memref<200x64x16384xf32, #tpu.memory_space<hbm>> -> memref<1x64x512xf32, #tpu.memory_space<hbm>>
      %dma_start3A_2353 = tpu.memref_squeeze %dma_start3A_2352 : memref<1x64x512xf32, #tpu.memory_space<hbm>> -> memref<64x512xf32, #tpu.memory_space<hbm>>
      tpu.enqueue_dma source(%arg4 : memref<64x512xf32, #tpu.memory_space<vmem>>) target(%dma_start3A_2353 : memref<64x512xf32, #tpu.memory_space<hbm>>) target_semaphore(%arg6 : memref<!tpu.dma_semaphore, #tpu.memory_space<semaphore_mem>>)
      %dma_start3A_2354 = arith.constant 0 : i32
      %dma_start3A_2355 = arith.constant 10240 : i32
      %dma_start3A_2356 = tpu.memref_slice %arg3[%add3A_1608, %dma_start3A_2354, %dma_start3A_2355] : memref<200x64x16384xf32, #tpu.memory_space<hbm>> -> memref<1x64x512xf32, #tpu.memory_space<hbm>>
      %dma_start3A_2357 = tpu.memref_squeeze %dma_start3A_2356 : memref<1x64x512xf32, #tpu.memory_space<hbm>> -> memref<64x512xf32, #tpu.memory_space<hbm>>
      %dma_start3A_2358 = arith.constant 0 : i32
      %dma_start3A_2359 = arith.constant 10240 : i32
      %dma_start3A_2360 = tpu.memref_slice %arg3[%add3A_1608, %dma_start3A_2358, %dma_start3A_2359] : memref<200x64x16384xf32, #tpu.memory_space<hbm>> -> memref<1x64x512xf32, #tpu.memory_space<hbm>>
      %dma_start3A_2361 = tpu.memref_squeeze %dma_start3A_2360 : memref<1x64x512xf32, #tpu.memory_space<hbm>> -> memref<64x512xf32, #tpu.memory_space<hbm>>
      tpu.enqueue_dma source(%arg4 : memref<64x512xf32, #tpu.memory_space<vmem>>) target(%dma_start3A_2361 : memref<64x512xf32, #tpu.memory_space<hbm>>) target_semaphore(%arg6 : memref<!tpu.dma_semaphore, #tpu.memory_space<semaphore_mem>>)
      %dma_start3A_2362 = arith.constant 0 : i32
      %dma_start3A_2363 = arith.constant 10752 : i32
      %dma_start3A_2364 = tpu.memref_slice %arg3[%add3A_1608, %dma_start3A_2362, %dma_start3A_2363] : memref<200x64x16384xf32, #tpu.memory_space<hbm>> -> memref<1x64x512xf32, #tpu.memory_space<hbm>>
      %dma_start3A_2365 = tpu.memref_squeeze %dma_start3A_2364 : memref<1x64x512xf32, #tpu.memory_space<hbm>> -> memref<64x512xf32, #tpu.memory_space<hbm>>
      %dma_start3A_2366 = arith.constant 0 : i32
      %dma_start3A_2367 = arith.constant 10752 : i32
      %dma_start3A_2368 = tpu.memref_slice %arg3[%add3A_1608, %dma_start3A_2366, %dma_start3A_2367] : memref<200x64x16384xf32, #tpu.memory_space<hbm>> -> memref<1x64x512xf32, #tpu.memory_space<hbm>>
      %dma_start3A_2369 = tpu.memref_squeeze %dma_start3A_2368 : memref<1x64x512xf32, #tpu.memory_space<hbm>> -> memref<64x512xf32, #tpu.memory_space<hbm>>
      tpu.enqueue_dma source(%arg4 : memref<64x512xf32, #tpu.memory_space<vmem>>) target(%dma_start3A_2369 : memref<64x512xf32, #tpu.memory_space<hbm>>) target_semaphore(%arg6 : memref<!tpu.dma_semaphore, #tpu.memory_space<semaphore_mem>>)
      %dma_start3A_2370 = arith.constant 0 : i32
      %dma_start3A_2371 = arith.constant 11264 : i32
      %dma_start3A_2372 = tpu.memref_slice %arg3[%add3A_1608, %dma_start3A_2370, %dma_start3A_2371] : memref<200x64x16384xf32, #tpu.memory_space<hbm>> -> memref<1x64x512xf32, #tpu.memory_space<hbm>>
      %dma_start3A_2373 = tpu.memref_squeeze %dma_start3A_2372 : memref<1x64x512xf32, #tpu.memory_space<hbm>> -> memref<64x512xf32, #tpu.memory_space<hbm>>
      %dma_start3A_2374 = arith.constant 0 : i32
      %dma_start3A_2375 = arith.constant 11264 : i32
      %dma_start3A_2376 = tpu.memref_slice %arg3[%add3A_1608, %dma_start3A_2374, %dma_start3A_2375] : memref<200x64x16384xf32, #tpu.memory_space<hbm>> -> memref<1x64x512xf32, #tpu.memory_space<hbm>>
      %dma_start3A_2377 = tpu.memref_squeeze %dma_start3A_2376 : memref<1x64x512xf32, #tpu.memory_space<hbm>> -> memref<64x512xf32, #tpu.memory_space<hbm>>
      tpu.enqueue_dma source(%arg4 : memref<64x512xf32, #tpu.memory_space<vmem>>) target(%dma_start3A_2377 : memref<64x512xf32, #tpu.memory_space<hbm>>) target_semaphore(%arg6 : memref<!tpu.dma_semaphore, #tpu.memory_space<semaphore_mem>>)
      %dma_start3A_2378 = arith.constant 0 : i32
      %dma_start3A_2379 = arith.constant 11776 : i32
      %dma_start3A_2380 = tpu.memref_slice %arg3[%add3A_1608, %dma_start3A_2378, %dma_start3A_2379] : memref<200x64x16384xf32, #tpu.memory_space<hbm>> -> memref<1x64x512xf32, #tpu.memory_space<hbm>>
      %dma_start3A_2381 = tpu.memref_squeeze %dma_start3A_2380 : memref<1x64x512xf32, #tpu.memory_space<hbm>> -> memref<64x512xf32, #tpu.memory_space<hbm>>
      %dma_start3A_2382 = arith.constant 0 : i32
      %dma_start3A_2383 = arith.constant 11776 : i32
      %dma_start3A_2384 = tpu.memref_slice %arg3[%add3A_1608, %dma_start3A_2382, %dma_start3A_2383] : memref<200x64x16384xf32, #tpu.memory_space<hbm>> -> memref<1x64x512xf32, #tpu.memory_space<hbm>>
      %dma_start3A_2385 = tpu.memref_squeeze %dma_start3A_2384 : memref<1x64x512xf32, #tpu.memory_space<hbm>> -> memref<64x512xf32, #tpu.memory_space<hbm>>
      tpu.enqueue_dma source(%arg4 : memref<64x512xf32, #tpu.memory_space<vmem>>) target(%dma_start3A_2385 : memref<64x512xf32, #tpu.memory_space<hbm>>) target_semaphore(%arg6 : memref<!tpu.dma_semaphore, #tpu.memory_space<semaphore_mem>>)
      %dma_start3A_2386 = arith.constant 0 : i32
      %dma_start3A_2387 = arith.constant 12288 : i32
      %dma_start3A_2388 = tpu.memref_slice %arg3[%add3A_1608, %dma_start3A_2386, %dma_start3A_2387] : memref<200x64x16384xf32, #tpu.memory_space<hbm>> -> memref<1x64x512xf32, #tpu.memory_space<hbm>>
      %dma_start3A_2389 = tpu.memref_squeeze %dma_start3A_2388 : memref<1x64x512xf32, #tpu.memory_space<hbm>> -> memref<64x512xf32, #tpu.memory_space<hbm>>
      %dma_start3A_2390 = arith.constant 0 : i32
      %dma_start3A_2391 = arith.constant 12288 : i32
      %dma_start3A_2392 = tpu.memref_slice %arg3[%add3A_1608, %dma_start3A_2390, %dma_start3A_2391] : memref<200x64x16384xf32, #tpu.memory_space<hbm>> -> memref<1x64x512xf32, #tpu.memory_space<hbm>>
      %dma_start3A_2393 = tpu.memref_squeeze %dma_start3A_2392 : memref<1x64x512xf32, #tpu.memory_space<hbm>> -> memref<64x512xf32, #tpu.memory_space<hbm>>
      tpu.enqueue_dma source(%arg4 : memref<64x512xf32, #tpu.memory_space<vmem>>) target(%dma_start3A_2393 : memref<64x512xf32, #tpu.memory_space<hbm>>) target_semaphore(%arg6 : memref<!tpu.dma_semaphore, #tpu.memory_space<semaphore_mem>>)
      %dma_start3A_2394 = arith.constant 0 : i32
      %dma_start3A_2395 = arith.constant 12800 : i32
      %dma_start3A_2396 = tpu.memref_slice %arg3[%add3A_1608, %dma_start3A_2394, %dma_start3A_2395] : memref<200x64x16384xf32, #tpu.memory_space<hbm>> -> memref<1x64x512xf32, #tpu.memory_space<hbm>>
      %dma_start3A_2397 = tpu.memref_squeeze %dma_start3A_2396 : memref<1x64x512xf32, #tpu.memory_space<hbm>> -> memref<64x512xf32, #tpu.memory_space<hbm>>
      %dma_start3A_2398 = arith.constant 0 : i32
      %dma_start3A_2399 = arith.constant 12800 : i32
      %dma_start3A_2400 = tpu.memref_slice %arg3[%add3A_1608, %dma_start3A_2398, %dma_start3A_2399] : memref<200x64x16384xf32, #tpu.memory_space<hbm>> -> memref<1x64x512xf32, #tpu.memory_space<hbm>>
      %dma_start3A_2401 = tpu.memref_squeeze %dma_start3A_2400 : memref<1x64x512xf32, #tpu.memory_space<hbm>> -> memref<64x512xf32, #tpu.memory_space<hbm>>
      tpu.enqueue_dma source(%arg4 : memref<64x512xf32, #tpu.memory_space<vmem>>) target(%dma_start3A_2401 : memref<64x512xf32, #tpu.memory_space<hbm>>) target_semaphore(%arg6 : memref<!tpu.dma_semaphore, #tpu.memory_space<semaphore_mem>>)
      %dma_start3A_2402 = arith.constant 0 : i32
      %dma_start3A_2403 = arith.constant 13312 : i32
      %dma_start3A_2404 = tpu.memref_slice %arg3[%add3A_1608, %dma_start3A_2402, %dma_start3A_2403] : memref<200x64x16384xf32, #tpu.memory_space<hbm>> -> memref<1x64x512xf32, #tpu.memory_space<hbm>>
      %dma_start3A_2405 = tpu.memref_squeeze %dma_start3A_2404 : memref<1x64x512xf32, #tpu.memory_space<hbm>> -> memref<64x512xf32, #tpu.memory_space<hbm>>
      %dma_start3A_2406 = arith.constant 0 : i32
      %dma_start3A_2407 = arith.constant 13312 : i32
      %dma_start3A_2408 = tpu.memref_slice %arg3[%add3A_1608, %dma_start3A_2406, %dma_start3A_2407] : memref<200x64x16384xf32, #tpu.memory_space<hbm>> -> memref<1x64x512xf32, #tpu.memory_space<hbm>>
      %dma_start3A_2409 = tpu.memref_squeeze %dma_start3A_2408 : memref<1x64x512xf32, #tpu.memory_space<hbm>> -> memref<64x512xf32, #tpu.memory_space<hbm>>
      tpu.enqueue_dma source(%arg4 : memref<64x512xf32, #tpu.memory_space<vmem>>) target(%dma_start3A_2409 : memref<64x512xf32, #tpu.memory_space<hbm>>) target_semaphore(%arg6 : memref<!tpu.dma_semaphore, #tpu.memory_space<semaphore_mem>>)
      %dma_start3A_2410 = arith.constant 0 : i32
      %dma_start3A_2411 = arith.constant 13824 : i32
      %dma_start3A_2412 = tpu.memref_slice %arg3[%add3A_1608, %dma_start3A_2410, %dma_start3A_2411] : memref<200x64x16384xf32, #tpu.memory_space<hbm>> -> memref<1x64x512xf32, #tpu.memory_space<hbm>>
      %dma_start3A_2413 = tpu.memref_squeeze %dma_start3A_2412 : memref<1x64x512xf32, #tpu.memory_space<hbm>> -> memref<64x512xf32, #tpu.memory_space<hbm>>
      %dma_start3A_2414 = arith.constant 0 : i32
      %dma_start3A_2415 = arith.constant 13824 : i32
      %dma_start3A_2416 = tpu.memref_slice %arg3[%add3A_1608, %dma_start3A_2414, %dma_start3A_2415] : memref<200x64x16384xf32, #tpu.memory_space<hbm>> -> memref<1x64x512xf32, #tpu.memory_space<hbm>>
      %dma_start3A_2417 = tpu.memref_squeeze %dma_start3A_2416 : memref<1x64x512xf32, #tpu.memory_space<hbm>> -> memref<64x512xf32, #tpu.memory_space<hbm>>
      tpu.enqueue_dma source(%arg4 : memref<64x512xf32, #tpu.memory_space<vmem>>) target(%dma_start3A_2417 : memref<64x512xf32, #tpu.memory_space<hbm>>) target_semaphore(%arg6 : memref<!tpu.dma_semaphore, #tpu.memory_space<semaphore_mem>>)
      %dma_start3A_2418 = arith.constant 0 : i32
      %dma_start3A_2419 = arith.constant 14336 : i32
      %dma_start3A_2420 = tpu.memref_slice %arg3[%add3A_1608, %dma_start3A_2418, %dma_start3A_2419] : memref<200x64x16384xf32, #tpu.memory_space<hbm>> -> memref<1x64x512xf32, #tpu.memory_space<hbm>>
      %dma_start3A_2421 = tpu.memref_squeeze %dma_start3A_2420 : memref<1x64x512xf32, #tpu.memory_space<hbm>> -> memref<64x512xf32, #tpu.memory_space<hbm>>
      %dma_start3A_2422 = arith.constant 0 : i32
      %dma_start3A_2423 = arith.constant 14336 : i32
      %dma_start3A_2424 = tpu.memref_slice %arg3[%add3A_1608, %dma_start3A_2422, %dma_start3A_2423] : memref<200x64x16384xf32, #tpu.memory_space<hbm>> -> memref<1x64x512xf32, #tpu.memory_space<hbm>>
      %dma_start3A_2425 = tpu.memref_squeeze %dma_start3A_2424 : memref<1x64x512xf32, #tpu.memory_space<hbm>> -> memref<64x512xf32, #tpu.memory_space<hbm>>
      tpu.enqueue_dma source(%arg4 : memref<64x512xf32, #tpu.memory_space<vmem>>) target(%dma_start3A_2425 : memref<64x512xf32, #tpu.memory_space<hbm>>) target_semaphore(%arg6 : memref<!tpu.dma_semaphore, #tpu.memory_space<semaphore_mem>>)
      %dma_start3A_2426 = arith.constant 0 : i32
      %dma_start3A_2427 = arith.constant 14848 : i32
      %dma_start3A_2428 = tpu.memref_slice %arg3[%add3A_1608, %dma_start3A_2426, %dma_start3A_2427] : memref<200x64x16384xf32, #tpu.memory_space<hbm>> -> memref<1x64x512xf32, #tpu.memory_space<hbm>>
      %dma_start3A_2429 = tpu.memref_squeeze %dma_start3A_2428 : memref<1x64x512xf32, #tpu.memory_space<hbm>> -> memref<64x512xf32, #tpu.memory_space<hbm>>
      %dma_start3A_2430 = arith.constant 0 : i32
      %dma_start3A_2431 = arith.constant 14848 : i32
      %dma_start3A_2432 = tpu.memref_slice %arg3[%add3A_1608, %dma_start3A_2430, %dma_start3A_2431] : memref<200x64x16384xf32, #tpu.memory_space<hbm>> -> memref<1x64x512xf32, #tpu.memory_space<hbm>>
      %dma_start3A_2433 = tpu.memref_squeeze %dma_start3A_2432 : memref<1x64x512xf32, #tpu.memory_space<hbm>> -> memref<64x512xf32, #tpu.memory_space<hbm>>
      tpu.enqueue_dma source(%arg4 : memref<64x512xf32, #tpu.memory_space<vmem>>) target(%dma_start3A_2433 : memref<64x512xf32, #tpu.memory_space<hbm>>) target_semaphore(%arg6 : memref<!tpu.dma_semaphore, #tpu.memory_space<semaphore_mem>>)
      %dma_start3A_2434 = arith.constant 0 : i32
      %dma_start3A_2435 = arith.constant 15360 : i32
      %dma_start3A_2436 = tpu.memref_slice %arg3[%add3A_1608, %dma_start3A_2434, %dma_start3A_2435] : memref<200x64x16384xf32, #tpu.memory_space<hbm>> -> memref<1x64x512xf32, #tpu.memory_space<hbm>>
      %dma_start3A_2437 = tpu.memref_squeeze %dma_start3A_2436 : memref<1x64x512xf32, #tpu.memory_space<hbm>> -> memref<64x512xf32, #tpu.memory_space<hbm>>
      %dma_start3A_2438 = arith.constant 0 : i32
      %dma_start3A_2439 = arith.constant 15360 : i32
      %dma_start3A_2440 = tpu.memref_slice %arg3[%add3A_1608, %dma_start3A_2438, %dma_start3A_2439] : memref<200x64x16384xf32, #tpu.memory_space<hbm>> -> memref<1x64x512xf32, #tpu.memory_space<hbm>>
      %dma_start3A_2441 = tpu.memref_squeeze %dma_start3A_2440 : memref<1x64x512xf32, #tpu.memory_space<hbm>> -> memref<64x512xf32, #tpu.memory_space<hbm>>
      tpu.enqueue_dma source(%arg4 : memref<64x512xf32, #tpu.memory_space<vmem>>) target(%dma_start3A_2441 : memref<64x512xf32, #tpu.memory_space<hbm>>) target_semaphore(%arg6 : memref<!tpu.dma_semaphore, #tpu.memory_space<semaphore_mem>>)
      %dma_start3A_2442 = arith.constant 0 : i32
      %dma_start3A_2443 = arith.constant 15872 : i32
      %dma_start3A_2444 = tpu.memref_slice %arg3[%add3A_1608, %dma_start3A_2442, %dma_start3A_2443] : memref<200x64x16384xf32, #tpu.memory_space<hbm>> -> memref<1x64x512xf32, #tpu.memory_space<hbm>>
      %dma_start3A_2445 = tpu.memref_squeeze %dma_start3A_2444 : memref<1x64x512xf32, #tpu.memory_space<hbm>> -> memref<64x512xf32, #tpu.memory_space<hbm>>
      %dma_start3A_2446 = arith.constant 0 : i32
      %dma_start3A_2447 = arith.constant 15872 : i32
      %dma_start3A_2448 = tpu.memref_slice %arg3[%add3A_1608, %dma_start3A_2446, %dma_start3A_2447] : memref<200x64x16384xf32, #tpu.memory_space<hbm>> -> memref<1x64x512xf32, #tpu.memory_space<hbm>>
      %dma_start3A_2449 = tpu.memref_squeeze %dma_start3A_2448 : memref<1x64x512xf32, #tpu.memory_space<hbm>> -> memref<64x512xf32, #tpu.memory_space<hbm>>
      tpu.enqueue_dma source(%arg4 : memref<64x512xf32, #tpu.memory_space<vmem>>) target(%dma_start3A_2449 : memref<64x512xf32, #tpu.memory_space<hbm>>) target_semaphore(%arg6 : memref<!tpu.dma_semaphore, #tpu.memory_space<semaphore_mem>>)
    } else {
    }
    %add3A_1899 = arith.constant 128 : i32
    %add3A_1900 = arith.addi %add3A, %add3A_1899 : i32
    %lt3A_1901 = arith.constant 152 : i32
    %lt3A_1902 = arith.cmpi slt, %add3A_1900, %lt3A_1901 : i32
    %convert_element_type3A_1903 = arith.extui %lt3A_1902 : i1 to i32
    %cond3A_1904 = arith.constant 0 : i32
    %cond3A_1905 = arith.cmpi ne, %convert_element_type3A_1903, %cond3A_1904 : i32
    scf.if %cond3A_1905 {
      %dma_wait3A_2194 = arith.constant 0 : i32
      %dma_wait3A_2195 = arith.constant 0 : i32
      %dma_wait3A_2196 = arith.constant 0 : i32
      %dma_wait3A_2197 = tpu.memref_slice %arg3[%dma_wait3A_2194, %dma_wait3A_2195, %dma_wait3A_2196] : memref<200x64x16384xf32, #tpu.memory_space<hbm>> -> memref<1x64x512xf32, #tpu.memory_space<hbm>>
      %dma_wait3A_2198 = tpu.memref_squeeze %dma_wait3A_2197 : memref<1x64x512xf32, #tpu.memory_space<hbm>> -> memref<64x512xf32, #tpu.memory_space<hbm>>
      %dma_wait3A_2199 = arith.constant 0 : i32
      %dma_wait3A_2200 = arith.constant 0 : i32
      %dma_wait3A_2201 = tpu.memref_slice %arg3[%dma_wait3A_2194, %dma_wait3A_2199, %dma_wait3A_2200] : memref<200x64x16384xf32, #tpu.memory_space<hbm>> -> memref<1x64x512xf32, #tpu.memory_space<hbm>>
      %dma_wait3A_2202 = tpu.memref_squeeze %dma_wait3A_2201 : memref<1x64x512xf32, #tpu.memory_space<hbm>> -> memref<64x512xf32, #tpu.memory_space<hbm>>
      tpu.wait_dma2 semaphore(%arg6 : memref<!tpu.dma_semaphore, #tpu.memory_space<semaphore_mem>>) src(%arg4 : memref<64x512xf32, #tpu.memory_space<vmem>>) dst(%dma_wait3A_2202 : memref<64x512xf32, #tpu.memory_space<hbm>>)
      %dma_wait3A_2203 = arith.constant 0 : i32
      %dma_wait3A_2204 = arith.constant 0 : i32
      %dma_wait3A_2205 = arith.constant 512 : i32
      %dma_wait3A_2206 = tpu.memref_slice %arg3[%dma_wait3A_2203, %dma_wait3A_2204, %dma_wait3A_2205] : memref<200x64x16384xf32, #tpu.memory_space<hbm>> -> memref<1x64x512xf32, #tpu.memory_space<hbm>>
      %dma_wait3A_2207 = tpu.memref_squeeze %dma_wait3A_2206 : memref<1x64x512xf32, #tpu.memory_space<hbm>> -> memref<64x512xf32, #tpu.memory_space<hbm>>
      %dma_wait3A_2208 = arith.constant 0 : i32
      %dma_wait3A_2209 = arith.constant 512 : i32
      %dma_wait3A_2210 = tpu.memref_slice %arg3[%dma_wait3A_2203, %dma_wait3A_2208, %dma_wait3A_2209] : memref<200x64x16384xf32, #tpu.memory_space<hbm>> -> memref<1x64x512xf32, #tpu.memory_space<hbm>>
      %dma_wait3A_2211 = tpu.memref_squeeze %dma_wait3A_2210 : memref<1x64x512xf32, #tpu.memory_space<hbm>> -> memref<64x512xf32, #tpu.memory_space<hbm>>
      tpu.wait_dma2 semaphore(%arg6 : memref<!tpu.dma_semaphore, #tpu.memory_space<semaphore_mem>>) src(%arg4 : memref<64x512xf32, #tpu.memory_space<vmem>>) dst(%dma_wait3A_2211 : memref<64x512xf32, #tpu.memory_space<hbm>>)
      %dma_wait3A_2212 = arith.constant 0 : i32
      %dma_wait3A_2213 = arith.constant 0 : i32
      %dma_wait3A_2214 = arith.constant 1024 : i32
      %dma_wait3A_2215 = tpu.memref_slice %arg3[%dma_wait3A_2212, %dma_wait3A_2213, %dma_wait3A_2214] : memref<200x64x16384xf32, #tpu.memory_space<hbm>> -> memref<1x64x512xf32, #tpu.memory_space<hbm>>
      %dma_wait3A_2216 = tpu.memref_squeeze %dma_wait3A_2215 : memref<1x64x512xf32, #tpu.memory_space<hbm>> -> memref<64x512xf32, #tpu.memory_space<hbm>>
      %dma_wait3A_2217 = arith.constant 0 : i32
      %dma_wait3A_2218 = arith.constant 1024 : i32
      %dma_wait3A_2219 = tpu.memref_slice %arg3[%dma_wait3A_2212, %dma_wait3A_2217, %dma_wait3A_2218] : memref<200x64x16384xf32, #tpu.memory_space<hbm>> -> memref<1x64x512xf32, #tpu.memory_space<hbm>>
      %dma_wait3A_2220 = tpu.memref_squeeze %dma_wait3A_2219 : memref<1x64x512xf32, #tpu.memory_space<hbm>> -> memref<64x512xf32, #tpu.memory_space<hbm>>
      tpu.wait_dma2 semaphore(%arg6 : memref<!tpu.dma_semaphore, #tpu.memory_space<semaphore_mem>>) src(%arg4 : memref<64x512xf32, #tpu.memory_space<vmem>>) dst(%dma_wait3A_2220 : memref<64x512xf32, #tpu.memory_space<hbm>>)
      %dma_wait3A_2221 = arith.constant 0 : i32
      %dma_wait3A_2222 = arith.constant 0 : i32
      %dma_wait3A_2223 = arith.constant 1536 : i32
      %dma_wait3A_2224 = tpu.memref_slice %arg3[%dma_wait3A_2221, %dma_wait3A_2222, %dma_wait3A_2223] : memref<200x64x16384xf32, #tpu.memory_space<hbm>> -> memref<1x64x512xf32, #tpu.memory_space<hbm>>
      %dma_wait3A_2225 = tpu.memref_squeeze %dma_wait3A_2224 : memref<1x64x512xf32, #tpu.memory_space<hbm>> -> memref<64x512xf32, #tpu.memory_space<hbm>>
      %dma_wait3A_2226 = arith.constant 0 : i32
      %dma_wait3A_2227 = arith.constant 1536 : i32
      %dma_wait3A_2228 = tpu.memref_slice %arg3[%dma_wait3A_2221, %dma_wait3A_2226, %dma_wait3A_2227] : memref<200x64x16384xf32, #tpu.memory_space<hbm>> -> memref<1x64x512xf32, #tpu.memory_space<hbm>>
      %dma_wait3A_2229 = tpu.memref_squeeze %dma_wait3A_2228 : memref<1x64x512xf32, #tpu.memory_space<hbm>> -> memref<64x512xf32, #tpu.memory_space<hbm>>
      tpu.wait_dma2 semaphore(%arg6 : memref<!tpu.dma_semaphore, #tpu.memory_space<semaphore_mem>>) src(%arg4 : memref<64x512xf32, #tpu.memory_space<vmem>>) dst(%dma_wait3A_2229 : memref<64x512xf32, #tpu.memory_space<hbm>>)
      %dma_wait3A_2230 = arith.constant 0 : i32
      %dma_wait3A_2231 = arith.constant 0 : i32
      %dma_wait3A_2232 = arith.constant 2048 : i32
      %dma_wait3A_2233 = tpu.memref_slice %arg3[%dma_wait3A_2230, %dma_wait3A_2231, %dma_wait3A_2232] : memref<200x64x16384xf32, #tpu.memory_space<hbm>> -> memref<1x64x512xf32, #tpu.memory_space<hbm>>
      %dma_wait3A_2234 = tpu.memref_squeeze %dma_wait3A_2233 : memref<1x64x512xf32, #tpu.memory_space<hbm>> -> memref<64x512xf32, #tpu.memory_space<hbm>>
      %dma_wait3A_2235 = arith.constant 0 : i32
      %dma_wait3A_2236 = arith.constant 2048 : i32
      %dma_wait3A_2237 = tpu.memref_slice %arg3[%dma_wait3A_2230, %dma_wait3A_2235, %dma_wait3A_2236] : memref<200x64x16384xf32, #tpu.memory_space<hbm>> -> memref<1x64x512xf32, #tpu.memory_space<hbm>>
      %dma_wait3A_2238 = tpu.memref_squeeze %dma_wait3A_2237 : memref<1x64x512xf32, #tpu.memory_space<hbm>> -> memref<64x512xf32, #tpu.memory_space<hbm>>
      tpu.wait_dma2 semaphore(%arg6 : memref<!tpu.dma_semaphore, #tpu.memory_space<semaphore_mem>>) src(%arg4 : memref<64x512xf32, #tpu.memory_space<vmem>>) dst(%dma_wait3A_2238 : memref<64x512xf32, #tpu.memory_space<hbm>>)
      %dma_wait3A_2239 = arith.constant 0 : i32
      %dma_wait3A_2240 = arith.constant 0 : i32
      %dma_wait3A_2241 = arith.constant 2560 : i32
      %dma_wait3A_2242 = tpu.memref_slice %arg3[%dma_wait3A_2239, %dma_wait3A_2240, %dma_wait3A_2241] : memref<200x64x16384xf32, #tpu.memory_space<hbm>> -> memref<1x64x512xf32, #tpu.memory_space<hbm>>
      %dma_wait3A_2243 = tpu.memref_squeeze %dma_wait3A_2242 : memref<1x64x512xf32, #tpu.memory_space<hbm>> -> memref<64x512xf32, #tpu.memory_space<hbm>>
      %dma_wait3A_2244 = arith.constant 0 : i32
      %dma_wait3A_2245 = arith.constant 2560 : i32
      %dma_wait3A_2246 = tpu.memref_slice %arg3[%dma_wait3A_2239, %dma_wait3A_2244, %dma_wait3A_2245] : memref<200x64x16384xf32, #tpu.memory_space<hbm>> -> memref<1x64x512xf32, #tpu.memory_space<hbm>>
      %dma_wait3A_2247 = tpu.memref_squeeze %dma_wait3A_2246 : memref<1x64x512xf32, #tpu.memory_space<hbm>> -> memref<64x512xf32, #tpu.memory_space<hbm>>
      tpu.wait_dma2 semaphore(%arg6 : memref<!tpu.dma_semaphore, #tpu.memory_space<semaphore_mem>>) src(%arg4 : memref<64x512xf32, #tpu.memory_space<vmem>>) dst(%dma_wait3A_2247 : memref<64x512xf32, #tpu.memory_space<hbm>>)
      %dma_wait3A_2248 = arith.constant 0 : i32
      %dma_wait3A_2249 = arith.constant 0 : i32
      %dma_wait3A_2250 = arith.constant 3072 : i32
      %dma_wait3A_2251 = tpu.memref_slice %arg3[%dma_wait3A_2248, %dma_wait3A_2249, %dma_wait3A_2250] : memref<200x64x16384xf32, #tpu.memory_space<hbm>> -> memref<1x64x512xf32, #tpu.memory_space<hbm>>
      %dma_wait3A_2252 = tpu.memref_squeeze %dma_wait3A_2251 : memref<1x64x512xf32, #tpu.memory_space<hbm>> -> memref<64x512xf32, #tpu.memory_space<hbm>>
      %dma_wait3A_2253 = arith.constant 0 : i32
      %dma_wait3A_2254 = arith.constant 3072 : i32
      %dma_wait3A_2255 = tpu.memref_slice %arg3[%dma_wait3A_2248, %dma_wait3A_2253, %dma_wait3A_2254] : memref<200x64x16384xf32, #tpu.memory_space<hbm>> -> memref<1x64x512xf32, #tpu.memory_space<hbm>>
      %dma_wait3A_2256 = tpu.memref_squeeze %dma_wait3A_2255 : memref<1x64x512xf32, #tpu.memory_space<hbm>> -> memref<64x512xf32, #tpu.memory_space<hbm>>
      tpu.wait_dma2 semaphore(%arg6 : memref<!tpu.dma_semaphore, #tpu.memory_space<semaphore_mem>>) src(%arg4 : memref<64x512xf32, #tpu.memory_space<vmem>>) dst(%dma_wait3A_2256 : memref<64x512xf32, #tpu.memory_space<hbm>>)
      %dma_wait3A_2257 = arith.constant 0 : i32
      %dma_wait3A_2258 = arith.constant 0 : i32
      %dma_wait3A_2259 = arith.constant 3584 : i32
      %dma_wait3A_2260 = tpu.memref_slice %arg3[%dma_wait3A_2257, %dma_wait3A_2258, %dma_wait3A_2259] : memref<200x64x16384xf32, #tpu.memory_space<hbm>> -> memref<1x64x512xf32, #tpu.memory_space<hbm>>
      %dma_wait3A_2261 = tpu.memref_squeeze %dma_wait3A_2260 : memref<1x64x512xf32, #tpu.memory_space<hbm>> -> memref<64x512xf32, #tpu.memory_space<hbm>>
      %dma_wait3A_2262 = arith.constant 0 : i32
      %dma_wait3A_2263 = arith.constant 3584 : i32
      %dma_wait3A_2264 = tpu.memref_slice %arg3[%dma_wait3A_2257, %dma_wait3A_2262, %dma_wait3A_2263] : memref<200x64x16384xf32, #tpu.memory_space<hbm>> -> memref<1x64x512xf32, #tpu.memory_space<hbm>>
      %dma_wait3A_2265 = tpu.memref_squeeze %dma_wait3A_2264 : memref<1x64x512xf32, #tpu.memory_space<hbm>> -> memref<64x512xf32, #tpu.memory_space<hbm>>
      tpu.wait_dma2 semaphore(%arg6 : memref<!tpu.dma_semaphore, #tpu.memory_space<semaphore_mem>>) src(%arg4 : memref<64x512xf32, #tpu.memory_space<vmem>>) dst(%dma_wait3A_2265 : memref<64x512xf32, #tpu.memory_space<hbm>>)
      %dma_wait3A_2266 = arith.constant 0 : i32
      %dma_wait3A_2267 = arith.constant 0 : i32
      %dma_wait3A_2268 = arith.constant 4096 : i32
      %dma_wait3A_2269 = tpu.memref_slice %arg3[%dma_wait3A_2266, %dma_wait3A_2267, %dma_wait3A_2268] : memref<200x64x16384xf32, #tpu.memory_space<hbm>> -> memref<1x64x512xf32, #tpu.memory_space<hbm>>
      %dma_wait3A_2270 = tpu.memref_squeeze %dma_wait3A_2269 : memref<1x64x512xf32, #tpu.memory_space<hbm>> -> memref<64x512xf32, #tpu.memory_space<hbm>>
      %dma_wait3A_2271 = arith.constant 0 : i32
      %dma_wait3A_2272 = arith.constant 4096 : i32
      %dma_wait3A_2273 = tpu.memref_slice %arg3[%dma_wait3A_2266, %dma_wait3A_2271, %dma_wait3A_2272] : memref<200x64x16384xf32, #tpu.memory_space<hbm>> -> memref<1x64x512xf32, #tpu.memory_space<hbm>>
      %dma_wait3A_2274 = tpu.memref_squeeze %dma_wait3A_2273 : memref<1x64x512xf32, #tpu.memory_space<hbm>> -> memref<64x512xf32, #tpu.memory_space<hbm>>
      tpu.wait_dma2 semaphore(%arg6 : memref<!tpu.dma_semaphore, #tpu.memory_space<semaphore_mem>>) src(%arg4 : memref<64x512xf32, #tpu.memory_space<vmem>>) dst(%dma_wait3A_2274 : memref<64x512xf32, #tpu.memory_space<hbm>>)
      %dma_wait3A_2275 = arith.constant 0 : i32
      %dma_wait3A_2276 = arith.constant 0 : i32
      %dma_wait3A_2277 = arith.constant 4608 : i32
      %dma_wait3A_2278 = tpu.memref_slice %arg3[%dma_wait3A_2275, %dma_wait3A_2276, %dma_wait3A_2277] : memref<200x64x16384xf32, #tpu.memory_space<hbm>> -> memref<1x64x512xf32, #tpu.memory_space<hbm>>
      %dma_wait3A_2279 = tpu.memref_squeeze %dma_wait3A_2278 : memref<1x64x512xf32, #tpu.memory_space<hbm>> -> memref<64x512xf32, #tpu.memory_space<hbm>>
      %dma_wait3A_2280 = arith.constant 0 : i32
      %dma_wait3A_2281 = arith.constant 4608 : i32
      %dma_wait3A_2282 = tpu.memref_slice %arg3[%dma_wait3A_2275, %dma_wait3A_2280, %dma_wait3A_2281] : memref<200x64x16384xf32, #tpu.memory_space<hbm>> -> memref<1x64x512xf32, #tpu.memory_space<hbm>>
      %dma_wait3A_2283 = tpu.memref_squeeze %dma_wait3A_2282 : memref<1x64x512xf32, #tpu.memory_space<hbm>> -> memref<64x512xf32, #tpu.memory_space<hbm>>
      tpu.wait_dma2 semaphore(%arg6 : memref<!tpu.dma_semaphore, #tpu.memory_space<semaphore_mem>>) src(%arg4 : memref<64x512xf32, #tpu.memory_space<vmem>>) dst(%dma_wait3A_2283 : memref<64x512xf32, #tpu.memory_space<hbm>>)
      %dma_wait3A_2284 = arith.constant 0 : i32
      %dma_wait3A_2285 = arith.constant 0 : i32
      %dma_wait3A_2286 = arith.constant 5120 : i32
      %dma_wait3A_2287 = tpu.memref_slice %arg3[%dma_wait3A_2284, %dma_wait3A_2285, %dma_wait3A_2286] : memref<200x64x16384xf32, #tpu.memory_space<hbm>> -> memref<1x64x512xf32, #tpu.memory_space<hbm>>
      %dma_wait3A_2288 = tpu.memref_squeeze %dma_wait3A_2287 : memref<1x64x512xf32, #tpu.memory_space<hbm>> -> memref<64x512xf32, #tpu.memory_space<hbm>>
      %dma_wait3A_2289 = arith.constant 0 : i32
      %dma_wait3A_2290 = arith.constant 5120 : i32
      %dma_wait3A_2291 = tpu.memref_slice %arg3[%dma_wait3A_2284, %dma_wait3A_2289, %dma_wait3A_2290] : memref<200x64x16384xf32, #tpu.memory_space<hbm>> -> memref<1x64x512xf32, #tpu.memory_space<hbm>>
      %dma_wait3A_2292 = tpu.memref_squeeze %dma_wait3A_2291 : memref<1x64x512xf32, #tpu.memory_space<hbm>> -> memref<64x512xf32, #tpu.memory_space<hbm>>
      tpu.wait_dma2 semaphore(%arg6 : memref<!tpu.dma_semaphore, #tpu.memory_space<semaphore_mem>>) src(%arg4 : memref<64x512xf32, #tpu.memory_space<vmem>>) dst(%dma_wait3A_2292 : memref<64x512xf32, #tpu.memory_space<hbm>>)
      %dma_wait3A_2293 = arith.constant 0 : i32
      %dma_wait3A_2294 = arith.constant 0 : i32
      %dma_wait3A_2295 = arith.constant 5632 : i32
      %dma_wait3A_2296 = tpu.memref_slice %arg3[%dma_wait3A_2293, %dma_wait3A_2294, %dma_wait3A_2295] : memref<200x64x16384xf32, #tpu.memory_space<hbm>> -> memref<1x64x512xf32, #tpu.memory_space<hbm>>
      %dma_wait3A_2297 = tpu.memref_squeeze %dma_wait3A_2296 : memref<1x64x512xf32, #tpu.memory_space<hbm>> -> memref<64x512xf32, #tpu.memory_space<hbm>>
      %dma_wait3A_2298 = arith.constant 0 : i32
      %dma_wait3A_2299 = arith.constant 5632 : i32
      %dma_wait3A_2300 = tpu.memref_slice %arg3[%dma_wait3A_2293, %dma_wait3A_2298, %dma_wait3A_2299] : memref<200x64x16384xf32, #tpu.memory_space<hbm>> -> memref<1x64x512xf32, #tpu.memory_space<hbm>>
      %dma_wait3A_2301 = tpu.memref_squeeze %dma_wait3A_2300 : memref<1x64x512xf32, #tpu.memory_space<hbm>> -> memref<64x512xf32, #tpu.memory_space<hbm>>
      tpu.wait_dma2 semaphore(%arg6 : memref<!tpu.dma_semaphore, #tpu.memory_space<semaphore_mem>>) src(%arg4 : memref<64x512xf32, #tpu.memory_space<vmem>>) dst(%dma_wait3A_2301 : memref<64x512xf32, #tpu.memory_space<hbm>>)
      %dma_wait3A_2302 = arith.constant 0 : i32
      %dma_wait3A_2303 = arith.constant 0 : i32
      %dma_wait3A_2304 = arith.constant 6144 : i32
      %dma_wait3A_2305 = tpu.memref_slice %arg3[%dma_wait3A_2302, %dma_wait3A_2303, %dma_wait3A_2304] : memref<200x64x16384xf32, #tpu.memory_space<hbm>> -> memref<1x64x512xf32, #tpu.memory_space<hbm>>
      %dma_wait3A_2306 = tpu.memref_squeeze %dma_wait3A_2305 : memref<1x64x512xf32, #tpu.memory_space<hbm>> -> memref<64x512xf32, #tpu.memory_space<hbm>>
      %dma_wait3A_2307 = arith.constant 0 : i32
      %dma_wait3A_2308 = arith.constant 6144 : i32
      %dma_wait3A_2309 = tpu.memref_slice %arg3[%dma_wait3A_2302, %dma_wait3A_2307, %dma_wait3A_2308] : memref<200x64x16384xf32, #tpu.memory_space<hbm>> -> memref<1x64x512xf32, #tpu.memory_space<hbm>>
      %dma_wait3A_2310 = tpu.memref_squeeze %dma_wait3A_2309 : memref<1x64x512xf32, #tpu.memory_space<hbm>> -> memref<64x512xf32, #tpu.memory_space<hbm>>
      tpu.wait_dma2 semaphore(%arg6 : memref<!tpu.dma_semaphore, #tpu.memory_space<semaphore_mem>>) src(%arg4 : memref<64x512xf32, #tpu.memory_space<vmem>>) dst(%dma_wait3A_2310 : memref<64x512xf32, #tpu.memory_space<hbm>>)
      %dma_wait3A_2311 = arith.constant 0 : i32
      %dma_wait3A_2312 = arith.constant 0 : i32
      %dma_wait3A_2313 = arith.constant 6656 : i32
      %dma_wait3A_2314 = tpu.memref_slice %arg3[%dma_wait3A_2311, %dma_wait3A_2312, %dma_wait3A_2313] : memref<200x64x16384xf32, #tpu.memory_space<hbm>> -> memref<1x64x512xf32, #tpu.memory_space<hbm>>
      %dma_wait3A_2315 = tpu.memref_squeeze %dma_wait3A_2314 : memref<1x64x512xf32, #tpu.memory_space<hbm>> -> memref<64x512xf32, #tpu.memory_space<hbm>>
      %dma_wait3A_2316 = arith.constant 0 : i32
      %dma_wait3A_2317 = arith.constant 6656 : i32
      %dma_wait3A_2318 = tpu.memref_slice %arg3[%dma_wait3A_2311, %dma_wait3A_2316, %dma_wait3A_2317] : memref<200x64x16384xf32, #tpu.memory_space<hbm>> -> memref<1x64x512xf32, #tpu.memory_space<hbm>>
      %dma_wait3A_2319 = tpu.memref_squeeze %dma_wait3A_2318 : memref<1x64x512xf32, #tpu.memory_space<hbm>> -> memref<64x512xf32, #tpu.memory_space<hbm>>
      tpu.wait_dma2 semaphore(%arg6 : memref<!tpu.dma_semaphore, #tpu.memory_space<semaphore_mem>>) src(%arg4 : memref<64x512xf32, #tpu.memory_space<vmem>>) dst(%dma_wait3A_2319 : memref<64x512xf32, #tpu.memory_space<hbm>>)
      %dma_wait3A_2320 = arith.constant 0 : i32
      %dma_wait3A_2321 = arith.constant 0 : i32
      %dma_wait3A_2322 = arith.constant 7168 : i32
      %dma_wait3A_2323 = tpu.memref_slice %arg3[%dma_wait3A_2320, %dma_wait3A_2321, %dma_wait3A_2322] : memref<200x64x16384xf32, #tpu.memory_space<hbm>> -> memref<1x64x512xf32, #tpu.memory_space<hbm>>
      %dma_wait3A_2324 = tpu.memref_squeeze %dma_wait3A_2323 : memref<1x64x512xf32, #tpu.memory_space<hbm>> -> memref<64x512xf32, #tpu.memory_space<hbm>>
      %dma_wait3A_2325 = arith.constant 0 : i32
      %dma_wait3A_2326 = arith.constant 7168 : i32
      %dma_wait3A_2327 = tpu.memref_slice %arg3[%dma_wait3A_2320, %dma_wait3A_2325, %dma_wait3A_2326] : memref<200x64x16384xf32, #tpu.memory_space<hbm>> -> memref<1x64x512xf32, #tpu.memory_space<hbm>>
      %dma_wait3A_2328 = tpu.memref_squeeze %dma_wait3A_2327 : memref<1x64x512xf32, #tpu.memory_space<hbm>> -> memref<64x512xf32, #tpu.memory_space<hbm>>
      tpu.wait_dma2 semaphore(%arg6 : memref<!tpu.dma_semaphore, #tpu.memory_space<semaphore_mem>>) src(%arg4 : memref<64x512xf32, #tpu.memory_space<vmem>>) dst(%dma_wait3A_2328 : memref<64x512xf32, #tpu.memory_space<hbm>>)
      %dma_wait3A_2329 = arith.constant 0 : i32
      %dma_wait3A_2330 = arith.constant 0 : i32
      %dma_wait3A_2331 = arith.constant 7680 : i32
      %dma_wait3A_2332 = tpu.memref_slice %arg3[%dma_wait3A_2329, %dma_wait3A_2330, %dma_wait3A_2331] : memref<200x64x16384xf32, #tpu.memory_space<hbm>> -> memref<1x64x512xf32, #tpu.memory_space<hbm>>
      %dma_wait3A_2333 = tpu.memref_squeeze %dma_wait3A_2332 : memref<1x64x512xf32, #tpu.memory_space<hbm>> -> memref<64x512xf32, #tpu.memory_space<hbm>>
      %dma_wait3A_2334 = arith.constant 0 : i32
      %dma_wait3A_2335 = arith.constant 7680 : i32
      %dma_wait3A_2336 = tpu.memref_slice %arg3[%dma_wait3A_2329, %dma_wait3A_2334, %dma_wait3A_2335] : memref<200x64x16384xf32, #tpu.memory_space<hbm>> -> memref<1x64x512xf32, #tpu.memory_space<hbm>>
      %dma_wait3A_2337 = tpu.memref_squeeze %dma_wait3A_2336 : memref<1x64x512xf32, #tpu.memory_space<hbm>> -> memref<64x512xf32, #tpu.memory_space<hbm>>
      tpu.wait_dma2 semaphore(%arg6 : memref<!tpu.dma_semaphore, #tpu.memory_space<semaphore_mem>>) src(%arg4 : memref<64x512xf32, #tpu.memory_space<vmem>>) dst(%dma_wait3A_2337 : memref<64x512xf32, #tpu.memory_space<hbm>>)
      %dma_wait3A_2338 = arith.constant 0 : i32
      %dma_wait3A_2339 = arith.constant 0 : i32
      %dma_wait3A_2340 = arith.constant 8192 : i32
      %dma_wait3A_2341 = tpu.memref_slice %arg3[%dma_wait3A_2338, %dma_wait3A_2339, %dma_wait3A_2340] : memref<200x64x16384xf32, #tpu.memory_space<hbm>> -> memref<1x64x512xf32, #tpu.memory_space<hbm>>
      %dma_wait3A_2342 = tpu.memref_squeeze %dma_wait3A_2341 : memref<1x64x512xf32, #tpu.memory_space<hbm>> -> memref<64x512xf32, #tpu.memory_space<hbm>>
      %dma_wait3A_2343 = arith.constant 0 : i32
      %dma_wait3A_2344 = arith.constant 8192 : i32
      %dma_wait3A_2345 = tpu.memref_slice %arg3[%dma_wait3A_2338, %dma_wait3A_2343, %dma_wait3A_2344] : memref<200x64x16384xf32, #tpu.memory_space<hbm>> -> memref<1x64x512xf32, #tpu.memory_space<hbm>>
      %dma_wait3A_2346 = tpu.memref_squeeze %dma_wait3A_2345 : memref<1x64x512xf32, #tpu.memory_space<hbm>> -> memref<64x512xf32, #tpu.memory_space<hbm>>
      tpu.wait_dma2 semaphore(%arg6 : memref<!tpu.dma_semaphore, #tpu.memory_space<semaphore_mem>>) src(%arg4 : memref<64x512xf32, #tpu.memory_space<vmem>>) dst(%dma_wait3A_2346 : memref<64x512xf32, #tpu.memory_space<hbm>>)
      %dma_wait3A_2347 = arith.constant 0 : i32
      %dma_wait3A_2348 = arith.constant 0 : i32
      %dma_wait3A_2349 = arith.constant 8704 : i32
      %dma_wait3A_2350 = tpu.memref_slice %arg3[%dma_wait3A_2347, %dma_wait3A_2348, %dma_wait3A_2349] : memref<200x64x16384xf32, #tpu.memory_space<hbm>> -> memref<1x64x512xf32, #tpu.memory_space<hbm>>
      %dma_wait3A_2351 = tpu.memref_squeeze %dma_wait3A_2350 : memref<1x64x512xf32, #tpu.memory_space<hbm>> -> memref<64x512xf32, #tpu.memory_space<hbm>>
      %dma_wait3A_2352 = arith.constant 0 : i32
      %dma_wait3A_2353 = arith.constant 8704 : i32
      %dma_wait3A_2354 = tpu.memref_slice %arg3[%dma_wait3A_2347, %dma_wait3A_2352, %dma_wait3A_2353] : memref<200x64x16384xf32, #tpu.memory_space<hbm>> -> memref<1x64x512xf32, #tpu.memory_space<hbm>>
      %dma_wait3A_2355 = tpu.memref_squeeze %dma_wait3A_2354 : memref<1x64x512xf32, #tpu.memory_space<hbm>> -> memref<64x512xf32, #tpu.memory_space<hbm>>
      tpu.wait_dma2 semaphore(%arg6 : memref<!tpu.dma_semaphore, #tpu.memory_space<semaphore_mem>>) src(%arg4 : memref<64x512xf32, #tpu.memory_space<vmem>>) dst(%dma_wait3A_2355 : memref<64x512xf32, #tpu.memory_space<hbm>>)
      %dma_wait3A_2356 = arith.constant 0 : i32
      %dma_wait3A_2357 = arith.constant 0 : i32
      %dma_wait3A_2358 = arith.constant 9216 : i32
      %dma_wait3A_2359 = tpu.memref_slice %arg3[%dma_wait3A_2356, %dma_wait3A_2357, %dma_wait3A_2358] : memref<200x64x16384xf32, #tpu.memory_space<hbm>> -> memref<1x64x512xf32, #tpu.memory_space<hbm>>
      %dma_wait3A_2360 = tpu.memref_squeeze %dma_wait3A_2359 : memref<1x64x512xf32, #tpu.memory_space<hbm>> -> memref<64x512xf32, #tpu.memory_space<hbm>>
      %dma_wait3A_2361 = arith.constant 0 : i32
      %dma_wait3A_2362 = arith.constant 9216 : i32
      %dma_wait3A_2363 = tpu.memref_slice %arg3[%dma_wait3A_2356, %dma_wait3A_2361, %dma_wait3A_2362] : memref<200x64x16384xf32, #tpu.memory_space<hbm>> -> memref<1x64x512xf32, #tpu.memory_space<hbm>>
      %dma_wait3A_2364 = tpu.memref_squeeze %dma_wait3A_2363 : memref<1x64x512xf32, #tpu.memory_space<hbm>> -> memref<64x512xf32, #tpu.memory_space<hbm>>
      tpu.wait_dma2 semaphore(%arg6 : memref<!tpu.dma_semaphore, #tpu.memory_space<semaphore_mem>>) src(%arg4 : memref<64x512xf32, #tpu.memory_space<vmem>>) dst(%dma_wait3A_2364 : memref<64x512xf32, #tpu.memory_space<hbm>>)
      %dma_wait3A_2365 = arith.constant 0 : i32
      %dma_wait3A_2366 = arith.constant 0 : i32
      %dma_wait3A_2367 = arith.constant 9728 : i32
      %dma_wait3A_2368 = tpu.memref_slice %arg3[%dma_wait3A_2365, %dma_wait3A_2366, %dma_wait3A_2367] : memref<200x64x16384xf32, #tpu.memory_space<hbm>> -> memref<1x64x512xf32, #tpu.memory_space<hbm>>
      %dma_wait3A_2369 = tpu.memref_squeeze %dma_wait3A_2368 : memref<1x64x512xf32, #tpu.memory_space<hbm>> -> memref<64x512xf32, #tpu.memory_space<hbm>>
      %dma_wait3A_2370 = arith.constant 0 : i32
      %dma_wait3A_2371 = arith.constant 9728 : i32
      %dma_wait3A_2372 = tpu.memref_slice %arg3[%dma_wait3A_2365, %dma_wait3A_2370, %dma_wait3A_2371] : memref<200x64x16384xf32, #tpu.memory_space<hbm>> -> memref<1x64x512xf32, #tpu.memory_space<hbm>>
      %dma_wait3A_2373 = tpu.memref_squeeze %dma_wait3A_2372 : memref<1x64x512xf32, #tpu.memory_space<hbm>> -> memref<64x512xf32, #tpu.memory_space<hbm>>
      tpu.wait_dma2 semaphore(%arg6 : memref<!tpu.dma_semaphore, #tpu.memory_space<semaphore_mem>>) src(%arg4 : memref<64x512xf32, #tpu.memory_space<vmem>>) dst(%dma_wait3A_2373 : memref<64x512xf32, #tpu.memory_space<hbm>>)
      %dma_wait3A_2374 = arith.constant 0 : i32
      %dma_wait3A_2375 = arith.constant 0 : i32
      %dma_wait3A_2376 = arith.constant 10240 : i32
      %dma_wait3A_2377 = tpu.memref_slice %arg3[%dma_wait3A_2374, %dma_wait3A_2375, %dma_wait3A_2376] : memref<200x64x16384xf32, #tpu.memory_space<hbm>> -> memref<1x64x512xf32, #tpu.memory_space<hbm>>
      %dma_wait3A_2378 = tpu.memref_squeeze %dma_wait3A_2377 : memref<1x64x512xf32, #tpu.memory_space<hbm>> -> memref<64x512xf32, #tpu.memory_space<hbm>>
      %dma_wait3A_2379 = arith.constant 0 : i32
      %dma_wait3A_2380 = arith.constant 10240 : i32
      %dma_wait3A_2381 = tpu.memref_slice %arg3[%dma_wait3A_2374, %dma_wait3A_2379, %dma_wait3A_2380] : memref<200x64x16384xf32, #tpu.memory_space<hbm>> -> memref<1x64x512xf32, #tpu.memory_space<hbm>>
      %dma_wait3A_2382 = tpu.memref_squeeze %dma_wait3A_2381 : memref<1x64x512xf32, #tpu.memory_space<hbm>> -> memref<64x512xf32, #tpu.memory_space<hbm>>
      tpu.wait_dma2 semaphore(%arg6 : memref<!tpu.dma_semaphore, #tpu.memory_space<semaphore_mem>>) src(%arg4 : memref<64x512xf32, #tpu.memory_space<vmem>>) dst(%dma_wait3A_2382 : memref<64x512xf32, #tpu.memory_space<hbm>>)
      %dma_wait3A_2383 = arith.constant 0 : i32
      %dma_wait3A_2384 = arith.constant 0 : i32
      %dma_wait3A_2385 = arith.constant 10752 : i32
      %dma_wait3A_2386 = tpu.memref_slice %arg3[%dma_wait3A_2383, %dma_wait3A_2384, %dma_wait3A_2385] : memref<200x64x16384xf32, #tpu.memory_space<hbm>> -> memref<1x64x512xf32, #tpu.memory_space<hbm>>
      %dma_wait3A_2387 = tpu.memref_squeeze %dma_wait3A_2386 : memref<1x64x512xf32, #tpu.memory_space<hbm>> -> memref<64x512xf32, #tpu.memory_space<hbm>>
      %dma_wait3A_2388 = arith.constant 0 : i32
      %dma_wait3A_2389 = arith.constant 10752 : i32
      %dma_wait3A_2390 = tpu.memref_slice %arg3[%dma_wait3A_2383, %dma_wait3A_2388, %dma_wait3A_2389] : memref<200x64x16384xf32, #tpu.memory_space<hbm>> -> memref<1x64x512xf32, #tpu.memory_space<hbm>>
      %dma_wait3A_2391 = tpu.memref_squeeze %dma_wait3A_2390 : memref<1x64x512xf32, #tpu.memory_space<hbm>> -> memref<64x512xf32, #tpu.memory_space<hbm>>
      tpu.wait_dma2 semaphore(%arg6 : memref<!tpu.dma_semaphore, #tpu.memory_space<semaphore_mem>>) src(%arg4 : memref<64x512xf32, #tpu.memory_space<vmem>>) dst(%dma_wait3A_2391 : memref<64x512xf32, #tpu.memory_space<hbm>>)
      %dma_wait3A_2392 = arith.constant 0 : i32
      %dma_wait3A_2393 = arith.constant 0 : i32
      %dma_wait3A_2394 = arith.constant 11264 : i32
      %dma_wait3A_2395 = tpu.memref_slice %arg3[%dma_wait3A_2392, %dma_wait3A_2393, %dma_wait3A_2394] : memref<200x64x16384xf32, #tpu.memory_space<hbm>> -> memref<1x64x512xf32, #tpu.memory_space<hbm>>
      %dma_wait3A_2396 = tpu.memref_squeeze %dma_wait3A_2395 : memref<1x64x512xf32, #tpu.memory_space<hbm>> -> memref<64x512xf32, #tpu.memory_space<hbm>>
      %dma_wait3A_2397 = arith.constant 0 : i32
      %dma_wait3A_2398 = arith.constant 11264 : i32
      %dma_wait3A_2399 = tpu.memref_slice %arg3[%dma_wait3A_2392, %dma_wait3A_2397, %dma_wait3A_2398] : memref<200x64x16384xf32, #tpu.memory_space<hbm>> -> memref<1x64x512xf32, #tpu.memory_space<hbm>>
      %dma_wait3A_2400 = tpu.memref_squeeze %dma_wait3A_2399 : memref<1x64x512xf32, #tpu.memory_space<hbm>> -> memref<64x512xf32, #tpu.memory_space<hbm>>
      tpu.wait_dma2 semaphore(%arg6 : memref<!tpu.dma_semaphore, #tpu.memory_space<semaphore_mem>>) src(%arg4 : memref<64x512xf32, #tpu.memory_space<vmem>>) dst(%dma_wait3A_2400 : memref<64x512xf32, #tpu.memory_space<hbm>>)
      %dma_wait3A_2401 = arith.constant 0 : i32
      %dma_wait3A_2402 = arith.constant 0 : i32
      %dma_wait3A_2403 = arith.constant 11776 : i32
      %dma_wait3A_2404 = tpu.memref_slice %arg3[%dma_wait3A_2401, %dma_wait3A_2402, %dma_wait3A_2403] : memref<200x64x16384xf32, #tpu.memory_space<hbm>> -> memref<1x64x512xf32, #tpu.memory_space<hbm>>
      %dma_wait3A_2405 = tpu.memref_squeeze %dma_wait3A_2404 : memref<1x64x512xf32, #tpu.memory_space<hbm>> -> memref<64x512xf32, #tpu.memory_space<hbm>>
      %dma_wait3A_2406 = arith.constant 0 : i32
      %dma_wait3A_2407 = arith.constant 11776 : i32
      %dma_wait3A_2408 = tpu.memref_slice %arg3[%dma_wait3A_2401, %dma_wait3A_2406, %dma_wait3A_2407] : memref<200x64x16384xf32, #tpu.memory_space<hbm>> -> memref<1x64x512xf32, #tpu.memory_space<hbm>>
      %dma_wait3A_2409 = tpu.memref_squeeze %dma_wait3A_2408 : memref<1x64x512xf32, #tpu.memory_space<hbm>> -> memref<64x512xf32, #tpu.memory_space<hbm>>
      tpu.wait_dma2 semaphore(%arg6 : memref<!tpu.dma_semaphore, #tpu.memory_space<semaphore_mem>>) src(%arg4 : memref<64x512xf32, #tpu.memory_space<vmem>>) dst(%dma_wait3A_2409 : memref<64x512xf32, #tpu.memory_space<hbm>>)
      %dma_wait3A_2410 = arith.constant 0 : i32
      %dma_wait3A_2411 = arith.constant 0 : i32
      %dma_wait3A_2412 = arith.constant 12288 : i32
      %dma_wait3A_2413 = tpu.memref_slice %arg3[%dma_wait3A_2410, %dma_wait3A_2411, %dma_wait3A_2412] : memref<200x64x16384xf32, #tpu.memory_space<hbm>> -> memref<1x64x512xf32, #tpu.memory_space<hbm>>
      %dma_wait3A_2414 = tpu.memref_squeeze %dma_wait3A_2413 : memref<1x64x512xf32, #tpu.memory_space<hbm>> -> memref<64x512xf32, #tpu.memory_space<hbm>>
      %dma_wait3A_2415 = arith.constant 0 : i32
      %dma_wait3A_2416 = arith.constant 12288 : i32
      %dma_wait3A_2417 = tpu.memref_slice %arg3[%dma_wait3A_2410, %dma_wait3A_2415, %dma_wait3A_2416] : memref<200x64x16384xf32, #tpu.memory_space<hbm>> -> memref<1x64x512xf32, #tpu.memory_space<hbm>>
      %dma_wait3A_2418 = tpu.memref_squeeze %dma_wait3A_2417 : memref<1x64x512xf32, #tpu.memory_space<hbm>> -> memref<64x512xf32, #tpu.memory_space<hbm>>
      tpu.wait_dma2 semaphore(%arg6 : memref<!tpu.dma_semaphore, #tpu.memory_space<semaphore_mem>>) src(%arg4 : memref<64x512xf32, #tpu.memory_space<vmem>>) dst(%dma_wait3A_2418 : memref<64x512xf32, #tpu.memory_space<hbm>>)
      %dma_wait3A_2419 = arith.constant 0 : i32
      %dma_wait3A_2420 = arith.constant 0 : i32
      %dma_wait3A_2421 = arith.constant 12800 : i32
      %dma_wait3A_2422 = tpu.memref_slice %arg3[%dma_wait3A_2419, %dma_wait3A_2420, %dma_wait3A_2421] : memref<200x64x16384xf32, #tpu.memory_space<hbm>> -> memref<1x64x512xf32, #tpu.memory_space<hbm>>
      %dma_wait3A_2423 = tpu.memref_squeeze %dma_wait3A_2422 : memref<1x64x512xf32, #tpu.memory_space<hbm>> -> memref<64x512xf32, #tpu.memory_space<hbm>>
      %dma_wait3A_2424 = arith.constant 0 : i32
      %dma_wait3A_2425 = arith.constant 12800 : i32
      %dma_wait3A_2426 = tpu.memref_slice %arg3[%dma_wait3A_2419, %dma_wait3A_2424, %dma_wait3A_2425] : memref<200x64x16384xf32, #tpu.memory_space<hbm>> -> memref<1x64x512xf32, #tpu.memory_space<hbm>>
      %dma_wait3A_2427 = tpu.memref_squeeze %dma_wait3A_2426 : memref<1x64x512xf32, #tpu.memory_space<hbm>> -> memref<64x512xf32, #tpu.memory_space<hbm>>
      tpu.wait_dma2 semaphore(%arg6 : memref<!tpu.dma_semaphore, #tpu.memory_space<semaphore_mem>>) src(%arg4 : memref<64x512xf32, #tpu.memory_space<vmem>>) dst(%dma_wait3A_2427 : memref<64x512xf32, #tpu.memory_space<hbm>>)
      %dma_wait3A_2428 = arith.constant 0 : i32
      %dma_wait3A_2429 = arith.constant 0 : i32
      %dma_wait3A_2430 = arith.constant 13312 : i32
      %dma_wait3A_2431 = tpu.memref_slice %arg3[%dma_wait3A_2428, %dma_wait3A_2429, %dma_wait3A_2430] : memref<200x64x16384xf32, #tpu.memory_space<hbm>> -> memref<1x64x512xf32, #tpu.memory_space<hbm>>
      %dma_wait3A_2432 = tpu.memref_squeeze %dma_wait3A_2431 : memref<1x64x512xf32, #tpu.memory_space<hbm>> -> memref<64x512xf32, #tpu.memory_space<hbm>>
      %dma_wait3A_2433 = arith.constant 0 : i32
      %dma_wait3A_2434 = arith.constant 13312 : i32
      %dma_wait3A_2435 = tpu.memref_slice %arg3[%dma_wait3A_2428, %dma_wait3A_2433, %dma_wait3A_2434] : memref<200x64x16384xf32, #tpu.memory_space<hbm>> -> memref<1x64x512xf32, #tpu.memory_space<hbm>>
      %dma_wait3A_2436 = tpu.memref_squeeze %dma_wait3A_2435 : memref<1x64x512xf32, #tpu.memory_space<hbm>> -> memref<64x512xf32, #tpu.memory_space<hbm>>
      tpu.wait_dma2 semaphore(%arg6 : memref<!tpu.dma_semaphore, #tpu.memory_space<semaphore_mem>>) src(%arg4 : memref<64x512xf32, #tpu.memory_space<vmem>>) dst(%dma_wait3A_2436 : memref<64x512xf32, #tpu.memory_space<hbm>>)
      %dma_wait3A_2437 = arith.constant 0 : i32
      %dma_wait3A_2438 = arith.constant 0 : i32
      %dma_wait3A_2439 = arith.constant 13824 : i32
      %dma_wait3A_2440 = tpu.memref_slice %arg3[%dma_wait3A_2437, %dma_wait3A_2438, %dma_wait3A_2439] : memref<200x64x16384xf32, #tpu.memory_space<hbm>> -> memref<1x64x512xf32, #tpu.memory_space<hbm>>
      %dma_wait3A_2441 = tpu.memref_squeeze %dma_wait3A_2440 : memref<1x64x512xf32, #tpu.memory_space<hbm>> -> memref<64x512xf32, #tpu.memory_space<hbm>>
      %dma_wait3A_2442 = arith.constant 0 : i32
      %dma_wait3A_2443 = arith.constant 13824 : i32
      %dma_wait3A_2444 = tpu.memref_slice %arg3[%dma_wait3A_2437, %dma_wait3A_2442, %dma_wait3A_2443] : memref<200x64x16384xf32, #tpu.memory_space<hbm>> -> memref<1x64x512xf32, #tpu.memory_space<hbm>>
      %dma_wait3A_2445 = tpu.memref_squeeze %dma_wait3A_2444 : memref<1x64x512xf32, #tpu.memory_space<hbm>> -> memref<64x512xf32, #tpu.memory_space<hbm>>
      tpu.wait_dma2 semaphore(%arg6 : memref<!tpu.dma_semaphore, #tpu.memory_space<semaphore_mem>>) src(%arg4 : memref<64x512xf32, #tpu.memory_space<vmem>>) dst(%dma_wait3A_2445 : memref<64x512xf32, #tpu.memory_space<hbm>>)
      %dma_wait3A_2446 = arith.constant 0 : i32
      %dma_wait3A_2447 = arith.constant 0 : i32
      %dma_wait3A_2448 = arith.constant 14336 : i32
      %dma_wait3A_2449 = tpu.memref_slice %arg3[%dma_wait3A_2446, %dma_wait3A_2447, %dma_wait3A_2448] : memref<200x64x16384xf32, #tpu.memory_space<hbm>> -> memref<1x64x512xf32, #tpu.memory_space<hbm>>
      %dma_wait3A_2450 = tpu.memref_squeeze %dma_wait3A_2449 : memref<1x64x512xf32, #tpu.memory_space<hbm>> -> memref<64x512xf32, #tpu.memory_space<hbm>>
      %dma_wait3A_2451 = arith.constant 0 : i32
      %dma_wait3A_2452 = arith.constant 14336 : i32
      %dma_wait3A_2453 = tpu.memref_slice %arg3[%dma_wait3A_2446, %dma_wait3A_2451, %dma_wait3A_2452] : memref<200x64x16384xf32, #tpu.memory_space<hbm>> -> memref<1x64x512xf32, #tpu.memory_space<hbm>>
      %dma_wait3A_2454 = tpu.memref_squeeze %dma_wait3A_2453 : memref<1x64x512xf32, #tpu.memory_space<hbm>> -> memref<64x512xf32, #tpu.memory_space<hbm>>
      tpu.wait_dma2 semaphore(%arg6 : memref<!tpu.dma_semaphore, #tpu.memory_space<semaphore_mem>>) src(%arg4 : memref<64x512xf32, #tpu.memory_space<vmem>>) dst(%dma_wait3A_2454 : memref<64x512xf32, #tpu.memory_space<hbm>>)
      %dma_wait3A_2455 = arith.constant 0 : i32
      %dma_wait3A_2456 = arith.constant 0 : i32
      %dma_wait3A_2457 = arith.constant 14848 : i32
      %dma_wait3A_2458 = tpu.memref_slice %arg3[%dma_wait3A_2455, %dma_wait3A_2456, %dma_wait3A_2457] : memref<200x64x16384xf32, #tpu.memory_space<hbm>> -> memref<1x64x512xf32, #tpu.memory_space<hbm>>
      %dma_wait3A_2459 = tpu.memref_squeeze %dma_wait3A_2458 : memref<1x64x512xf32, #tpu.memory_space<hbm>> -> memref<64x512xf32, #tpu.memory_space<hbm>>
      %dma_wait3A_2460 = arith.constant 0 : i32
      %dma_wait3A_2461 = arith.constant 14848 : i32
      %dma_wait3A_2462 = tpu.memref_slice %arg3[%dma_wait3A_2455, %dma_wait3A_2460, %dma_wait3A_2461] : memref<200x64x16384xf32, #tpu.memory_space<hbm>> -> memref<1x64x512xf32, #tpu.memory_space<hbm>>
      %dma_wait3A_2463 = tpu.memref_squeeze %dma_wait3A_2462 : memref<1x64x512xf32, #tpu.memory_space<hbm>> -> memref<64x512xf32, #tpu.memory_space<hbm>>
      tpu.wait_dma2 semaphore(%arg6 : memref<!tpu.dma_semaphore, #tpu.memory_space<semaphore_mem>>) src(%arg4 : memref<64x512xf32, #tpu.memory_space<vmem>>) dst(%dma_wait3A_2463 : memref<64x512xf32, #tpu.memory_space<hbm>>)
      %dma_wait3A_2464 = arith.constant 0 : i32
      %dma_wait3A_2465 = arith.constant 0 : i32
      %dma_wait3A_2466 = arith.constant 15360 : i32
      %dma_wait3A_2467 = tpu.memref_slice %arg3[%dma_wait3A_2464, %dma_wait3A_2465, %dma_wait3A_2466] : memref<200x64x16384xf32, #tpu.memory_space<hbm>> -> memref<1x64x512xf32, #tpu.memory_space<hbm>>
      %dma_wait3A_2468 = tpu.memref_squeeze %dma_wait3A_2467 : memref<1x64x512xf32, #tpu.memory_space<hbm>> -> memref<64x512xf32, #tpu.memory_space<hbm>>
      %dma_wait3A_2469 = arith.constant 0 : i32
      %dma_wait3A_2470 = arith.constant 15360 : i32
      %dma_wait3A_2471 = tpu.memref_slice %arg3[%dma_wait3A_2464, %dma_wait3A_2469, %dma_wait3A_2470] : memref<200x64x16384xf32, #tpu.memory_space<hbm>> -> memref<1x64x512xf32, #tpu.memory_space<hbm>>
      %dma_wait3A_2472 = tpu.memref_squeeze %dma_wait3A_2471 : memref<1x64x512xf32, #tpu.memory_space<hbm>> -> memref<64x512xf32, #tpu.memory_space<hbm>>
      tpu.wait_dma2 semaphore(%arg6 : memref<!tpu.dma_semaphore, #tpu.memory_space<semaphore_mem>>) src(%arg4 : memref<64x512xf32, #tpu.memory_space<vmem>>) dst(%dma_wait3A_2472 : memref<64x512xf32, #tpu.memory_space<hbm>>)
      %dma_wait3A_2473 = arith.constant 0 : i32
      %dma_wait3A_2474 = arith.constant 0 : i32
      %dma_wait3A_2475 = arith.constant 15872 : i32
      %dma_wait3A_2476 = tpu.memref_slice %arg3[%dma_wait3A_2473, %dma_wait3A_2474, %dma_wait3A_2475] : memref<200x64x16384xf32, #tpu.memory_space<hbm>> -> memref<1x64x512xf32, #tpu.memory_space<hbm>>
      %dma_wait3A_2477 = tpu.memref_squeeze %dma_wait3A_2476 : memref<1x64x512xf32, #tpu.memory_space<hbm>> -> memref<64x512xf32, #tpu.memory_space<hbm>>
      %dma_wait3A_2478 = arith.constant 0 : i32
      %dma_wait3A_2479 = arith.constant 15872 : i32
      %dma_wait3A_2480 = tpu.memref_slice %arg3[%dma_wait3A_2473, %dma_wait3A_2478, %dma_wait3A_2479] : memref<200x64x16384xf32, #tpu.memory_space<hbm>> -> memref<1x64x512xf32, #tpu.memory_space<hbm>>
      %dma_wait3A_2481 = tpu.memref_squeeze %dma_wait3A_2480 : memref<1x64x512xf32, #tpu.memory_space<hbm>> -> memref<64x512xf32, #tpu.memory_space<hbm>>
      tpu.wait_dma2 semaphore(%arg6 : memref<!tpu.dma_semaphore, #tpu.memory_space<semaphore_mem>>) src(%arg4 : memref<64x512xf32, #tpu.memory_space<vmem>>) dst(%dma_wait3A_2481 : memref<64x512xf32, #tpu.memory_space<hbm>>)
    } else {
    }
    %dma_wait3A_1906 = arith.constant 0 : i32
    %dma_wait3A_1907 = arith.constant 0 : i32
    %dma_wait3A_1908 = arith.constant 0 : i32
    %dma_wait3A_1909 = tpu.memref_slice %arg3[%dma_wait3A_1906, %dma_wait3A_1907, %dma_wait3A_1908] : memref<200x64x16384xf32, #tpu.memory_space<hbm>> -> memref<1x64x512xf32, #tpu.memory_space<hbm>>
    %dma_wait3A_1910 = tpu.memref_squeeze %dma_wait3A_1909 : memref<1x64x512xf32, #tpu.memory_space<hbm>> -> memref<64x512xf32, #tpu.memory_space<hbm>>
    %dma_wait3A_1911 = arith.constant 0 : i32
    %dma_wait3A_1912 = arith.constant 0 : i32
    %dma_wait3A_1913 = tpu.memref_slice %arg3[%dma_wait3A_1906, %dma_wait3A_1911, %dma_wait3A_1912] : memref<200x64x16384xf32, #tpu.memory_space<hbm>> -> memref<1x64x512xf32, #tpu.memory_space<hbm>>
    %dma_wait3A_1914 = tpu.memref_squeeze %dma_wait3A_1913 : memref<1x64x512xf32, #tpu.memory_space<hbm>> -> memref<64x512xf32, #tpu.memory_space<hbm>>
    tpu.wait_dma2 semaphore(%arg7 : memref<!tpu.dma_semaphore, #tpu.memory_space<semaphore_mem>>) src(%arg5 : memref<64x512xf32, #tpu.memory_space<vmem>>) dst(%dma_wait3A_1914 : memref<64x512xf32, #tpu.memory_space<hbm>>)
    %dma_wait3A_1915 = arith.constant 0 : i32
    %dma_wait3A_1916 = arith.constant 0 : i32
    %dma_wait3A_1917 = arith.constant 512 : i32
    %dma_wait3A_1918 = tpu.memref_slice %arg3[%dma_wait3A_1915, %dma_wait3A_1916, %dma_wait3A_1917] : memref<200x64x16384xf32, #tpu.memory_space<hbm>> -> memref<1x64x512xf32, #tpu.memory_space<hbm>>
    %dma_wait3A_1919 = tpu.memref_squeeze %dma_wait3A_1918 : memref<1x64x512xf32, #tpu.memory_space<hbm>> -> memref<64x512xf32, #tpu.memory_space<hbm>>
    %dma_wait3A_1920 = arith.constant 0 : i32
    %dma_wait3A_1921 = arith.constant 512 : i32
    %dma_wait3A_1922 = tpu.memref_slice %arg3[%dma_wait3A_1915, %dma_wait3A_1920, %dma_wait3A_1921] : memref<200x64x16384xf32, #tpu.memory_space<hbm>> -> memref<1x64x512xf32, #tpu.memory_space<hbm>>
    %dma_wait3A_1923 = tpu.memref_squeeze %dma_wait3A_1922 : memref<1x64x512xf32, #tpu.memory_space<hbm>> -> memref<64x512xf32, #tpu.memory_space<hbm>>
    tpu.wait_dma2 semaphore(%arg7 : memref<!tpu.dma_semaphore, #tpu.memory_space<semaphore_mem>>) src(%arg5 : memref<64x512xf32, #tpu.memory_space<vmem>>) dst(%dma_wait3A_1923 : memref<64x512xf32, #tpu.memory_space<hbm>>)
    %dma_wait3A_1924 = arith.constant 0 : i32
    %dma_wait3A_1925 = arith.constant 0 : i32
    %dma_wait3A_1926 = arith.constant 1024 : i32
    %dma_wait3A_1927 = tpu.memref_slice %arg3[%dma_wait3A_1924, %dma_wait3A_1925, %dma_wait3A_1926] : memref<200x64x16384xf32, #tpu.memory_space<hbm>> -> memref<1x64x512xf32, #tpu.memory_space<hbm>>
    %dma_wait3A_1928 = tpu.memref_squeeze %dma_wait3A_1927 : memref<1x64x512xf32, #tpu.memory_space<hbm>> -> memref<64x512xf32, #tpu.memory_space<hbm>>
    %dma_wait3A_1929 = arith.constant 0 : i32
    %dma_wait3A_1930 = arith.constant 1024 : i32
    %dma_wait3A_1931 = tpu.memref_slice %arg3[%dma_wait3A_1924, %dma_wait3A_1929, %dma_wait3A_1930] : memref<200x64x16384xf32, #tpu.memory_space<hbm>> -> memref<1x64x512xf32, #tpu.memory_space<hbm>>
    %dma_wait3A_1932 = tpu.memref_squeeze %dma_wait3A_1931 : memref<1x64x512xf32, #tpu.memory_space<hbm>> -> memref<64x512xf32, #tpu.memory_space<hbm>>
    tpu.wait_dma2 semaphore(%arg7 : memref<!tpu.dma_semaphore, #tpu.memory_space<semaphore_mem>>) src(%arg5 : memref<64x512xf32, #tpu.memory_space<vmem>>) dst(%dma_wait3A_1932 : memref<64x512xf32, #tpu.memory_space<hbm>>)
    %dma_wait3A_1933 = arith.constant 0 : i32
    %dma_wait3A_1934 = arith.constant 0 : i32
    %dma_wait3A_1935 = arith.constant 1536 : i32
    %dma_wait3A_1936 = tpu.memref_slice %arg3[%dma_wait3A_1933, %dma_wait3A_1934, %dma_wait3A_1935] : memref<200x64x16384xf32, #tpu.memory_space<hbm>> -> memref<1x64x512xf32, #tpu.memory_space<hbm>>
    %dma_wait3A_1937 = tpu.memref_squeeze %dma_wait3A_1936 : memref<1x64x512xf32, #tpu.memory_space<hbm>> -> memref<64x512xf32, #tpu.memory_space<hbm>>
    %dma_wait3A_1938 = arith.constant 0 : i32
    %dma_wait3A_1939 = arith.constant 1536 : i32
    %dma_wait3A_1940 = tpu.memref_slice %arg3[%dma_wait3A_1933, %dma_wait3A_1938, %dma_wait3A_1939] : memref<200x64x16384xf32, #tpu.memory_space<hbm>> -> memref<1x64x512xf32, #tpu.memory_space<hbm>>
    %dma_wait3A_1941 = tpu.memref_squeeze %dma_wait3A_1940 : memref<1x64x512xf32, #tpu.memory_space<hbm>> -> memref<64x512xf32, #tpu.memory_space<hbm>>
    tpu.wait_dma2 semaphore(%arg7 : memref<!tpu.dma_semaphore, #tpu.memory_space<semaphore_mem>>) src(%arg5 : memref<64x512xf32, #tpu.memory_space<vmem>>) dst(%dma_wait3A_1941 : memref<64x512xf32, #tpu.memory_space<hbm>>)
    %dma_wait3A_1942 = arith.constant 0 : i32
    %dma_wait3A_1943 = arith.constant 0 : i32
    %dma_wait3A_1944 = arith.constant 2048 : i32
    %dma_wait3A_1945 = tpu.memref_slice %arg3[%dma_wait3A_1942, %dma_wait3A_1943, %dma_wait3A_1944] : memref<200x64x16384xf32, #tpu.memory_space<hbm>> -> memref<1x64x512xf32, #tpu.memory_space<hbm>>
    %dma_wait3A_1946 = tpu.memref_squeeze %dma_wait3A_1945 : memref<1x64x512xf32, #tpu.memory_space<hbm>> -> memref<64x512xf32, #tpu.memory_space<hbm>>
    %dma_wait3A_1947 = arith.constant 0 : i32
    %dma_wait3A_1948 = arith.constant 2048 : i32
    %dma_wait3A_1949 = tpu.memref_slice %arg3[%dma_wait3A_1942, %dma_wait3A_1947, %dma_wait3A_1948] : memref<200x64x16384xf32, #tpu.memory_space<hbm>> -> memref<1x64x512xf32, #tpu.memory_space<hbm>>
    %dma_wait3A_1950 = tpu.memref_squeeze %dma_wait3A_1949 : memref<1x64x512xf32, #tpu.memory_space<hbm>> -> memref<64x512xf32, #tpu.memory_space<hbm>>
    tpu.wait_dma2 semaphore(%arg7 : memref<!tpu.dma_semaphore, #tpu.memory_space<semaphore_mem>>) src(%arg5 : memref<64x512xf32, #tpu.memory_space<vmem>>) dst(%dma_wait3A_1950 : memref<64x512xf32, #tpu.memory_space<hbm>>)
    %dma_wait3A_1951 = arith.constant 0 : i32
    %dma_wait3A_1952 = arith.constant 0 : i32
    %dma_wait3A_1953 = arith.constant 2560 : i32
    %dma_wait3A_1954 = tpu.memref_slice %arg3[%dma_wait3A_1951, %dma_wait3A_1952, %dma_wait3A_1953] : memref<200x64x16384xf32, #tpu.memory_space<hbm>> -> memref<1x64x512xf32, #tpu.memory_space<hbm>>
    %dma_wait3A_1955 = tpu.memref_squeeze %dma_wait3A_1954 : memref<1x64x512xf32, #tpu.memory_space<hbm>> -> memref<64x512xf32, #tpu.memory_space<hbm>>
    %dma_wait3A_1956 = arith.constant 0 : i32
    %dma_wait3A_1957 = arith.constant 2560 : i32
    %dma_wait3A_1958 = tpu.memref_slice %arg3[%dma_wait3A_1951, %dma_wait3A_1956, %dma_wait3A_1957] : memref<200x64x16384xf32, #tpu.memory_space<hbm>> -> memref<1x64x512xf32, #tpu.memory_space<hbm>>
    %dma_wait3A_1959 = tpu.memref_squeeze %dma_wait3A_1958 : memref<1x64x512xf32, #tpu.memory_space<hbm>> -> memref<64x512xf32, #tpu.memory_space<hbm>>
    tpu.wait_dma2 semaphore(%arg7 : memref<!tpu.dma_semaphore, #tpu.memory_space<semaphore_mem>>) src(%arg5 : memref<64x512xf32, #tpu.memory_space<vmem>>) dst(%dma_wait3A_1959 : memref<64x512xf32, #tpu.memory_space<hbm>>)
    %dma_wait3A_1960 = arith.constant 0 : i32
    %dma_wait3A_1961 = arith.constant 0 : i32
    %dma_wait3A_1962 = arith.constant 3072 : i32
    %dma_wait3A_1963 = tpu.memref_slice %arg3[%dma_wait3A_1960, %dma_wait3A_1961, %dma_wait3A_1962] : memref<200x64x16384xf32, #tpu.memory_space<hbm>> -> memref<1x64x512xf32, #tpu.memory_space<hbm>>
    %dma_wait3A_1964 = tpu.memref_squeeze %dma_wait3A_1963 : memref<1x64x512xf32, #tpu.memory_space<hbm>> -> memref<64x512xf32, #tpu.memory_space<hbm>>
    %dma_wait3A_1965 = arith.constant 0 : i32
    %dma_wait3A_1966 = arith.constant 3072 : i32
    %dma_wait3A_1967 = tpu.memref_slice %arg3[%dma_wait3A_1960, %dma_wait3A_1965, %dma_wait3A_1966] : memref<200x64x16384xf32, #tpu.memory_space<hbm>> -> memref<1x64x512xf32, #tpu.memory_space<hbm>>
    %dma_wait3A_1968 = tpu.memref_squeeze %dma_wait3A_1967 : memref<1x64x512xf32, #tpu.memory_space<hbm>> -> memref<64x512xf32, #tpu.memory_space<hbm>>
    tpu.wait_dma2 semaphore(%arg7 : memref<!tpu.dma_semaphore, #tpu.memory_space<semaphore_mem>>) src(%arg5 : memref<64x512xf32, #tpu.memory_space<vmem>>) dst(%dma_wait3A_1968 : memref<64x512xf32, #tpu.memory_space<hbm>>)
    %dma_wait3A_1969 = arith.constant 0 : i32
    %dma_wait3A_1970 = arith.constant 0 : i32
    %dma_wait3A_1971 = arith.constant 3584 : i32
    %dma_wait3A_1972 = tpu.memref_slice %arg3[%dma_wait3A_1969, %dma_wait3A_1970, %dma_wait3A_1971] : memref<200x64x16384xf32, #tpu.memory_space<hbm>> -> memref<1x64x512xf32, #tpu.memory_space<hbm>>
    %dma_wait3A_1973 = tpu.memref_squeeze %dma_wait3A_1972 : memref<1x64x512xf32, #tpu.memory_space<hbm>> -> memref<64x512xf32, #tpu.memory_space<hbm>>
    %dma_wait3A_1974 = arith.constant 0 : i32
    %dma_wait3A_1975 = arith.constant 3584 : i32
    %dma_wait3A_1976 = tpu.memref_slice %arg3[%dma_wait3A_1969, %dma_wait3A_1974, %dma_wait3A_1975] : memref<200x64x16384xf32, #tpu.memory_space<hbm>> -> memref<1x64x512xf32, #tpu.memory_space<hbm>>
    %dma_wait3A_1977 = tpu.memref_squeeze %dma_wait3A_1976 : memref<1x64x512xf32, #tpu.memory_space<hbm>> -> memref<64x512xf32, #tpu.memory_space<hbm>>
    tpu.wait_dma2 semaphore(%arg7 : memref<!tpu.dma_semaphore, #tpu.memory_space<semaphore_mem>>) src(%arg5 : memref<64x512xf32, #tpu.memory_space<vmem>>) dst(%dma_wait3A_1977 : memref<64x512xf32, #tpu.memory_space<hbm>>)
    %dma_wait3A_1978 = arith.constant 0 : i32
    %dma_wait3A_1979 = arith.constant 0 : i32
    %dma_wait3A_1980 = arith.constant 4096 : i32
    %dma_wait3A_1981 = tpu.memref_slice %arg3[%dma_wait3A_1978, %dma_wait3A_1979, %dma_wait3A_1980] : memref<200x64x16384xf32, #tpu.memory_space<hbm>> -> memref<1x64x512xf32, #tpu.memory_space<hbm>>
    %dma_wait3A_1982 = tpu.memref_squeeze %dma_wait3A_1981 : memref<1x64x512xf32, #tpu.memory_space<hbm>> -> memref<64x512xf32, #tpu.memory_space<hbm>>
    %dma_wait3A_1983 = arith.constant 0 : i32
    %dma_wait3A_1984 = arith.constant 4096 : i32
    %dma_wait3A_1985 = tpu.memref_slice %arg3[%dma_wait3A_1978, %dma_wait3A_1983, %dma_wait3A_1984] : memref<200x64x16384xf32, #tpu.memory_space<hbm>> -> memref<1x64x512xf32, #tpu.memory_space<hbm>>
    %dma_wait3A_1986 = tpu.memref_squeeze %dma_wait3A_1985 : memref<1x64x512xf32, #tpu.memory_space<hbm>> -> memref<64x512xf32, #tpu.memory_space<hbm>>
    tpu.wait_dma2 semaphore(%arg7 : memref<!tpu.dma_semaphore, #tpu.memory_space<semaphore_mem>>) src(%arg5 : memref<64x512xf32, #tpu.memory_space<vmem>>) dst(%dma_wait3A_1986 : memref<64x512xf32, #tpu.memory_space<hbm>>)
    %dma_wait3A_1987 = arith.constant 0 : i32
    %dma_wait3A_1988 = arith.constant 0 : i32
    %dma_wait3A_1989 = arith.constant 4608 : i32
    %dma_wait3A_1990 = tpu.memref_slice %arg3[%dma_wait3A_1987, %dma_wait3A_1988, %dma_wait3A_1989] : memref<200x64x16384xf32, #tpu.memory_space<hbm>> -> memref<1x64x512xf32, #tpu.memory_space<hbm>>
    %dma_wait3A_1991 = tpu.memref_squeeze %dma_wait3A_1990 : memref<1x64x512xf32, #tpu.memory_space<hbm>> -> memref<64x512xf32, #tpu.memory_space<hbm>>
    %dma_wait3A_1992 = arith.constant 0 : i32
    %dma_wait3A_1993 = arith.constant 4608 : i32
    %dma_wait3A_1994 = tpu.memref_slice %arg3[%dma_wait3A_1987, %dma_wait3A_1992, %dma_wait3A_1993] : memref<200x64x16384xf32, #tpu.memory_space<hbm>> -> memref<1x64x512xf32, #tpu.memory_space<hbm>>
    %dma_wait3A_1995 = tpu.memref_squeeze %dma_wait3A_1994 : memref<1x64x512xf32, #tpu.memory_space<hbm>> -> memref<64x512xf32, #tpu.memory_space<hbm>>
    tpu.wait_dma2 semaphore(%arg7 : memref<!tpu.dma_semaphore, #tpu.memory_space<semaphore_mem>>) src(%arg5 : memref<64x512xf32, #tpu.memory_space<vmem>>) dst(%dma_wait3A_1995 : memref<64x512xf32, #tpu.memory_space<hbm>>)
    %dma_wait3A_1996 = arith.constant 0 : i32
    %dma_wait3A_1997 = arith.constant 0 : i32
    %dma_wait3A_1998 = arith.constant 5120 : i32
    %dma_wait3A_1999 = tpu.memref_slice %arg3[%dma_wait3A_1996, %dma_wait3A_1997, %dma_wait3A_1998] : memref<200x64x16384xf32, #tpu.memory_space<hbm>> -> memref<1x64x512xf32, #tpu.memory_space<hbm>>
    %dma_wait3A_2000 = tpu.memref_squeeze %dma_wait3A_1999 : memref<1x64x512xf32, #tpu.memory_space<hbm>> -> memref<64x512xf32, #tpu.memory_space<hbm>>
    %dma_wait3A_2001 = arith.constant 0 : i32
    %dma_wait3A_2002 = arith.constant 5120 : i32
    %dma_wait3A_2003 = tpu.memref_slice %arg3[%dma_wait3A_1996, %dma_wait3A_2001, %dma_wait3A_2002] : memref<200x64x16384xf32, #tpu.memory_space<hbm>> -> memref<1x64x512xf32, #tpu.memory_space<hbm>>
    %dma_wait3A_2004 = tpu.memref_squeeze %dma_wait3A_2003 : memref<1x64x512xf32, #tpu.memory_space<hbm>> -> memref<64x512xf32, #tpu.memory_space<hbm>>
    tpu.wait_dma2 semaphore(%arg7 : memref<!tpu.dma_semaphore, #tpu.memory_space<semaphore_mem>>) src(%arg5 : memref<64x512xf32, #tpu.memory_space<vmem>>) dst(%dma_wait3A_2004 : memref<64x512xf32, #tpu.memory_space<hbm>>)
    %dma_wait3A_2005 = arith.constant 0 : i32
    %dma_wait3A_2006 = arith.constant 0 : i32
    %dma_wait3A_2007 = arith.constant 5632 : i32
    %dma_wait3A_2008 = tpu.memref_slice %arg3[%dma_wait3A_2005, %dma_wait3A_2006, %dma_wait3A_2007] : memref<200x64x16384xf32, #tpu.memory_space<hbm>> -> memref<1x64x512xf32, #tpu.memory_space<hbm>>
    %dma_wait3A_2009 = tpu.memref_squeeze %dma_wait3A_2008 : memref<1x64x512xf32, #tpu.memory_space<hbm>> -> memref<64x512xf32, #tpu.memory_space<hbm>>
    %dma_wait3A_2010 = arith.constant 0 : i32
    %dma_wait3A_2011 = arith.constant 5632 : i32
    %dma_wait3A_2012 = tpu.memref_slice %arg3[%dma_wait3A_2005, %dma_wait3A_2010, %dma_wait3A_2011] : memref<200x64x16384xf32, #tpu.memory_space<hbm>> -> memref<1x64x512xf32, #tpu.memory_space<hbm>>
    %dma_wait3A_2013 = tpu.memref_squeeze %dma_wait3A_2012 : memref<1x64x512xf32, #tpu.memory_space<hbm>> -> memref<64x512xf32, #tpu.memory_space<hbm>>
    tpu.wait_dma2 semaphore(%arg7 : memref<!tpu.dma_semaphore, #tpu.memory_space<semaphore_mem>>) src(%arg5 : memref<64x512xf32, #tpu.memory_space<vmem>>) dst(%dma_wait3A_2013 : memref<64x512xf32, #tpu.memory_space<hbm>>)
    %dma_wait3A_2014 = arith.constant 0 : i32
    %dma_wait3A_2015 = arith.constant 0 : i32
    %dma_wait3A_2016 = arith.constant 6144 : i32
    %dma_wait3A_2017 = tpu.memref_slice %arg3[%dma_wait3A_2014, %dma_wait3A_2015, %dma_wait3A_2016] : memref<200x64x16384xf32, #tpu.memory_space<hbm>> -> memref<1x64x512xf32, #tpu.memory_space<hbm>>
    %dma_wait3A_2018 = tpu.memref_squeeze %dma_wait3A_2017 : memref<1x64x512xf32, #tpu.memory_space<hbm>> -> memref<64x512xf32, #tpu.memory_space<hbm>>
    %dma_wait3A_2019 = arith.constant 0 : i32
    %dma_wait3A_2020 = arith.constant 6144 : i32
    %dma_wait3A_2021 = tpu.memref_slice %arg3[%dma_wait3A_2014, %dma_wait3A_2019, %dma_wait3A_2020] : memref<200x64x16384xf32, #tpu.memory_space<hbm>> -> memref<1x64x512xf32, #tpu.memory_space<hbm>>
    %dma_wait3A_2022 = tpu.memref_squeeze %dma_wait3A_2021 : memref<1x64x512xf32, #tpu.memory_space<hbm>> -> memref<64x512xf32, #tpu.memory_space<hbm>>
    tpu.wait_dma2 semaphore(%arg7 : memref<!tpu.dma_semaphore, #tpu.memory_space<semaphore_mem>>) src(%arg5 : memref<64x512xf32, #tpu.memory_space<vmem>>) dst(%dma_wait3A_2022 : memref<64x512xf32, #tpu.memory_space<hbm>>)
    %dma_wait3A_2023 = arith.constant 0 : i32
    %dma_wait3A_2024 = arith.constant 0 : i32
    %dma_wait3A_2025 = arith.constant 6656 : i32
    %dma_wait3A_2026 = tpu.memref_slice %arg3[%dma_wait3A_2023, %dma_wait3A_2024, %dma_wait3A_2025] : memref<200x64x16384xf32, #tpu.memory_space<hbm>> -> memref<1x64x512xf32, #tpu.memory_space<hbm>>
    %dma_wait3A_2027 = tpu.memref_squeeze %dma_wait3A_2026 : memref<1x64x512xf32, #tpu.memory_space<hbm>> -> memref<64x512xf32, #tpu.memory_space<hbm>>
    %dma_wait3A_2028 = arith.constant 0 : i32
    %dma_wait3A_2029 = arith.constant 6656 : i32
    %dma_wait3A_2030 = tpu.memref_slice %arg3[%dma_wait3A_2023, %dma_wait3A_2028, %dma_wait3A_2029] : memref<200x64x16384xf32, #tpu.memory_space<hbm>> -> memref<1x64x512xf32, #tpu.memory_space<hbm>>
    %dma_wait3A_2031 = tpu.memref_squeeze %dma_wait3A_2030 : memref<1x64x512xf32, #tpu.memory_space<hbm>> -> memref<64x512xf32, #tpu.memory_space<hbm>>
    tpu.wait_dma2 semaphore(%arg7 : memref<!tpu.dma_semaphore, #tpu.memory_space<semaphore_mem>>) src(%arg5 : memref<64x512xf32, #tpu.memory_space<vmem>>) dst(%dma_wait3A_2031 : memref<64x512xf32, #tpu.memory_space<hbm>>)
    %dma_wait3A_2032 = arith.constant 0 : i32
    %dma_wait3A_2033 = arith.constant 0 : i32
    %dma_wait3A_2034 = arith.constant 7168 : i32
    %dma_wait3A_2035 = tpu.memref_slice %arg3[%dma_wait3A_2032, %dma_wait3A_2033, %dma_wait3A_2034] : memref<200x64x16384xf32, #tpu.memory_space<hbm>> -> memref<1x64x512xf32, #tpu.memory_space<hbm>>
    %dma_wait3A_2036 = tpu.memref_squeeze %dma_wait3A_2035 : memref<1x64x512xf32, #tpu.memory_space<hbm>> -> memref<64x512xf32, #tpu.memory_space<hbm>>
    %dma_wait3A_2037 = arith.constant 0 : i32
    %dma_wait3A_2038 = arith.constant 7168 : i32
    %dma_wait3A_2039 = tpu.memref_slice %arg3[%dma_wait3A_2032, %dma_wait3A_2037, %dma_wait3A_2038] : memref<200x64x16384xf32, #tpu.memory_space<hbm>> -> memref<1x64x512xf32, #tpu.memory_space<hbm>>
    %dma_wait3A_2040 = tpu.memref_squeeze %dma_wait3A_2039 : memref<1x64x512xf32, #tpu.memory_space<hbm>> -> memref<64x512xf32, #tpu.memory_space<hbm>>
    tpu.wait_dma2 semaphore(%arg7 : memref<!tpu.dma_semaphore, #tpu.memory_space<semaphore_mem>>) src(%arg5 : memref<64x512xf32, #tpu.memory_space<vmem>>) dst(%dma_wait3A_2040 : memref<64x512xf32, #tpu.memory_space<hbm>>)
    %dma_wait3A_2041 = arith.constant 0 : i32
    %dma_wait3A_2042 = arith.constant 0 : i32
    %dma_wait3A_2043 = arith.constant 7680 : i32
    %dma_wait3A_2044 = tpu.memref_slice %arg3[%dma_wait3A_2041, %dma_wait3A_2042, %dma_wait3A_2043] : memref<200x64x16384xf32, #tpu.memory_space<hbm>> -> memref<1x64x512xf32, #tpu.memory_space<hbm>>
    %dma_wait3A_2045 = tpu.memref_squeeze %dma_wait3A_2044 : memref<1x64x512xf32, #tpu.memory_space<hbm>> -> memref<64x512xf32, #tpu.memory_space<hbm>>
    %dma_wait3A_2046 = arith.constant 0 : i32
    %dma_wait3A_2047 = arith.constant 7680 : i32
    %dma_wait3A_2048 = tpu.memref_slice %arg3[%dma_wait3A_2041, %dma_wait3A_2046, %dma_wait3A_2047] : memref<200x64x16384xf32, #tpu.memory_space<hbm>> -> memref<1x64x512xf32, #tpu.memory_space<hbm>>
    %dma_wait3A_2049 = tpu.memref_squeeze %dma_wait3A_2048 : memref<1x64x512xf32, #tpu.memory_space<hbm>> -> memref<64x512xf32, #tpu.memory_space<hbm>>
    tpu.wait_dma2 semaphore(%arg7 : memref<!tpu.dma_semaphore, #tpu.memory_space<semaphore_mem>>) src(%arg5 : memref<64x512xf32, #tpu.memory_space<vmem>>) dst(%dma_wait3A_2049 : memref<64x512xf32, #tpu.memory_space<hbm>>)
    %dma_wait3A_2050 = arith.constant 0 : i32
    %dma_wait3A_2051 = arith.constant 0 : i32
    %dma_wait3A_2052 = arith.constant 8192 : i32
    %dma_wait3A_2053 = tpu.memref_slice %arg3[%dma_wait3A_2050, %dma_wait3A_2051, %dma_wait3A_2052] : memref<200x64x16384xf32, #tpu.memory_space<hbm>> -> memref<1x64x512xf32, #tpu.memory_space<hbm>>
    %dma_wait3A_2054 = tpu.memref_squeeze %dma_wait3A_2053 : memref<1x64x512xf32, #tpu.memory_space<hbm>> -> memref<64x512xf32, #tpu.memory_space<hbm>>
    %dma_wait3A_2055 = arith.constant 0 : i32
    %dma_wait3A_2056 = arith.constant 8192 : i32
    %dma_wait3A_2057 = tpu.memref_slice %arg3[%dma_wait3A_2050, %dma_wait3A_2055, %dma_wait3A_2056] : memref<200x64x16384xf32, #tpu.memory_space<hbm>> -> memref<1x64x512xf32, #tpu.memory_space<hbm>>
    %dma_wait3A_2058 = tpu.memref_squeeze %dma_wait3A_2057 : memref<1x64x512xf32, #tpu.memory_space<hbm>> -> memref<64x512xf32, #tpu.memory_space<hbm>>
    tpu.wait_dma2 semaphore(%arg7 : memref<!tpu.dma_semaphore, #tpu.memory_space<semaphore_mem>>) src(%arg5 : memref<64x512xf32, #tpu.memory_space<vmem>>) dst(%dma_wait3A_2058 : memref<64x512xf32, #tpu.memory_space<hbm>>)
    %dma_wait3A_2059 = arith.constant 0 : i32
    %dma_wait3A_2060 = arith.constant 0 : i32
    %dma_wait3A_2061 = arith.constant 8704 : i32
    %dma_wait3A_2062 = tpu.memref_slice %arg3[%dma_wait3A_2059, %dma_wait3A_2060, %dma_wait3A_2061] : memref<200x64x16384xf32, #tpu.memory_space<hbm>> -> memref<1x64x512xf32, #tpu.memory_space<hbm>>
    %dma_wait3A_2063 = tpu.memref_squeeze %dma_wait3A_2062 : memref<1x64x512xf32, #tpu.memory_space<hbm>> -> memref<64x512xf32, #tpu.memory_space<hbm>>
    %dma_wait3A_2064 = arith.constant 0 : i32
    %dma_wait3A_2065 = arith.constant 8704 : i32
    %dma_wait3A_2066 = tpu.memref_slice %arg3[%dma_wait3A_2059, %dma_wait3A_2064, %dma_wait3A_2065] : memref<200x64x16384xf32, #tpu.memory_space<hbm>> -> memref<1x64x512xf32, #tpu.memory_space<hbm>>
    %dma_wait3A_2067 = tpu.memref_squeeze %dma_wait3A_2066 : memref<1x64x512xf32, #tpu.memory_space<hbm>> -> memref<64x512xf32, #tpu.memory_space<hbm>>
    tpu.wait_dma2 semaphore(%arg7 : memref<!tpu.dma_semaphore, #tpu.memory_space<semaphore_mem>>) src(%arg5 : memref<64x512xf32, #tpu.memory_space<vmem>>) dst(%dma_wait3A_2067 : memref<64x512xf32, #tpu.memory_space<hbm>>)
    %dma_wait3A_2068 = arith.constant 0 : i32
    %dma_wait3A_2069 = arith.constant 0 : i32
    %dma_wait3A_2070 = arith.constant 9216 : i32
    %dma_wait3A_2071 = tpu.memref_slice %arg3[%dma_wait3A_2068, %dma_wait3A_2069, %dma_wait3A_2070] : memref<200x64x16384xf32, #tpu.memory_space<hbm>> -> memref<1x64x512xf32, #tpu.memory_space<hbm>>
    %dma_wait3A_2072 = tpu.memref_squeeze %dma_wait3A_2071 : memref<1x64x512xf32, #tpu.memory_space<hbm>> -> memref<64x512xf32, #tpu.memory_space<hbm>>
    %dma_wait3A_2073 = arith.constant 0 : i32
    %dma_wait3A_2074 = arith.constant 9216 : i32
    %dma_wait3A_2075 = tpu.memref_slice %arg3[%dma_wait3A_2068, %dma_wait3A_2073, %dma_wait3A_2074] : memref<200x64x16384xf32, #tpu.memory_space<hbm>> -> memref<1x64x512xf32, #tpu.memory_space<hbm>>
    %dma_wait3A_2076 = tpu.memref_squeeze %dma_wait3A_2075 : memref<1x64x512xf32, #tpu.memory_space<hbm>> -> memref<64x512xf32, #tpu.memory_space<hbm>>
    tpu.wait_dma2 semaphore(%arg7 : memref<!tpu.dma_semaphore, #tpu.memory_space<semaphore_mem>>) src(%arg5 : memref<64x512xf32, #tpu.memory_space<vmem>>) dst(%dma_wait3A_2076 : memref<64x512xf32, #tpu.memory_space<hbm>>)
    %dma_wait3A_2077 = arith.constant 0 : i32
    %dma_wait3A_2078 = arith.constant 0 : i32
    %dma_wait3A_2079 = arith.constant 9728 : i32
    %dma_wait3A_2080 = tpu.memref_slice %arg3[%dma_wait3A_2077, %dma_wait3A_2078, %dma_wait3A_2079] : memref<200x64x16384xf32, #tpu.memory_space<hbm>> -> memref<1x64x512xf32, #tpu.memory_space<hbm>>
    %dma_wait3A_2081 = tpu.memref_squeeze %dma_wait3A_2080 : memref<1x64x512xf32, #tpu.memory_space<hbm>> -> memref<64x512xf32, #tpu.memory_space<hbm>>
    %dma_wait3A_2082 = arith.constant 0 : i32
    %dma_wait3A_2083 = arith.constant 9728 : i32
    %dma_wait3A_2084 = tpu.memref_slice %arg3[%dma_wait3A_2077, %dma_wait3A_2082, %dma_wait3A_2083] : memref<200x64x16384xf32, #tpu.memory_space<hbm>> -> memref<1x64x512xf32, #tpu.memory_space<hbm>>
    %dma_wait3A_2085 = tpu.memref_squeeze %dma_wait3A_2084 : memref<1x64x512xf32, #tpu.memory_space<hbm>> -> memref<64x512xf32, #tpu.memory_space<hbm>>
    tpu.wait_dma2 semaphore(%arg7 : memref<!tpu.dma_semaphore, #tpu.memory_space<semaphore_mem>>) src(%arg5 : memref<64x512xf32, #tpu.memory_space<vmem>>) dst(%dma_wait3A_2085 : memref<64x512xf32, #tpu.memory_space<hbm>>)
    %dma_wait3A_2086 = arith.constant 0 : i32
    %dma_wait3A_2087 = arith.constant 0 : i32
    %dma_wait3A_2088 = arith.constant 10240 : i32
    %dma_wait3A_2089 = tpu.memref_slice %arg3[%dma_wait3A_2086, %dma_wait3A_2087, %dma_wait3A_2088] : memref<200x64x16384xf32, #tpu.memory_space<hbm>> -> memref<1x64x512xf32, #tpu.memory_space<hbm>>
    %dma_wait3A_2090 = tpu.memref_squeeze %dma_wait3A_2089 : memref<1x64x512xf32, #tpu.memory_space<hbm>> -> memref<64x512xf32, #tpu.memory_space<hbm>>
    %dma_wait3A_2091 = arith.constant 0 : i32
    %dma_wait3A_2092 = arith.constant 10240 : i32
    %dma_wait3A_2093 = tpu.memref_slice %arg3[%dma_wait3A_2086, %dma_wait3A_2091, %dma_wait3A_2092] : memref<200x64x16384xf32, #tpu.memory_space<hbm>> -> memref<1x64x512xf32, #tpu.memory_space<hbm>>
    %dma_wait3A_2094 = tpu.memref_squeeze %dma_wait3A_2093 : memref<1x64x512xf32, #tpu.memory_space<hbm>> -> memref<64x512xf32, #tpu.memory_space<hbm>>
    tpu.wait_dma2 semaphore(%arg7 : memref<!tpu.dma_semaphore, #tpu.memory_space<semaphore_mem>>) src(%arg5 : memref<64x512xf32, #tpu.memory_space<vmem>>) dst(%dma_wait3A_2094 : memref<64x512xf32, #tpu.memory_space<hbm>>)
    %dma_wait3A_2095 = arith.constant 0 : i32
    %dma_wait3A_2096 = arith.constant 0 : i32
    %dma_wait3A_2097 = arith.constant 10752 : i32
    %dma_wait3A_2098 = tpu.memref_slice %arg3[%dma_wait3A_2095, %dma_wait3A_2096, %dma_wait3A_2097] : memref<200x64x16384xf32, #tpu.memory_space<hbm>> -> memref<1x64x512xf32, #tpu.memory_space<hbm>>
    %dma_wait3A_2099 = tpu.memref_squeeze %dma_wait3A_2098 : memref<1x64x512xf32, #tpu.memory_space<hbm>> -> memref<64x512xf32, #tpu.memory_space<hbm>>
    %dma_wait3A_2100 = arith.constant 0 : i32
    %dma_wait3A_2101 = arith.constant 10752 : i32
    %dma_wait3A_2102 = tpu.memref_slice %arg3[%dma_wait3A_2095, %dma_wait3A_2100, %dma_wait3A_2101] : memref<200x64x16384xf32, #tpu.memory_space<hbm>> -> memref<1x64x512xf32, #tpu.memory_space<hbm>>
    %dma_wait3A_2103 = tpu.memref_squeeze %dma_wait3A_2102 : memref<1x64x512xf32, #tpu.memory_space<hbm>> -> memref<64x512xf32, #tpu.memory_space<hbm>>
    tpu.wait_dma2 semaphore(%arg7 : memref<!tpu.dma_semaphore, #tpu.memory_space<semaphore_mem>>) src(%arg5 : memref<64x512xf32, #tpu.memory_space<vmem>>) dst(%dma_wait3A_2103 : memref<64x512xf32, #tpu.memory_space<hbm>>)
    %dma_wait3A_2104 = arith.constant 0 : i32
    %dma_wait3A_2105 = arith.constant 0 : i32
    %dma_wait3A_2106 = arith.constant 11264 : i32
    %dma_wait3A_2107 = tpu.memref_slice %arg3[%dma_wait3A_2104, %dma_wait3A_2105, %dma_wait3A_2106] : memref<200x64x16384xf32, #tpu.memory_space<hbm>> -> memref<1x64x512xf32, #tpu.memory_space<hbm>>
    %dma_wait3A_2108 = tpu.memref_squeeze %dma_wait3A_2107 : memref<1x64x512xf32, #tpu.memory_space<hbm>> -> memref<64x512xf32, #tpu.memory_space<hbm>>
    %dma_wait3A_2109 = arith.constant 0 : i32
    %dma_wait3A_2110 = arith.constant 11264 : i32
    %dma_wait3A_2111 = tpu.memref_slice %arg3[%dma_wait3A_2104, %dma_wait3A_2109, %dma_wait3A_2110] : memref<200x64x16384xf32, #tpu.memory_space<hbm>> -> memref<1x64x512xf32, #tpu.memory_space<hbm>>
    %dma_wait3A_2112 = tpu.memref_squeeze %dma_wait3A_2111 : memref<1x64x512xf32, #tpu.memory_space<hbm>> -> memref<64x512xf32, #tpu.memory_space<hbm>>
    tpu.wait_dma2 semaphore(%arg7 : memref<!tpu.dma_semaphore, #tpu.memory_space<semaphore_mem>>) src(%arg5 : memref<64x512xf32, #tpu.memory_space<vmem>>) dst(%dma_wait3A_2112 : memref<64x512xf32, #tpu.memory_space<hbm>>)
    %dma_wait3A_2113 = arith.constant 0 : i32
    %dma_wait3A_2114 = arith.constant 0 : i32
    %dma_wait3A_2115 = arith.constant 11776 : i32
    %dma_wait3A_2116 = tpu.memref_slice %arg3[%dma_wait3A_2113, %dma_wait3A_2114, %dma_wait3A_2115] : memref<200x64x16384xf32, #tpu.memory_space<hbm>> -> memref<1x64x512xf32, #tpu.memory_space<hbm>>
    %dma_wait3A_2117 = tpu.memref_squeeze %dma_wait3A_2116 : memref<1x64x512xf32, #tpu.memory_space<hbm>> -> memref<64x512xf32, #tpu.memory_space<hbm>>
    %dma_wait3A_2118 = arith.constant 0 : i32
    %dma_wait3A_2119 = arith.constant 11776 : i32
    %dma_wait3A_2120 = tpu.memref_slice %arg3[%dma_wait3A_2113, %dma_wait3A_2118, %dma_wait3A_2119] : memref<200x64x16384xf32, #tpu.memory_space<hbm>> -> memref<1x64x512xf32, #tpu.memory_space<hbm>>
    %dma_wait3A_2121 = tpu.memref_squeeze %dma_wait3A_2120 : memref<1x64x512xf32, #tpu.memory_space<hbm>> -> memref<64x512xf32, #tpu.memory_space<hbm>>
    tpu.wait_dma2 semaphore(%arg7 : memref<!tpu.dma_semaphore, #tpu.memory_space<semaphore_mem>>) src(%arg5 : memref<64x512xf32, #tpu.memory_space<vmem>>) dst(%dma_wait3A_2121 : memref<64x512xf32, #tpu.memory_space<hbm>>)
    %dma_wait3A_2122 = arith.constant 0 : i32
    %dma_wait3A_2123 = arith.constant 0 : i32
    %dma_wait3A_2124 = arith.constant 12288 : i32
    %dma_wait3A_2125 = tpu.memref_slice %arg3[%dma_wait3A_2122, %dma_wait3A_2123, %dma_wait3A_2124] : memref<200x64x16384xf32, #tpu.memory_space<hbm>> -> memref<1x64x512xf32, #tpu.memory_space<hbm>>
    %dma_wait3A_2126 = tpu.memref_squeeze %dma_wait3A_2125 : memref<1x64x512xf32, #tpu.memory_space<hbm>> -> memref<64x512xf32, #tpu.memory_space<hbm>>
    %dma_wait3A_2127 = arith.constant 0 : i32
    %dma_wait3A_2128 = arith.constant 12288 : i32
    %dma_wait3A_2129 = tpu.memref_slice %arg3[%dma_wait3A_2122, %dma_wait3A_2127, %dma_wait3A_2128] : memref<200x64x16384xf32, #tpu.memory_space<hbm>> -> memref<1x64x512xf32, #tpu.memory_space<hbm>>
    %dma_wait3A_2130 = tpu.memref_squeeze %dma_wait3A_2129 : memref<1x64x512xf32, #tpu.memory_space<hbm>> -> memref<64x512xf32, #tpu.memory_space<hbm>>
    tpu.wait_dma2 semaphore(%arg7 : memref<!tpu.dma_semaphore, #tpu.memory_space<semaphore_mem>>) src(%arg5 : memref<64x512xf32, #tpu.memory_space<vmem>>) dst(%dma_wait3A_2130 : memref<64x512xf32, #tpu.memory_space<hbm>>)
    %dma_wait3A_2131 = arith.constant 0 : i32
    %dma_wait3A_2132 = arith.constant 0 : i32
    %dma_wait3A_2133 = arith.constant 12800 : i32
    %dma_wait3A_2134 = tpu.memref_slice %arg3[%dma_wait3A_2131, %dma_wait3A_2132, %dma_wait3A_2133] : memref<200x64x16384xf32, #tpu.memory_space<hbm>> -> memref<1x64x512xf32, #tpu.memory_space<hbm>>
    %dma_wait3A_2135 = tpu.memref_squeeze %dma_wait3A_2134 : memref<1x64x512xf32, #tpu.memory_space<hbm>> -> memref<64x512xf32, #tpu.memory_space<hbm>>
    %dma_wait3A_2136 = arith.constant 0 : i32
    %dma_wait3A_2137 = arith.constant 12800 : i32
    %dma_wait3A_2138 = tpu.memref_slice %arg3[%dma_wait3A_2131, %dma_wait3A_2136, %dma_wait3A_2137] : memref<200x64x16384xf32, #tpu.memory_space<hbm>> -> memref<1x64x512xf32, #tpu.memory_space<hbm>>
    %dma_wait3A_2139 = tpu.memref_squeeze %dma_wait3A_2138 : memref<1x64x512xf32, #tpu.memory_space<hbm>> -> memref<64x512xf32, #tpu.memory_space<hbm>>
    tpu.wait_dma2 semaphore(%arg7 : memref<!tpu.dma_semaphore, #tpu.memory_space<semaphore_mem>>) src(%arg5 : memref<64x512xf32, #tpu.memory_space<vmem>>) dst(%dma_wait3A_2139 : memref<64x512xf32, #tpu.memory_space<hbm>>)
    %dma_wait3A_2140 = arith.constant 0 : i32
    %dma_wait3A_2141 = arith.constant 0 : i32
    %dma_wait3A_2142 = arith.constant 13312 : i32
    %dma_wait3A_2143 = tpu.memref_slice %arg3[%dma_wait3A_2140, %dma_wait3A_2141, %dma_wait3A_2142] : memref<200x64x16384xf32, #tpu.memory_space<hbm>> -> memref<1x64x512xf32, #tpu.memory_space<hbm>>
    %dma_wait3A_2144 = tpu.memref_squeeze %dma_wait3A_2143 : memref<1x64x512xf32, #tpu.memory_space<hbm>> -> memref<64x512xf32, #tpu.memory_space<hbm>>
    %dma_wait3A_2145 = arith.constant 0 : i32
    %dma_wait3A_2146 = arith.constant 13312 : i32
    %dma_wait3A_2147 = tpu.memref_slice %arg3[%dma_wait3A_2140, %dma_wait3A_2145, %dma_wait3A_2146] : memref<200x64x16384xf32, #tpu.memory_space<hbm>> -> memref<1x64x512xf32, #tpu.memory_space<hbm>>
    %dma_wait3A_2148 = tpu.memref_squeeze %dma_wait3A_2147 : memref<1x64x512xf32, #tpu.memory_space<hbm>> -> memref<64x512xf32, #tpu.memory_space<hbm>>
    tpu.wait_dma2 semaphore(%arg7 : memref<!tpu.dma_semaphore, #tpu.memory_space<semaphore_mem>>) src(%arg5 : memref<64x512xf32, #tpu.memory_space<vmem>>) dst(%dma_wait3A_2148 : memref<64x512xf32, #tpu.memory_space<hbm>>)
    %dma_wait3A_2149 = arith.constant 0 : i32
    %dma_wait3A_2150 = arith.constant 0 : i32
    %dma_wait3A_2151 = arith.constant 13824 : i32
    %dma_wait3A_2152 = tpu.memref_slice %arg3[%dma_wait3A_2149, %dma_wait3A_2150, %dma_wait3A_2151] : memref<200x64x16384xf32, #tpu.memory_space<hbm>> -> memref<1x64x512xf32, #tpu.memory_space<hbm>>
    %dma_wait3A_2153 = tpu.memref_squeeze %dma_wait3A_2152 : memref<1x64x512xf32, #tpu.memory_space<hbm>> -> memref<64x512xf32, #tpu.memory_space<hbm>>
    %dma_wait3A_2154 = arith.constant 0 : i32
    %dma_wait3A_2155 = arith.constant 13824 : i32
    %dma_wait3A_2156 = tpu.memref_slice %arg3[%dma_wait3A_2149, %dma_wait3A_2154, %dma_wait3A_2155] : memref<200x64x16384xf32, #tpu.memory_space<hbm>> -> memref<1x64x512xf32, #tpu.memory_space<hbm>>
    %dma_wait3A_2157 = tpu.memref_squeeze %dma_wait3A_2156 : memref<1x64x512xf32, #tpu.memory_space<hbm>> -> memref<64x512xf32, #tpu.memory_space<hbm>>
    tpu.wait_dma2 semaphore(%arg7 : memref<!tpu.dma_semaphore, #tpu.memory_space<semaphore_mem>>) src(%arg5 : memref<64x512xf32, #tpu.memory_space<vmem>>) dst(%dma_wait3A_2157 : memref<64x512xf32, #tpu.memory_space<hbm>>)
    %dma_wait3A_2158 = arith.constant 0 : i32
    %dma_wait3A_2159 = arith.constant 0 : i32
    %dma_wait3A_2160 = arith.constant 14336 : i32
    %dma_wait3A_2161 = tpu.memref_slice %arg3[%dma_wait3A_2158, %dma_wait3A_2159, %dma_wait3A_2160] : memref<200x64x16384xf32, #tpu.memory_space<hbm>> -> memref<1x64x512xf32, #tpu.memory_space<hbm>>
    %dma_wait3A_2162 = tpu.memref_squeeze %dma_wait3A_2161 : memref<1x64x512xf32, #tpu.memory_space<hbm>> -> memref<64x512xf32, #tpu.memory_space<hbm>>
    %dma_wait3A_2163 = arith.constant 0 : i32
    %dma_wait3A_2164 = arith.constant 14336 : i32
    %dma_wait3A_2165 = tpu.memref_slice %arg3[%dma_wait3A_2158, %dma_wait3A_2163, %dma_wait3A_2164] : memref<200x64x16384xf32, #tpu.memory_space<hbm>> -> memref<1x64x512xf32, #tpu.memory_space<hbm>>
    %dma_wait3A_2166 = tpu.memref_squeeze %dma_wait3A_2165 : memref<1x64x512xf32, #tpu.memory_space<hbm>> -> memref<64x512xf32, #tpu.memory_space<hbm>>
    tpu.wait_dma2 semaphore(%arg7 : memref<!tpu.dma_semaphore, #tpu.memory_space<semaphore_mem>>) src(%arg5 : memref<64x512xf32, #tpu.memory_space<vmem>>) dst(%dma_wait3A_2166 : memref<64x512xf32, #tpu.memory_space<hbm>>)
    %dma_wait3A_2167 = arith.constant 0 : i32
    %dma_wait3A_2168 = arith.constant 0 : i32
    %dma_wait3A_2169 = arith.constant 14848 : i32
    %dma_wait3A_2170 = tpu.memref_slice %arg3[%dma_wait3A_2167, %dma_wait3A_2168, %dma_wait3A_2169] : memref<200x64x16384xf32, #tpu.memory_space<hbm>> -> memref<1x64x512xf32, #tpu.memory_space<hbm>>
    %dma_wait3A_2171 = tpu.memref_squeeze %dma_wait3A_2170 : memref<1x64x512xf32, #tpu.memory_space<hbm>> -> memref<64x512xf32, #tpu.memory_space<hbm>>
    %dma_wait3A_2172 = arith.constant 0 : i32
    %dma_wait3A_2173 = arith.constant 14848 : i32
    %dma_wait3A_2174 = tpu.memref_slice %arg3[%dma_wait3A_2167, %dma_wait3A_2172, %dma_wait3A_2173] : memref<200x64x16384xf32, #tpu.memory_space<hbm>> -> memref<1x64x512xf32, #tpu.memory_space<hbm>>
    %dma_wait3A_2175 = tpu.memref_squeeze %dma_wait3A_2174 : memref<1x64x512xf32, #tpu.memory_space<hbm>> -> memref<64x512xf32, #tpu.memory_space<hbm>>
    tpu.wait_dma2 semaphore(%arg7 : memref<!tpu.dma_semaphore, #tpu.memory_space<semaphore_mem>>) src(%arg5 : memref<64x512xf32, #tpu.memory_space<vmem>>) dst(%dma_wait3A_2175 : memref<64x512xf32, #tpu.memory_space<hbm>>)
    %dma_wait3A_2176 = arith.constant 0 : i32
    %dma_wait3A_2177 = arith.constant 0 : i32
    %dma_wait3A_2178 = arith.constant 15360 : i32
    %dma_wait3A_2179 = tpu.memref_slice %arg3[%dma_wait3A_2176, %dma_wait3A_2177, %dma_wait3A_2178] : memref<200x64x16384xf32, #tpu.memory_space<hbm>> -> memref<1x64x512xf32, #tpu.memory_space<hbm>>
    %dma_wait3A_2180 = tpu.memref_squeeze %dma_wait3A_2179 : memref<1x64x512xf32, #tpu.memory_space<hbm>> -> memref<64x512xf32, #tpu.memory_space<hbm>>
    %dma_wait3A_2181 = arith.constant 0 : i32
    %dma_wait3A_2182 = arith.constant 15360 : i32
    %dma_wait3A_2183 = tpu.memref_slice %arg3[%dma_wait3A_2176, %dma_wait3A_2181, %dma_wait3A_2182] : memref<200x64x16384xf32, #tpu.memory_space<hbm>> -> memref<1x64x512xf32, #tpu.memory_space<hbm>>
    %dma_wait3A_2184 = tpu.memref_squeeze %dma_wait3A_2183 : memref<1x64x512xf32, #tpu.memory_space<hbm>> -> memref<64x512xf32, #tpu.memory_space<hbm>>
    tpu.wait_dma2 semaphore(%arg7 : memref<!tpu.dma_semaphore, #tpu.memory_space<semaphore_mem>>) src(%arg5 : memref<64x512xf32, #tpu.memory_space<vmem>>) dst(%dma_wait3A_2184 : memref<64x512xf32, #tpu.memory_space<hbm>>)
    %dma_wait3A_2185 = arith.constant 0 : i32
    %dma_wait3A_2186 = arith.constant 0 : i32
    %dma_wait3A_2187 = arith.constant 15872 : i32
    %dma_wait3A_2188 = tpu.memref_slice %arg3[%dma_wait3A_2185, %dma_wait3A_2186, %dma_wait3A_2187] : memref<200x64x16384xf32, #tpu.memory_space<hbm>> -> memref<1x64x512xf32, #tpu.memory_space<hbm>>
    %dma_wait3A_2189 = tpu.memref_squeeze %dma_wait3A_2188 : memref<1x64x512xf32, #tpu.memory_space<hbm>> -> memref<64x512xf32, #tpu.memory_space<hbm>>
    %dma_wait3A_2190 = arith.constant 0 : i32
    %dma_wait3A_2191 = arith.constant 15872 : i32
    %dma_wait3A_2192 = tpu.memref_slice %arg3[%dma_wait3A_2185, %dma_wait3A_2190, %dma_wait3A_2191] : memref<200x64x16384xf32, #tpu.memory_space<hbm>> -> memref<1x64x512xf32, #tpu.memory_space<hbm>>
    %dma_wait3A_2193 = tpu.memref_squeeze %dma_wait3A_2192 : memref<1x64x512xf32, #tpu.memory_space<hbm>> -> memref<64x512xf32, #tpu.memory_space<hbm>>
    tpu.wait_dma2 semaphore(%arg7 : memref<!tpu.dma_semaphore, #tpu.memory_space<semaphore_mem>>) src(%arg5 : memref<64x512xf32, #tpu.memory_space<vmem>>) dst(%dma_wait3A_2193 : memref<64x512xf32, #tpu.memory_space<hbm>>)
    return
  }
}

module attributes {stable_mosaic.version = 14 : i64} {
  func.func @_tc_tail_body_alias(%arg0: i32, %arg1: memref<4x64x1xf32, #tpu.memory_space<vmem>>, %arg2: memref<200x64x16384xf32, #tpu.memory_space<any>>, %arg3: memref<4x64x16384xf32, #tpu.memory_space<vmem>>) attributes {dimension_semantics = [#tpu.dimension_semantics<arbitrary>], iteration_bounds = array<i64: 12>, scalar_prefetch = 0 : i64, scratch_operands = 0 : i64, tpu.core_type = #tpu.core_type<tc>, window_params = [{transform_indices = @transform_0, window_bounds = array<i64: 4, 64, 1>}, {}, {transform_indices = @transform_2, window_bounds = array<i64: 4, 64, 16384>}]} {
    %get3A = arith.constant 0 : index
    %get3A_0 = arith.constant 0 : index
    %get3A_1 = arith.constant 0 : index
    %get3A_2 = vector.load %arg1[%get3A, %get3A_0, %get3A_1] : memref<4x64x1xf32, #tpu.memory_space<vmem>>, vector<4x64x1xf32>
    %broadcast_in_dim3A = vector.shape_cast %get3A_2 : vector<4x64x1xf32> to vector<4x64x1xf32>
    %broadcast_in_dim3A_3 = vector.broadcast %broadcast_in_dim3A : vector<4x64x1xf32> to vector<4x64x16384xf32>
    %swap3A = arith.constant 0 : index
    %swap3A_4 = arith.constant 0 : index
    %swap3A_5 = arith.constant 0 : index
    %swap3A_6 = vector.load %arg3[%swap3A, %swap3A_4, %swap3A_5] : memref<4x64x16384xf32, #tpu.memory_space<vmem>>, vector<4x64x16384xf32>
    tpu.vector_store %arg3[%swap3A, %swap3A_4, %swap3A_5], %broadcast_in_dim3A_3 {strides = array<i32>} : memref<4x64x16384xf32, #tpu.memory_space<vmem>>, vector<4x64x16384xf32>,
    return
  }
  func.func @transform_0(%arg0: i32) -> (i32, i32, i32) {
    %add3A = arith.constant 38 : i32
    %add3A_0 = arith.addi %add3A, %arg0 : i32
    %c0_i32 = arith.constant 0 : i32
    %c0_i32_1 = arith.constant 0 : i32
    %c0_i32_2 = arith.constant 0 : i32
    return %add3A_0, %c0_i32, %c0_i32_1 : i32, i32, i32
  }
  func.func @transform_2(%arg0: i32) -> (i32, i32, i32) {
    %add3A = arith.constant 38 : i32
    %add3A_0 = arith.addi %add3A, %arg0 : i32
    %c0_i32 = arith.constant 0 : i32
    %c0_i32_1 = arith.constant 0 : i32
    %c0_i32_2 = arith.constant 0 : i32
    return %add3A_0, %c0_i32, %c0_i32_1 : i32, i32, i32
  }
}

module attributes {stable_mosaic.version = 14 : i64} {
  func.func @_splat_body(%arg0: i32, %arg1: memref<8x64xf32, #tpu.memory_space<vmem>>, %arg2: memref<8x64x512xf32, #tpu.memory_space<vmem>>) attributes {dimension_semantics = [#tpu.dimension_semantics<arbitrary>], iteration_bounds = array<i64: 19>, scalar_prefetch = 0 : i64, scratch_operands = 0 : i64, tpu.core_type = #tpu.core_type<tc>, window_params = [{transform_indices = @transform_0, window_bounds = array<i64: 8, 64>}, {transform_indices = @transform_1, window_bounds = array<i64: 8, 64, 512>}]} {
    %get3A = arith.constant 0 : index
    %get3A_0 = arith.constant 0 : index
    %get3A_1 = vector.load %arg1[%get3A, %get3A_0] : memref<8x64xf32, #tpu.memory_space<vmem>>, vector<8x64xf32>
    %broadcast_in_dim3A = vector.shape_cast %get3A_1 : vector<8x64xf32> to vector<8x64x1xf32>
    %broadcast_in_dim3A_2 = vector.shape_cast %broadcast_in_dim3A : vector<8x64x1xf32> to vector<8x64x1xf32>
    %broadcast_in_dim3A_3 = vector.broadcast %broadcast_in_dim3A_2 : vector<8x64x1xf32> to vector<8x64x512xf32>
    %swap3A = arith.constant 0 : index
    %swap3A_4 = arith.constant 0 : index
    %swap3A_5 = arith.constant 0 : index
    %swap3A_6 = vector.load %arg2[%swap3A, %swap3A_4, %swap3A_5] : memref<8x64x512xf32, #tpu.memory_space<vmem>>, vector<8x64x512xf32>
    tpu.vector_store %arg2[%swap3A, %swap3A_4, %swap3A_5], %broadcast_in_dim3A_3 {strides = array<i32>} : memref<8x64x512xf32, #tpu.memory_space<vmem>>, vector<8x64x512xf32>,
    return
  }
  func.func @transform_0(%arg0: i32) -> (i32, i32) {
    %c0_i32 = arith.constant 0 : i32
    %c0_i32_0 = arith.constant 0 : i32
    return %arg0, %c0_i32 : i32, i32
  }
  func.func @transform_1(%arg0: i32) -> (i32, i32, i32) {
    %c0_i32 = arith.constant 0 : i32
    %c0_i32_0 = arith.constant 0 : i32
    %c0_i32_1 = arith.constant 0 : i32
    return %arg0, %c0_i32, %c0_i32_0 : i32, i32, i32
  }
}

</mosaic_0001>

<sc_bundles>
// kernel: kernel.5.cloned.1.call-start
scs
__scs_entry_jumppad:
0x0: {  	(pc) =	sbr.rel $0x88, $3  }
0x1: {  	(tag) =	ssettag $0x0;
	lr =	simm.s32 $0x1  }
0x2: {  	[smem:$0x3FA0] =	sst lr;
	_ =	strace $0xD0000000  }
0x3: {  	_ = 	snop  }
0x4: {  	_ = 	snop  }
0x5: {  	_ = 	snop  }
0x6: {  	_ = 	snop  }
0x7: {  	_ = 	snop  }
__scs_overlays_trampoline_lowered:
0x8: {  	[smem:$0x3FAF] =	sst s0  }
0x9: {  	[smem:$0x3FB0] =	sst s1  }
0xa: {  	[smem:$0x3FB1] =	sst s2  }
0xb: {  	[smem:$0x3FB2] =	sst s3  }
0xc: {  	[smem:$0x3FB3] =	sst s4  }
0xd: {  	[smem:$0x3FB4] =	sst s5  }
0xe: {  	[smem:$0x3FB5] =	sst s6  }
0xf: {  	[smem:$0x3FB6] =	sst s7  }
0x10: {  	[smem:$0x3FB7] =	sst s8  }
0x11: {  	[smem:$0x3FB8] =	sst s9;
	s0 =	simm.s32 @!p0 $0x0  }
0x12: {  	s1 =	sld [smem:$0x3F9E];
	s0 =	simm.s32 @p0 $0x1  }
0x13: {  	[smem:$0x3FB9] =	sst s0;
	s0 =	simm.s32 @!p1 $0x0  }
0x14: {  	s2 =	sld [smem:$0x3F9D];
	s0 =	simm.s32 @p1 $0x1  }
0x15: {  	[smem:$0x3FBA] =	sst s0;
	s0 =	simm.s32 @!p2 $0x0  }
0x16: {  	s3 =	sld [smem:$0x3FDB];
	s0 =	simm.s32 @p2 $0x1  }
0x17: {  	s4 =	simm.s32 $0x1BF5;
	[smem:$0x3FBC] =	sst s0  }
0x18: {  	s0 =	sld [smem:$0x3F9F];
	_ =	swait.ge [sflag:s4], $0x0  }
0x19: {  	s7 =	sld [smem:$0x3FA0]  }
0x1a: {  	s8 =	sadd.s32 $0xFFFFE003, lr  }
0x1b: {  	s9 =	sadd.s32 $0xFFFFFEF7, lr;
	s5 =	simm.s32 $0xFFFFFFFF;
	p2 =	slt.u32 s8, $0xFFFFF086  }
0x1c: {  	p1 =	slt.u32 s9, $0xF7A;
	s5 =	simm.s32 @!p2 $0x0  }
0x1d: {  	s5 =	simm.s32 @p1 $0x1;
	p0 =	seq.s32 s7, s2  }
0x1e: {  	s7 =	smul.u32 @!p0 $0xF7A, s2;
	p2 =	seq.s32 @!p0 s5, $0x0  }
0x1f: {  	s9 =	smul.u32 $0xF7A, s1;
	s8 =	simm.s32 @!p0 $0x1BF5;
	p2 =	por !p2, p0  }
0x20: {  	[sflag:s8] =	ssyncset.s32 @!p0 $0xFFFFF086;
	s6 =	sadd.s32 @!p0 s3, s7;
	s7 =	simm.s32 @!p0 $0x108  }
0x21: {  	s3 =	sadd.s32 s3, s9;
	s6 =	sadd.s32 @!p0 $0x88, s6;
	s7 =	simm.s32 @p2 $0x1082  }
0x22: {  	[simem:s7], [sflag:s8] =	dma.local @!p0 [hbm:s6], $0xF7A  }
0x23: {  	s9 =	sor.u32 $0xD0000000, s2;
	s6 =	simm.s32 $0x108;
	_ =	swait.ge @!p0 [sflag:s8], $0x0  }
0x24: {  	s3 =	sadd.s32 $0x88, s3;
	s6 =	simm.s32 @!p1 $0x1082;
	[sflag:s4] =	ssyncset.s32 $0xFFFFF086  }
0x25: {  	[simem:s6], [sflag:s4] =	dma.local [hbm:s3], $0xF7A  }
0x26: {  	[smem:$0x3FA0] =	sst s1;
	(tag) =	ssettag s2;
	_ =	strace s9  }
0x27: {  	s1 =	sld [smem:$0x3FB0]  }
0x28: {  	s2 =	sld [smem:$0x3FB1]  }
0x29: {  	s4 =	sld [smem:$0x3FB3]  }
0x2a: {  	p0 =	seq.s32 s5, $0x0;
	s5 =	sld [smem:$0x3FB4]  }
0x2b: {  	s6 =	sld [smem:$0x3FB5]  }
0x2c: {  	s7 =	sld [smem:$0x3FB6]  }
0x2d: {  	s3 =	simm.s32 $0x108;
	s8 =	sld [smem:$0x3FB7]  }
0x2e: {  	s3 =	simm.s32 @!p0 $0x1082;
	s9 =	sld [smem:$0x3FB8]  }
0x2f: {  	lr =	sadd.s32 s0, s3;
	s0 =	sld [smem:$0x3FAF]  }
0x30: {  	s3 =	sld [smem:$0x3FB2]  }
0x31: {  	[smem:$0x3FBB] =	sst s10  }
0x32: {  	s10 =	sld [smem:$0x3FB9];
	_ =	sdelay $0x3  }
0x33: {  	p0 =	seq.s32 s10, $0x1;
	s10 =	sld [smem:$0x3FBB];
	_ =	sdelay $0x3  }
0x34: {  	[smem:$0x3FBB] =	sst s10  }
0x35: {  	s10 =	sld [smem:$0x3FBA];
	_ =	sdelay $0x3  }
0x36: {  	p1 =	seq.s32 s10, $0x1;
	s10 =	sld [smem:$0x3FBB];
	_ =	sdelay $0x3  }
0x37: {  	[smem:$0x3FBB] =	sst s10  }
0x38: {  	s10 =	sld [smem:$0x3FBC]  }
0x39: {  	_ = 	snop;
	(pc) =	sbr.ind lr, $3  }
0x3a: {  	_ = 	snop  }
0x3b: {  	_ = 	snop  }
0x3c: {  	p2 =	seq.s32 s10, $0x1;
	s10 =	sld [smem:$0x3FBB]  }
0x3d: {  	_ =	shalt  }
0x3e: {  	_ =	shalt  }
0x3f: {  	_ =	shalt  }
0x40: {  	_ =	shalt  }
0x41: {  	_ =	shalt  }
0x42: {  	_ =	shalt  }
0x43: {  	_ =	shalt  }
0x44: {  	_ =	shalt  }
0x45: {  	_ =	shalt  }
0x46: {  	_ =	shalt  }
0x47: {  	_ =	shalt  }
0x48: {  	_ =	shalt  }
0x49: {  	_ =	shalt  }
0x4a: {  	_ =	shalt  }
0x4b: {  	_ =	shalt  }
0x4c: {  	_ =	shalt  }
0x4d: {  	_ =	shalt  }
0x4e: {  	_ =	shalt  }
0x4f: {  	_ =	shalt  }
0x50: {  	_ =	shalt  }
0x51: {  	_ =	shalt  }
0x52: {  	_ =	shalt  }
0x53: {  	_ =	shalt  }
0x54: {  	_ =	shalt  }
0x55: {  	_ =	shalt  }
0x56: {  	_ =	shalt  }
0x57: {  	_ =	shalt  }
0x58: {  	_ =	shalt  }
0x59: {  	_ =	shalt  }
0x5a: {  	_ =	shalt  }
0x5b: {  	_ =	shalt  }
0x5c: {  	_ =	shalt  }
0x5d: {  	_ =	shalt  }
0x5e: {  	_ =	shalt  }
0x5f: {  	_ =	shalt  }
0x60: {  	_ =	shalt  }
0x61: {  	_ =	shalt  }
0x62: {  	_ =	shalt  }
0x63: {  	_ =	shalt  }
0x64: {  	_ =	shalt  }
0x65: {  	_ =	shalt  }
0x66: {  	_ =	shalt  }
0x67: {  	_ =	shalt  }
0x68: {  	_ =	shalt  }
0x69: {  	_ =	shalt  }
0x6a: {  	_ =	shalt  }
0x6b: {  	_ =	shalt  }
0x6c: {  	_ =	shalt  }
0x6d: {  	_ =	shalt  }
0x6e: {  	_ =	shalt  }
0x6f: {  	_ =	shalt  }
0x70: {  	_ =	shalt  }
0x71: {  	_ =	shalt  }
0x72: {  	_ =	shalt  }
0x73: {  	_ =	shalt  }
0x74: {  	_ =	shalt  }
0x75: {  	_ =	shalt  }
0x76: {  	_ =	shalt  }
0x77: {  	_ =	shalt  }
0x78: {  	_ =	shalt  }
0x79: {  	_ =	shalt  }
0x7a: {  	_ =	shalt  }
0x7b: {  	_ =	shalt  }
0x7c: {  	_ =	shalt  }
0x7d: {  	_ =	shalt  }
0x7e: {  	_ =	shalt  }
0x7f: {  	_ =	shalt  }
0x80: {  	_ =	shalt  }
0x81: {  	_ =	shalt  }
0x82: {  	_ =	shalt  }
0x83: {  	_ =	shalt  }
0x84: {  	_ =	shalt  }
0x85: {  	_ =	shalt  }
0x86: {  	_ =	shalt  }
0x87: {  	_ =	shalt  }
.Lfunc_end0:
.L_simem_size_0:
called_computation_lowered:
.L_overlay_start_0:
0x88: {  	s2 =	sld [smem:$0x3FD9]  }
0x89: {  	s3 =	sld [smem:$0x3FFE];
	_ =	sdelay $0x1  }
0x8a: {  	s1 =	srdreg.scid  }
0x8b: {  	s0 =	sand.u32 $0x1, s1  }
0x8c: {  	s17 =	sshll.u32 s0, $0xA;
	s2 =	sadd.s32 s3, s2  }
0x8d: {  	s2 =	sadd.s32 s2, s17  }
0x8e: {  	[smem:$0x3FC7] =	sst s2  }
0x8f: {  	_ = 	snop  }
0x90: {  	s2 =	sld [smem:$0x3FD0];
	(tm) =	ssettm $0x1  }
0x91: {  	s18 =	sld [smem:$0x3FFB];
	_ =	sdelay $0x3  }
0x92: {  	_ =	strace s18  }
0x93: {  	s3 =	sld [smem:$0x3FFC];
	_ =	sdelay $0x3  }
0x94: {  	_ =	strace s3  }
0x95: {  	s3 =	sld [smem:$0x3FFD];
	_ =	sdelay $0x3  }
0x96: {  	_ =	strace s3  }
0x97: {  	_ =	strace $0x8FFFFFFF  }
0x98: {  	s19 =	sld [smem:$0x3FDB];
	_ =	sdelay $0x1  }
0x99: {  	s4 =	simm.s32 $_scs_section_size  }
0x9a: {  	s5 =	simm.s32 $_size__tile_overlayer_lowered;
	s6 =	simm.s32 $_tile_overlayer_lowered  }
0x9b: {  	s22 =	simm.s32 $0x1BFF;
	s21 =	sshll.u32 s6, $0x1;
	s3 =	sadd.s32 s4, s19  }
0x9c: {  	s7 =	simm.s32 $0x0;
	s20 =	sshll.u32 s5, $0x1;
	s5 =	sadd.s32 s21, s3  }
0x9d: {  	[timem:s7], [sflag:s22] =	dma.local [hbm:s5], s20  }
0x9e: {  	_ =	swait.ge [sflag:s22], s20  }
0x9f: {  	s4 =	ssub.s32 $0x0, s20;
	[sflag:s22] =	ssyncset.done $0x0  }
0xa0: {  	[sflag:s22] =	ssyncadd.s32 s4;
	_ =	sdelay $0x1  }
0xa1: {  	s23 =	simm.s32 $0x1B8B  }
0xa2: {  	_ =	swait.ge [sflag:s23], $0x1  }
0xa3: {  	[sflag:s23] =	ssyncset.done $0x0  }
0xa4: {  	s25 =	simm.s32 $0x1B8E;
	s24 =	sld [smem:$0x3FFE];
	[sflag:s23] =	ssyncadd.s32 $0xFFFFFFFF  }
0xa5: {  	s26 =	simm.s32 $execute0_lowered;
	[smem:$0x3FD2] =	sst s25  }
0xa6: {  	s5 =	sshll.u32 s26, $0x1;
	_ =	strace $0x80000046;
	[dreg:$0x1] =	wrdreg $0xFFFFFFFF  }
0xa7: {  	s28 =	simm.s32 $_size_execute0_lowered;
	s3 =	sadd.s32 s3, s5;
	[dreg:$0x0] =	wrdreg $0x0  }
0xa8: {  	s5 =	sshll.u32 s28, $0x1;
	[dreg:$0x2] =	wrdreg s3  }
0xa9: {  	[dreg:$0x3] =	wrdreg s5  }
0xaa: {  	[dreg:$0x4] =	wrdreg $0xC0  }
0xab: {  	_ =	task [dreg:s7], $0x5FFFF  }
0xac: {  	[dreg:$0x1] =	wrdreg $0xFFFFFFFF  }
0xad: {  	[dreg:$0x0] =	wrdreg $0x60  }
0xae: {  	[dreg:$0x2] =	wrdreg s24  }
0xaf: {  	[dreg:$0x3] =	wrdreg s2  }
0xb0: {  	[dreg:$0x4] =	wrdreg $0x9  }
0xb1: {  	_ =	task.clear_ibuf [dreg:s7], $0x5FFFF;
	_ =	strace $0x90000046  }
0xb2: {  	s29 =	simm.s32 $0x9;
	_ =	strace $0x80000048  }
0xb3: {  	_ =	swait.ge [sflag:s29], $0x1  }
0xb4: {  	[sflag:s29] =	ssyncadd.s32 $0xFFFFFFFF  }
0xb5: {  	_ =	strace $0x90000048  }
0xb6: {  	_ =	sfence  }
0xb7: {  	s30 =	sld [smem:$0x0];
	_ =	sdelay $0x2  }
0xb8: {  	s31 =	sshll.u32 s1, $0xD;
	s1 =	sshrl.u32 s1, $0x2  }
0xb9: {  	s3 =	sand.u32 $0x4000, s31;
	s1 =	sadd.s32 s1, s30  }
0xba: {  	s0 =	sor.u32 s3, s0;
	s1 =	sshll.u32 s1, $0x11  }
0xbb: {  	s0 =	sor.u32 s1, s0  }
0xbc: {  	s0 =	sadd.s32 $0x8F2B, s0  }
0xbd: {  	[sflag:s0] =	ssyncadd.remote.s32 $0x1  }
0xbe: {  	_ =	sfence.sel $0xFFFF  }
0xbf: {  	[dreg:$0x0] =	wrdreg $0xFFFFFFFF;
	(pc) =	sbr.abs _section_cstart, $3  }
0xc0: {  	[dreg:$0x1] =	wrdreg $0xFFFFFFFF  }
0xc1: {  	_ =	task.clear_ibuf [dreg:s7], $0x2FFFF;
	_ =	strace $0x9FFFFFFF  }
0xc2: {  	(tm) =	ssettm $0x7FFFFFFF  }
0xc3: {  	_ =	shalt  }
tec
execute0_lowered:
.L_overlay_start_1:
0x0: {  	(tag) =	ssettag $0x1  }
0x1: {  	s0 =	rddreg [dreg:$0x0]  }
0x2: {  	s16 =	rddreg [dreg:$0x1];
	s1 =	simm.s32 $0x0  }
0x3: {  	s2 =	srdreg.scid;
	[smem:$0x7FF] =	sst s1;
	s9 =	sadd.s32 $0x200, s16  }
0x4: {  	s3 =	stileid.u32;
	s28 =	sadd.s32 $0x1800, s16;
	[smem:$0x7B3] =	sst s9  }
0x5: {  	s2 =	sand.u32 $0x1, s2;
	s29 =	sadd.s32 $0x1A00, s16;
	[smem:$0x7DA] =	sst s28  }
0x6: {  	s3 =	sshll.u32 s3, $0x1;
	s30 =	sadd.s32 $0x1C00, s16;
	[smem:$0x7DC] =	sst s29  }
0x7: {  	s31 =	sadd.s32 $0x2000, s16;
	s6 =	sor.u32 s2, s3;
	[smem:$0x7DE] =	sst s30  }
0x8: {  	s5 =	sadd.s32 $0x800, s0;
	[smem:$0x7E2] =	sst s31;
	s21 =	sor.u32 $0x40, s6  }
0x9: {  	s10 =	ssub.s32 $0x2, s2;
	s22 =	sor.u32 $0x60, s6;
	[smem:$0x78C] =	sst s21  }
0xa: {  	s11 =	sshrl.u32 s10, $0x1;
	s23 =	sor.u32 $0x80, s6;
	[smem:$0x7B1] =	sst s22  }
0xb: {  	s4 =	sshll.u32 s6, $0xC;
	s0 =	ssub.s32 s10, s11;
	[smem:$0x7C3] =	sst s23  }
0xc: {  	s3 =	sshll.u32 s6, $0x11;
	s12 =	sadd.s32 s5, s4;
	[smem:$0x7FD] =	sst s0  }
0xd: {  	s13 =	sadd.s32 s16, s3;
	[dreg:$0x3] =	wrdreg s12  }
0xe: {  	s14 =	sadd.s32 s3, s9;
	[dreg:$0x4] =	wrdreg s13  }
0xf: {  	s26 =	sshll.u32 s23, $0xC;
	s23 =	sadd.s32 $0xC00, s16;
	[dreg:$0x5] =	wrdreg s14  }
0x10: {  	s4 =	sor.u32 $0x20, s6;
	s6 =	sadd.s32 $0x1000, s16;
	[smem:$0x7CE] =	sst s23  }
0x11: {  	s7 =	sshll.u32 s21, $0xC;
	s21 =	sadd.s32 s3, s30;
	[smem:$0x7BB] =	sst s6  }
0x12: {  	s10 =	sadd.s32 $0x400, s16;
	[dreg:$0x16] =	wrdreg s21  }
0x13: {  	s11 =	sadd.s32 $0x600, s16;
	[smem:$0x7C6] =	sst s10  }
0x14: {  	s15 =	sadd.s32 s3, s10;
	[smem:$0x7C8] =	sst s11  }
0x15: {  	s17 =	sadd.s32 s3, s11;
	[dreg:$0x6] =	wrdreg s15  }
0x16: {  	s8 =	sshll.u32 s22, $0xC;
	s24 =	sadd.s32 s5, s7;
	[dreg:$0x7] =	wrdreg s17  }
0x17: {  	s25 =	sadd.s32 s5, s8;
	[dreg:$0xb] =	wrdreg s24  }
0x18: {  	s8 =	sadd.s32 s3, s6;
	[dreg:$0xc] =	wrdreg s25  }
0x19: {  	s14 =	sadd.s32 $0x1400, s16;
	[dreg:$0x10] =	wrdreg s8  }
0x1a: {  	s21 =	sadd.s32 $0x2200, s16;
	[smem:$0x7D6] =	sst s14  }
0x1b: {  	s12 =	sadd.s32 $0x800, s16;
	[smem:$0x7E4] =	sst s21  }
0x1c: {  	s13 =	sadd.s32 $0xA00, s16;
	[smem:$0x7CA] =	sst s12  }
0x1d: {  	s7 =	sadd.s32 $0xE00, s16;
	[smem:$0x7CC] =	sst s13  }
0x1e: {  	s18 =	sadd.s32 s3, s12;
	[smem:$0x7D0] =	sst s7  }
0x1f: {  	s20 =	sshll.u32 s4, $0xC;
	s19 =	sadd.s32 s3, s13;
	[dreg:$0x8] =	wrdreg s18  }
0x20: {  	s0 =	sadd.s32 s5, s20;
	[dreg:$0x9] =	wrdreg s19  }
0x21: {  	s5 =	sadd.s32 s5, s26;
	[dreg:$0xa] =	wrdreg s0  }
0x22: {  	s2 =	sadd.s32 s3, s7;
	[dreg:$0xd] =	wrdreg s5  }
0x23: {  	s17 =	sadd.s32 s3, s14;
	[dreg:$0xf] =	wrdreg s2  }
0x24: {  	s20 =	sadd.s32 s3, s29;
	[dreg:$0x12] =	wrdreg s17  }
0x25: {  	s26 =	sadd.s32 $0x1E00, s16;
	[dreg:$0x15] =	wrdreg s20  }
0x26: {  	s14 =	sadd.s32 $0x2800, s16;
	[smem:$0x7E0] =	sst s26  }
0x27: {  	s24 =	sadd.s32 $0x1200, s16;
	[smem:$0x7BE] =	sst s14  }
0x28: {  	s0 =	sadd.s32 s3, s23;
	[smem:$0x7D4] =	sst s24  }
0x29: {  	s25 =	sadd.s32 $0x1600, s16;
	s15 =	sadd.s32 s3, s24;
	[dreg:$0xe] =	wrdreg s0  }
0x2a: {  	s18 =	sadd.s32 s3, s25;
	[dreg:$0x11] =	wrdreg s15  }
0x2b: {  	s19 =	sadd.s32 s3, s28;
	[dreg:$0x13] =	wrdreg s18  }
0x2c: {  	s22 =	sadd.s32 s3, s26;
	[dreg:$0x14] =	wrdreg s19  }
0x2d: {  	s2 =	sadd.s32 s3, s21;
	[dreg:$0x17] =	wrdreg s22  }
0x2e: {  	s20 =	sadd.s32 $0x2400, s16;
	[dreg:$0x19] =	wrdreg s2  }
0x2f: {  	s17 =	sadd.s32 $0x2C00, s16;
	[smem:$0x7E6] =	sst s20  }
0x30: {  	s5 =	sadd.s32 $0x2E00, s16;
	[smem:$0x7ED] =	sst s17  }
0x31: {  	s0 =	sadd.s32 s3, s31;
	[smem:$0x7BF] =	sst s5  }
0x32: {  	s6 =	sadd.s32 s3, s20;
	[dreg:$0x18] =	wrdreg s0  }
0x33: {  	s19 =	sadd.s32 $0x2600, s16;
	[dreg:$0x1a] =	wrdreg s6  }
0x34: {  	s15 =	sadd.s32 s3, s14;
	[smem:$0x7E8] =	sst s19  }
0x35: {  	s22 =	sadd.s32 $0x2A00, s16;
	[dreg:$0x1c] =	wrdreg s15  }
0x36: {  	s2 =	sadd.s32 s3, s17;
	[smem:$0x7A2] =	sst s22  }
0x37: {  	s8 =	sadd.s32 s3, s19;
	[dreg:$0x1e] =	wrdreg s2  }
0x38: {  	s18 =	sadd.s32 s3, s22;
	[dreg:$0x1b] =	wrdreg s8  }
0x39: {  	s6 =	sadd.s32 s3, s5;
	[dreg:$0x1d] =	wrdreg s18  }
0x3a: {  	s15 =	sadd.s32 $0x3200, s16;
	[dreg:$0x1f] =	wrdreg s6  }
0x3b: {  	s14 =	sadd.s32 s3, s15;
	[smem:$0x7A7] =	sst s15  }
0x3c: {  	s6 =	sadd.s32 $0x3A00, s16;
	[smem:$0x763] =	sst s14  }
0x3d: {  	s18 =	sadd.s32 $0x3000, s16;
	[smem:$0x787] =	sst s6  }
0x3e: {  	s8 =	sadd.s32 s3, s18;
	[smem:$0x7C0] =	sst s18  }
0x3f: {  	s14 =	sadd.s32 $0x3400, s16;
	[smem:$0x762] =	sst s8  }
0x40: {  	s17 =	sadd.s32 s3, s14;
	[smem:$0x7A9] =	sst s14  }
0x41: {  	s8 =	sadd.s32 $0x3800, s16;
	[smem:$0x764] =	sst s17  }
0x42: {  	s17 =	sadd.s32 $0x3600, s16;
	s2 =	sadd.s32 s3, s8;
	[smem:$0x7C2] =	sst s8  }
0x43: {  	s0 =	sadd.s32 s3, s17;
	[smem:$0x766] =	sst s2  }
0x44: {  	s2 =	sadd.s32 s3, s6;
	[smem:$0x765] =	sst s0  }
0x45: {  	s6 =	sadd.s32 $0x3C00, s16;
	[smem:$0x767] =	sst s2;
	s2 =	sadd.s32 $0x3E00, s16  }
0x46: {  	[smem:$0x789] =	sst s6;
	s0 =	sadd.s32 s3, s6;
	s3 =	sadd.s32 s3, s2  }
0x47: {  	[smem:$0x769] =	sst s3;
	s3 =	sshll.u32 s4, $0x11  }
0x48: {  	[smem:$0x768] =	sst s0;
	s5 =	sadd.s32 s3, s9  }
0x49: {  	s6 =	sadd.s32 s3, s10;
	[smem:$0x76B] =	sst s5  }
0x4a: {  	s0 =	sadd.s32 s3, s11;
	[smem:$0x76C] =	sst s6  }
0x4b: {  	s23 =	sadd.s32 s3, s23;
	[smem:$0x76D] =	sst s0  }
0x4c: {  	[smem:$0x770] =	sst s23  }
0x4d: {  	s5 =	sadd.s32 s3, s12;
	s23 =	sld [smem:$0x7BB]  }
0x4e: {  	s6 =	sadd.s32 s3, s13;
	[smem:$0x76E] =	sst s5  }
0x4f: {  	[smem:$0x76F] =	sst s6;
	s6 =	sadd.s32 s3, s24  }
0x50: {  	[smem:$0x773] =	sst s6  }
0x51: {  	s0 =	sadd.s32 s3, s7;
	s6 =	sld [smem:$0x7D6]  }
0x52: {  	[smem:$0x771] =	sst s0;
	s5 =	sadd.s32 s3, s23  }
0x53: {  	[smem:$0x772] =	sst s5;
	s5 =	sadd.s32 s3, s25  }
0x54: {  	s0 =	sadd.s32 s3, s6;
	[smem:$0x775] =	sst s5  }
0x55: {  	s5 =	sadd.s32 s3, s29;
	[smem:$0x774] =	sst s0  }
0x56: {  	s0 =	sadd.s32 s3, s28;
	[smem:$0x777] =	sst s5  }
0x57: {  	s5 =	sadd.s32 s3, s26;
	[smem:$0x776] =	sst s0  }
0x58: {  	s26 =	sadd.s32 s3, s31;
	[smem:$0x779] =	sst s5  }
0x59: {  	[smem:$0x77A] =	sst s26  }
0x5a: {  	s0 =	sadd.s32 s3, s30;
	s26 =	sadd.s32 s3, s22;
	s22 =	sld [smem:$0x7ED]  }
0x5b: {  	s5 =	sadd.s32 s3, s20;
	[smem:$0x778] =	sst s0  }
0x5c: {  	s0 =	sadd.s32 s3, s21;
	[smem:$0x77C] =	sst s5  }
0x5d: {  	[smem:$0x77B] =	sst s0  }
0x5e: {  	s20 =	sadd.s32 s3, s19;
	s0 =	sld [smem:$0x7BE]  }
0x5f: {  	[smem:$0x77D] =	sst s20;
	s5 =	sadd.s32 s3, s22  }
0x60: {  	[smem:$0x780] =	sst s5  }
0x61: {  	s20 =	sadd.s32 s3, s18;
	s5 =	sld [smem:$0x7BF];
	s21 =	sadd.s32 s3, s0  }
0x62: {  	[smem:$0x77E] =	sst s21;
	s21 =	smov.u32 s18;
	s18 =	sadd.s32 s3, s8  }
0x63: {  	[smem:$0x786] =	sst s18  }
0x64: {  	s18 =	sld [smem:$0x787]  }
0x65: {  	[smem:$0x7C1] =	sst s17  }
0x66: {  	[smem:$0x7AF] =	sst s2;
	s19 =	sadd.s32 s3, s5  }
0x67: {  	[smem:$0x781] =	sst s19;
	s19 =	sadd.s32 s3, s18  }
0x68: {  	[smem:$0x788] =	sst s19  }
0x69: {  	s4 =	sadd.s32 s16, s3;
	s19 =	sld [smem:$0x789]  }
0x6a: {  	s14 =	sadd.s32 s3, s14;
	[smem:$0x76A] =	sst s4  }
0x6b: {  	[smem:$0x77F] =	sst s26;
	s26 =	sadd.s32 s3, s15;
	s15 =	sadd.s32 s3, s17  }
0x6c: {  	[smem:$0x783] =	sst s26;
	s26 =	sadd.s32 s3, s19;
	s3 =	sadd.s32 s3, s2  }
0x6d: {  	[smem:$0x78B] =	sst s3  }
0x6e: {  	s3 =	sld [smem:$0x78C]  }
0x6f: {  	[smem:$0x784] =	sst s14  }
0x70: {  	[smem:$0x782] =	sst s20  }
0x71: {  	[smem:$0x785] =	sst s15;
	s2 =	sshll.u32 s3, $0x11  }
0x72: {  	[smem:$0x78A] =	sst s26;
	s4 =	sadd.s32 s16, s2  }
0x73: {  	s20 =	smov.u32 s8;
	s8 =	sadd.s32 s2, s9;
	[smem:$0x78D] =	sst s4  }
0x74: {  	s9 =	sadd.s32 s2, s10;
	[smem:$0x78E] =	sst s8  }
0x75: {  	s15 =	sadd.s32 s2, s11;
	[smem:$0x78F] =	sst s9  }
0x76: {  	s14 =	smov.u32 s17;
	s17 =	sadd.s32 s2, s12;
	[smem:$0x790] =	sst s15  }
0x77: {  	s26 =	sadd.s32 s2, s13;
	[smem:$0x791] =	sst s17  }
0x78: {  	[smem:$0x792] =	sst s26  }
0x79: {  	s8 =	sld [smem:$0x7CE];
	s9 =	sadd.s32 s2, s7  }
0x7a: {  	s15 =	sadd.s32 s2, s23;
	[smem:$0x794] =	sst s9  }
0x7b: {  	s17 =	sadd.s32 s2, s24;
	[smem:$0x795] =	sst s15  }
0x7c: {  	[smem:$0x796] =	sst s17;
	s15 =	sadd.s32 s2, s30  }
0x7d: {  	[smem:$0x79B] =	sst s15  }
0x7e: {  	s23 =	sadd.s32 s2, s6;
	s15 =	sld [smem:$0x7E4]  }
0x7f: {  	[smem:$0x797] =	sst s23;
	s4 =	sadd.s32 s2, s8  }
0x80: {  	[smem:$0x793] =	sst s4;
	s4 =	smov.u32 s6;
	s6 =	sadd.s32 s2, s28  }
0x81: {  	[smem:$0x799] =	sst s6;
	s6 =	sadd.s32 s2, s15  }
0x82: {  	[smem:$0x79E] =	sst s6  }
0x83: {  	s26 =	sadd.s32 s2, s25;
	s6 =	sld [smem:$0x7E6]  }
0x84: {  	[smem:$0x798] =	sst s26;
	s9 =	sadd.s32 s2, s29  }
0x85: {  	s26 =	smov.u32 s28;
	[smem:$0x79A] =	sst s9;
	s28 =	smov.u32 s29  }
0x86: {  	s29 =	smov.u32 s30;
	s30 =	sld [smem:$0x7E0];
	s9 =	sadd.s32 s2, s6  }
0x87: {  	[smem:$0x79F] =	sst s9  }
0x88: {  	s23 =	sadd.s32 s2, s31;
	s9 =	sld [smem:$0x7E8]  }
0x89: {  	[smem:$0x79D] =	sst s23;
	s23 =	sadd.s32 s2, s0  }
0x8a: {  	[smem:$0x7A1] =	sst s23;
	s17 =	sadd.s32 s2, s30  }
0x8b: {  	[smem:$0x79C] =	sst s17;
	s17 =	sadd.s32 s2, s9  }
0x8c: {  	[smem:$0x7A0] =	sst s17  }
0x8d: {  	s23 =	sadd.s32 s2, s22;
	s17 =	sld [smem:$0x7A2]  }
0x8e: {  	[smem:$0x7A4] =	sst s23  }
0x8f: {  	s23 =	sld [smem:$0x7A7]  }
0x90: {  	[smem:$0x7D8] =	sst s25;
	s0 =	sadd.s32 s2, s17  }
0x91: {  	[smem:$0x7A3] =	sst s0;
	s0 =	sadd.s32 s2, s5;
	s5 =	sadd.s32 s2, s21  }
0x92: {  	s21 =	sadd.s32 s2, s23;
	[smem:$0x7A6] =	sst s5  }
0x93: {  	[smem:$0x7A8] =	sst s21  }
0x94: {  	s5 =	sld [smem:$0x7A9];
	s21 =	sadd.s32 s2, s18  }
0x95: {  	[smem:$0x7AD] =	sst s21  }
0x96: {  	s14 =	sadd.s32 s2, s14;
	s21 =	sld [smem:$0x7AF]  }
0x97: {  	[smem:$0x7AB] =	sst s14  }
0x98: {  	s20 =	sadd.s32 s2, s20;
	[smem:$0x7A5] =	sst s0;
	s0 =	sadd.s32 s2, s5  }
0x99: {  	[smem:$0x7AA] =	sst s0;
	s0 =	sadd.s32 s2, s19;
	s2 =	sadd.s32 s2, s21  }
0x9a: {  	[smem:$0x7B0] =	sst s2  }
0x9b: {  	s2 =	sld [smem:$0x7B1]  }
0x9c: {  	[smem:$0x7AC] =	sst s20  }
0x9d: {  	[smem:$0x7AE] =	sst s0  }
0x9e: {  	s14 =	sshll.u32 s2, $0x11;
	s2 =	sld [smem:$0x7B3]  }
0x9f: {  	s0 =	sadd.s32 s16, s14;
	s20 =	sadd.s32 s14, s10;
	s10 =	sadd.s32 s14, s12  }
0xa0: {  	s12 =	sadd.s32 s14, s8;
	s8 =	sadd.s32 s14, s28;
	s28 =	sld [smem:$0x7BE]  }
0xa1: {  	[smem:$0x7B2] =	sst s0  }
0xa2: {  	[smem:$0x7B5] =	sst s20  }
0xa3: {  	[smem:$0x7B7] =	sst s10  }
0xa4: {  	[smem:$0x7B9] =	sst s12  }
0xa5: {  	s4 =	sadd.s32 s14, s4;
	s12 =	sld [smem:$0x7BB]  }
0xa6: {  	[smem:$0x7F2] =	sst s4  }
0xa7: {  	s4 =	sadd.s32 s14, s22;
	s22 =	sld [smem:$0x7C3]  }
0xa8: {  	s15 =	sadd.s32 s14, s15;
	[smem:$0x7D2] =	sst s8  }
0xa9: {  	s10 =	sadd.s32 s14, s29;
	[smem:$0x7F8] =	sst s15  }
0xaa: {  	s29 =	sld [smem:$0x7BF];
	s20 =	sadd.s32 s14, s12;
	s22 =	sshll.u32 s22, $0x11  }
0xab: {  	[smem:$0x7BC] =	sst s20;
	s16 =	sadd.s32 s16, s22  }
0xac: {  	s3 =	sadd.s32 s14, s2;
	s20 =	sadd.s32 s14, s26;
	[smem:$0x7C4] =	sst s16  }
0xad: {  	s16 =	sadd.s32 s22, s2;
	s2 =	smov.u32 s20;
	s20 =	sld [smem:$0x7C6]  }
0xae: {  	s15 =	sld [smem:$0x7C0]  }
0xaf: {  	[smem:$0x7C5] =	sst s16  }
0xb0: {  	s16 =	sadd.s32 s22, s20;
	s20 =	sld [smem:$0x7C8]  }
0xb1: {  	[smem:$0x7EA] =	sst s10  }
0xb2: {  	[smem:$0x7C7] =	sst s16  }
0xb3: {  	s16 =	sadd.s32 s22, s20;
	s20 =	sld [smem:$0x7CA]  }
0xb4: {  	[smem:$0x7B4] =	sst s3  }
0xb5: {  	[smem:$0x7C9] =	sst s16  }
0xb6: {  	s3 =	sadd.s32 s14, s11;
	s16 =	sadd.s32 s22, s20;
	s20 =	sld [smem:$0x7CC]  }
0xb7: {  	[smem:$0x7B6] =	sst s3  }
0xb8: {  	[smem:$0x7CB] =	sst s16  }
0xb9: {  	s11 =	sadd.s32 s14, s13;
	s16 =	sadd.s32 s22, s20;
	s20 =	sld [smem:$0x7CE]  }
0xba: {  	[smem:$0x7B8] =	sst s11  }
0xbb: {  	[smem:$0x7CD] =	sst s16  }
0xbc: {  	s13 =	sadd.s32 s14, s7;
	s16 =	sadd.s32 s22, s20;
	s20 =	sld [smem:$0x7D0]  }
0xbd: {  	s7 =	sadd.s32 s14, s25;
	[smem:$0x7BA] =	sst s13  }
0xbe: {  	[smem:$0x7F4] =	sst s7  }
0xbf: {  	[smem:$0x7CF] =	sst s16;
	s16 =	sadd.s32 s22, s20;
	s20 =	sadd.s32 s22, s12  }
0xc0: {  	[smem:$0x7D3] =	sst s20  }
0xc1: {  	s20 =	sld [smem:$0x7D4]  }
0xc2: {  	s11 =	sadd.s32 s14, s30;
	s30 =	sld [smem:$0x7C1]  }
0xc3: {  	[smem:$0x7D1] =	sst s16  }
0xc4: {  	s16 =	sadd.s32 s22, s20;
	s20 =	sld [smem:$0x7D6]  }
0xc5: {  	s13 =	sadd.s32 s14, s31;
	s31 =	sld [smem:$0x7C2]  }
0xc6: {  	[smem:$0x7D5] =	sst s16  }
0xc7: {  	s3 =	sadd.s32 s14, s24;
	s16 =	sadd.s32 s22, s20;
	s20 =	sld [smem:$0x7D8]  }
0xc8: {  	[smem:$0x7BD] =	sst s3  }
0xc9: {  	[smem:$0x7D7] =	sst s16  }
0xca: {  	s16 =	sadd.s32 s22, s20;
	s20 =	sld [smem:$0x7DA]  }
0xcb: {  	[smem:$0x7EF] =	sst s11  }
0xcc: {  	[smem:$0x7D9] =	sst s16  }
0xcd: {  	s16 =	sadd.s32 s22, s20;
	s20 =	sld [smem:$0x7DC]  }
0xce: {  	[smem:$0x7F6] =	sst s13  }
0xcf: {  	s0 =	sadd.s32 s14, s6;
	s6 =	sadd.s32 s14, s15;
	[smem:$0x7DB] =	sst s16  }
0xd0: {  	s15 =	sadd.s32 s22, s15;
	s16 =	sadd.s32 s22, s20;
	s20 =	sld [smem:$0x7DE]  }
0xd1: {  	[smem:$0x7F1] =	sst s15  }
0xd2: {  	s11 =	sadd.s32 s14, s18;
	[smem:$0x7DD] =	sst s16  }
0xd3: {  	s18 =	sadd.s32 s22, s18;
	s16 =	sadd.s32 s22, s20;
	s20 =	sld [smem:$0x7E0]  }
0xd4: {  	[smem:$0x7FA] =	sst s18  }
0xd5: {  	s13 =	sadd.s32 s14, s19;
	[smem:$0x7DF] =	sst s16  }
0xd6: {  	s19 =	sadd.s32 s22, s19;
	s16 =	sadd.s32 s22, s20;
	s20 =	sld [smem:$0x7E2]  }
0xd7: {  	[smem:$0x7FB] =	sst s19  }
0xd8: {  	[smem:$0x7E1] =	sst s16  }
0xd9: {  	s26 =	sadd.s32 s14, s9;
	s16 =	sadd.s32 s22, s20;
	s20 =	sld [smem:$0x7E4]  }
0xda: {  	s9 =	sadd.s32 s14, s30;
	s15 =	sadd.s32 s22, s30;
	s30 =	sld [smem:$0x7F6]  }
0xdb: {  	[smem:$0x7E3] =	sst s16  }
0xdc: {  	s16 =	sadd.s32 s22, s20;
	s20 =	sld [smem:$0x7E6]  }
0xdd: {  	[smem:$0x7F7] =	sst s15  }
0xde: {  	[smem:$0x7E5] =	sst s16  }
0xdf: {  	s16 =	sadd.s32 s22, s20;
	s20 =	sld [smem:$0x7E8]  }
0xe0: {  	s12 =	sld [smem:$0x7D2]  }
0xe1: {  	s25 =	sadd.s32 s14, s28;
	[smem:$0x7E7] =	sst s16  }
0xe2: {  	s16 =	sadd.s32 s22, s20;
	s20 =	sadd.s32 s22, s28;
	s28 =	sld [smem:$0x7EA]  }
0xe3: {  	[smem:$0x7E9] =	sst s16  }
0xe4: {  	[smem:$0x7EB] =	sst s20  }
0xe5: {  	s3 =	sadd.s32 s14, s17;
	s20 =	sadd.s32 s22, s17;
	s17 =	sld [smem:$0x7ED]  }
0xe6: {  	[smem:$0x7EC] =	sst s20  }
0xe7: {  	s24 =	sadd.s32 s14, s29;
	s20 =	sadd.s32 s22, s29;
	s29 =	sld [smem:$0x7EF]  }
0xe8: {  	s8 =	sadd.s32 s14, s5;
	[smem:$0x7F0] =	sst s20  }
0xe9: {  	s7 =	sadd.s32 s14, s23;
	s20 =	sadd.s32 s22, s5;
	s5 =	sld [smem:$0x7F4]  }
0xea: {  	s16 =	sadd.s32 s22, s17;
	s17 =	sadd.s32 s22, s23;
	s23 =	sld [smem:$0x7F2]  }
0xeb: {  	[smem:$0x7F5] =	sst s20  }
0xec: {  	[smem:$0x7EE] =	sst s16  }
0xed: {  	s20 =	sadd.s32 s22, s21;
	[smem:$0x7F3] =	sst s17  }
0xee: {  	s17 =	sadd.s32 s22, s31;
	[smem:$0x7FC] =	sst s20  }
0xef: {  	s10 =	sadd.s32 s14, s31;
	[smem:$0x7F9] =	sst s17  }
.Ltmp0:
0xf0: {  	s31 =	sld [smem:$0x7F8];
	_ =	strace $0x80000047;
	(pc) =	sbr.rel .LBB2_1-.Ltmp0, $4  }
0xf1: {  	s18 =	simm.s32 $0x20000;
	s22 =	sld [smem:$0x7FD]  }
0xf2: {  	s19 =	simm.s32 $0x8000;
	s14 =	sadd.s32 s14, s21;
	s21 =	stileid.u32  }
0xf3: {  	p0 =	sgt.u32 s21, $0xB;
	s16 =	simm.s32 $0x3;
	s20 =	simm.s32 $0x1  }
0xf4: {  	s21 =	simm.s32 $0x2;
	s17 =	simm.s32 $0x1000;
	s15 =	smax.u32 s22, $0x1  }
.LBB2_3:
0xf5: {  	_ =	swait.ge [sflag:s21], $0x8000  }
0xf6: {  	[sflag:s21] =	ssyncset.done $0x0  }
0xf7: {  	[sflag:s21] =	ssyncadd.s32 $0xFFFF8000  }
0xf8: {  	_ =	swait.ge [sflag:s21], $0x8000  }
0xf9: {  	[sflag:s21] =	ssyncset.done $0x0  }
0xfa: {  	[sflag:s21] =	ssyncadd.s32 $0xFFFF8000  }
0xfb: {  	_ =	swait.ge [sflag:s21], $0x8000  }
0xfc: {  	[sflag:s21] =	ssyncset.done $0x0  }
0xfd: {  	[sflag:s21] =	ssyncadd.s32 $0xFFFF8000  }
0xfe: {  	_ =	swait.ge [sflag:s21], $0x8000  }
0xff: {  	[sflag:s21] =	ssyncset.done $0x0  }
0x100: {  	[sflag:s21] =	ssyncadd.s32 $0xFFFF8000  }
0x101: {  	_ =	swait.ge [sflag:s21], $0x8000  }
0x102: {  	[sflag:s21] =	ssyncset.done $0x0  }
0x103: {  	[sflag:s21] =	ssyncadd.s32 $0xFFFF8000  }
0x104: {  	_ =	swait.ge [sflag:s21], $0x8000  }
0x105: {  	[sflag:s21] =	ssyncset.done $0x0  }
0x106: {  	[sflag:s21] =	ssyncadd.s32 $0xFFFF8000  }
0x107: {  	_ =	swait.ge [sflag:s21], $0x8000  }
0x108: {  	[sflag:s21] =	ssyncset.done $0x0  }
0x109: {  	[sflag:s21] =	ssyncadd.s32 $0xFFFF8000  }
0x10a: {  	_ =	swait.ge [sflag:s21], $0x8000  }
0x10b: {  	[sflag:s21] =	ssyncset.done $0x0  }
0x10c: {  	[sflag:s21] =	ssyncadd.s32 $0xFFFF8000  }
0x10d: {  	_ =	swait.ge [sflag:s21], $0x8000  }
0x10e: {  	[sflag:s21] =	ssyncset.done $0x0  }
0x10f: {  	[sflag:s21] =	ssyncadd.s32 $0xFFFF8000  }
0x110: {  	_ =	swait.ge [sflag:s21], $0x8000  }
0x111: {  	[sflag:s21] =	ssyncset.done $0x0  }
0x112: {  	[sflag:s21] =	ssyncadd.s32 $0xFFFF8000  }
0x113: {  	_ =	swait.ge [sflag:s21], $0x8000  }
0x114: {  	[sflag:s21] =	ssyncset.done $0x0  }
0x115: {  	[sflag:s21] =	ssyncadd.s32 $0xFFFF8000  }
0x116: {  	_ =	swait.ge [sflag:s21], $0x8000  }
0x117: {  	[sflag:s21] =	ssyncset.done $0x0  }
0x118: {  	[sflag:s21] =	ssyncadd.s32 $0xFFFF8000  }
0x119: {  	_ =	swait.ge [sflag:s21], $0x8000  }
0x11a: {  	[sflag:s21] =	ssyncset.done $0x0  }
0x11b: {  	[sflag:s21] =	ssyncadd.s32 $0xFFFF8000  }
0x11c: {  	_ =	swait.ge [sflag:s21], $0x8000  }
0x11d: {  	[sflag:s21] =	ssyncset.done $0x0  }
0x11e: {  	[sflag:s21] =	ssyncadd.s32 $0xFFFF8000  }
0x11f: {  	_ =	swait.ge [sflag:s21], $0x8000  }
0x120: {  	[sflag:s21] =	ssyncset.done $0x0  }
0x121: {  	[sflag:s21] =	ssyncadd.s32 $0xFFFF8000  }
0x122: {  	_ =	swait.ge [sflag:s21], $0x8000  }
0x123: {  	[sflag:s21] =	ssyncset.done $0x0  }
0x124: {  	[sflag:s21] =	ssyncadd.s32 $0xFFFF8000  }
0x125: {  	_ =	swait.ge [sflag:s21], $0x8000  }
0x126: {  	[sflag:s21] =	ssyncset.done $0x0  }
0x127: {  	[sflag:s21] =	ssyncadd.s32 $0xFFFF8000  }
0x128: {  	_ =	swait.ge [sflag:s21], $0x8000  }
0x129: {  	[sflag:s21] =	ssyncset.done $0x0  }
0x12a: {  	[sflag:s21] =	ssyncadd.s32 $0xFFFF8000  }
0x12b: {  	_ =	swait.ge [sflag:s21], $0x8000  }
0x12c: {  	[sflag:s21] =	ssyncset.done $0x0  }
0x12d: {  	[sflag:s21] =	ssyncadd.s32 $0xFFFF8000  }
0x12e: {  	_ =	swait.ge [sflag:s21], $0x8000  }
0x12f: {  	[sflag:s21] =	ssyncset.done $0x0  }
0x130: {  	[sflag:s21] =	ssyncadd.s32 $0xFFFF8000  }
0x131: {  	_ =	swait.ge [sflag:s21], $0x8000  }
0x132: {  	[sflag:s21] =	ssyncset.done $0x0  }
0x133: {  	[sflag:s21] =	ssyncadd.s32 $0xFFFF8000  }
0x134: {  	_ =	swait.ge [sflag:s21], $0x8000  }
0x135: {  	[sflag:s21] =	ssyncset.done $0x0  }
0x136: {  	[sflag:s21] =	ssyncadd.s32 $0xFFFF8000  }
0x137: {  	_ =	swait.ge [sflag:s21], $0x8000  }
0x138: {  	[sflag:s21] =	ssyncset.done $0x0  }
0x139: {  	[sflag:s21] =	ssyncadd.s32 $0xFFFF8000  }
0x13a: {  	_ =	swait.ge [sflag:s21], $0x8000  }
0x13b: {  	[sflag:s21] =	ssyncset.done $0x0  }
0x13c: {  	[sflag:s21] =	ssyncadd.s32 $0xFFFF8000  }
0x13d: {  	_ =	swait.ge [sflag:s21], $0x8000  }
0x13e: {  	[sflag:s21] =	ssyncset.done $0x0  }
0x13f: {  	[sflag:s21] =	ssyncadd.s32 $0xFFFF8000  }
0x140: {  	_ =	swait.ge [sflag:s21], $0x8000  }
0x141: {  	[sflag:s21] =	ssyncset.done $0x0  }
0x142: {  	[sflag:s21] =	ssyncadd.s32 $0xFFFF8000  }
0x143: {  	_ =	swait.ge [sflag:s21], $0x8000  }
0x144: {  	[sflag:s21] =	ssyncset.done $0x0  }
0x145: {  	[sflag:s21] =	ssyncadd.s32 $0xFFFF8000  }
0x146: {  	_ =	swait.ge [sflag:s21], $0x8000  }
0x147: {  	[sflag:s21] =	ssyncset.done $0x0  }
0x148: {  	[sflag:s21] =	ssyncadd.s32 $0xFFFF8000  }
0x149: {  	_ =	swait.ge [sflag:s21], $0x8000  }
0x14a: {  	[sflag:s21] =	ssyncset.done $0x0  }
0x14b: {  	[sflag:s21] =	ssyncadd.s32 $0xFFFF8000  }
0x14c: {  	_ =	swait.ge [sflag:s21], $0x8000  }
0x14d: {  	[sflag:s21] =	ssyncset.done $0x0  }
0x14e: {  	s15 =	sadd.s32 $0xFFFFFFFF, s15;
	[sflag:s21] =	ssyncadd.s32 $0xFFFF8000  }
0x14f: {  	p1 =	sne.s32 s15, $0x0;
	_ =	swait.ge [sflag:s21], $0x8000  }
.Ltmp1:
0x150: {  	[sflag:s21] =	ssyncset.done $0x0;
	(pc) =	sbr.rel @!p1 .LBB2_4-.Ltmp1, $4  }
0x151: {  	[sflag:s21] =	ssyncadd.s32 $0xFFFF8000  }
0x152: {  	_ =	swait.ge [sflag:s21], $0x8000  }
0x153: {  	[sflag:s21] =	ssyncset.done $0x0  }
0x154: {  	[sflag:s21] =	ssyncadd.s32 $0xFFFF8000  }
.LBB2_1:
0x155: {  	s22 =	rddreg [dreg:$0x3]  }
0x156: {  	[tilespmem:s1], [sflag:$0x3] =	stream.linear.gather [hbm4b:s22+s1], $0x8000, $0x38;
	[tilespmem:$0x10000] =	vst v63  }
0x157: {  	_ =	swait.ge [sflag:s16], $0x8000  }
0x158: {  	[sflag:s16] =	ssyncset.done $0x0  }
0x159: {  	s22 =	rddreg [dreg:$0x4];
	[sflag:s16] =	ssyncadd.s32 $0xFFFF8000  }
0x15a: {  	[hbm4b:s22+s17] =	stream.strided.scatter [tilespmem:s1], [sflag:$0x1], $0x8000, s18, s17, $0x38;
	[tilespmem:$0x10000] =	vst v63  }
0x15b: {  	s22 =	rddreg [dreg:$0x5]  }
0x15c: {  	[hbm4b:s22+s17] =	stream.strided.scatter [tilespmem:s1], [sflag:$0x1], $0x8000, s18, s17, $0x38;
	[tilespmem:$0x10000] =	vst v63  }
0x15d: {  	s22 =	rddreg [dreg:$0x6]  }
0x15e: {  	[hbm4b:s22+s17] =	stream.strided.scatter [tilespmem:s1], [sflag:$0x1], $0x8000, s18, s17, $0x38;
	[tilespmem:$0x10000] =	vst v63  }
0x15f: {  	s22 =	rddreg [dreg:$0x7]  }
0x160: {  	[hbm4b:s22+s17] =	stream.strided.scatter [tilespmem:s1], [sflag:$0x1], $0x8000, s18, s17, $0x38;
	[tilespmem:$0x10000] =	vst v63  }
0x161: {  	s22 =	rddreg [dreg:$0x8]  }
0x162: {  	[hbm4b:s22+s17] =	stream.strided.scatter [tilespmem:s1], [sflag:$0x1], $0x8000, s18, s17, $0x38;
	[tilespmem:$0x10000] =	vst v63  }
0x163: {  	s22 =	rddreg [dreg:$0x9]  }
0x164: {  	[hbm4b:s22+s17] =	stream.strided.scatter [tilespmem:s1], [sflag:$0x1], $0x8000, s18, s17, $0x38;
	[tilespmem:$0x10000] =	vst v63  }
0x165: {  	s22 =	rddreg [dreg:$0xe]  }
0x166: {  	[hbm4b:s22+s17] =	stream.strided.scatter [tilespmem:s1], [sflag:$0x1], $0x8000, s18, s17, $0x38;
	[tilespmem:$0x10000] =	vst v63  }
0x167: {  	s22 =	rddreg [dreg:$0xf]  }
0x168: {  	[hbm4b:s22+s17] =	stream.strided.scatter [tilespmem:s1], [sflag:$0x1], $0x8000, s18, s17, $0x38;
	[tilespmem:$0x10000] =	vst v63  }
0x169: {  	s22 =	rddreg [dreg:$0x10]  }
0x16a: {  	[hbm4b:s22+s17] =	stream.strided.scatter [tilespmem:s1], [sflag:$0x1], $0x8000, s18, s17, $0x38;
	[tilespmem:$0x10000] =	vst v63  }
0x16b: {  	s22 =	rddreg [dreg:$0x11]  }
0x16c: {  	[hbm4b:s22+s17] =	stream.strided.scatter [tilespmem:s1], [sflag:$0x1], $0x8000, s18, s17, $0x38;
	[tilespmem:$0x10000] =	vst v63  }
0x16d: {  	s22 =	rddreg [dreg:$0x12]  }
0x16e: {  	[hbm4b:s22+s17] =	stream.strided.scatter [tilespmem:s1], [sflag:$0x1], $0x8000, s18, s17, $0x38;
	[tilespmem:$0x10000] =	vst v63  }
0x16f: {  	s22 =	rddreg [dreg:$0x13]  }
0x170: {  	[hbm4b:s22+s17] =	stream.strided.scatter [tilespmem:s1], [sflag:$0x1], $0x8000, s18, s17, $0x38;
	[tilespmem:$0x10000] =	vst v63  }
0x171: {  	s22 =	rddreg [dreg:$0x14]  }
0x172: {  	[hbm4b:s22+s17] =	stream.strided.scatter [tilespmem:s1], [sflag:$0x1], $0x8000, s18, s17, $0x38;
	[tilespmem:$0x10000] =	vst v63  }
0x173: {  	s22 =	rddreg [dreg:$0x15]  }
0x174: {  	[hbm4b:s22+s17] =	stream.strided.scatter [tilespmem:s1], [sflag:$0x1], $0x8000, s18, s17, $0x38;
	[tilespmem:$0x10000] =	vst v63  }
0x175: {  	s22 =	rddreg [dreg:$0x16]  }
0x176: {  	[hbm4b:s22+s17] =	stream.strided.scatter [tilespmem:s1], [sflag:$0x1], $0x8000, s18, s17, $0x38;
	[tilespmem:$0x10000] =	vst v63  }
0x177: {  	s22 =	rddreg [dreg:$0x17]  }
0x178: {  	[hbm4b:s22+s17] =	stream.strided.scatter [tilespmem:s1], [sflag:$0x1], $0x8000, s18, s17, $0x38;
	[tilespmem:$0x10000] =	vst v63  }
0x179: {  	s22 =	rddreg [dreg:$0x18]  }
0x17a: {  	[hbm4b:s22+s17] =	stream.strided.scatter [tilespmem:s1], [sflag:$0x1], $0x8000, s18, s17, $0x38;
	[tilespmem:$0x10000] =	vst v63  }
0x17b: {  	s22 =	rddreg [dreg:$0x19]  }
0x17c: {  	[hbm4b:s22+s17] =	stream.strided.scatter [tilespmem:s1], [sflag:$0x1], $0x8000, s18, s17, $0x38;
	[tilespmem:$0x10000] =	vst v63  }
0x17d: {  	s22 =	rddreg [dreg:$0x1a]  }
0x17e: {  	[hbm4b:s22+s17] =	stream.strided.scatter [tilespmem:s1], [sflag:$0x1], $0x8000, s18, s17, $0x38;
	[tilespmem:$0x10000] =	vst v63  }
0x17f: {  	s22 =	rddreg [dreg:$0x1b]  }
0x180: {  	[hbm4b:s22+s17] =	stream.strided.scatter [tilespmem:s1], [sflag:$0x1], $0x8000, s18, s17, $0x38;
	[tilespmem:$0x10000] =	vst v63  }
0x181: {  	s22 =	rddreg [dreg:$0x1c]  }
0x182: {  	[hbm4b:s22+s17] =	stream.strided.scatter [tilespmem:s1], [sflag:$0x1], $0x8000, s18, s17, $0x38;
	[tilespmem:$0x10000] =	vst v63  }
0x183: {  	s22 =	rddreg [dreg:$0x1d]  }
0x184: {  	[hbm4b:s22+s17] =	stream.strided.scatter [tilespmem:s1], [sflag:$0x1], $0x8000, s18, s17, $0x38;
	[tilespmem:$0x10000] =	vst v63  }
0x185: {  	s22 =	rddreg [dreg:$0x1e]  }
0x186: {  	[hbm4b:s22+s17] =	stream.strided.scatter [tilespmem:s1], [sflag:$0x1], $0x8000, s18, s17, $0x38;
	[tilespmem:$0x10000] =	vst v63  }
0x187: {  	s22 =	rddreg [dreg:$0x1f]  }
0x188: {  	[hbm4b:s22+s17] =	stream.strided.scatter [tilespmem:s1], [sflag:$0x1], $0x8000, s18, s17, $0x38;
	[tilespmem:$0x10000] =	vst v63  }
0x189: {  	s22 =	sld [smem:$0x762];
	_ =	sdelay $0x2  }
0x18a: {  	[hbm4b:s22+s17] =	stream.strided.scatter [tilespmem:s1], [sflag:$0x1], $0x8000, s18, s17, $0x38;
	[tilespmem:$0x10000] =	vst v63  }
0x18b: {  	s22 =	sld [smem:$0x763];
	_ =	sdelay $0x2  }
0x18c: {  	[hbm4b:s22+s17] =	stream.strided.scatter [tilespmem:s1], [sflag:$0x1], $0x8000, s18, s17, $0x38;
	[tilespmem:$0x10000] =	vst v63  }
0x18d: {  	s22 =	sld [smem:$0x764];
	_ =	sdelay $0x2  }
0x18e: {  	[hbm4b:s22+s17] =	stream.strided.scatter [tilespmem:s1], [sflag:$0x1], $0x8000, s18, s17, $0x38;
	[tilespmem:$0x10000] =	vst v63  }
0x18f: {  	s22 =	sld [smem:$0x765];
	_ =	sdelay $0x2  }
0x190: {  	[hbm4b:s22+s17] =	stream.strided.scatter [tilespmem:s1], [sflag:$0x1], $0x8000, s18, s17, $0x38;
	[tilespmem:$0x10000] =	vst v63  }
0x191: {  	s22 =	sld [smem:$0x766];
	_ =	sdelay $0x2  }
0x192: {  	[hbm4b:s22+s17] =	stream.strided.scatter [tilespmem:s1], [sflag:$0x1], $0x8000, s18, s17, $0x38;
	[tilespmem:$0x10000] =	vst v63  }
0x193: {  	s22 =	sld [smem:$0x767];
	_ =	sdelay $0x2  }
0x194: {  	[hbm4b:s22+s17] =	stream.strided.scatter [tilespmem:s1], [sflag:$0x1], $0x8000, s18, s17, $0x38;
	[tilespmem:$0x10000] =	vst v63  }
0x195: {  	s22 =	sld [smem:$0x768];
	_ =	sdelay $0x2  }
0x196: {  	[hbm4b:s22+s17] =	stream.strided.scatter [tilespmem:s1], [sflag:$0x1], $0x8000, s18, s17, $0x38;
	[tilespmem:$0x10000] =	vst v63  }
0x197: {  	s22 =	sld [smem:$0x769];
	_ =	sdelay $0x2  }
0x198: {  	[hbm4b:s22+s17] =	stream.strided.scatter [tilespmem:s1], [sflag:$0x1], $0x8000, s18, s17, $0x38;
	[tilespmem:$0x10000] =	vst v63  }
0x199: {  	s22 =	rddreg [dreg:$0xa]  }
0x19a: {  	[tilespmem:s19], [sflag:$0x3] =	stream.linear.gather [hbm4b:s22+s1], $0x8000, $0x38;
	[tilespmem:$0x10000] =	vst v63  }
0x19b: {  	_ =	swait.ge [sflag:s16], $0x8000  }
0x19c: {  	s22 =	sld [smem:$0x76A]  }
0x19d: {  	[sflag:s16] =	ssyncset.done $0x0  }
0x19e: {  	[sflag:s16] =	ssyncadd.s32 $0xFFFF8000  }
0x19f: {  	[hbm4b:s22+s17] =	stream.strided.scatter [tilespmem:s19], [sflag:$0x2], $0x8000, s18, s17, $0x38;
	[tilespmem:$0x10000] =	vst v63  }
0x1a0: {  	s22 =	sld [smem:$0x76B];
	_ =	sdelay $0x2  }
0x1a1: {  	[hbm4b:s22+s17] =	stream.strided.scatter [tilespmem:s19], [sflag:$0x2], $0x8000, s18, s17, $0x38;
	[tilespmem:$0x10000] =	vst v63  }
0x1a2: {  	s22 =	sld [smem:$0x76C];
	_ =	sdelay $0x2  }
0x1a3: {  	[hbm4b:s22+s17] =	stream.strided.scatter [tilespmem:s19], [sflag:$0x2], $0x8000, s18, s17, $0x38;
	[tilespmem:$0x10000] =	vst v63  }
0x1a4: {  	s22 =	sld [smem:$0x76D];
	_ =	sdelay $0x2  }
0x1a5: {  	[hbm4b:s22+s17] =	stream.strided.scatter [tilespmem:s19], [sflag:$0x2], $0x8000, s18, s17, $0x38;
	[tilespmem:$0x10000] =	vst v63  }
0x1a6: {  	s22 =	sld [smem:$0x76E];
	_ =	sdelay $0x2  }
0x1a7: {  	[hbm4b:s22+s17] =	stream.strided.scatter [tilespmem:s19], [sflag:$0x2], $0x8000, s18, s17, $0x38;
	[tilespmem:$0x10000] =	vst v63  }
0x1a8: {  	s22 =	sld [smem:$0x76F];
	_ =	sdelay $0x2  }
0x1a9: {  	[hbm4b:s22+s17] =	stream.strided.scatter [tilespmem:s19], [sflag:$0x2], $0x8000, s18, s17, $0x38;
	[tilespmem:$0x10000] =	vst v63  }
0x1aa: {  	s22 =	sld [smem:$0x770];
	_ =	sdelay $0x2  }
0x1ab: {  	[hbm4b:s22+s17] =	stream.strided.scatter [tilespmem:s19], [sflag:$0x2], $0x8000, s18, s17, $0x38;
	[tilespmem:$0x10000] =	vst v63  }
0x1ac: {  	s22 =	sld [smem:$0x771];
	_ =	sdelay $0x2  }
0x1ad: {  	[hbm4b:s22+s17] =	stream.strided.scatter [tilespmem:s19], [sflag:$0x2], $0x8000, s18, s17, $0x38;
	[tilespmem:$0x10000] =	vst v63  }
0x1ae: {  	s22 =	sld [smem:$0x772];
	_ =	sdelay $0x2  }
0x1af: {  	[hbm4b:s22+s17] =	stream.strided.scatter [tilespmem:s19], [sflag:$0x2], $0x8000, s18, s17, $0x38;
	[tilespmem:$0x10000] =	vst v63  }
0x1b0: {  	s22 =	sld [smem:$0x773];
	_ =	sdelay $0x2  }
0x1b1: {  	[hbm4b:s22+s17] =	stream.strided.scatter [tilespmem:s19], [sflag:$0x2], $0x8000, s18, s17, $0x38;
	[tilespmem:$0x10000] =	vst v63  }
0x1b2: {  	s22 =	sld [smem:$0x774];
	_ =	sdelay $0x2  }
0x1b3: {  	[hbm4b:s22+s17] =	stream.strided.scatter [tilespmem:s19], [sflag:$0x2], $0x8000, s18, s17, $0x38;
	[tilespmem:$0x10000] =	vst v63  }
0x1b4: {  	s22 =	sld [smem:$0x775];
	_ =	sdelay $0x2  }
0x1b5: {  	[hbm4b:s22+s17] =	stream.strided.scatter [tilespmem:s19], [sflag:$0x2], $0x8000, s18, s17, $0x38;
	[tilespmem:$0x10000] =	vst v63  }
0x1b6: {  	s22 =	sld [smem:$0x776];
	_ =	sdelay $0x2  }
0x1b7: {  	[hbm4b:s22+s17] =	stream.strided.scatter [tilespmem:s19], [sflag:$0x2], $0x8000, s18, s17, $0x38;
	[tilespmem:$0x10000] =	vst v63  }
0x1b8: {  	s22 =	sld [smem:$0x777];
	_ =	sdelay $0x2  }
0x1b9: {  	[hbm4b:s22+s17] =	stream.strided.scatter [tilespmem:s19], [sflag:$0x2], $0x8000, s18, s17, $0x38;
	[tilespmem:$0x10000] =	vst v63  }
0x1ba: {  	s22 =	sld [smem:$0x778];
	_ =	sdelay $0x2  }
0x1bb: {  	[hbm4b:s22+s17] =	stream.strided.scatter [tilespmem:s19], [sflag:$0x2], $0x8000, s18, s17, $0x38;
	[tilespmem:$0x10000] =	vst v63  }
0x1bc: {  	s22 =	sld [smem:$0x779];
	_ =	sdelay $0x2  }
0x1bd: {  	[hbm4b:s22+s17] =	stream.strided.scatter [tilespmem:s19], [sflag:$0x2], $0x8000, s18, s17, $0x38;
	[tilespmem:$0x10000] =	vst v63  }
0x1be: {  	s22 =	sld [smem:$0x77A];
	_ =	sdelay $0x2  }
0x1bf: {  	[hbm4b:s22+s17] =	stream.strided.scatter [tilespmem:s19], [sflag:$0x2], $0x8000, s18, s17, $0x38;
	[tilespmem:$0x10000] =	vst v63  }
0x1c0: {  	s22 =	sld [smem:$0x77B];
	_ =	sdelay $0x2  }
0x1c1: {  	[hbm4b:s22+s17] =	stream.strided.scatter [tilespmem:s19], [sflag:$0x2], $0x8000, s18, s17, $0x38;
	[tilespmem:$0x10000] =	vst v63  }
0x1c2: {  	s22 =	sld [smem:$0x77C];
	_ =	sdelay $0x2  }
0x1c3: {  	[hbm4b:s22+s17] =	stream.strided.scatter [tilespmem:s19], [sflag:$0x2], $0x8000, s18, s17, $0x38;
	[tilespmem:$0x10000] =	vst v63  }
0x1c4: {  	s22 =	sld [smem:$0x77D];
	_ =	sdelay $0x2  }
0x1c5: {  	[hbm4b:s22+s17] =	stream.strided.scatter [tilespmem:s19], [sflag:$0x2], $0x8000, s18, s17, $0x38;
	[tilespmem:$0x10000] =	vst v63  }
0x1c6: {  	s22 =	sld [smem:$0x77E];
	_ =	sdelay $0x2  }
0x1c7: {  	[hbm4b:s22+s17] =	stream.strided.scatter [tilespmem:s19], [sflag:$0x2], $0x8000, s18, s17, $0x38;
	[tilespmem:$0x10000] =	vst v63  }
0x1c8: {  	s22 =	sld [smem:$0x77F];
	_ =	sdelay $0x2  }
0x1c9: {  	[hbm4b:s22+s17] =	stream.strided.scatter [tilespmem:s19], [sflag:$0x2], $0x8000, s18, s17, $0x38;
	[tilespmem:$0x10000] =	vst v63  }
0x1ca: {  	s22 =	sld [smem:$0x780];
	_ =	sdelay $0x2  }
0x1cb: {  	[hbm4b:s22+s17] =	stream.strided.scatter [tilespmem:s19], [sflag:$0x2], $0x8000, s18, s17, $0x38;
	[tilespmem:$0x10000] =	vst v63  }
0x1cc: {  	s22 =	sld [smem:$0x781];
	_ =	sdelay $0x2  }
0x1cd: {  	[hbm4b:s22+s17] =	stream.strided.scatter [tilespmem:s19], [sflag:$0x2], $0x8000, s18, s17, $0x38;
	[tilespmem:$0x10000] =	vst v63  }
0x1ce: {  	s22 =	sld [smem:$0x782];
	_ =	sdelay $0x2  }
0x1cf: {  	[hbm4b:s22+s17] =	stream.strided.scatter [tilespmem:s19], [sflag:$0x2], $0x8000, s18, s17, $0x38;
	[tilespmem:$0x10000] =	vst v63  }
0x1d0: {  	s22 =	sld [smem:$0x783];
	_ =	sdelay $0x2  }
0x1d1: {  	[hbm4b:s22+s17] =	stream.strided.scatter [tilespmem:s19], [sflag:$0x2], $0x8000, s18, s17, $0x38;
	[tilespmem:$0x10000] =	vst v63  }
0x1d2: {  	s22 =	sld [smem:$0x784];
	_ =	sdelay $0x2  }
0x1d3: {  	[hbm4b:s22+s17] =	stream.strided.scatter [tilespmem:s19], [sflag:$0x2], $0x8000, s18, s17, $0x38;
	[tilespmem:$0x10000] =	vst v63  }
0x1d4: {  	s22 =	sld [smem:$0x785];
	_ =	sdelay $0x2  }
0x1d5: {  	[hbm4b:s22+s17] =	stream.strided.scatter [tilespmem:s19], [sflag:$0x2], $0x8000, s18, s17, $0x38;
	[tilespmem:$0x10000] =	vst v63  }
0x1d6: {  	s22 =	sld [smem:$0x786];
	_ =	sdelay $0x2  }
0x1d7: {  	[hbm4b:s22+s17] =	stream.strided.scatter [tilespmem:s19], [sflag:$0x2], $0x8000, s18, s17, $0x38;
	[tilespmem:$0x10000] =	vst v63  }
0x1d8: {  	s22 =	sld [smem:$0x788];
	_ =	sdelay $0x2  }
0x1d9: {  	[hbm4b:s22+s17] =	stream.strided.scatter [tilespmem:s19], [sflag:$0x2], $0x8000, s18, s17, $0x38;
	[tilespmem:$0x10000] =	vst v63  }
0x1da: {  	s22 =	sld [smem:$0x78A];
	_ =	sdelay $0x2  }
0x1db: {  	[hbm4b:s22+s17] =	stream.strided.scatter [tilespmem:s19], [sflag:$0x2], $0x8000, s18, s17, $0x38;
	[tilespmem:$0x10000] =	vst v63  }
0x1dc: {  	s22 =	sld [smem:$0x78B];
	_ =	sdelay $0x2  }
0x1dd: {  	[hbm4b:s22+s17] =	stream.strided.scatter [tilespmem:s19], [sflag:$0x2], $0x8000, s18, s17, $0x38;
	[tilespmem:$0x10000] =	vst v63  }
0x1de: {  	_ =	swait.ge [sflag:s20], $0x8000  }
0x1df: {  	[sflag:s20] =	ssyncset.done $0x0  }
0x1e0: {  	[sflag:s20] =	ssyncadd.s32 $0xFFFF8000  }
0x1e1: {  	_ =	swait.ge [sflag:s20], $0x8000  }
0x1e2: {  	[sflag:s20] =	ssyncset.done $0x0  }
0x1e3: {  	[sflag:s20] =	ssyncadd.s32 $0xFFFF8000  }
0x1e4: {  	_ =	swait.ge [sflag:s20], $0x8000  }
0x1e5: {  	[sflag:s20] =	ssyncset.done $0x0  }
0x1e6: {  	[sflag:s20] =	ssyncadd.s32 $0xFFFF8000  }
0x1e7: {  	_ =	swait.ge [sflag:s20], $0x8000  }
0x1e8: {  	[sflag:s20] =	ssyncset.done $0x0  }
0x1e9: {  	[sflag:s20] =	ssyncadd.s32 $0xFFFF8000  }
0x1ea: {  	_ =	swait.ge [sflag:s20], $0x8000  }
0x1eb: {  	[sflag:s20] =	ssyncset.done $0x0  }
0x1ec: {  	[sflag:s20] =	ssyncadd.s32 $0xFFFF8000  }
0x1ed: {  	_ =	swait.ge [sflag:s20], $0x8000  }
0x1ee: {  	[sflag:s20] =	ssyncset.done $0x0  }
0x1ef: {  	[sflag:s20] =	ssyncadd.s32 $0xFFFF8000  }
0x1f0: {  	_ =	swait.ge [sflag:s20], $0x8000  }
0x1f1: {  	[sflag:s20] =	ssyncset.done $0x0  }
0x1f2: {  	[sflag:s20] =	ssyncadd.s32 $0xFFFF8000  }
0x1f3: {  	_ =	swait.ge [sflag:s20], $0x8000  }
0x1f4: {  	[sflag:s20] =	ssyncset.done $0x0  }
0x1f5: {  	[sflag:s20] =	ssyncadd.s32 $0xFFFF8000  }
0x1f6: {  	_ =	swait.ge [sflag:s20], $0x8000  }
0x1f7: {  	[sflag:s20] =	ssyncset.done $0x0  }
0x1f8: {  	[sflag:s20] =	ssyncadd.s32 $0xFFFF8000  }
0x1f9: {  	_ =	swait.ge [sflag:s20], $0x8000  }
0x1fa: {  	[sflag:s20] =	ssyncset.done $0x0  }
0x1fb: {  	[sflag:s20] =	ssyncadd.s32 $0xFFFF8000  }
0x1fc: {  	_ =	swait.ge [sflag:s20], $0x8000  }
0x1fd: {  	[sflag:s20] =	ssyncset.done $0x0  }
0x1fe: {  	[sflag:s20] =	ssyncadd.s32 $0xFFFF8000  }
0x1ff: {  	_ =	swait.ge [sflag:s20], $0x8000  }
0x200: {  	[sflag:s20] =	ssyncset.done $0x0  }
0x201: {  	[sflag:s20] =	ssyncadd.s32 $0xFFFF8000  }
0x202: {  	_ =	swait.ge [sflag:s20], $0x8000  }
0x203: {  	[sflag:s20] =	ssyncset.done $0x0  }
0x204: {  	[sflag:s20] =	ssyncadd.s32 $0xFFFF8000  }
0x205: {  	_ =	swait.ge [sflag:s20], $0x8000  }
0x206: {  	[sflag:s20] =	ssyncset.done $0x0  }
0x207: {  	[sflag:s20] =	ssyncadd.s32 $0xFFFF8000  }
0x208: {  	_ =	swait.ge [sflag:s20], $0x8000  }
0x209: {  	[sflag:s20] =	ssyncset.done $0x0  }
0x20a: {  	[sflag:s20] =	ssyncadd.s32 $0xFFFF8000  }
0x20b: {  	_ =	swait.ge [sflag:s20], $0x8000  }
0x20c: {  	[sflag:s20] =	ssyncset.done $0x0  }
0x20d: {  	[sflag:s20] =	ssyncadd.s32 $0xFFFF8000  }
0x20e: {  	_ =	swait.ge [sflag:s20], $0x8000  }
0x20f: {  	[sflag:s20] =	ssyncset.done $0x0  }
0x210: {  	[sflag:s20] =	ssyncadd.s32 $0xFFFF8000  }
0x211: {  	_ =	swait.ge [sflag:s20], $0x8000  }
0x212: {  	[sflag:s20] =	ssyncset.done $0x0  }
0x213: {  	[sflag:s20] =	ssyncadd.s32 $0xFFFF8000  }
0x214: {  	_ =	swait.ge [sflag:s20], $0x8000  }
0x215: {  	[sflag:s20] =	ssyncset.done $0x0  }
0x216: {  	[sflag:s20] =	ssyncadd.s32 $0xFFFF8000  }
0x217: {  	_ =	swait.ge [sflag:s20], $0x8000  }
0x218: {  	[sflag:s20] =	ssyncset.done $0x0  }
0x219: {  	[sflag:s20] =	ssyncadd.s32 $0xFFFF8000  }
0x21a: {  	_ =	swait.ge [sflag:s20], $0x8000  }
0x21b: {  	[sflag:s20] =	ssyncset.done $0x0  }
0x21c: {  	[sflag:s20] =	ssyncadd.s32 $0xFFFF8000  }
0x21d: {  	_ =	swait.ge [sflag:s20], $0x8000  }
0x21e: {  	[sflag:s20] =	ssyncset.done $0x0  }
0x21f: {  	[sflag:s20] =	ssyncadd.s32 $0xFFFF8000  }
0x220: {  	_ =	swait.ge [sflag:s20], $0x8000  }
0x221: {  	[sflag:s20] =	ssyncset.done $0x0  }
0x222: {  	[sflag:s20] =	ssyncadd.s32 $0xFFFF8000  }
0x223: {  	_ =	swait.ge [sflag:s20], $0x8000  }
0x224: {  	[sflag:s20] =	ssyncset.done $0x0  }
0x225: {  	[sflag:s20] =	ssyncadd.s32 $0xFFFF8000  }
0x226: {  	_ =	swait.ge [sflag:s20], $0x8000  }
0x227: {  	[sflag:s20] =	ssyncset.done $0x0  }
0x228: {  	[sflag:s20] =	ssyncadd.s32 $0xFFFF8000  }
0x229: {  	_ =	swait.ge [sflag:s20], $0x8000  }
0x22a: {  	[sflag:s20] =	ssyncset.done $0x0  }
0x22b: {  	[sflag:s20] =	ssyncadd.s32 $0xFFFF8000  }
0x22c: {  	_ =	swait.ge [sflag:s20], $0x8000  }
0x22d: {  	[sflag:s20] =	ssyncset.done $0x0  }
0x22e: {  	[sflag:s20] =	ssyncadd.s32 $0xFFFF8000  }
0x22f: {  	_ =	swait.ge [sflag:s20], $0x8000  }
0x230: {  	[sflag:s20] =	ssyncset.done $0x0  }
0x231: {  	[sflag:s20] =	ssyncadd.s32 $0xFFFF8000  }
0x232: {  	_ =	swait.ge [sflag:s20], $0x8000  }
0x233: {  	[sflag:s20] =	ssyncset.done $0x0  }
0x234: {  	[sflag:s20] =	ssyncadd.s32 $0xFFFF8000  }
0x235: {  	_ =	swait.ge [sflag:s20], $0x8000  }
0x236: {  	[sflag:s20] =	ssyncset.done $0x0  }
0x237: {  	[sflag:s20] =	ssyncadd.s32 $0xFFFF8000  }
0x238: {  	_ =	swait.ge [sflag:s20], $0x8000  }
0x239: {  	[sflag:s20] =	ssyncset.done $0x0  }
0x23a: {  	[sflag:s20] =	ssyncadd.s32 $0xFFFF8000  }
0x23b: {  	_ =	swait.ge [sflag:s20], $0x8000  }
0x23c: {  	[sflag:s20] =	ssyncset.done $0x0  }
0x23d: {  	s22 =	rddreg [dreg:$0xb];
	[sflag:s20] =	ssyncadd.s32 $0xFFFF8000  }
0x23e: {  	[tilespmem:s1], [sflag:$0x3] =	stream.linear.gather [hbm4b:s22+s1], $0x8000, $0x38;
	[tilespmem:$0x10000] =	vst v63  }
0x23f: {  	_ =	swait.ge [sflag:s16], $0x8000  }
0x240: {  	s22 =	sld [smem:$0x78D]  }
0x241: {  	[sflag:s16] =	ssyncset.done $0x0  }
0x242: {  	[sflag:s16] =	ssyncadd.s32 $0xFFFF8000  }
0x243: {  	[hbm4b:s22+s17] =	stream.strided.scatter [tilespmem:s1], [sflag:$0x1], $0x8000, s18, s17, $0x38;
	[tilespmem:$0x10000] =	vst v63  }
0x244: {  	s22 =	sld [smem:$0x78E];
	_ =	sdelay $0x2  }
0x245: {  	[hbm4b:s22+s17] =	stream.strided.scatter [tilespmem:s1], [sflag:$0x1], $0x8000, s18, s17, $0x38;
	[tilespmem:$0x10000] =	vst v63  }
0x246: {  	s22 =	sld [smem:$0x78F];
	_ =	sdelay $0x2  }
0x247: {  	[hbm4b:s22+s17] =	stream.strided.scatter [tilespmem:s1], [sflag:$0x1], $0x8000, s18, s17, $0x38;
	[tilespmem:$0x10000] =	vst v63  }
0x248: {  	s22 =	sld [smem:$0x790];
	_ =	sdelay $0x2  }
0x249: {  	[hbm4b:s22+s17] =	stream.strided.scatter [tilespmem:s1], [sflag:$0x1], $0x8000, s18, s17, $0x38;
	[tilespmem:$0x10000] =	vst v63  }
0x24a: {  	s22 =	sld [smem:$0x791];
	_ =	sdelay $0x2  }
0x24b: {  	[hbm4b:s22+s17] =	stream.strided.scatter [tilespmem:s1], [sflag:$0x1], $0x8000, s18, s17, $0x38;
	[tilespmem:$0x10000] =	vst v63  }
0x24c: {  	s22 =	sld [smem:$0x792];
	_ =	sdelay $0x2  }
0x24d: {  	[hbm4b:s22+s17] =	stream.strided.scatter [tilespmem:s1], [sflag:$0x1], $0x8000, s18, s17, $0x38;
	[tilespmem:$0x10000] =	vst v63  }
0x24e: {  	s22 =	sld [smem:$0x793];
	_ =	sdelay $0x2  }
0x24f: {  	[hbm4b:s22+s17] =	stream.strided.scatter [tilespmem:s1], [sflag:$0x1], $0x8000, s18, s17, $0x38;
	[tilespmem:$0x10000] =	vst v63  }
0x250: {  	s22 =	sld [smem:$0x794];
	_ =	sdelay $0x2  }
0x251: {  	[hbm4b:s22+s17] =	stream.strided.scatter [tilespmem:s1], [sflag:$0x1], $0x8000, s18, s17, $0x38;
	[tilespmem:$0x10000] =	vst v63  }
0x252: {  	s22 =	sld [smem:$0x795];
	_ =	sdelay $0x2  }
0x253: {  	[hbm4b:s22+s17] =	stream.strided.scatter [tilespmem:s1], [sflag:$0x1], $0x8000, s18, s17, $0x38;
	[tilespmem:$0x10000] =	vst v63  }
0x254: {  	s22 =	sld [smem:$0x796];
	_ =	sdelay $0x2  }
0x255: {  	[hbm4b:s22+s17] =	stream.strided.scatter [tilespmem:s1], [sflag:$0x1], $0x8000, s18, s17, $0x38;
	[tilespmem:$0x10000] =	vst v63  }
0x256: {  	s22 =	sld [smem:$0x797];
	_ =	sdelay $0x2  }
0x257: {  	[hbm4b:s22+s17] =	stream.strided.scatter [tilespmem:s1], [sflag:$0x1], $0x8000, s18, s17, $0x38;
	[tilespmem:$0x10000] =	vst v63  }
0x258: {  	s22 =	sld [smem:$0x798];
	_ =	sdelay $0x2  }
0x259: {  	[hbm4b:s22+s17] =	stream.strided.scatter [tilespmem:s1], [sflag:$0x1], $0x8000, s18, s17, $0x38;
	[tilespmem:$0x10000] =	vst v63  }
0x25a: {  	s22 =	sld [smem:$0x799];
	_ =	sdelay $0x2  }
0x25b: {  	[hbm4b:s22+s17] =	stream.strided.scatter [tilespmem:s1], [sflag:$0x1], $0x8000, s18, s17, $0x38;
	[tilespmem:$0x10000] =	vst v63  }
0x25c: {  	s22 =	sld [smem:$0x79A];
	_ =	sdelay $0x2  }
0x25d: {  	[hbm4b:s22+s17] =	stream.strided.scatter [tilespmem:s1], [sflag:$0x1], $0x8000, s18, s17, $0x38;
	[tilespmem:$0x10000] =	vst v63  }
0x25e: {  	s22 =	sld [smem:$0x79B];
	_ =	sdelay $0x2  }
0x25f: {  	[hbm4b:s22+s17] =	stream.strided.scatter [tilespmem:s1], [sflag:$0x1], $0x8000, s18, s17, $0x38;
	[tilespmem:$0x10000] =	vst v63  }
0x260: {  	s22 =	sld [smem:$0x79C];
	_ =	sdelay $0x2  }
0x261: {  	[hbm4b:s22+s17] =	stream.strided.scatter [tilespmem:s1], [sflag:$0x1], $0x8000, s18, s17, $0x38;
	[tilespmem:$0x10000] =	vst v63  }
0x262: {  	s22 =	sld [smem:$0x79D];
	_ =	sdelay $0x2  }
0x263: {  	[hbm4b:s22+s17] =	stream.strided.scatter [tilespmem:s1], [sflag:$0x1], $0x8000, s18, s17, $0x38;
	[tilespmem:$0x10000] =	vst v63  }
0x264: {  	s22 =	sld [smem:$0x79E];
	_ =	sdelay $0x2  }
0x265: {  	[hbm4b:s22+s17] =	stream.strided.scatter [tilespmem:s1], [sflag:$0x1], $0x8000, s18, s17, $0x38;
	[tilespmem:$0x10000] =	vst v63  }
0x266: {  	s22 =	sld [smem:$0x79F];
	_ =	sdelay $0x2  }
0x267: {  	[hbm4b:s22+s17] =	stream.strided.scatter [tilespmem:s1], [sflag:$0x1], $0x8000, s18, s17, $0x38;
	[tilespmem:$0x10000] =	vst v63  }
0x268: {  	s22 =	sld [smem:$0x7A0];
	_ =	sdelay $0x2  }
0x269: {  	[hbm4b:s22+s17] =	stream.strided.scatter [tilespmem:s1], [sflag:$0x1], $0x8000, s18, s17, $0x38;
	[tilespmem:$0x10000] =	vst v63  }
0x26a: {  	s22 =	sld [smem:$0x7A1];
	_ =	sdelay $0x2  }
0x26b: {  	[hbm4b:s22+s17] =	stream.strided.scatter [tilespmem:s1], [sflag:$0x1], $0x8000, s18, s17, $0x38;
	[tilespmem:$0x10000] =	vst v63  }
0x26c: {  	s22 =	sld [smem:$0x7A3];
	_ =	sdelay $0x2  }
0x26d: {  	[hbm4b:s22+s17] =	stream.strided.scatter [tilespmem:s1], [sflag:$0x1], $0x8000, s18, s17, $0x38;
	[tilespmem:$0x10000] =	vst v63  }
0x26e: {  	s22 =	sld [smem:$0x7A4];
	_ =	sdelay $0x2  }
0x26f: {  	[hbm4b:s22+s17] =	stream.strided.scatter [tilespmem:s1], [sflag:$0x1], $0x8000, s18, s17, $0x38;
	[tilespmem:$0x10000] =	vst v63  }
0x270: {  	s22 =	sld [smem:$0x7A5];
	_ =	sdelay $0x2  }
0x271: {  	[hbm4b:s22+s17] =	stream.strided.scatter [tilespmem:s1], [sflag:$0x1], $0x8000, s18, s17, $0x38;
	[tilespmem:$0x10000] =	vst v63  }
0x272: {  	s22 =	sld [smem:$0x7A6];
	_ =	sdelay $0x2  }
0x273: {  	[hbm4b:s22+s17] =	stream.strided.scatter [tilespmem:s1], [sflag:$0x1], $0x8000, s18, s17, $0x38;
	[tilespmem:$0x10000] =	vst v63  }
0x274: {  	s22 =	sld [smem:$0x7A8];
	_ =	sdelay $0x2  }
0x275: {  	[hbm4b:s22+s17] =	stream.strided.scatter [tilespmem:s1], [sflag:$0x1], $0x8000, s18, s17, $0x38;
	[tilespmem:$0x10000] =	vst v63  }
0x276: {  	s22 =	sld [smem:$0x7AA];
	_ =	sdelay $0x2  }
0x277: {  	[hbm4b:s22+s17] =	stream.strided.scatter [tilespmem:s1], [sflag:$0x1], $0x8000, s18, s17, $0x38;
	[tilespmem:$0x10000] =	vst v63  }
0x278: {  	s22 =	sld [smem:$0x7AB];
	_ =	sdelay $0x2  }
0x279: {  	[hbm4b:s22+s17] =	stream.strided.scatter [tilespmem:s1], [sflag:$0x1], $0x8000, s18, s17, $0x38;
	[tilespmem:$0x10000] =	vst v63  }
0x27a: {  	s22 =	sld [smem:$0x7AC];
	_ =	sdelay $0x2  }
0x27b: {  	[hbm4b:s22+s17] =	stream.strided.scatter [tilespmem:s1], [sflag:$0x1], $0x8000, s18, s17, $0x38;
	[tilespmem:$0x10000] =	vst v63  }
0x27c: {  	s22 =	sld [smem:$0x7AD];
	_ =	sdelay $0x2  }
0x27d: {  	[hbm4b:s22+s17] =	stream.strided.scatter [tilespmem:s1], [sflag:$0x1], $0x8000, s18, s17, $0x38;
	[tilespmem:$0x10000] =	vst v63  }
0x27e: {  	s22 =	sld [smem:$0x7AE];
	_ =	sdelay $0x2  }
0x27f: {  	[hbm4b:s22+s17] =	stream.strided.scatter [tilespmem:s1], [sflag:$0x1], $0x8000, s18, s17, $0x38;
	[tilespmem:$0x10000] =	vst v63  }
0x280: {  	s22 =	sld [smem:$0x7B0];
	_ =	sdelay $0x2  }
0x281: {  	[hbm4b:s22+s17] =	stream.strided.scatter [tilespmem:s1], [sflag:$0x1], $0x8000, s18, s17, $0x38;
	[tilespmem:$0x10000] =	vst v63  }
0x282: {  	_ =	swait.ge [sflag:s21], $0x8000  }
0x283: {  	[sflag:s21] =	ssyncset.done $0x0  }
0x284: {  	[sflag:s21] =	ssyncadd.s32 $0xFFFF8000  }
0x285: {  	_ =	swait.ge [sflag:s21], $0x8000  }
0x286: {  	[sflag:s21] =	ssyncset.done $0x0  }
0x287: {  	[sflag:s21] =	ssyncadd.s32 $0xFFFF8000  }
0x288: {  	_ =	swait.ge [sflag:s21], $0x8000  }
0x289: {  	[sflag:s21] =	ssyncset.done $0x0  }
0x28a: {  	[sflag:s21] =	ssyncadd.s32 $0xFFFF8000  }
0x28b: {  	_ =	swait.ge [sflag:s21], $0x8000  }
0x28c: {  	[sflag:s21] =	ssyncset.done $0x0  }
0x28d: {  	[sflag:s21] =	ssyncadd.s32 $0xFFFF8000  }
0x28e: {  	_ =	swait.ge [sflag:s21], $0x8000  }
0x28f: {  	[sflag:s21] =	ssyncset.done $0x0  }
0x290: {  	[sflag:s21] =	ssyncadd.s32 $0xFFFF8000  }
0x291: {  	_ =	swait.ge [sflag:s21], $0x8000  }
0x292: {  	[sflag:s21] =	ssyncset.done $0x0  }
0x293: {  	[sflag:s21] =	ssyncadd.s32 $0xFFFF8000  }
0x294: {  	_ =	swait.ge [sflag:s21], $0x8000  }
0x295: {  	[sflag:s21] =	ssyncset.done $0x0  }
0x296: {  	[sflag:s21] =	ssyncadd.s32 $0xFFFF8000  }
0x297: {  	_ =	swait.ge [sflag:s21], $0x8000  }
0x298: {  	[sflag:s21] =	ssyncset.done $0x0  }
0x299: {  	[sflag:s21] =	ssyncadd.s32 $0xFFFF8000  }
0x29a: {  	_ =	swait.ge [sflag:s21], $0x8000  }
0x29b: {  	[sflag:s21] =	ssyncset.done $0x0  }
0x29c: {  	[sflag:s21] =	ssyncadd.s32 $0xFFFF8000  }
0x29d: {  	_ =	swait.ge [sflag:s21], $0x8000  }
0x29e: {  	[sflag:s21] =	ssyncset.done $0x0  }
0x29f: {  	[sflag:s21] =	ssyncadd.s32 $0xFFFF8000  }
0x2a0: {  	_ =	swait.ge [sflag:s21], $0x8000  }
0x2a1: {  	[sflag:s21] =	ssyncset.done $0x0  }
0x2a2: {  	[sflag:s21] =	ssyncadd.s32 $0xFFFF8000  }
0x2a3: {  	_ =	swait.ge [sflag:s21], $0x8000  }
0x2a4: {  	[sflag:s21] =	ssyncset.done $0x0  }
0x2a5: {  	[sflag:s21] =	ssyncadd.s32 $0xFFFF8000  }
0x2a6: {  	_ =	swait.ge [sflag:s21], $0x8000  }
0x2a7: {  	[sflag:s21] =	ssyncset.done $0x0  }
0x2a8: {  	[sflag:s21] =	ssyncadd.s32 $0xFFFF8000  }
0x2a9: {  	_ =	swait.ge [sflag:s21], $0x8000  }
0x2aa: {  	[sflag:s21] =	ssyncset.done $0x0  }
0x2ab: {  	[sflag:s21] =	ssyncadd.s32 $0xFFFF8000  }
0x2ac: {  	_ =	swait.ge [sflag:s21], $0x8000  }
0x2ad: {  	[sflag:s21] =	ssyncset.done $0x0  }
0x2ae: {  	[sflag:s21] =	ssyncadd.s32 $0xFFFF8000  }
0x2af: {  	_ =	swait.ge [sflag:s21], $0x8000  }
0x2b0: {  	[sflag:s21] =	ssyncset.done $0x0  }
0x2b1: {  	[sflag:s21] =	ssyncadd.s32 $0xFFFF8000  }
0x2b2: {  	_ =	swait.ge [sflag:s21], $0x8000  }
0x2b3: {  	[sflag:s21] =	ssyncset.done $0x0  }
0x2b4: {  	[sflag:s21] =	ssyncadd.s32 $0xFFFF8000  }
0x2b5: {  	_ =	swait.ge [sflag:s21], $0x8000  }
0x2b6: {  	[sflag:s21] =	ssyncset.done $0x0  }
0x2b7: {  	[sflag:s21] =	ssyncadd.s32 $0xFFFF8000  }
0x2b8: {  	_ =	swait.ge [sflag:s21], $0x8000  }
0x2b9: {  	[sflag:s21] =	ssyncset.done $0x0  }
0x2ba: {  	[sflag:s21] =	ssyncadd.s32 $0xFFFF8000  }
0x2bb: {  	_ =	swait.ge [sflag:s21], $0x8000  }
0x2bc: {  	[sflag:s21] =	ssyncset.done $0x0  }
0x2bd: {  	[sflag:s21] =	ssyncadd.s32 $0xFFFF8000  }
0x2be: {  	_ =	swait.ge [sflag:s21], $0x8000  }
0x2bf: {  	[sflag:s21] =	ssyncset.done $0x0  }
0x2c0: {  	[sflag:s21] =	ssyncadd.s32 $0xFFFF8000  }
0x2c1: {  	_ =	swait.ge [sflag:s21], $0x8000  }
0x2c2: {  	[sflag:s21] =	ssyncset.done $0x0  }
0x2c3: {  	[sflag:s21] =	ssyncadd.s32 $0xFFFF8000  }
0x2c4: {  	_ =	swait.ge [sflag:s21], $0x8000  }
0x2c5: {  	[sflag:s21] =	ssyncset.done $0x0  }
0x2c6: {  	[sflag:s21] =	ssyncadd.s32 $0xFFFF8000  }
0x2c7: {  	_ =	swait.ge [sflag:s21], $0x8000  }
0x2c8: {  	[sflag:s21] =	ssyncset.done $0x0  }
0x2c9: {  	[sflag:s21] =	ssyncadd.s32 $0xFFFF8000  }
0x2ca: {  	_ =	swait.ge [sflag:s21], $0x8000  }
0x2cb: {  	[sflag:s21] =	ssyncset.done $0x0  }
0x2cc: {  	[sflag:s21] =	ssyncadd.s32 $0xFFFF8000  }
0x2cd: {  	_ =	swait.ge [sflag:s21], $0x8000  }
0x2ce: {  	[sflag:s21] =	ssyncset.done $0x0  }
0x2cf: {  	[sflag:s21] =	ssyncadd.s32 $0xFFFF8000  }
0x2d0: {  	_ =	swait.ge [sflag:s21], $0x8000  }
0x2d1: {  	[sflag:s21] =	ssyncset.done $0x0  }
0x2d2: {  	[sflag:s21] =	ssyncadd.s32 $0xFFFF8000  }
0x2d3: {  	_ =	swait.ge [sflag:s21], $0x8000  }
0x2d4: {  	[sflag:s21] =	ssyncset.done $0x0  }
0x2d5: {  	[sflag:s21] =	ssyncadd.s32 $0xFFFF8000  }
0x2d6: {  	_ =	swait.ge [sflag:s21], $0x8000  }
0x2d7: {  	[sflag:s21] =	ssyncset.done $0x0  }
0x2d8: {  	[sflag:s21] =	ssyncadd.s32 $0xFFFF8000  }
0x2d9: {  	_ =	swait.ge [sflag:s21], $0x8000  }
0x2da: {  	[sflag:s21] =	ssyncset.done $0x0  }
0x2db: {  	[sflag:s21] =	ssyncadd.s32 $0xFFFF8000  }
0x2dc: {  	_ =	swait.ge [sflag:s21], $0x8000  }
0x2dd: {  	[sflag:s21] =	ssyncset.done $0x0  }
0x2de: {  	[sflag:s21] =	ssyncadd.s32 $0xFFFF8000  }
0x2df: {  	_ =	swait.ge [sflag:s21], $0x8000  }
0x2e0: {  	[sflag:s21] =	ssyncset.done $0x0  }
0x2e1: {  	s22 =	rddreg [dreg:$0xc];
	[sflag:s21] =	ssyncadd.s32 $0xFFFF8000  }
0x2e2: {  	[tilespmem:s19], [sflag:$0x3] =	stream.linear.gather [hbm4b:s22+s1], $0x8000, $0x38;
	[tilespmem:$0x10000] =	vst v63  }
0x2e3: {  	_ =	swait.ge [sflag:s16], $0x8000  }
0x2e4: {  	s22 =	sld [smem:$0x7B2]  }
0x2e5: {  	[sflag:s16] =	ssyncset.done $0x0  }
0x2e6: {  	[sflag:s16] =	ssyncadd.s32 $0xFFFF8000  }
0x2e7: {  	[hbm4b:s22+s17] =	stream.strided.scatter [tilespmem:s19], [sflag:$0x2], $0x8000, s18, s17, $0x38;
	[tilespmem:$0x10000] =	vst v63  }
0x2e8: {  	s22 =	sld [smem:$0x7B4];
	_ =	sdelay $0x2  }
0x2e9: {  	[hbm4b:s22+s17] =	stream.strided.scatter [tilespmem:s19], [sflag:$0x2], $0x8000, s18, s17, $0x38;
	[tilespmem:$0x10000] =	vst v63  }
0x2ea: {  	s22 =	sld [smem:$0x7B5];
	_ =	sdelay $0x2  }
0x2eb: {  	[hbm4b:s22+s17] =	stream.strided.scatter [tilespmem:s19], [sflag:$0x2], $0x8000, s18, s17, $0x38;
	[tilespmem:$0x10000] =	vst v63  }
0x2ec: {  	s22 =	sld [smem:$0x7B6];
	_ =	sdelay $0x2  }
0x2ed: {  	[hbm4b:s22+s17] =	stream.strided.scatter [tilespmem:s19], [sflag:$0x2], $0x8000, s18, s17, $0x38;
	[tilespmem:$0x10000] =	vst v63  }
0x2ee: {  	s22 =	sld [smem:$0x7B7];
	_ =	sdelay $0x2  }
0x2ef: {  	[hbm4b:s22+s17] =	stream.strided.scatter [tilespmem:s19], [sflag:$0x2], $0x8000, s18, s17, $0x38;
	[tilespmem:$0x10000] =	vst v63  }
0x2f0: {  	s22 =	sld [smem:$0x7B8];
	_ =	sdelay $0x2  }
0x2f1: {  	[hbm4b:s22+s17] =	stream.strided.scatter [tilespmem:s19], [sflag:$0x2], $0x8000, s18, s17, $0x38;
	[tilespmem:$0x10000] =	vst v63  }
0x2f2: {  	s22 =	sld [smem:$0x7B9];
	_ =	sdelay $0x2  }
0x2f3: {  	[hbm4b:s22+s17] =	stream.strided.scatter [tilespmem:s19], [sflag:$0x2], $0x8000, s18, s17, $0x38;
	[tilespmem:$0x10000] =	vst v63  }
0x2f4: {  	s22 =	sld [smem:$0x7BA];
	_ =	sdelay $0x2  }
0x2f5: {  	[hbm4b:s22+s17] =	stream.strided.scatter [tilespmem:s19], [sflag:$0x2], $0x8000, s18, s17, $0x38;
	[tilespmem:$0x10000] =	vst v63  }
0x2f6: {  	s22 =	sld [smem:$0x7BC];
	_ =	sdelay $0x2  }
0x2f7: {  	[hbm4b:s22+s17] =	stream.strided.scatter [tilespmem:s19], [sflag:$0x2], $0x8000, s18, s17, $0x38;
	[tilespmem:$0x10000] =	vst v63  }
0x2f8: {  	s22 =	sld [smem:$0x7BD];
	_ =	sdelay $0x2  }
0x2f9: {  	[hbm4b:s22+s17] =	stream.strided.scatter [tilespmem:s19], [sflag:$0x2], $0x8000, s18, s17, $0x38;
	[tilespmem:$0x10000] =	vst v63  }
0x2fa: {  	_ = 	snop  }
0x2fb: {  	[hbm4b:s23+s17] =	stream.strided.scatter [tilespmem:s19], [sflag:$0x2], $0x8000, s18, s17, $0x38;
	[tilespmem:$0x10000] =	vst v63  }
0x2fc: {  	_ = 	snop  }
0x2fd: {  	[hbm4b:s5+s17] =	stream.strided.scatter [tilespmem:s19], [sflag:$0x2], $0x8000, s18, s17, $0x38;
	[tilespmem:$0x10000] =	vst v63  }
0x2fe: {  	_ = 	snop  }
0x2ff: {  	[hbm4b:s2+s17] =	stream.strided.scatter [tilespmem:s19], [sflag:$0x2], $0x8000, s18, s17, $0x38;
	[tilespmem:$0x10000] =	vst v63  }
0x300: {  	_ = 	snop  }
0x301: {  	[hbm4b:s12+s17] =	stream.strided.scatter [tilespmem:s19], [sflag:$0x2], $0x8000, s18, s17, $0x38;
	[tilespmem:$0x10000] =	vst v63  }
0x302: {  	_ = 	snop  }
0x303: {  	[hbm4b:s28+s17] =	stream.strided.scatter [tilespmem:s19], [sflag:$0x2], $0x8000, s18, s17, $0x38;
	[tilespmem:$0x10000] =	vst v63  }
0x304: {  	_ = 	snop  }
0x305: {  	[hbm4b:s29+s17] =	stream.strided.scatter [tilespmem:s19], [sflag:$0x2], $0x8000, s18, s17, $0x38;
	[tilespmem:$0x10000] =	vst v63  }
0x306: {  	_ = 	snop  }
0x307: {  	[hbm4b:s30+s17] =	stream.strided.scatter [tilespmem:s19], [sflag:$0x2], $0x8000, s18, s17, $0x38;
	[tilespmem:$0x10000] =	vst v63  }
0x308: {  	_ = 	snop  }
0x309: {  	[hbm4b:s31+s17] =	stream.strided.scatter [tilespmem:s19], [sflag:$0x2], $0x8000, s18, s17, $0x38;
	[tilespmem:$0x10000] =	vst v63  }
0x30a: {  	_ = 	snop  }
0x30b: {  	[hbm4b:s0+s17] =	stream.strided.scatter [tilespmem:s19], [sflag:$0x2], $0x8000, s18, s17, $0x38;
	[tilespmem:$0x10000] =	vst v63  }
0x30c: {  	_ = 	snop  }
0x30d: {  	[hbm4b:s26+s17] =	stream.strided.scatter [tilespmem:s19], [sflag:$0x2], $0x8000, s18, s17, $0x38;
	[tilespmem:$0x10000] =	vst v63  }
0x30e: {  	_ = 	snop  }
0x30f: {  	[hbm4b:s25+s17] =	stream.strided.scatter [tilespmem:s19], [sflag:$0x2], $0x8000, s18, s17, $0x38;
	[tilespmem:$0x10000] =	vst v63  }
0x310: {  	_ = 	snop  }
0x311: {  	[hbm4b:s3+s17] =	stream.strided.scatter [tilespmem:s19], [sflag:$0x2], $0x8000, s18, s17, $0x38;
	[tilespmem:$0x10000] =	vst v63  }
0x312: {  	_ = 	snop  }
0x313: {  	[hbm4b:s4+s17] =	stream.strided.scatter [tilespmem:s19], [sflag:$0x2], $0x8000, s18, s17, $0x38;
	[tilespmem:$0x10000] =	vst v63  }
0x314: {  	_ = 	snop  }
0x315: {  	[hbm4b:s24+s17] =	stream.strided.scatter [tilespmem:s19], [sflag:$0x2], $0x8000, s18, s17, $0x38;
	[tilespmem:$0x10000] =	vst v63  }
0x316: {  	_ = 	snop  }
0x317: {  	[hbm4b:s6+s17] =	stream.strided.scatter [tilespmem:s19], [sflag:$0x2], $0x8000, s18, s17, $0x38;
	[tilespmem:$0x10000] =	vst v63  }
0x318: {  	_ = 	snop  }
0x319: {  	[hbm4b:s7+s17] =	stream.strided.scatter [tilespmem:s19], [sflag:$0x2], $0x8000, s18, s17, $0x38;
	[tilespmem:$0x10000] =	vst v63  }
0x31a: {  	_ = 	snop  }
0x31b: {  	[hbm4b:s8+s17] =	stream.strided.scatter [tilespmem:s19], [sflag:$0x2], $0x8000, s18, s17, $0x38;
	[tilespmem:$0x10000] =	vst v63  }
0x31c: {  	_ = 	snop  }
0x31d: {  	[hbm4b:s9+s17] =	stream.strided.scatter [tilespmem:s19], [sflag:$0x2], $0x8000, s18, s17, $0x38;
	[tilespmem:$0x10000] =	vst v63  }
0x31e: {  	_ = 	snop  }
0x31f: {  	[hbm4b:s10+s17] =	stream.strided.scatter [tilespmem:s19], [sflag:$0x2], $0x8000, s18, s17, $0x38;
	[tilespmem:$0x10000] =	vst v63  }
0x320: {  	_ = 	snop  }
0x321: {  	[hbm4b:s11+s17] =	stream.strided.scatter [tilespmem:s19], [sflag:$0x2], $0x8000, s18, s17, $0x38;
	[tilespmem:$0x10000] =	vst v63  }
0x322: {  	_ = 	snop  }
0x323: {  	[hbm4b:s13+s17] =	stream.strided.scatter [tilespmem:s19], [sflag:$0x2], $0x8000, s18, s17, $0x38;
	[tilespmem:$0x10000] =	vst v63  }
0x324: {  	_ = 	snop  }
0x325: {  	[hbm4b:s14+s17] =	stream.strided.scatter [tilespmem:s19], [sflag:$0x2], $0x8000, s18, s17, $0x38;
	[tilespmem:$0x10000] =	vst v63  }
0x326: {  	_ =	swait.ge [sflag:s20], $0x8000  }
0x327: {  	[sflag:s20] =	ssyncset.done $0x0  }
0x328: {  	[sflag:s20] =	ssyncadd.s32 $0xFFFF8000  }
0x329: {  	_ =	swait.ge [sflag:s20], $0x8000  }
0x32a: {  	[sflag:s20] =	ssyncset.done $0x0  }
0x32b: {  	[sflag:s20] =	ssyncadd.s32 $0xFFFF8000  }
0x32c: {  	_ =	swait.ge [sflag:s20], $0x8000  }
0x32d: {  	[sflag:s20] =	ssyncset.done $0x0  }
0x32e: {  	[sflag:s20] =	ssyncadd.s32 $0xFFFF8000  }
0x32f: {  	_ =	swait.ge [sflag:s20], $0x8000  }
0x330: {  	[sflag:s20] =	ssyncset.done $0x0  }
0x331: {  	[sflag:s20] =	ssyncadd.s32 $0xFFFF8000  }
0x332: {  	_ =	swait.ge [sflag:s20], $0x8000  }
0x333: {  	[sflag:s20] =	ssyncset.done $0x0  }
0x334: {  	[sflag:s20] =	ssyncadd.s32 $0xFFFF8000  }
0x335: {  	_ =	swait.ge [sflag:s20], $0x8000  }
0x336: {  	[sflag:s20] =	ssyncset.done $0x0  }
0x337: {  	[sflag:s20] =	ssyncadd.s32 $0xFFFF8000  }
0x338: {  	_ =	swait.ge [sflag:s20], $0x8000  }
0x339: {  	[sflag:s20] =	ssyncset.done $0x0  }
0x33a: {  	[sflag:s20] =	ssyncadd.s32 $0xFFFF8000  }
0x33b: {  	_ =	swait.ge [sflag:s20], $0x8000  }
0x33c: {  	[sflag:s20] =	ssyncset.done $0x0  }
0x33d: {  	[sflag:s20] =	ssyncadd.s32 $0xFFFF8000  }
0x33e: {  	_ =	swait.ge [sflag:s20], $0x8000  }
0x33f: {  	[sflag:s20] =	ssyncset.done $0x0  }
0x340: {  	[sflag:s20] =	ssyncadd.s32 $0xFFFF8000  }
0x341: {  	_ =	swait.ge [sflag:s20], $0x8000  }
0x342: {  	[sflag:s20] =	ssyncset.done $0x0  }
0x343: {  	[sflag:s20] =	ssyncadd.s32 $0xFFFF8000  }
0x344: {  	_ =	swait.ge [sflag:s20], $0x8000  }
0x345: {  	[sflag:s20] =	ssyncset.done $0x0  }
0x346: {  	[sflag:s20] =	ssyncadd.s32 $0xFFFF8000  }
0x347: {  	_ =	swait.ge [sflag:s20], $0x8000  }
0x348: {  	[sflag:s20] =	ssyncset.done $0x0  }
0x349: {  	[sflag:s20] =	ssyncadd.s32 $0xFFFF8000  }
0x34a: {  	_ =	swait.ge [sflag:s20], $0x8000  }
0x34b: {  	[sflag:s20] =	ssyncset.done $0x0  }
0x34c: {  	[sflag:s20] =	ssyncadd.s32 $0xFFFF8000  }
0x34d: {  	_ =	swait.ge [sflag:s20], $0x8000  }
0x34e: {  	[sflag:s20] =	ssyncset.done $0x0  }
0x34f: {  	[sflag:s20] =	ssyncadd.s32 $0xFFFF8000  }
0x350: {  	_ =	swait.ge [sflag:s20], $0x8000  }
0x351: {  	[sflag:s20] =	ssyncset.done $0x0  }
0x352: {  	[sflag:s20] =	ssyncadd.s32 $0xFFFF8000  }
0x353: {  	_ =	swait.ge [sflag:s20], $0x8000  }
0x354: {  	[sflag:s20] =	ssyncset.done $0x0  }
0x355: {  	[sflag:s20] =	ssyncadd.s32 $0xFFFF8000  }
0x356: {  	_ =	swait.ge [sflag:s20], $0x8000  }
0x357: {  	[sflag:s20] =	ssyncset.done $0x0  }
0x358: {  	[sflag:s20] =	ssyncadd.s32 $0xFFFF8000  }
0x359: {  	_ =	swait.ge [sflag:s20], $0x8000  }
0x35a: {  	[sflag:s20] =	ssyncset.done $0x0  }
0x35b: {  	[sflag:s20] =	ssyncadd.s32 $0xFFFF8000  }
0x35c: {  	_ =	swait.ge [sflag:s20], $0x8000  }
0x35d: {  	[sflag:s20] =	ssyncset.done $0x0  }
0x35e: {  	[sflag:s20] =	ssyncadd.s32 $0xFFFF8000  }
0x35f: {  	_ =	swait.ge [sflag:s20], $0x8000  }
0x360: {  	[sflag:s20] =	ssyncset.done $0x0  }
0x361: {  	[sflag:s20] =	ssyncadd.s32 $0xFFFF8000  }
0x362: {  	_ =	swait.ge [sflag:s20], $0x8000  }
0x363: {  	[sflag:s20] =	ssyncset.done $0x0  }
0x364: {  	[sflag:s20] =	ssyncadd.s32 $0xFFFF8000  }
0x365: {  	_ =	swait.ge [sflag:s20], $0x8000  }
0x366: {  	[sflag:s20] =	ssyncset.done $0x0  }
0x367: {  	[sflag:s20] =	ssyncadd.s32 $0xFFFF8000  }
0x368: {  	_ =	swait.ge [sflag:s20], $0x8000  }
0x369: {  	[sflag:s20] =	ssyncset.done $0x0  }
0x36a: {  	[sflag:s20] =	ssyncadd.s32 $0xFFFF8000  }
0x36b: {  	_ =	swait.ge [sflag:s20], $0x8000  }
0x36c: {  	[sflag:s20] =	ssyncset.done $0x0  }
0x36d: {  	[sflag:s20] =	ssyncadd.s32 $0xFFFF8000  }
0x36e: {  	_ =	swait.ge [sflag:s20], $0x8000  }
0x36f: {  	[sflag:s20] =	ssyncset.done $0x0  }
0x370: {  	[sflag:s20] =	ssyncadd.s32 $0xFFFF8000  }
0x371: {  	_ =	swait.ge [sflag:s20], $0x8000  }
0x372: {  	[sflag:s20] =	ssyncset.done $0x0  }
0x373: {  	[sflag:s20] =	ssyncadd.s32 $0xFFFF8000  }
0x374: {  	_ =	swait.ge [sflag:s20], $0x8000  }
0x375: {  	[sflag:s20] =	ssyncset.done $0x0  }
0x376: {  	[sflag:s20] =	ssyncadd.s32 $0xFFFF8000  }
0x377: {  	_ =	swait.ge [sflag:s20], $0x8000  }
0x378: {  	[sflag:s20] =	ssyncset.done $0x0  }
0x379: {  	[sflag:s20] =	ssyncadd.s32 $0xFFFF8000  }
0x37a: {  	_ =	swait.ge [sflag:s20], $0x8000  }
0x37b: {  	[sflag:s20] =	ssyncset.done $0x0  }
0x37c: {  	[sflag:s20] =	ssyncadd.s32 $0xFFFF8000  }
0x37d: {  	_ =	swait.ge [sflag:s20], $0x8000  }
0x37e: {  	[sflag:s20] =	ssyncset.done $0x0  }
0x37f: {  	[sflag:s20] =	ssyncadd.s32 $0xFFFF8000  }
0x380: {  	_ =	swait.ge [sflag:s20], $0x8000  }
.Ltmp2:
0x381: {  	[sflag:s20] =	ssyncset.done $0x0;
	(pc) =	sbr.rel @p0 .LBB2_3-.Ltmp2, $4  }
0x382: {  	[sflag:s20] =	ssyncadd.s32 $0xFFFF8000  }
0x383: {  	_ =	swait.ge [sflag:s20], $0x8000  }
0x384: {  	[sflag:s20] =	ssyncset.done $0x0  }
0x385: {  	[sflag:s20] =	ssyncadd.s32 $0xFFFF8000  }
0x386: {  	s22 =	rddreg [dreg:$0xd]  }
0x387: {  	[tilespmem:s1], [sflag:$0x3] =	stream.linear.gather [hbm4b:s22+s1], $0x8000, $0x38;
	[tilespmem:$0x10000] =	vst v63  }
0x388: {  	_ =	swait.ge [sflag:s16], $0x8000  }
0x389: {  	s22 =	sld [smem:$0x7C4]  }
0x38a: {  	[sflag:s16] =	ssyncset.done $0x0  }
0x38b: {  	[sflag:s16] =	ssyncadd.s32 $0xFFFF8000  }
0x38c: {  	[hbm4b:s22+s17] =	stream.strided.scatter [tilespmem:s1], [sflag:$0x1], $0x8000, s18, s17, $0x38;
	[tilespmem:$0x10000] =	vst v63  }
0x38d: {  	s22 =	sld [smem:$0x7C5];
	_ =	sdelay $0x2  }
0x38e: {  	[hbm4b:s22+s17] =	stream.strided.scatter [tilespmem:s1], [sflag:$0x1], $0x8000, s18, s17, $0x38;
	[tilespmem:$0x10000] =	vst v63  }
0x38f: {  	s22 =	sld [smem:$0x7C7];
	_ =	sdelay $0x2  }
0x390: {  	[hbm4b:s22+s17] =	stream.strided.scatter [tilespmem:s1], [sflag:$0x1], $0x8000, s18, s17, $0x38;
	[tilespmem:$0x10000] =	vst v63  }
0x391: {  	s22 =	sld [smem:$0x7C9];
	_ =	sdelay $0x2  }
0x392: {  	[hbm4b:s22+s17] =	stream.strided.scatter [tilespmem:s1], [sflag:$0x1], $0x8000, s18, s17, $0x38;
	[tilespmem:$0x10000] =	vst v63  }
0x393: {  	s22 =	sld [smem:$0x7CB];
	_ =	sdelay $0x2  }
0x394: {  	[hbm4b:s22+s17] =	stream.strided.scatter [tilespmem:s1], [sflag:$0x1], $0x8000, s18, s17, $0x38;
	[tilespmem:$0x10000] =	vst v63  }
0x395: {  	s22 =	sld [smem:$0x7CD];
	_ =	sdelay $0x2  }
0x396: {  	[hbm4b:s22+s17] =	stream.strided.scatter [tilespmem:s1], [sflag:$0x1], $0x8000, s18, s17, $0x38;
	[tilespmem:$0x10000] =	vst v63  }
0x397: {  	s22 =	sld [smem:$0x7CF];
	_ =	sdelay $0x2  }
0x398: {  	[hbm4b:s22+s17] =	stream.strided.scatter [tilespmem:s1], [sflag:$0x1], $0x8000, s18, s17, $0x38;
	[tilespmem:$0x10000] =	vst v63  }
0x399: {  	s22 =	sld [smem:$0x7D1];
	_ =	sdelay $0x2  }
0x39a: {  	[hbm4b:s22+s17] =	stream.strided.scatter [tilespmem:s1], [sflag:$0x1], $0x8000, s18, s17, $0x38;
	[tilespmem:$0x10000] =	vst v63  }
0x39b: {  	s22 =	sld [smem:$0x7D3];
	_ =	sdelay $0x2  }
0x39c: {  	[hbm4b:s22+s17] =	stream.strided.scatter [tilespmem:s1], [sflag:$0x1], $0x8000, s18, s17, $0x38;
	[tilespmem:$0x10000] =	vst v63  }
0x39d: {  	s22 =	sld [smem:$0x7D5];
	_ =	sdelay $0x2  }
0x39e: {  	[hbm4b:s22+s17] =	stream.strided.scatter [tilespmem:s1], [sflag:$0x1], $0x8000, s18, s17, $0x38;
	[tilespmem:$0x10000] =	vst v63  }
0x39f: {  	s22 =	sld [smem:$0x7D7];
	_ =	sdelay $0x2  }
0x3a0: {  	[hbm4b:s22+s17] =	stream.strided.scatter [tilespmem:s1], [sflag:$0x1], $0x8000, s18, s17, $0x38;
	[tilespmem:$0x10000] =	vst v63  }
0x3a1: {  	s22 =	sld [smem:$0x7D9];
	_ =	sdelay $0x2  }
0x3a2: {  	[hbm4b:s22+s17] =	stream.strided.scatter [tilespmem:s1], [sflag:$0x1], $0x8000, s18, s17, $0x38;
	[tilespmem:$0x10000] =	vst v63  }
0x3a3: {  	s22 =	sld [smem:$0x7DB];
	_ =	sdelay $0x2  }
0x3a4: {  	[hbm4b:s22+s17] =	stream.strided.scatter [tilespmem:s1], [sflag:$0x1], $0x8000, s18, s17, $0x38;
	[tilespmem:$0x10000] =	vst v63  }
0x3a5: {  	s22 =	sld [smem:$0x7DD];
	_ =	sdelay $0x2  }
0x3a6: {  	[hbm4b:s22+s17] =	stream.strided.scatter [tilespmem:s1], [sflag:$0x1], $0x8000, s18, s17, $0x38;
	[tilespmem:$0x10000] =	vst v63  }
0x3a7: {  	s22 =	sld [smem:$0x7DF];
	_ =	sdelay $0x2  }
0x3a8: {  	[hbm4b:s22+s17] =	stream.strided.scatter [tilespmem:s1], [sflag:$0x1], $0x8000, s18, s17, $0x38;
	[tilespmem:$0x10000] =	vst v63  }
0x3a9: {  	s22 =	sld [smem:$0x7E1];
	_ =	sdelay $0x2  }
0x3aa: {  	[hbm4b:s22+s17] =	stream.strided.scatter [tilespmem:s1], [sflag:$0x1], $0x8000, s18, s17, $0x38;
	[tilespmem:$0x10000] =	vst v63  }
0x3ab: {  	s22 =	sld [smem:$0x7E3];
	_ =	sdelay $0x2  }
0x3ac: {  	[hbm4b:s22+s17] =	stream.strided.scatter [tilespmem:s1], [sflag:$0x1], $0x8000, s18, s17, $0x38;
	[tilespmem:$0x10000] =	vst v63  }
0x3ad: {  	s22 =	sld [smem:$0x7E5];
	_ =	sdelay $0x2  }
0x3ae: {  	[hbm4b:s22+s17] =	stream.strided.scatter [tilespmem:s1], [sflag:$0x1], $0x8000, s18, s17, $0x38;
	[tilespmem:$0x10000] =	vst v63  }
0x3af: {  	s22 =	sld [smem:$0x7E7];
	_ =	sdelay $0x2  }
0x3b0: {  	[hbm4b:s22+s17] =	stream.strided.scatter [tilespmem:s1], [sflag:$0x1], $0x8000, s18, s17, $0x38;
	[tilespmem:$0x10000] =	vst v63  }
0x3b1: {  	s22 =	sld [smem:$0x7E9];
	_ =	sdelay $0x2  }
0x3b2: {  	[hbm4b:s22+s17] =	stream.strided.scatter [tilespmem:s1], [sflag:$0x1], $0x8000, s18, s17, $0x38;
	[tilespmem:$0x10000] =	vst v63  }
0x3b3: {  	s22 =	sld [smem:$0x7EB];
	_ =	sdelay $0x2  }
0x3b4: {  	[hbm4b:s22+s17] =	stream.strided.scatter [tilespmem:s1], [sflag:$0x1], $0x8000, s18, s17, $0x38;
	[tilespmem:$0x10000] =	vst v63  }
0x3b5: {  	s22 =	sld [smem:$0x7EC];
	_ =	sdelay $0x2  }
0x3b6: {  	[hbm4b:s22+s17] =	stream.strided.scatter [tilespmem:s1], [sflag:$0x1], $0x8000, s18, s17, $0x38;
	[tilespmem:$0x10000] =	vst v63  }
0x3b7: {  	s22 =	sld [smem:$0x7EE];
	_ =	sdelay $0x2  }
0x3b8: {  	[hbm4b:s22+s17] =	stream.strided.scatter [tilespmem:s1], [sflag:$0x1], $0x8000, s18, s17, $0x38;
	[tilespmem:$0x10000] =	vst v63  }
0x3b9: {  	s22 =	sld [smem:$0x7F0];
	_ =	sdelay $0x2  }
0x3ba: {  	[hbm4b:s22+s17] =	stream.strided.scatter [tilespmem:s1], [sflag:$0x1], $0x8000, s18, s17, $0x38;
	[tilespmem:$0x10000] =	vst v63  }
0x3bb: {  	s22 =	sld [smem:$0x7F1];
	_ =	sdelay $0x2  }
0x3bc: {  	[hbm4b:s22+s17] =	stream.strided.scatter [tilespmem:s1], [sflag:$0x1], $0x8000, s18, s17, $0x38;
	[tilespmem:$0x10000] =	vst v63  }
0x3bd: {  	s22 =	sld [smem:$0x7F3];
	_ =	sdelay $0x2  }
0x3be: {  	[hbm4b:s22+s17] =	stream.strided.scatter [tilespmem:s1], [sflag:$0x1], $0x8000, s18, s17, $0x38;
	[tilespmem:$0x10000] =	vst v63  }
0x3bf: {  	s22 =	sld [smem:$0x7F5];
	_ =	sdelay $0x2  }
0x3c0: {  	[hbm4b:s22+s17] =	stream.strided.scatter [tilespmem:s1], [sflag:$0x1], $0x8000, s18, s17, $0x38;
	[tilespmem:$0x10000] =	vst v63  }
0x3c1: {  	s22 =	sld [smem:$0x7F7];
	_ =	sdelay $0x2  }
0x3c2: {  	[hbm4b:s22+s17] =	stream.strided.scatter [tilespmem:s1], [sflag:$0x1], $0x8000, s18, s17, $0x38;
	[tilespmem:$0x10000] =	vst v63  }
0x3c3: {  	s22 =	sld [smem:$0x7F9];
	_ =	sdelay $0x2  }
0x3c4: {  	[hbm4b:s22+s17] =	stream.strided.scatter [tilespmem:s1], [sflag:$0x1], $0x8000, s18, s17, $0x38;
	[tilespmem:$0x10000] =	vst v63  }
0x3c5: {  	s22 =	sld [smem:$0x7FA];
	_ =	sdelay $0x2  }
0x3c6: {  	[hbm4b:s22+s17] =	stream.strided.scatter [tilespmem:s1], [sflag:$0x1], $0x8000, s18, s17, $0x38;
	[tilespmem:$0x10000] =	vst v63  }
0x3c7: {  	s22 =	sld [smem:$0x7FB];
	_ =	sdelay $0x2  }
0x3c8: {  	[hbm4b:s22+s17] =	stream.strided.scatter [tilespmem:s1], [sflag:$0x1], $0x8000, s18, s17, $0x38;
	[tilespmem:$0x10000] =	vst v63  }
0x3c9: {  	s22 =	sld [smem:$0x7FC];
	_ =	sdelay $0x2  }
0x3ca: {  	[hbm4b:s22+s17] =	stream.strided.scatter [tilespmem:s1], [sflag:$0x1], $0x8000, s18, s17, $0x38;
	[tilespmem:$0x10000] =	vst v63  }
0x3cb: {  	_ =	swait.ge [sflag:s20], $0x8000  }
0x3cc: {  	[sflag:s20] =	ssyncset.done $0x0  }
0x3cd: {  	[sflag:s20] =	ssyncadd.s32 $0xFFFF8000  }
0x3ce: {  	_ =	swait.ge [sflag:s20], $0x8000  }
0x3cf: {  	[sflag:s20] =	ssyncset.done $0x0  }
0x3d0: {  	[sflag:s20] =	ssyncadd.s32 $0xFFFF8000  }
0x3d1: {  	_ =	swait.ge [sflag:s20], $0x8000  }
0x3d2: {  	[sflag:s20] =	ssyncset.done $0x0  }
0x3d3: {  	[sflag:s20] =	ssyncadd.s32 $0xFFFF8000  }
0x3d4: {  	_ =	swait.ge [sflag:s20], $0x8000  }
0x3d5: {  	[sflag:s20] =	ssyncset.done $0x0  }
0x3d6: {  	[sflag:s20] =	ssyncadd.s32 $0xFFFF8000  }
0x3d7: {  	_ =	swait.ge [sflag:s20], $0x8000  }
0x3d8: {  	[sflag:s20] =	ssyncset.done $0x0  }
0x3d9: {  	[sflag:s20] =	ssyncadd.s32 $0xFFFF8000  }
0x3da: {  	_ =	swait.ge [sflag:s20], $0x8000  }
0x3db: {  	[sflag:s20] =	ssyncset.done $0x0  }
0x3dc: {  	[sflag:s20] =	ssyncadd.s32 $0xFFFF8000  }
0x3dd: {  	_ =	swait.ge [sflag:s20], $0x8000  }
0x3de: {  	[sflag:s20] =	ssyncset.done $0x0  }
0x3df: {  	[sflag:s20] =	ssyncadd.s32 $0xFFFF8000  }
0x3e0: {  	_ =	swait.ge [sflag:s20], $0x8000  }
0x3e1: {  	[sflag:s20] =	ssyncset.done $0x0  }
0x3e2: {  	[sflag:s20] =	ssyncadd.s32 $0xFFFF8000  }
0x3e3: {  	_ =	swait.ge [sflag:s20], $0x8000  }
0x3e4: {  	[sflag:s20] =	ssyncset.done $0x0  }
0x3e5: {  	[sflag:s20] =	ssyncadd.s32 $0xFFFF8000  }
0x3e6: {  	_ =	swait.ge [sflag:s20], $0x8000  }
0x3e7: {  	[sflag:s20] =	ssyncset.done $0x0  }
0x3e8: {  	[sflag:s20] =	ssyncadd.s32 $0xFFFF8000  }
0x3e9: {  	_ =	swait.ge [sflag:s20], $0x8000  }
0x3ea: {  	[sflag:s20] =	ssyncset.done $0x0  }
0x3eb: {  	[sflag:s20] =	ssyncadd.s32 $0xFFFF8000  }
0x3ec: {  	_ =	swait.ge [sflag:s20], $0x8000  }
0x3ed: {  	[sflag:s20] =	ssyncset.done $0x0  }
0x3ee: {  	[sflag:s20] =	ssyncadd.s32 $0xFFFF8000  }
0x3ef: {  	_ =	swait.ge [sflag:s20], $0x8000  }
0x3f0: {  	[sflag:s20] =	ssyncset.done $0x0  }
0x3f1: {  	[sflag:s20] =	ssyncadd.s32 $0xFFFF8000  }
0x3f2: {  	_ =	swait.ge [sflag:s20], $0x8000  }
0x3f3: {  	[sflag:s20] =	ssyncset.done $0x0  }
0x3f4: {  	[sflag:s20] =	ssyncadd.s32 $0xFFFF8000  }
0x3f5: {  	_ =	swait.ge [sflag:s20], $0x8000  }
0x3f6: {  	[sflag:s20] =	ssyncset.done $0x0  }
0x3f7: {  	[sflag:s20] =	ssyncadd.s32 $0xFFFF8000  }
0x3f8: {  	_ =	swait.ge [sflag:s20], $0x8000  }
0x3f9: {  	[sflag:s20] =	ssyncset.done $0x0  }
0x3fa: {  	[sflag:s20] =	ssyncadd.s32 $0xFFFF8000  }
0x3fb: {  	_ =	swait.ge [sflag:s20], $0x8000  }
0x3fc: {  	[sflag:s20] =	ssyncset.done $0x0  }
0x3fd: {  	[sflag:s20] =	ssyncadd.s32 $0xFFFF8000  }
0x3fe: {  	_ =	swait.ge [sflag:s20], $0x8000  }
0x3ff: {  	[sflag:s20] =	ssyncset.done $0x0  }
0x400: {  	[sflag:s20] =	ssyncadd.s32 $0xFFFF8000  }
0x401: {  	_ =	swait.ge [sflag:s20], $0x8000  }
0x402: {  	[sflag:s20] =	ssyncset.done $0x0  }
0x403: {  	[sflag:s20] =	ssyncadd.s32 $0xFFFF8000  }
0x404: {  	_ =	swait.ge [sflag:s20], $0x8000  }
0x405: {  	[sflag:s20] =	ssyncset.done $0x0  }
0x406: {  	[sflag:s20] =	ssyncadd.s32 $0xFFFF8000  }
0x407: {  	_ =	swait.ge [sflag:s20], $0x8000  }
0x408: {  	[sflag:s20] =	ssyncset.done $0x0  }
0x409: {  	[sflag:s20] =	ssyncadd.s32 $0xFFFF8000  }
0x40a: {  	_ =	swait.ge [sflag:s20], $0x8000  }
0x40b: {  	[sflag:s20] =	ssyncset.done $0x0  }
0x40c: {  	[sflag:s20] =	ssyncadd.s32 $0xFFFF8000  }
0x40d: {  	_ =	swait.ge [sflag:s20], $0x8000  }
0x40e: {  	[sflag:s20] =	ssyncset.done $0x0  }
0x40f: {  	[sflag:s20] =	ssyncadd.s32 $0xFFFF8000  }
0x410: {  	_ =	swait.ge [sflag:s20], $0x8000  }
0x411: {  	[sflag:s20] =	ssyncset.done $0x0  }
0x412: {  	[sflag:s20] =	ssyncadd.s32 $0xFFFF8000  }
0x413: {  	_ =	swait.ge [sflag:s20], $0x8000  }
0x414: {  	[sflag:s20] =	ssyncset.done $0x0  }
0x415: {  	[sflag:s20] =	ssyncadd.s32 $0xFFFF8000  }
0x416: {  	_ =	swait.ge [sflag:s20], $0x8000  }
0x417: {  	[sflag:s20] =	ssyncset.done $0x0  }
0x418: {  	[sflag:s20] =	ssyncadd.s32 $0xFFFF8000  }
0x419: {  	_ =	swait.ge [sflag:s20], $0x8000  }
0x41a: {  	[sflag:s20] =	ssyncset.done $0x0  }
0x41b: {  	[sflag:s20] =	ssyncadd.s32 $0xFFFF8000  }
0x41c: {  	_ =	swait.ge [sflag:s20], $0x8000  }
0x41d: {  	[sflag:s20] =	ssyncset.done $0x0  }
0x41e: {  	[sflag:s20] =	ssyncadd.s32 $0xFFFF8000  }
0x41f: {  	_ =	swait.ge [sflag:s20], $0x8000  }
0x420: {  	[sflag:s20] =	ssyncset.done $0x0  }
0x421: {  	[sflag:s20] =	ssyncadd.s32 $0xFFFF8000  }
0x422: {  	_ =	swait.ge [sflag:s20], $0x8000  }
0x423: {  	[sflag:s20] =	ssyncset.done $0x0  }
0x424: {  	[sflag:s20] =	ssyncadd.s32 $0xFFFF8000  }
0x425: {  	_ =	swait.ge [sflag:s20], $0x8000  }
.Ltmp3:
0x426: {  	[sflag:s20] =	ssyncset.done $0x0;
	(pc) =	sbr.rel .LBB2_3-.Ltmp3, $4  }
0x427: {  	[sflag:s20] =	ssyncadd.s32 $0xFFFF8000  }
0x428: {  	_ =	swait.ge [sflag:s20], $0x8000  }
0x429: {  	[sflag:s20] =	ssyncset.done $0x0  }
0x42a: {  	[sflag:s20] =	ssyncadd.s32 $0xFFFF8000  }
.LBB2_4:
0x42b: {  	_ =	sfence.sel $0x180000  }
0x42c: {  	[bflag:$0x0] =	sbarrier.arrive $0xFFFF  }
0x42d: {  	_ =	strace $0x90000047  }
0x42e: {  	s0 =	stileid.u32;
	[bflag:$0x2] =	sbarrier.arrive $0xFFFF  }
0x42f: {  	p0 =	sne.s32 s0, $0x0;
	s0 =	rddreg [dreg:$0x2]  }
0x430: {  	s0 =	sadd.s32 @!p0 $0x100000, s0  }
0x431: {  	[sflag:s0] =	ssyncadd.tile.s32 @!p0 $0x1;
	_ =	shalt  }
.Lfunc_end2:
_tile_overlayer_lowered:
.L_overlay_start_2:
0x432: {  	(tag) =	ssettag $0x2  }
0x433: {  	s0 =	rddreg [dreg:$0x0];
	s2 =	stileid.u32  }
0x434: {  	s1 =	rddreg [dreg:$0x1];
	p0 =	sne.s32 s2, $0x0  }
0x435: {  	s3 =	rddreg [dreg:$0x2];
	[bflag:$0x3] =	sbarrier.arrive $0xFFFF;
	s2 =	simm.s32 @!p0 $0x1C03  }
0x436: {  	[timem:s3], [sflag:s2] =	dma.local @!p0 [hbm:s0], s1  }
0x437: {  	s0 =	simm.s32 @!p0 $0x3  }
0x438: {  	_ =	swait.ge @!p0 [sflag:s0], s1  }
0x439: {  	s1 =	ssub.s32 @!p0 $0x0, s1;
	[sflag:s0] =	ssyncset.done @!p0 $0x0  }
0x43a: {  	[sflag:s0] =	ssyncadd.s32 @!p0 s1  }
0x43b: {  	[bflag:$0x3] =	sbarrier.arrive $0xFFFF  }
0x43c: {  	_ =	shalt  }

</sc_bundles>
